<compile_context>
chip_gen: v7x
topology: tpu7x:2x2x1
jax: 0.10.2.dev20260603
libtpu: 0.0.44.dev20260713+nightly
codegen_flags: <defaults>
</compile_context>

<pallas_src>
import functools

import jax
import jax.numpy as jnp
from jax import lax
from jax.experimental import pallas as pl
from jax.experimental.pallas import tpu as pltpu
from jax.experimental.pallas import tpu_sc as plsc

B, S = 4096, 50
NUM_CHAMP, NUM_ITEM, NUM_TRAIT = 60, 60, 27
D_CHAMP, D_ITEM, D_TRAIT = 30, 10, 8
STATS = 31
D_IN = 13 + STATS
D_OUT = 166

_NW = 32
_LW = B // _NW
_L = 16

_tabs = [None, None, None]


def _compute(xv, ov):

    @plsc.parallel_loop(0, _LW // _L, 1, unroll=2)
    def per_j(j):
        sl = pl.ds(j * _L, _L)

        def lookup(tab_ref, id_row, width, dst_row):
            addr = xv[id_row, sl].astype(jnp.int32) * width
            for e in range(width):
                ov[dst_row + e, sl] = plsc.load_gather(tab_ref, [addr + e])

        lookup(_tabs[0], 0, D_CHAMP, 0)
        lookup(_tabs[1], 3, D_ITEM, 30)
        lookup(_tabs[1], 4, D_ITEM, 40)
        lookup(_tabs[1], 5, D_ITEM, 50)
        for t in range(7):
            lookup(_tabs[2], 6 + t, D_TRAIT, 60 + D_TRAIT * t)
        stars = xv[1, sl]
        for v in range(4):
            ov[116 + v, sl] = jnp.where(stars == float(v), 1.0, 0.0)
        cost = xv[2, sl]
        for v in range(15):
            ov[120 + v, sl] = jnp.where(cost == float(v), 1.0, 0.0)
        for c in range(STATS):
            ov[135 + c, sl] = xv[13 + c, sl]


def _sc_body(x_hbm, champ_hbm, item_hbm, trait_hbm, out_hbm,
             xv0, xv1, ov0, ov1, cv, iv, tv, si0, si1, so0, so1):
    wid = lax.axis_index("s") * 2 + lax.axis_index("c")
    lanes = pl.ds(wid * _LW, _LW)
    _tabs[0], _tabs[1], _tabs[2] = cv, iv, tv

    pltpu.sync_copy(champ_hbm, cv)
    pltpu.sync_copy(item_hbm, iv)
    pltpu.sync_copy(trait_hbm, tv)

    pltpu.async_copy(x_hbm.at[0, :, lanes], xv0, si0)

    def per_pair(p, carry):
        s0 = 2 * p
        pltpu.async_copy(x_hbm.at[s0 + 1, :, lanes], xv1, si1)
        pltpu.make_async_copy(x_hbm.at[s0, :, lanes], xv0, si0).wait()

        @pl.when(p > 0)
        def _():
            pltpu.make_async_copy(ov0, out_hbm.at[s0 - 2, :, lanes], so0).wait()

        _compute(xv0, ov0)
        pltpu.async_copy(ov0, out_hbm.at[s0, :, lanes], so0)

        @pl.when(p < S // 2 - 1)
        def _():
            pltpu.async_copy(x_hbm.at[s0 + 2, :, lanes], xv0, si0)

        pltpu.make_async_copy(x_hbm.at[s0 + 1, :, lanes], xv1, si1).wait()

        @pl.when(p > 0)
        def _():
            pltpu.make_async_copy(ov1, out_hbm.at[s0 - 1, :, lanes], so1).wait()

        _compute(xv1, ov1)
        pltpu.async_copy(ov1, out_hbm.at[s0 + 1, :, lanes], so1)
        return carry

    lax.fori_loop(0, S // 2, per_pair, 0)
    pltpu.make_async_copy(ov0, out_hbm.at[S - 2, :, lanes], so0).wait()
    pltpu.make_async_copy(ov1, out_hbm.at[S - 1, :, lanes], so1).wait()


@jax.jit
def kernel(x, champ_table, item_table, trait_table):
    xt = jnp.transpose(x, (1, 2, 0))
    run = functools.partial(
        pl.kernel,
        mesh=plsc.VectorSubcoreMesh(core_axis_name="c", subcore_axis_name="s"),
        compiler_params=pltpu.CompilerParams(needs_layout_passes=False),
        out_type=jax.ShapeDtypeStruct((S, D_OUT, B), jnp.float32),
        scratch_types=[
            pltpu.VMEM((D_IN, _LW), jnp.float32),
            pltpu.VMEM((D_IN, _LW), jnp.float32),
            pltpu.VMEM((D_OUT, _LW), jnp.float32),
            pltpu.VMEM((D_OUT, _LW), jnp.float32),
            pltpu.VMEM((NUM_CHAMP * D_CHAMP,), jnp.float32),
            pltpu.VMEM((NUM_ITEM * D_ITEM,), jnp.float32),
            pltpu.VMEM((NUM_TRAIT * D_TRAIT,), jnp.float32),
            pltpu.SemaphoreType.DMA,
            pltpu.SemaphoreType.DMA,
            pltpu.SemaphoreType.DMA,
            pltpu.SemaphoreType.DMA,
        ],
    )(_sc_body)
    out_t = run(xt, champ_table.reshape(-1), item_table.reshape(-1),
                trait_table.reshape(-1))
    return jnp.transpose(out_t, (2, 0, 1))

# --- scband reference (transcript-rebuilt; emitter-appended) ---
"""Pipeline reference for scband-champion-embedding-69801808495312 (READ-ONLY COPY).

The authoritative reference and input builder live on the scoring server;
editing this copy changes nothing except your own understanding.
"""

import jax, jax.numpy as jnp
import numpy as np

B, S = 4096, 50
NUM_CHAMP, NUM_ITEM, NUM_TRAIT = 60, 60, 27
D_CHAMP, D_ITEM, D_TRAIT = 30, 10, 8
STATS = 31


def setup_inputs(seed: int = 0) -> dict:
    key = jax.random.key(seed)
    ks = jax.random.split(key, 9)
    championID = jax.random.randint(ks[0], (B, S, 1), 0, NUM_CHAMP).astype(jnp.float32)
    stars = jax.random.randint(ks[1], (B, S, 1), 0, 4).astype(jnp.float32)
    cost = jax.random.randint(ks[2], (B, S, 1), 0, 15).astype(jnp.float32)
    items = jax.random.randint(ks[3], (B, S, 3), 0, NUM_ITEM).astype(jnp.float32)
    traits = jax.random.randint(ks[4], (B, S, 7), 0, NUM_TRAIT).astype(jnp.float32)
    stats = jax.random.normal(ks[5], (B, S, STATS), dtype=jnp.float32)
    x = jnp.concatenate([championID, stars, cost, items, traits, stats], axis=-1)
    champ_table = jax.random.normal(ks[6], (NUM_CHAMP, D_CHAMP), dtype=jnp.float32) * 0.02
    item_table = jax.random.normal(ks[7], (NUM_ITEM, D_ITEM), dtype=jnp.float32) * 0.02
    trait_table = jax.random.normal(ks[8], (NUM_TRAIT, D_TRAIT), dtype=jnp.float32) * 0.02
    return {"x": x, "champ_table": champ_table, "item_table": item_table, "trait_table": trait_table}


def reference(x, champ_table, item_table, trait_table):
    championID = x[..., 0].astype(jnp.int32)
    stars = x[..., 1]
    cost = x[..., 2]
    itemIDs = x[..., 3:6].astype(jnp.int32)
    traitIDs = x[..., 6:13].astype(jnp.int32)
    stats = x[..., 13:].astype(jnp.float32)
    champion_embedding = jnp.take(champ_table, championID, axis=0)
    item_embedding = jnp.take(item_table, itemIDs, axis=0)
    trait_embedding = jnp.take(trait_table, traitIDs, axis=0)
    batch_shape = item_embedding.shape[:-2]
    item_embedding = jnp.reshape(item_embedding, (*batch_shape, D_ITEM * 3))
    trait_embedding = jnp.reshape(trait_embedding, (*batch_shape, D_TRAIT * 7))
    stars_one_hot = jax.nn.one_hot(stars.astype(jnp.int32), 4, dtype=jnp.float32)
    cost_one_hot = jax.nn.one_hot(cost.astype(jnp.int32), 15, dtype=jnp.float32)
    return jnp.concatenate([champion_embedding, item_embedding, trait_embedding, stars_one_hot, cost_one_hot, stats], axis=-1)

if __name__ == "__main__":
    import jax
    _d = setup_inputs()
    print(jax.jit(kernel)(*tuple(_d.values())))

</pallas_src>

<mosaic_0001>
#map = affine_map<(d0, d1) -> (0, 0, 0)>
#map1 = affine_map<(d0, d1) -> (0)>
module attributes {stable_mosaic.version = 14 : i64} {
  func.func @_sc_body(%arg0: i32, %arg1: i32, %arg2: memref<50x44x4096xf32, #tpu.memory_space<hbm>>, %arg3: memref<1800xf32, #tpu.memory_space<hbm>>, %arg4: memref<600xf32, #tpu.memory_space<hbm>>, %arg5: memref<216xf32, #tpu.memory_space<hbm>>, %arg6: memref<50x166x4096xf32, #tpu.memory_space<hbm>>, %arg7: memref<44x128xf32, #tpu.memory_space<vmem>>, %arg8: memref<44x128xf32, #tpu.memory_space<vmem>>, %arg9: memref<166x128xf32, #tpu.memory_space<vmem>>, %arg10: memref<166x128xf32, #tpu.memory_space<vmem>>, %arg11: memref<1800xf32, #tpu.memory_space<vmem>>, %arg12: memref<600xf32, #tpu.memory_space<vmem>>, %arg13: memref<216xf32, #tpu.memory_space<vmem>>, %arg14: memref<!tpu.dma_semaphore, #tpu.memory_space<semaphore_mem>>, %arg15: memref<!tpu.dma_semaphore, #tpu.memory_space<semaphore_mem>>, %arg16: memref<!tpu.dma_semaphore, #tpu.memory_space<semaphore_mem>>, %arg17: memref<!tpu.dma_semaphore, #tpu.memory_space<semaphore_mem>>) attributes {dimension_semantics = [#tpu.dimension_semantics<core_parallel>, #tpu.dimension_semantics<subcore_parallel>], iteration_bounds = array<i64: 2, 16>, scalar_prefetch = 0 : i64, scratch_operands = 11 : i64, tpu.core_type = #tpu.core_type<sc_vector_subcore>, window_params = [{transform_indices = #map}, {transform_indices = #map1}, {transform_indices = #map1}, {transform_indices = #map1}, {transform_indices = #map}]} {
    %mul3A = arith.constant 2 : i32
    %mul3A_0 = arith.muli %arg1, %mul3A : i32
    %add3A = arith.addi %mul3A_0, %arg0 : i32
    %mul3A_1 = arith.constant 128 : i32
    %mul3A_2 = arith.muli %add3A, %mul3A_1 : i32
    "tpu.region"() ({
      %run_scoped3A = tpu.sem_alloc : memref<!tpu.dma_semaphore, #tpu.memory_space<semaphore_mem>>
      tpu.enqueue_dma source(%arg3 : memref<1800xf32, #tpu.memory_space<hbm>>) target(%arg11 : memref<1800xf32, #tpu.memory_space<vmem>>) target_semaphore(%run_scoped3A : memref<!tpu.dma_semaphore, #tpu.memory_space<semaphore_mem>>)
      tpu.wait_dma2 semaphore(%run_scoped3A : memref<!tpu.dma_semaphore, #tpu.memory_space<semaphore_mem>>) src(%arg3 : memref<1800xf32, #tpu.memory_space<hbm>>) dst(%arg11 : memref<1800xf32, #tpu.memory_space<vmem>>)
      tpu.yield
    }) : () -> ()
    "tpu.region"() ({
      %run_scoped3A = tpu.sem_alloc : memref<!tpu.dma_semaphore, #tpu.memory_space<semaphore_mem>>
      tpu.enqueue_dma source(%arg4 : memref<600xf32, #tpu.memory_space<hbm>>) target(%arg12 : memref<600xf32, #tpu.memory_space<vmem>>) target_semaphore(%run_scoped3A : memref<!tpu.dma_semaphore, #tpu.memory_space<semaphore_mem>>)
      tpu.wait_dma2 semaphore(%run_scoped3A : memref<!tpu.dma_semaphore, #tpu.memory_space<semaphore_mem>>) src(%arg4 : memref<600xf32, #tpu.memory_space<hbm>>) dst(%arg12 : memref<600xf32, #tpu.memory_space<vmem>>)
      tpu.yield
    }) : () -> ()
    "tpu.region"() ({
      %run_scoped3A = tpu.sem_alloc : memref<!tpu.dma_semaphore, #tpu.memory_space<semaphore_mem>>
      tpu.enqueue_dma source(%arg5 : memref<216xf32, #tpu.memory_space<hbm>>) target(%arg13 : memref<216xf32, #tpu.memory_space<vmem>>) target_semaphore(%run_scoped3A : memref<!tpu.dma_semaphore, #tpu.memory_space<semaphore_mem>>)
      tpu.wait_dma2 semaphore(%run_scoped3A : memref<!tpu.dma_semaphore, #tpu.memory_space<semaphore_mem>>) src(%arg5 : memref<216xf32, #tpu.memory_space<hbm>>) dst(%arg13 : memref<216xf32, #tpu.memory_space<vmem>>)
      tpu.yield
    }) : () -> ()
    %dma_start3A = arith.constant 0 : i32
    %dma_start3A_3 = arith.constant 0 : i32
    %dma_start3A_4 = tpu.memref_slice %arg2[%dma_start3A, %dma_start3A_3, %mul3A_2] : memref<50x44x4096xf32, #tpu.memory_space<hbm>> -> memref<1x44x128xf32, #tpu.memory_space<hbm>>
    %dma_start3A_5 = tpu.memref_squeeze %dma_start3A_4 : memref<1x44x128xf32, #tpu.memory_space<hbm>> -> memref<44x128xf32, #tpu.memory_space<hbm>>
    %dma_start3A_6 = arith.constant 0 : i32
    %dma_start3A_7 = tpu.memref_slice %arg2[%dma_start3A, %dma_start3A_6, %mul3A_2] : memref<50x44x4096xf32, #tpu.memory_space<hbm>> -> memref<1x44x128xf32, #tpu.memory_space<hbm>>
    %dma_start3A_8 = tpu.memref_squeeze %dma_start3A_7 : memref<1x44x128xf32, #tpu.memory_space<hbm>> -> memref<44x128xf32, #tpu.memory_space<hbm>>
    tpu.enqueue_dma source(%dma_start3A_8 : memref<44x128xf32, #tpu.memory_space<hbm>>) target(%arg7 : memref<44x128xf32, #tpu.memory_space<vmem>>) target_semaphore(%arg14 : memref<!tpu.dma_semaphore, #tpu.memory_space<semaphore_mem>>)
    %scan3A = arith.constant 0 : i32
    %scan3A_9 = arith.constant 0 : i32
    %scan3A_10 = arith.constant 25 : i32
    %scan3A_11 = arith.addi %scan3A_9, %scan3A_10 : i32
    %scan3A_12 = arith.constant 1 : i32
    scf.for %scan3A_27 = %scan3A_9 to %scan3A_11 step %scan3A_12  : i32 {
      %mul3A_28 = arith.constant 2 : i32
      %mul3A_29 = arith.muli %mul3A_28, %scan3A_27 : i32
      %add3A_30 = arith.constant 1 : i32
      %add3A_31 = arith.addi %mul3A_29, %add3A_30 : i32
      %dma_start3A_32 = arith.constant 0 : i32
      %dma_start3A_33 = tpu.memref_slice %arg2[%add3A_31, %dma_start3A_32, %mul3A_2] : memref<50x44x4096xf32, #tpu.memory_space<hbm>> -> memref<1x44x128xf32, #tpu.memory_space<hbm>>
      %dma_start3A_34 = tpu.memref_squeeze %dma_start3A_33 : memref<1x44x128xf32, #tpu.memory_space<hbm>> -> memref<44x128xf32, #tpu.memory_space<hbm>>
      %dma_start3A_35 = arith.constant 0 : i32
      %dma_start3A_36 = tpu.memref_slice %arg2[%add3A_31, %dma_start3A_35, %mul3A_2] : memref<50x44x4096xf32, #tpu.memory_space<hbm>> -> memref<1x44x128xf32, #tpu.memory_space<hbm>>
      %dma_start3A_37 = tpu.memref_squeeze %dma_start3A_36 : memref<1x44x128xf32, #tpu.memory_space<hbm>> -> memref<44x128xf32, #tpu.memory_space<hbm>>
      tpu.enqueue_dma source(%dma_start3A_37 : memref<44x128xf32, #tpu.memory_space<hbm>>) target(%arg8 : memref<44x128xf32, #tpu.memory_space<vmem>>) target_semaphore(%arg15 : memref<!tpu.dma_semaphore, #tpu.memory_space<semaphore_mem>>)
      %dma_wait3A_38 = arith.constant 0 : i32
      %dma_wait3A_39 = tpu.memref_slice %arg2[%mul3A_29, %dma_wait3A_38, %mul3A_2] : memref<50x44x4096xf32, #tpu.memory_space<hbm>> -> memref<1x44x128xf32, #tpu.memory_space<hbm>>
      %dma_wait3A_40 = tpu.memref_squeeze %dma_wait3A_39 : memref<1x44x128xf32, #tpu.memory_space<hbm>> -> memref<44x128xf32, #tpu.memory_space<hbm>>
      %dma_wait3A_41 = arith.constant 0 : i32
      %dma_wait3A_42 = tpu.memref_slice %arg2[%mul3A_29, %dma_wait3A_41, %mul3A_2] : memref<50x44x4096xf32, #tpu.memory_space<hbm>> -> memref<1x44x128xf32, #tpu.memory_space<hbm>>
      %dma_wait3A_43 = tpu.memref_squeeze %dma_wait3A_42 : memref<1x44x128xf32, #tpu.memory_space<hbm>> -> memref<44x128xf32, #tpu.memory_space<hbm>>
      tpu.wait_dma2 semaphore(%arg14 : memref<!tpu.dma_semaphore, #tpu.memory_space<semaphore_mem>>) src(%dma_wait3A_43 : memref<44x128xf32, #tpu.memory_space<hbm>>) dst(%arg7 : memref<44x128xf32, #tpu.memory_space<vmem>>)
      %gt3A = arith.constant 0 : i32
      %gt3A_44 = arith.cmpi sgt, %scan3A_27, %gt3A : i32
      %convert_element_type3A = arith.extui %gt3A_44 : i1 to i32
      %cond3A = arith.constant 0 : i32
      %cond3A_45 = arith.cmpi ne, %convert_element_type3A, %cond3A : i32
      scf.if %cond3A_45 {
        %sub3A = arith.constant 2 : i32
        %sub3A_82 = arith.subi %mul3A_29, %sub3A : i32
        %dma_wait3A_83 = arith.constant 0 : i32
        %dma_wait3A_84 = tpu.memref_slice %arg6[%sub3A_82, %dma_wait3A_83, %mul3A_2] : memref<50x166x4096xf32, #tpu.memory_space<hbm>> -> memref<1x166x128xf32, #tpu.memory_space<hbm>>
        %dma_wait3A_85 = tpu.memref_squeeze %dma_wait3A_84 : memref<1x166x128xf32, #tpu.memory_space<hbm>> -> memref<166x128xf32, #tpu.memory_space<hbm>>
        %dma_wait3A_86 = arith.constant 0 : i32
        %dma_wait3A_87 = tpu.memref_slice %arg6[%sub3A_82, %dma_wait3A_86, %mul3A_2] : memref<50x166x4096xf32, #tpu.memory_space<hbm>> -> memref<1x166x128xf32, #tpu.memory_space<hbm>>
        %dma_wait3A_88 = tpu.memref_squeeze %dma_wait3A_87 : memref<1x166x128xf32, #tpu.memory_space<hbm>> -> memref<166x128xf32, #tpu.memory_space<hbm>>
        tpu.wait_dma2 semaphore(%arg16 : memref<!tpu.dma_semaphore, #tpu.memory_space<semaphore_mem>>) src(%arg9 : memref<166x128xf32, #tpu.memory_space<vmem>>) dst(%dma_wait3A_88 : memref<166x128xf32, #tpu.memory_space<hbm>>)
      } else {
      }
      %parallel_loop3A = arith.constant 0 : i32
      %parallel_loop3A_46 = arith.constant 8 : i32
      %parallel_loop3A_47 = arith.constant 1 : i32
      scf.for %parallel_loop3A_82 = %parallel_loop3A to %parallel_loop3A_46 step %parallel_loop3A_47  : i32 {
        %parallel_loop3A_83 = arith.constant 16 : i32
        %parallel_loop3A_84 = arith.muli %parallel_loop3A_82, %parallel_loop3A_83 : i32
        %parallel_loop3A_85 = arith.constant 0 : i32
        %parallel_loop3A_86 = arith.index_cast %parallel_loop3A_85 : i32 to index
        %parallel_loop3A_87 = arith.index_cast %parallel_loop3A_84 : i32 to index
        %parallel_loop3A_88 = tpu.vector_load %arg7[%parallel_loop3A_86, %parallel_loop3A_87] {strides = array<i32>} : memref<44x128xf32, #tpu.memory_space<vmem>>, vector<16xf32>,
        %parallel_loop3A_89 = arith.fptosi %parallel_loop3A_88 : vector<16xf32> to vector<16xi32>
        %parallel_loop3A_90 = arith.constant 30 : i32
        %parallel_loop3A_91 = vector.broadcast %parallel_loop3A_90 : i32 to vector<16xi32>
        %parallel_loop3A_92 = arith.muli %parallel_loop3A_89, %parallel_loop3A_91 : vector<16xi32>
        %parallel_loop3A_93 = arith.constant 0 : i32
        %parallel_loop3A_94 = vector.broadcast %parallel_loop3A_93 : i32 to vector<16xi32>
        %parallel_loop3A_95 = arith.addi %parallel_loop3A_92, %parallel_loop3A_94 : vector<16xi32>
        %parallel_loop3A_96 = tpu.vector_load_idx %arg11[%parallel_loop3A_95] : memref<1800xf32, #tpu.memory_space<vmem>>[vector<16xi32>], vector<16xf32>,
        %parallel_loop3A_97 = arith.constant 0 : i32
        %parallel_loop3A_98 = arith.index_cast %parallel_loop3A_97 : i32 to index
        %parallel_loop3A_99 = arith.index_cast %parallel_loop3A_84 : i32 to index
        %parallel_loop3A_100 = tpu.vector_load %arg9[%parallel_loop3A_98, %parallel_loop3A_99] {strides = array<i32>} : memref<166x128xf32, #tpu.memory_space<vmem>>, vector<16xf32>,
        tpu.vector_store %arg9[%parallel_loop3A_98, %parallel_loop3A_99], %parallel_loop3A_96 {strides = array<i32>} : memref<166x128xf32, #tpu.memory_space<vmem>>, vector<16xf32>,
        %parallel_loop3A_101 = arith.constant 1 : i32
        %parallel_loop3A_102 = vector.broadcast %parallel_loop3A_101 : i32 to vector<16xi32>
        %parallel_loop3A_103 = arith.addi %parallel_loop3A_92, %parallel_loop3A_102 : vector<16xi32>
        %parallel_loop3A_104 = tpu.vector_load_idx %arg11[%parallel_loop3A_103] : memref<1800xf32, #tpu.memory_space<vmem>>[vector<16xi32>], vector<16xf32>,
        %parallel_loop3A_105 = arith.constant 1 : i32
        %parallel_loop3A_106 = arith.index_cast %parallel_loop3A_105 : i32 to index
        %parallel_loop3A_107 = arith.index_cast %parallel_loop3A_84 : i32 to index
        %parallel_loop3A_108 = tpu.vector_load %arg9[%parallel_loop3A_106, %parallel_loop3A_107] {strides = array<i32>} : memref<166x128xf32, #tpu.memory_space<vmem>>, vector<16xf32>,
        tpu.vector_store %arg9[%parallel_loop3A_106, %parallel_loop3A_107], %parallel_loop3A_104 {strides = array<i32>} : memref<166x128xf32, #tpu.memory_space<vmem>>, vector<16xf32>,
        %parallel_loop3A_109 = arith.constant 2 : i32
        %parallel_loop3A_110 = vector.broadcast %parallel_loop3A_109 : i32 to vector<16xi32>
        %parallel_loop3A_111 = arith.addi %parallel_loop3A_92, %parallel_loop3A_110 : vector<16xi32>
        %parallel_loop3A_112 = tpu.vector_load_idx %arg11[%parallel_loop3A_111] : memref<1800xf32, #tpu.memory_space<vmem>>[vector<16xi32>], vector<16xf32>,
        %parallel_loop3A_113 = arith.constant 2 : i32
        %parallel_loop3A_114 = arith.index_cast %parallel_loop3A_113 : i32 to index
        %parallel_loop3A_115 = arith.index_cast %parallel_loop3A_84 : i32 to index
        %parallel_loop3A_116 = tpu.vector_load %arg9[%parallel_loop3A_114, %parallel_loop3A_115] {strides = array<i32>} : memref<166x128xf32, #tpu.memory_space<vmem>>, vector<16xf32>,
        tpu.vector_store %arg9[%parallel_loop3A_114, %parallel_loop3A_115], %parallel_loop3A_112 {strides = array<i32>} : memref<166x128xf32, #tpu.memory_space<vmem>>, vector<16xf32>,
        %parallel_loop3A_117 = arith.constant 3 : i32
        %parallel_loop3A_118 = vector.broadcast %parallel_loop3A_117 : i32 to vector<16xi32>
        %parallel_loop3A_119 = arith.addi %parallel_loop3A_92, %parallel_loop3A_118 : vector<16xi32>
        %parallel_loop3A_120 = tpu.vector_load_idx %arg11[%parallel_loop3A_119] : memref<1800xf32, #tpu.memory_space<vmem>>[vector<16xi32>], vector<16xf32>,
        %parallel_loop3A_121 = arith.constant 3 : i32
        %parallel_loop3A_122 = arith.index_cast %parallel_loop3A_121 : i32 to index
        %parallel_loop3A_123 = arith.index_cast %parallel_loop3A_84 : i32 to index
        %parallel_loop3A_124 = tpu.vector_load %arg9[%parallel_loop3A_122, %parallel_loop3A_123] {strides = array<i32>} : memref<166x128xf32, #tpu.memory_space<vmem>>, vector<16xf32>,
        tpu.vector_store %arg9[%parallel_loop3A_122, %parallel_loop3A_123], %parallel_loop3A_120 {strides = array<i32>} : memref<166x128xf32, #tpu.memory_space<vmem>>, vector<16xf32>,
        %parallel_loop3A_125 = arith.constant 4 : i32
        %parallel_loop3A_126 = vector.broadcast %parallel_loop3A_125 : i32 to vector<16xi32>
        %parallel_loop3A_127 = arith.addi %parallel_loop3A_92, %parallel_loop3A_126 : vector<16xi32>
        %parallel_loop3A_128 = tpu.vector_load_idx %arg11[%parallel_loop3A_127] : memref<1800xf32, #tpu.memory_space<vmem>>[vector<16xi32>], vector<16xf32>,
        %parallel_loop3A_129 = arith.constant 4 : i32
        %parallel_loop3A_130 = arith.index_cast %parallel_loop3A_129 : i32 to index
        %parallel_loop3A_131 = arith.index_cast %parallel_loop3A_84 : i32 to index
        %parallel_loop3A_132 = tpu.vector_load %arg9[%parallel_loop3A_130, %parallel_loop3A_131] {strides = array<i32>} : memref<166x128xf32, #tpu.memory_space<vmem>>, vector<16xf32>,
        tpu.vector_store %arg9[%parallel_loop3A_130, %parallel_loop3A_131], %parallel_loop3A_128 {strides = array<i32>} : memref<166x128xf32, #tpu.memory_space<vmem>>, vector<16xf32>,
        %parallel_loop3A_133 = arith.constant 5 : i32
        %parallel_loop3A_134 = vector.broadcast %parallel_loop3A_133 : i32 to vector<16xi32>
        %parallel_loop3A_135 = arith.addi %parallel_loop3A_92, %parallel_loop3A_134 : vector<16xi32>
        %parallel_loop3A_136 = tpu.vector_load_idx %arg11[%parallel_loop3A_135] : memref<1800xf32, #tpu.memory_space<vmem>>[vector<16xi32>], vector<16xf32>,
        %parallel_loop3A_137 = arith.constant 5 : i32
        %parallel_loop3A_138 = arith.index_cast %parallel_loop3A_137 : i32 to index
        %parallel_loop3A_139 = arith.index_cast %parallel_loop3A_84 : i32 to index
        %parallel_loop3A_140 = tpu.vector_load %arg9[%parallel_loop3A_138, %parallel_loop3A_139] {strides = array<i32>} : memref<166x128xf32, #tpu.memory_space<vmem>>, vector<16xf32>,
        tpu.vector_store %arg9[%parallel_loop3A_138, %parallel_loop3A_139], %parallel_loop3A_136 {strides = array<i32>} : memref<166x128xf32, #tpu.memory_space<vmem>>, vector<16xf32>,
        %parallel_loop3A_141 = arith.constant 6 : i32
        %parallel_loop3A_142 = vector.broadcast %parallel_loop3A_141 : i32 to vector<16xi32>
        %parallel_loop3A_143 = arith.addi %parallel_loop3A_92, %parallel_loop3A_142 : vector<16xi32>
        %parallel_loop3A_144 = tpu.vector_load_idx %arg11[%parallel_loop3A_143] : memref<1800xf32, #tpu.memory_space<vmem>>[vector<16xi32>], vector<16xf32>,
        %parallel_loop3A_145 = arith.constant 6 : i32
        %parallel_loop3A_146 = arith.index_cast %parallel_loop3A_145 : i32 to index
        %parallel_loop3A_147 = arith.index_cast %parallel_loop3A_84 : i32 to index
        %parallel_loop3A_148 = tpu.vector_load %arg9[%parallel_loop3A_146, %parallel_loop3A_147] {strides = array<i32>} : memref<166x128xf32, #tpu.memory_space<vmem>>, vector<16xf32>,
        tpu.vector_store %arg9[%parallel_loop3A_146, %parallel_loop3A_147], %parallel_loop3A_144 {strides = array<i32>} : memref<166x128xf32, #tpu.memory_space<vmem>>, vector<16xf32>,
        %parallel_loop3A_149 = arith.constant 7 : i32
        %parallel_loop3A_150 = vector.broadcast %parallel_loop3A_149 : i32 to vector<16xi32>
        %parallel_loop3A_151 = arith.addi %parallel_loop3A_92, %parallel_loop3A_150 : vector<16xi32>
        %parallel_loop3A_152 = tpu.vector_load_idx %arg11[%parallel_loop3A_151] : memref<1800xf32, #tpu.memory_space<vmem>>[vector<16xi32>], vector<16xf32>,
        %parallel_loop3A_153 = arith.constant 7 : i32
        %parallel_loop3A_154 = arith.index_cast %parallel_loop3A_153 : i32 to index
        %parallel_loop3A_155 = arith.index_cast %parallel_loop3A_84 : i32 to index
        %parallel_loop3A_156 = tpu.vector_load %arg9[%parallel_loop3A_154, %parallel_loop3A_155] {strides = array<i32>} : memref<166x128xf32, #tpu.memory_space<vmem>>, vector<16xf32>,
        tpu.vector_store %arg9[%parallel_loop3A_154, %parallel_loop3A_155], %parallel_loop3A_152 {strides = array<i32>} : memref<166x128xf32, #tpu.memory_space<vmem>>, vector<16xf32>,
        %parallel_loop3A_157 = arith.constant 8 : i32
        %parallel_loop3A_158 = vector.broadcast %parallel_loop3A_157 : i32 to vector<16xi32>
        %parallel_loop3A_159 = arith.addi %parallel_loop3A_92, %parallel_loop3A_158 : vector<16xi32>
        %parallel_loop3A_160 = tpu.vector_load_idx %arg11[%parallel_loop3A_159] : memref<1800xf32, #tpu.memory_space<vmem>>[vector<16xi32>], vector<16xf32>,
        %parallel_loop3A_161 = arith.constant 8 : i32
        %parallel_loop3A_162 = arith.index_cast %parallel_loop3A_161 : i32 to index
        %parallel_loop3A_163 = arith.index_cast %parallel_loop3A_84 : i32 to index
        %parallel_loop3A_164 = tpu.vector_load %arg9[%parallel_loop3A_162, %parallel_loop3A_163] {strides = array<i32>} : memref<166x128xf32, #tpu.memory_space<vmem>>, vector<16xf32>,
        tpu.vector_store %arg9[%parallel_loop3A_162, %parallel_loop3A_163], %parallel_loop3A_160 {strides = array<i32>} : memref<166x128xf32, #tpu.memory_space<vmem>>, vector<16xf32>,
        %parallel_loop3A_165 = arith.constant 9 : i32
        %parallel_loop3A_166 = vector.broadcast %parallel_loop3A_165 : i32 to vector<16xi32>
        %parallel_loop3A_167 = arith.addi %parallel_loop3A_92, %parallel_loop3A_166 : vector<16xi32>
        %parallel_loop3A_168 = tpu.vector_load_idx %arg11[%parallel_loop3A_167] : memref<1800xf32, #tpu.memory_space<vmem>>[vector<16xi32>], vector<16xf32>,
        %parallel_loop3A_169 = arith.constant 9 : i32
        %parallel_loop3A_170 = arith.index_cast %parallel_loop3A_169 : i32 to index
        %parallel_loop3A_171 = arith.index_cast %parallel_loop3A_84 : i32 to index
        %parallel_loop3A_172 = tpu.vector_load %arg9[%parallel_loop3A_170, %parallel_loop3A_171] {strides = array<i32>} : memref<166x128xf32, #tpu.memory_space<vmem>>, vector<16xf32>,
        tpu.vector_store %arg9[%parallel_loop3A_170, %parallel_loop3A_171], %parallel_loop3A_168 {strides = array<i32>} : memref<166x128xf32, #tpu.memory_space<vmem>>, vector<16xf32>,
        %parallel_loop3A_173 = arith.constant 10 : i32
        %parallel_loop3A_174 = vector.broadcast %parallel_loop3A_173 : i32 to vector<16xi32>
        %parallel_loop3A_175 = arith.addi %parallel_loop3A_92, %parallel_loop3A_174 : vector<16xi32>
        %parallel_loop3A_176 = tpu.vector_load_idx %arg11[%parallel_loop3A_175] : memref<1800xf32, #tpu.memory_space<vmem>>[vector<16xi32>], vector<16xf32>,
        %parallel_loop3A_177 = arith.constant 10 : i32
        %parallel_loop3A_178 = arith.index_cast %parallel_loop3A_177 : i32 to index
        %parallel_loop3A_179 = arith.index_cast %parallel_loop3A_84 : i32 to index
        %parallel_loop3A_180 = tpu.vector_load %arg9[%parallel_loop3A_178, %parallel_loop3A_179] {strides = array<i32>} : memref<166x128xf32, #tpu.memory_space<vmem>>, vector<16xf32>,
        tpu.vector_store %arg9[%parallel_loop3A_178, %parallel_loop3A_179], %parallel_loop3A_176 {strides = array<i32>} : memref<166x128xf32, #tpu.memory_space<vmem>>, vector<16xf32>,
        %parallel_loop3A_181 = arith.constant 11 : i32
        %parallel_loop3A_182 = vector.broadcast %parallel_loop3A_181 : i32 to vector<16xi32>
        %parallel_loop3A_183 = arith.addi %parallel_loop3A_92, %parallel_loop3A_182 : vector<16xi32>
        %parallel_loop3A_184 = tpu.vector_load_idx %arg11[%parallel_loop3A_183] : memref<1800xf32, #tpu.memory_space<vmem>>[vector<16xi32>], vector<16xf32>,
        %parallel_loop3A_185 = arith.constant 11 : i32
        %parallel_loop3A_186 = arith.index_cast %parallel_loop3A_185 : i32 to index
        %parallel_loop3A_187 = arith.index_cast %parallel_loop3A_84 : i32 to index
        %parallel_loop3A_188 = tpu.vector_load %arg9[%parallel_loop3A_186, %parallel_loop3A_187] {strides = array<i32>} : memref<166x128xf32, #tpu.memory_space<vmem>>, vector<16xf32>,
        tpu.vector_store %arg9[%parallel_loop3A_186, %parallel_loop3A_187], %parallel_loop3A_184 {strides = array<i32>} : memref<166x128xf32, #tpu.memory_space<vmem>>, vector<16xf32>,
        %parallel_loop3A_189 = arith.constant 12 : i32
        %parallel_loop3A_190 = vector.broadcast %parallel_loop3A_189 : i32 to vector<16xi32>
        %parallel_loop3A_191 = arith.addi %parallel_loop3A_92, %parallel_loop3A_190 : vector<16xi32>
        %parallel_loop3A_192 = tpu.vector_load_idx %arg11[%parallel_loop3A_191] : memref<1800xf32, #tpu.memory_space<vmem>>[vector<16xi32>], vector<16xf32>,
        %parallel_loop3A_193 = arith.constant 12 : i32
        %parallel_loop3A_194 = arith.index_cast %parallel_loop3A_193 : i32 to index
        %parallel_loop3A_195 = arith.index_cast %parallel_loop3A_84 : i32 to index
        %parallel_loop3A_196 = tpu.vector_load %arg9[%parallel_loop3A_194, %parallel_loop3A_195] {strides = array<i32>} : memref<166x128xf32, #tpu.memory_space<vmem>>, vector<16xf32>,
        tpu.vector_store %arg9[%parallel_loop3A_194, %parallel_loop3A_195], %parallel_loop3A_192 {strides = array<i32>} : memref<166x128xf32, #tpu.memory_space<vmem>>, vector<16xf32>,
        %parallel_loop3A_197 = arith.constant 13 : i32
        %parallel_loop3A_198 = vector.broadcast %parallel_loop3A_197 : i32 to vector<16xi32>
        %parallel_loop3A_199 = arith.addi %parallel_loop3A_92, %parallel_loop3A_198 : vector<16xi32>
        %parallel_loop3A_200 = tpu.vector_load_idx %arg11[%parallel_loop3A_199] : memref<1800xf32, #tpu.memory_space<vmem>>[vector<16xi32>], vector<16xf32>,
        %parallel_loop3A_201 = arith.constant 13 : i32
        %parallel_loop3A_202 = arith.index_cast %parallel_loop3A_201 : i32 to index
        %parallel_loop3A_203 = arith.index_cast %parallel_loop3A_84 : i32 to index
        %parallel_loop3A_204 = tpu.vector_load %arg9[%parallel_loop3A_202, %parallel_loop3A_203] {strides = array<i32>} : memref<166x128xf32, #tpu.memory_space<vmem>>, vector<16xf32>,
        tpu.vector_store %arg9[%parallel_loop3A_202, %parallel_loop3A_203], %parallel_loop3A_200 {strides = array<i32>} : memref<166x128xf32, #tpu.memory_space<vmem>>, vector<16xf32>,
        %parallel_loop3A_205 = arith.constant 14 : i32
        %parallel_loop3A_206 = vector.broadcast %parallel_loop3A_205 : i32 to vector<16xi32>
        %parallel_loop3A_207 = arith.addi %parallel_loop3A_92, %parallel_loop3A_206 : vector<16xi32>
        %parallel_loop3A_208 = tpu.vector_load_idx %arg11[%parallel_loop3A_207] : memref<1800xf32, #tpu.memory_space<vmem>>[vector<16xi32>], vector<16xf32>,
        %parallel_loop3A_209 = arith.constant 14 : i32
        %parallel_loop3A_210 = arith.index_cast %parallel_loop3A_209 : i32 to index
        %parallel_loop3A_211 = arith.index_cast %parallel_loop3A_84 : i32 to index
        %parallel_loop3A_212 = tpu.vector_load %arg9[%parallel_loop3A_210, %parallel_loop3A_211] {strides = array<i32>} : memref<166x128xf32, #tpu.memory_space<vmem>>, vector<16xf32>,
        tpu.vector_store %arg9[%parallel_loop3A_210, %parallel_loop3A_211], %parallel_loop3A_208 {strides = array<i32>} : memref<166x128xf32, #tpu.memory_space<vmem>>, vector<16xf32>,
        %parallel_loop3A_213 = arith.constant 15 : i32
        %parallel_loop3A_214 = vector.broadcast %parallel_loop3A_213 : i32 to vector<16xi32>
        %parallel_loop3A_215 = arith.addi %parallel_loop3A_92, %parallel_loop3A_214 : vector<16xi32>
        %parallel_loop3A_216 = tpu.vector_load_idx %arg11[%parallel_loop3A_215] : memref<1800xf32, #tpu.memory_space<vmem>>[vector<16xi32>], vector<16xf32>,
        %parallel_loop3A_217 = arith.constant 15 : i32
        %parallel_loop3A_218 = arith.index_cast %parallel_loop3A_217 : i32 to index
        %parallel_loop3A_219 = arith.index_cast %parallel_loop3A_84 : i32 to index
        %parallel_loop3A_220 = tpu.vector_load %arg9[%parallel_loop3A_218, %parallel_loop3A_219] {strides = array<i32>} : memref<166x128xf32, #tpu.memory_space<vmem>>, vector<16xf32>,
        tpu.vector_store %arg9[%parallel_loop3A_218, %parallel_loop3A_219], %parallel_loop3A_216 {strides = array<i32>} : memref<166x128xf32, #tpu.memory_space<vmem>>, vector<16xf32>,
        %parallel_loop3A_221 = arith.constant 16 : i32
        %parallel_loop3A_222 = vector.broadcast %parallel_loop3A_221 : i32 to vector<16xi32>
        %parallel_loop3A_223 = arith.addi %parallel_loop3A_92, %parallel_loop3A_222 : vector<16xi32>
        %parallel_loop3A_224 = tpu.vector_load_idx %arg11[%parallel_loop3A_223] : memref<1800xf32, #tpu.memory_space<vmem>>[vector<16xi32>], vector<16xf32>,
        %parallel_loop3A_225 = arith.constant 16 : i32
        %parallel_loop3A_226 = arith.index_cast %parallel_loop3A_225 : i32 to index
        %parallel_loop3A_227 = arith.index_cast %parallel_loop3A_84 : i32 to index
        %parallel_loop3A_228 = tpu.vector_load %arg9[%parallel_loop3A_226, %parallel_loop3A_227] {strides = array<i32>} : memref<166x128xf32, #tpu.memory_space<vmem>>, vector<16xf32>,
        tpu.vector_store %arg9[%parallel_loop3A_226, %parallel_loop3A_227], %parallel_loop3A_224 {strides = array<i32>} : memref<166x128xf32, #tpu.memory_space<vmem>>, vector<16xf32>,
        %parallel_loop3A_229 = arith.constant 17 : i32
        %parallel_loop3A_230 = vector.broadcast %parallel_loop3A_229 : i32 to vector<16xi32>
        %parallel_loop3A_231 = arith.addi %parallel_loop3A_92, %parallel_loop3A_230 : vector<16xi32>
        %parallel_loop3A_232 = tpu.vector_load_idx %arg11[%parallel_loop3A_231] : memref<1800xf32, #tpu.memory_space<vmem>>[vector<16xi32>], vector<16xf32>,
        %parallel_loop3A_233 = arith.constant 17 : i32
        %parallel_loop3A_234 = arith.index_cast %parallel_loop3A_233 : i32 to index
        %parallel_loop3A_235 = arith.index_cast %parallel_loop3A_84 : i32 to index
        %parallel_loop3A_236 = tpu.vector_load %arg9[%parallel_loop3A_234, %parallel_loop3A_235] {strides = array<i32>} : memref<166x128xf32, #tpu.memory_space<vmem>>, vector<16xf32>,
        tpu.vector_store %arg9[%parallel_loop3A_234, %parallel_loop3A_235], %parallel_loop3A_232 {strides = array<i32>} : memref<166x128xf32, #tpu.memory_space<vmem>>, vector<16xf32>,
        %parallel_loop3A_237 = arith.constant 18 : i32
        %parallel_loop3A_238 = vector.broadcast %parallel_loop3A_237 : i32 to vector<16xi32>
        %parallel_loop3A_239 = arith.addi %parallel_loop3A_92, %parallel_loop3A_238 : vector<16xi32>
        %parallel_loop3A_240 = tpu.vector_load_idx %arg11[%parallel_loop3A_239] : memref<1800xf32, #tpu.memory_space<vmem>>[vector<16xi32>], vector<16xf32>,
        %parallel_loop3A_241 = arith.constant 18 : i32
        %parallel_loop3A_242 = arith.index_cast %parallel_loop3A_241 : i32 to index
        %parallel_loop3A_243 = arith.index_cast %parallel_loop3A_84 : i32 to index
        %parallel_loop3A_244 = tpu.vector_load %arg9[%parallel_loop3A_242, %parallel_loop3A_243] {strides = array<i32>} : memref<166x128xf32, #tpu.memory_space<vmem>>, vector<16xf32>,
        tpu.vector_store %arg9[%parallel_loop3A_242, %parallel_loop3A_243], %parallel_loop3A_240 {strides = array<i32>} : memref<166x128xf32, #tpu.memory_space<vmem>>, vector<16xf32>,
        %parallel_loop3A_245 = arith.constant 19 : i32
        %parallel_loop3A_246 = vector.broadcast %parallel_loop3A_245 : i32 to vector<16xi32>
        %parallel_loop3A_247 = arith.addi %parallel_loop3A_92, %parallel_loop3A_246 : vector<16xi32>
        %parallel_loop3A_248 = tpu.vector_load_idx %arg11[%parallel_loop3A_247] : memref<1800xf32, #tpu.memory_space<vmem>>[vector<16xi32>], vector<16xf32>,
        %parallel_loop3A_249 = arith.constant 19 : i32
        %parallel_loop3A_250 = arith.index_cast %parallel_loop3A_249 : i32 to index
        %parallel_loop3A_251 = arith.index_cast %parallel_loop3A_84 : i32 to index
        %parallel_loop3A_252 = tpu.vector_load %arg9[%parallel_loop3A_250, %parallel_loop3A_251] {strides = array<i32>} : memref<166x128xf32, #tpu.memory_space<vmem>>, vector<16xf32>,
        tpu.vector_store %arg9[%parallel_loop3A_250, %parallel_loop3A_251], %parallel_loop3A_248 {strides = array<i32>} : memref<166x128xf32, #tpu.memory_space<vmem>>, vector<16xf32>,
        %parallel_loop3A_253 = arith.constant 20 : i32
        %parallel_loop3A_254 = vector.broadcast %parallel_loop3A_253 : i32 to vector<16xi32>
        %parallel_loop3A_255 = arith.addi %parallel_loop3A_92, %parallel_loop3A_254 : vector<16xi32>
        %parallel_loop3A_256 = tpu.vector_load_idx %arg11[%parallel_loop3A_255] : memref<1800xf32, #tpu.memory_space<vmem>>[vector<16xi32>], vector<16xf32>,
        %parallel_loop3A_257 = arith.constant 20 : i32
        %parallel_loop3A_258 = arith.index_cast %parallel_loop3A_257 : i32 to index
        %parallel_loop3A_259 = arith.index_cast %parallel_loop3A_84 : i32 to index
        %parallel_loop3A_260 = tpu.vector_load %arg9[%parallel_loop3A_258, %parallel_loop3A_259] {strides = array<i32>} : memref<166x128xf32, #tpu.memory_space<vmem>>, vector<16xf32>,
        tpu.vector_store %arg9[%parallel_loop3A_258, %parallel_loop3A_259], %parallel_loop3A_256 {strides = array<i32>} : memref<166x128xf32, #tpu.memory_space<vmem>>, vector<16xf32>,
        %parallel_loop3A_261 = arith.constant 21 : i32
        %parallel_loop3A_262 = vector.broadcast %parallel_loop3A_261 : i32 to vector<16xi32>
        %parallel_loop3A_263 = arith.addi %parallel_loop3A_92, %parallel_loop3A_262 : vector<16xi32>
        %parallel_loop3A_264 = tpu.vector_load_idx %arg11[%parallel_loop3A_263] : memref<1800xf32, #tpu.memory_space<vmem>>[vector<16xi32>], vector<16xf32>,
        %parallel_loop3A_265 = arith.constant 21 : i32
        %parallel_loop3A_266 = arith.index_cast %parallel_loop3A_265 : i32 to index
        %parallel_loop3A_267 = arith.index_cast %parallel_loop3A_84 : i32 to index
        %parallel_loop3A_268 = tpu.vector_load %arg9[%parallel_loop3A_266, %parallel_loop3A_267] {strides = array<i32>} : memref<166x128xf32, #tpu.memory_space<vmem>>, vector<16xf32>,
        tpu.vector_store %arg9[%parallel_loop3A_266, %parallel_loop3A_267], %parallel_loop3A_264 {strides = array<i32>} : memref<166x128xf32, #tpu.memory_space<vmem>>, vector<16xf32>,
        %parallel_loop3A_269 = arith.constant 22 : i32
        %parallel_loop3A_270 = vector.broadcast %parallel_loop3A_269 : i32 to vector<16xi32>
        %parallel_loop3A_271 = arith.addi %parallel_loop3A_92, %parallel_loop3A_270 : vector<16xi32>
        %parallel_loop3A_272 = tpu.vector_load_idx %arg11[%parallel_loop3A_271] : memref<1800xf32, #tpu.memory_space<vmem>>[vector<16xi32>], vector<16xf32>,
        %parallel_loop3A_273 = arith.constant 22 : i32
        %parallel_loop3A_274 = arith.index_cast %parallel_loop3A_273 : i32 to index
        %parallel_loop3A_275 = arith.index_cast %parallel_loop3A_84 : i32 to index
        %parallel_loop3A_276 = tpu.vector_load %arg9[%parallel_loop3A_274, %parallel_loop3A_275] {strides = array<i32>} : memref<166x128xf32, #tpu.memory_space<vmem>>, vector<16xf32>,
        tpu.vector_store %arg9[%parallel_loop3A_274, %parallel_loop3A_275], %parallel_loop3A_272 {strides = array<i32>} : memref<166x128xf32, #tpu.memory_space<vmem>>, vector<16xf32>,
        %parallel_loop3A_277 = arith.constant 23 : i32
        %parallel_loop3A_278 = vector.broadcast %parallel_loop3A_277 : i32 to vector<16xi32>
        %parallel_loop3A_279 = arith.addi %parallel_loop3A_92, %parallel_loop3A_278 : vector<16xi32>
        %parallel_loop3A_280 = tpu.vector_load_idx %arg11[%parallel_loop3A_279] : memref<1800xf32, #tpu.memory_space<vmem>>[vector<16xi32>], vector<16xf32>,
        %parallel_loop3A_281 = arith.constant 23 : i32
        %parallel_loop3A_282 = arith.index_cast %parallel_loop3A_281 : i32 to index
        %parallel_loop3A_283 = arith.index_cast %parallel_loop3A_84 : i32 to index
        %parallel_loop3A_284 = tpu.vector_load %arg9[%parallel_loop3A_282, %parallel_loop3A_283] {strides = array<i32>} : memref<166x128xf32, #tpu.memory_space<vmem>>, vector<16xf32>,
        tpu.vector_store %arg9[%parallel_loop3A_282, %parallel_loop3A_283], %parallel_loop3A_280 {strides = array<i32>} : memref<166x128xf32, #tpu.memory_space<vmem>>, vector<16xf32>,
        %parallel_loop3A_285 = arith.constant 24 : i32
        %parallel_loop3A_286 = vector.broadcast %parallel_loop3A_285 : i32 to vector<16xi32>
        %parallel_loop3A_287 = arith.addi %parallel_loop3A_92, %parallel_loop3A_286 : vector<16xi32>
        %parallel_loop3A_288 = tpu.vector_load_idx %arg11[%parallel_loop3A_287] : memref<1800xf32, #tpu.memory_space<vmem>>[vector<16xi32>], vector<16xf32>,
        %parallel_loop3A_289 = arith.constant 24 : i32
        %parallel_loop3A_290 = arith.index_cast %parallel_loop3A_289 : i32 to index
        %parallel_loop3A_291 = arith.index_cast %parallel_loop3A_84 : i32 to index
        %parallel_loop3A_292 = tpu.vector_load %arg9[%parallel_loop3A_290, %parallel_loop3A_291] {strides = array<i32>} : memref<166x128xf32, #tpu.memory_space<vmem>>, vector<16xf32>,
        tpu.vector_store %arg9[%parallel_loop3A_290, %parallel_loop3A_291], %parallel_loop3A_288 {strides = array<i32>} : memref<166x128xf32, #tpu.memory_space<vmem>>, vector<16xf32>,
        %parallel_loop3A_293 = arith.constant 25 : i32
        %parallel_loop3A_294 = vector.broadcast %parallel_loop3A_293 : i32 to vector<16xi32>
        %parallel_loop3A_295 = arith.addi %parallel_loop3A_92, %parallel_loop3A_294 : vector<16xi32>
        %parallel_loop3A_296 = tpu.vector_load_idx %arg11[%parallel_loop3A_295] : memref<1800xf32, #tpu.memory_space<vmem>>[vector<16xi32>], vector<16xf32>,
        %parallel_loop3A_297 = arith.constant 25 : i32
        %parallel_loop3A_298 = arith.index_cast %parallel_loop3A_297 : i32 to index
        %parallel_loop3A_299 = arith.index_cast %parallel_loop3A_84 : i32 to index
        %parallel_loop3A_300 = tpu.vector_load %arg9[%parallel_loop3A_298, %parallel_loop3A_299] {strides = array<i32>} : memref<166x128xf32, #tpu.memory_space<vmem>>, vector<16xf32>,
        tpu.vector_store %arg9[%parallel_loop3A_298, %parallel_loop3A_299], %parallel_loop3A_296 {strides = array<i32>} : memref<166x128xf32, #tpu.memory_space<vmem>>, vector<16xf32>,
        %parallel_loop3A_301 = arith.constant 26 : i32
        %parallel_loop3A_302 = vector.broadcast %parallel_loop3A_301 : i32 to vector<16xi32>
        %parallel_loop3A_303 = arith.addi %parallel_loop3A_92, %parallel_loop3A_302 : vector<16xi32>
        %parallel_loop3A_304 = tpu.vector_load_idx %arg11[%parallel_loop3A_303] : memref<1800xf32, #tpu.memory_space<vmem>>[vector<16xi32>], vector<16xf32>,
        %parallel_loop3A_305 = arith.constant 26 : i32
        %parallel_loop3A_306 = arith.index_cast %parallel_loop3A_305 : i32 to index
        %parallel_loop3A_307 = arith.index_cast %parallel_loop3A_84 : i32 to index
        %parallel_loop3A_308 = tpu.vector_load %arg9[%parallel_loop3A_306, %parallel_loop3A_307] {strides = array<i32>} : memref<166x128xf32, #tpu.memory_space<vmem>>, vector<16xf32>,
        tpu.vector_store %arg9[%parallel_loop3A_306, %parallel_loop3A_307], %parallel_loop3A_304 {strides = array<i32>} : memref<166x128xf32, #tpu.memory_space<vmem>>, vector<16xf32>,
        %parallel_loop3A_309 = arith.constant 27 : i32
        %parallel_loop3A_310 = vector.broadcast %parallel_loop3A_309 : i32 to vector<16xi32>
        %parallel_loop3A_311 = arith.addi %parallel_loop3A_92, %parallel_loop3A_310 : vector<16xi32>
        %parallel_loop3A_312 = tpu.vector_load_idx %arg11[%parallel_loop3A_311] : memref<1800xf32, #tpu.memory_space<vmem>>[vector<16xi32>], vector<16xf32>,
        %parallel_loop3A_313 = arith.constant 27 : i32
        %parallel_loop3A_314 = arith.index_cast %parallel_loop3A_313 : i32 to index
        %parallel_loop3A_315 = arith.index_cast %parallel_loop3A_84 : i32 to index
        %parallel_loop3A_316 = tpu.vector_load %arg9[%parallel_loop3A_314, %parallel_loop3A_315] {strides = array<i32>} : memref<166x128xf32, #tpu.memory_space<vmem>>, vector<16xf32>,
        tpu.vector_store %arg9[%parallel_loop3A_314, %parallel_loop3A_315], %parallel_loop3A_312 {strides = array<i32>} : memref<166x128xf32, #tpu.memory_space<vmem>>, vector<16xf32>,
        %parallel_loop3A_317 = arith.constant 28 : i32
        %parallel_loop3A_318 = vector.broadcast %parallel_loop3A_317 : i32 to vector<16xi32>
        %parallel_loop3A_319 = arith.addi %parallel_loop3A_92, %parallel_loop3A_318 : vector<16xi32>
        %parallel_loop3A_320 = tpu.vector_load_idx %arg11[%parallel_loop3A_319] : memref<1800xf32, #tpu.memory_space<vmem>>[vector<16xi32>], vector<16xf32>,
        %parallel_loop3A_321 = arith.constant 28 : i32
        %parallel_loop3A_322 = arith.index_cast %parallel_loop3A_321 : i32 to index
        %parallel_loop3A_323 = arith.index_cast %parallel_loop3A_84 : i32 to index
        %parallel_loop3A_324 = tpu.vector_load %arg9[%parallel_loop3A_322, %parallel_loop3A_323] {strides = array<i32>} : memref<166x128xf32, #tpu.memory_space<vmem>>, vector<16xf32>,
        tpu.vector_store %arg9[%parallel_loop3A_322, %parallel_loop3A_323], %parallel_loop3A_320 {strides = array<i32>} : memref<166x128xf32, #tpu.memory_space<vmem>>, vector<16xf32>,
        %parallel_loop3A_325 = arith.constant 29 : i32
        %parallel_loop3A_326 = vector.broadcast %parallel_loop3A_325 : i32 to vector<16xi32>
        %parallel_loop3A_327 = arith.addi %parallel_loop3A_92, %parallel_loop3A_326 : vector<16xi32>
        %parallel_loop3A_328 = tpu.vector_load_idx %arg11[%parallel_loop3A_327] : memref<1800xf32, #tpu.memory_space<vmem>>[vector<16xi32>], vector<16xf32>,
        %parallel_loop3A_329 = arith.constant 29 : i32
        %parallel_loop3A_330 = arith.index_cast %parallel_loop3A_329 : i32 to index
        %parallel_loop3A_331 = arith.index_cast %parallel_loop3A_84 : i32 to index
        %parallel_loop3A_332 = tpu.vector_load %arg9[%parallel_loop3A_330, %parallel_loop3A_331] {strides = array<i32>} : memref<166x128xf32, #tpu.memory_space<vmem>>, vector<16xf32>,
        tpu.vector_store %arg9[%parallel_loop3A_330, %parallel_loop3A_331], %parallel_loop3A_328 {strides = array<i32>} : memref<166x128xf32, #tpu.memory_space<vmem>>, vector<16xf32>,
        %parallel_loop3A_333 = arith.constant 3 : i32
        %parallel_loop3A_334 = arith.index_cast %parallel_loop3A_333 : i32 to index
        %parallel_loop3A_335 = arith.index_cast %parallel_loop3A_84 : i32 to index
        %parallel_loop3A_336 = tpu.vector_load %arg7[%parallel_loop3A_334, %parallel_loop3A_335] {strides = array<i32>} : memref<44x128xf32, #tpu.memory_space<vmem>>, vector<16xf32>,
        %parallel_loop3A_337 = arith.fptosi %parallel_loop3A_336 : vector<16xf32> to vector<16xi32>
        %parallel_loop3A_338 = arith.constant 10 : i32
        %parallel_loop3A_339 = vector.broadcast %parallel_loop3A_338 : i32 to vector<16xi32>
        %parallel_loop3A_340 = arith.muli %parallel_loop3A_337, %parallel_loop3A_339 : vector<16xi32>
        %parallel_loop3A_341 = arith.constant 0 : i32
        %parallel_loop3A_342 = vector.broadcast %parallel_loop3A_341 : i32 to vector<16xi32>
        %parallel_loop3A_343 = arith.addi %parallel_loop3A_340, %parallel_loop3A_342 : vector<16xi32>
        %parallel_loop3A_344 = tpu.vector_load_idx %arg12[%parallel_loop3A_343] : memref<600xf32, #tpu.memory_space<vmem>>[vector<16xi32>], vector<16xf32>,
        %parallel_loop3A_345 = arith.constant 30 : i32
        %parallel_loop3A_346 = arith.index_cast %parallel_loop3A_345 : i32 to index
        %parallel_loop3A_347 = arith.index_cast %parallel_loop3A_84 : i32 to index
        %parallel_loop3A_348 = tpu.vector_load %arg9[%parallel_loop3A_346, %parallel_loop3A_347] {strides = array<i32>} : memref<166x128xf32, #tpu.memory_space<vmem>>, vector<16xf32>,
        tpu.vector_store %arg9[%parallel_loop3A_346, %parallel_loop3A_347], %parallel_loop3A_344 {strides = array<i32>} : memref<166x128xf32, #tpu.memory_space<vmem>>, vector<16xf32>,
        %parallel_loop3A_349 = arith.constant 1 : i32
        %parallel_loop3A_350 = vector.broadcast %parallel_loop3A_349 : i32 to vector<16xi32>
        %parallel_loop3A_351 = arith.addi %parallel_loop3A_340, %parallel_loop3A_350 : vector<16xi32>
        %parallel_loop3A_352 = tpu.vector_load_idx %arg12[%parallel_loop3A_351] : memref<600xf32, #tpu.memory_space<vmem>>[vector<16xi32>], vector<16xf32>,
        %parallel_loop3A_353 = arith.constant 31 : i32
        %parallel_loop3A_354 = arith.index_cast %parallel_loop3A_353 : i32 to index
        %parallel_loop3A_355 = arith.index_cast %parallel_loop3A_84 : i32 to index
        %parallel_loop3A_356 = tpu.vector_load %arg9[%parallel_loop3A_354, %parallel_loop3A_355] {strides = array<i32>} : memref<166x128xf32, #tpu.memory_space<vmem>>, vector<16xf32>,
        tpu.vector_store %arg9[%parallel_loop3A_354, %parallel_loop3A_355], %parallel_loop3A_352 {strides = array<i32>} : memref<166x128xf32, #tpu.memory_space<vmem>>, vector<16xf32>,
        %parallel_loop3A_357 = arith.constant 2 : i32
        %parallel_loop3A_358 = vector.broadcast %parallel_loop3A_357 : i32 to vector<16xi32>
        %parallel_loop3A_359 = arith.addi %parallel_loop3A_340, %parallel_loop3A_358 : vector<16xi32>
        %parallel_loop3A_360 = tpu.vector_load_idx %arg12[%parallel_loop3A_359] : memref<600xf32, #tpu.memory_space<vmem>>[vector<16xi32>], vector<16xf32>,
        %parallel_loop3A_361 = arith.constant 32 : i32
        %parallel_loop3A_362 = arith.index_cast %parallel_loop3A_361 : i32 to index
        %parallel_loop3A_363 = arith.index_cast %parallel_loop3A_84 : i32 to index
        %parallel_loop3A_364 = tpu.vector_load %arg9[%parallel_loop3A_362, %parallel_loop3A_363] {strides = array<i32>} : memref<166x128xf32, #tpu.memory_space<vmem>>, vector<16xf32>,
        tpu.vector_store %arg9[%parallel_loop3A_362, %parallel_loop3A_363], %parallel_loop3A_360 {strides = array<i32>} : memref<166x128xf32, #tpu.memory_space<vmem>>, vector<16xf32>,
        %parallel_loop3A_365 = arith.constant 3 : i32
        %parallel_loop3A_366 = vector.broadcast %parallel_loop3A_365 : i32 to vector<16xi32>
        %parallel_loop3A_367 = arith.addi %parallel_loop3A_340, %parallel_loop3A_366 : vector<16xi32>
        %parallel_loop3A_368 = tpu.vector_load_idx %arg12[%parallel_loop3A_367] : memref<600xf32, #tpu.memory_space<vmem>>[vector<16xi32>], vector<16xf32>,
        %parallel_loop3A_369 = arith.constant 33 : i32
        %parallel_loop3A_370 = arith.index_cast %parallel_loop3A_369 : i32 to index
        %parallel_loop3A_371 = arith.index_cast %parallel_loop3A_84 : i32 to index
        %parallel_loop3A_372 = tpu.vector_load %arg9[%parallel_loop3A_370, %parallel_loop3A_371] {strides = array<i32>} : memref<166x128xf32, #tpu.memory_space<vmem>>, vector<16xf32>,
        tpu.vector_store %arg9[%parallel_loop3A_370, %parallel_loop3A_371], %parallel_loop3A_368 {strides = array<i32>} : memref<166x128xf32, #tpu.memory_space<vmem>>, vector<16xf32>,
        %parallel_loop3A_373 = arith.constant 4 : i32
        %parallel_loop3A_374 = vector.broadcast %parallel_loop3A_373 : i32 to vector<16xi32>
        %parallel_loop3A_375 = arith.addi %parallel_loop3A_340, %parallel_loop3A_374 : vector<16xi32>
        %parallel_loop3A_376 = tpu.vector_load_idx %arg12[%parallel_loop3A_375] : memref<600xf32, #tpu.memory_space<vmem>>[vector<16xi32>], vector<16xf32>,
        %parallel_loop3A_377 = arith.constant 34 : i32
        %parallel_loop3A_378 = arith.index_cast %parallel_loop3A_377 : i32 to index
        %parallel_loop3A_379 = arith.index_cast %parallel_loop3A_84 : i32 to index
        %parallel_loop3A_380 = tpu.vector_load %arg9[%parallel_loop3A_378, %parallel_loop3A_379] {strides = array<i32>} : memref<166x128xf32, #tpu.memory_space<vmem>>, vector<16xf32>,
        tpu.vector_store %arg9[%parallel_loop3A_378, %parallel_loop3A_379], %parallel_loop3A_376 {strides = array<i32>} : memref<166x128xf32, #tpu.memory_space<vmem>>, vector<16xf32>,
        %parallel_loop3A_381 = arith.constant 5 : i32
        %parallel_loop3A_382 = vector.broadcast %parallel_loop3A_381 : i32 to vector<16xi32>
        %parallel_loop3A_383 = arith.addi %parallel_loop3A_340, %parallel_loop3A_382 : vector<16xi32>
        %parallel_loop3A_384 = tpu.vector_load_idx %arg12[%parallel_loop3A_383] : memref<600xf32, #tpu.memory_space<vmem>>[vector<16xi32>], vector<16xf32>,
        %parallel_loop3A_385 = arith.constant 35 : i32
        %parallel_loop3A_386 = arith.index_cast %parallel_loop3A_385 : i32 to index
        %parallel_loop3A_387 = arith.index_cast %parallel_loop3A_84 : i32 to index
        %parallel_loop3A_388 = tpu.vector_load %arg9[%parallel_loop3A_386, %parallel_loop3A_387] {strides = array<i32>} : memref<166x128xf32, #tpu.memory_space<vmem>>, vector<16xf32>,
        tpu.vector_store %arg9[%parallel_loop3A_386, %parallel_loop3A_387], %parallel_loop3A_384 {strides = array<i32>} : memref<166x128xf32, #tpu.memory_space<vmem>>, vector<16xf32>,
        %parallel_loop3A_389 = arith.constant 6 : i32
        %parallel_loop3A_390 = vector.broadcast %parallel_loop3A_389 : i32 to vector<16xi32>
        %parallel_loop3A_391 = arith.addi %parallel_loop3A_340, %parallel_loop3A_390 : vector<16xi32>
        %parallel_loop3A_392 = tpu.vector_load_idx %arg12[%parallel_loop3A_391] : memref<600xf32, #tpu.memory_space<vmem>>[vector<16xi32>], vector<16xf32>,
        %parallel_loop3A_393 = arith.constant 36 : i32
        %parallel_loop3A_394 = arith.index_cast %parallel_loop3A_393 : i32 to index
        %parallel_loop3A_395 = arith.index_cast %parallel_loop3A_84 : i32 to index
        %parallel_loop3A_396 = tpu.vector_load %arg9[%parallel_loop3A_394, %parallel_loop3A_395] {strides = array<i32>} : memref<166x128xf32, #tpu.memory_space<vmem>>, vector<16xf32>,
        tpu.vector_store %arg9[%parallel_loop3A_394, %parallel_loop3A_395], %parallel_loop3A_392 {strides = array<i32>} : memref<166x128xf32, #tpu.memory_space<vmem>>, vector<16xf32>,
        %parallel_loop3A_397 = arith.constant 7 : i32
        %parallel_loop3A_398 = vector.broadcast %parallel_loop3A_397 : i32 to vector<16xi32>
        %parallel_loop3A_399 = arith.addi %parallel_loop3A_340, %parallel_loop3A_398 : vector<16xi32>
        %parallel_loop3A_400 = tpu.vector_load_idx %arg12[%parallel_loop3A_399] : memref<600xf32, #tpu.memory_space<vmem>>[vector<16xi32>], vector<16xf32>,
        %parallel_loop3A_401 = arith.constant 37 : i32
        %parallel_loop3A_402 = arith.index_cast %parallel_loop3A_401 : i32 to index
        %parallel_loop3A_403 = arith.index_cast %parallel_loop3A_84 : i32 to index
        %parallel_loop3A_404 = tpu.vector_load %arg9[%parallel_loop3A_402, %parallel_loop3A_403] {strides = array<i32>} : memref<166x128xf32, #tpu.memory_space<vmem>>, vector<16xf32>,
        tpu.vector_store %arg9[%parallel_loop3A_402, %parallel_loop3A_403], %parallel_loop3A_400 {strides = array<i32>} : memref<166x128xf32, #tpu.memory_space<vmem>>, vector<16xf32>,
        %parallel_loop3A_405 = arith.constant 8 : i32
        %parallel_loop3A_406 = vector.broadcast %parallel_loop3A_405 : i32 to vector<16xi32>
        %parallel_loop3A_407 = arith.addi %parallel_loop3A_340, %parallel_loop3A_406 : vector<16xi32>
        %parallel_loop3A_408 = tpu.vector_load_idx %arg12[%parallel_loop3A_407] : memref<600xf32, #tpu.memory_space<vmem>>[vector<16xi32>], vector<16xf32>,
        %parallel_loop3A_409 = arith.constant 38 : i32
        %parallel_loop3A_410 = arith.index_cast %parallel_loop3A_409 : i32 to index
        %parallel_loop3A_411 = arith.index_cast %parallel_loop3A_84 : i32 to index
        %parallel_loop3A_412 = tpu.vector_load %arg9[%parallel_loop3A_410, %parallel_loop3A_411] {strides = array<i32>} : memref<166x128xf32, #tpu.memory_space<vmem>>, vector<16xf32>,
        tpu.vector_store %arg9[%parallel_loop3A_410, %parallel_loop3A_411], %parallel_loop3A_408 {strides = array<i32>} : memref<166x128xf32, #tpu.memory_space<vmem>>, vector<16xf32>,
        %parallel_loop3A_413 = arith.constant 9 : i32
        %parallel_loop3A_414 = vector.broadcast %parallel_loop3A_413 : i32 to vector<16xi32>
        %parallel_loop3A_415 = arith.addi %parallel_loop3A_340, %parallel_loop3A_414 : vector<16xi32>
        %parallel_loop3A_416 = tpu.vector_load_idx %arg12[%parallel_loop3A_415] : memref<600xf32, #tpu.memory_space<vmem>>[vector<16xi32>], vector<16xf32>,
        %parallel_loop3A_417 = arith.constant 39 : i32
        %parallel_loop3A_418 = arith.index_cast %parallel_loop3A_417 : i32 to index
        %parallel_loop3A_419 = arith.index_cast %parallel_loop3A_84 : i32 to index
        %parallel_loop3A_420 = tpu.vector_load %arg9[%parallel_loop3A_418, %parallel_loop3A_419] {strides = array<i32>} : memref<166x128xf32, #tpu.memory_space<vmem>>, vector<16xf32>,
        tpu.vector_store %arg9[%parallel_loop3A_418, %parallel_loop3A_419], %parallel_loop3A_416 {strides = array<i32>} : memref<166x128xf32, #tpu.memory_space<vmem>>, vector<16xf32>,
        %parallel_loop3A_421 = arith.constant 4 : i32
        %parallel_loop3A_422 = arith.index_cast %parallel_loop3A_421 : i32 to index
        %parallel_loop3A_423 = arith.index_cast %parallel_loop3A_84 : i32 to index
        %parallel_loop3A_424 = tpu.vector_load %arg7[%parallel_loop3A_422, %parallel_loop3A_423] {strides = array<i32>} : memref<44x128xf32, #tpu.memory_space<vmem>>, vector<16xf32>,
        %parallel_loop3A_425 = arith.fptosi %parallel_loop3A_424 : vector<16xf32> to vector<16xi32>
        %parallel_loop3A_426 = arith.constant 10 : i32
        %parallel_loop3A_427 = vector.broadcast %parallel_loop3A_426 : i32 to vector<16xi32>
        %parallel_loop3A_428 = arith.muli %parallel_loop3A_425, %parallel_loop3A_427 : vector<16xi32>
        %parallel_loop3A_429 = arith.constant 0 : i32
        %parallel_loop3A_430 = vector.broadcast %parallel_loop3A_429 : i32 to vector<16xi32>
        %parallel_loop3A_431 = arith.addi %parallel_loop3A_428, %parallel_loop3A_430 : vector<16xi32>
        %parallel_loop3A_432 = tpu.vector_load_idx %arg12[%parallel_loop3A_431] : memref<600xf32, #tpu.memory_space<vmem>>[vector<16xi32>], vector<16xf32>,
        %parallel_loop3A_433 = arith.constant 40 : i32
        %parallel_loop3A_434 = arith.index_cast %parallel_loop3A_433 : i32 to index
        %parallel_loop3A_435 = arith.index_cast %parallel_loop3A_84 : i32 to index
        %parallel_loop3A_436 = tpu.vector_load %arg9[%parallel_loop3A_434, %parallel_loop3A_435] {strides = array<i32>} : memref<166x128xf32, #tpu.memory_space<vmem>>, vector<16xf32>,
        tpu.vector_store %arg9[%parallel_loop3A_434, %parallel_loop3A_435], %parallel_loop3A_432 {strides = array<i32>} : memref<166x128xf32, #tpu.memory_space<vmem>>, vector<16xf32>,
        %parallel_loop3A_437 = arith.constant 1 : i32
        %parallel_loop3A_438 = vector.broadcast %parallel_loop3A_437 : i32 to vector<16xi32>
        %parallel_loop3A_439 = arith.addi %parallel_loop3A_428, %parallel_loop3A_438 : vector<16xi32>
        %parallel_loop3A_440 = tpu.vector_load_idx %arg12[%parallel_loop3A_439] : memref<600xf32, #tpu.memory_space<vmem>>[vector<16xi32>], vector<16xf32>,
        %parallel_loop3A_441 = arith.constant 41 : i32
        %parallel_loop3A_442 = arith.index_cast %parallel_loop3A_441 : i32 to index
        %parallel_loop3A_443 = arith.index_cast %parallel_loop3A_84 : i32 to index
        %parallel_loop3A_444 = tpu.vector_load %arg9[%parallel_loop3A_442, %parallel_loop3A_443] {strides = array<i32>} : memref<166x128xf32, #tpu.memory_space<vmem>>, vector<16xf32>,
        tpu.vector_store %arg9[%parallel_loop3A_442, %parallel_loop3A_443], %parallel_loop3A_440 {strides = array<i32>} : memref<166x128xf32, #tpu.memory_space<vmem>>, vector<16xf32>,
        %parallel_loop3A_445 = arith.constant 2 : i32
        %parallel_loop3A_446 = vector.broadcast %parallel_loop3A_445 : i32 to vector<16xi32>
        %parallel_loop3A_447 = arith.addi %parallel_loop3A_428, %parallel_loop3A_446 : vector<16xi32>
        %parallel_loop3A_448 = tpu.vector_load_idx %arg12[%parallel_loop3A_447] : memref<600xf32, #tpu.memory_space<vmem>>[vector<16xi32>], vector<16xf32>,
        %parallel_loop3A_449 = arith.constant 42 : i32
        %parallel_loop3A_450 = arith.index_cast %parallel_loop3A_449 : i32 to index
        %parallel_loop3A_451 = arith.index_cast %parallel_loop3A_84 : i32 to index
        %parallel_loop3A_452 = tpu.vector_load %arg9[%parallel_loop3A_450, %parallel_loop3A_451] {strides = array<i32>} : memref<166x128xf32, #tpu.memory_space<vmem>>, vector<16xf32>,
        tpu.vector_store %arg9[%parallel_loop3A_450, %parallel_loop3A_451], %parallel_loop3A_448 {strides = array<i32>} : memref<166x128xf32, #tpu.memory_space<vmem>>, vector<16xf32>,
        %parallel_loop3A_453 = arith.constant 3 : i32
        %parallel_loop3A_454 = vector.broadcast %parallel_loop3A_453 : i32 to vector<16xi32>
        %parallel_loop3A_455 = arith.addi %parallel_loop3A_428, %parallel_loop3A_454 : vector<16xi32>
        %parallel_loop3A_456 = tpu.vector_load_idx %arg12[%parallel_loop3A_455] : memref<600xf32, #tpu.memory_space<vmem>>[vector<16xi32>], vector<16xf32>,
        %parallel_loop3A_457 = arith.constant 43 : i32
        %parallel_loop3A_458 = arith.index_cast %parallel_loop3A_457 : i32 to index
        %parallel_loop3A_459 = arith.index_cast %parallel_loop3A_84 : i32 to index
        %parallel_loop3A_460 = tpu.vector_load %arg9[%parallel_loop3A_458, %parallel_loop3A_459] {strides = array<i32>} : memref<166x128xf32, #tpu.memory_space<vmem>>, vector<16xf32>,
        tpu.vector_store %arg9[%parallel_loop3A_458, %parallel_loop3A_459], %parallel_loop3A_456 {strides = array<i32>} : memref<166x128xf32, #tpu.memory_space<vmem>>, vector<16xf32>,
        %parallel_loop3A_461 = arith.constant 4 : i32
        %parallel_loop3A_462 = vector.broadcast %parallel_loop3A_461 : i32 to vector<16xi32>
        %parallel_loop3A_463 = arith.addi %parallel_loop3A_428, %parallel_loop3A_462 : vector<16xi32>
        %parallel_loop3A_464 = tpu.vector_load_idx %arg12[%parallel_loop3A_463] : memref<600xf32, #tpu.memory_space<vmem>>[vector<16xi32>], vector<16xf32>,
        %parallel_loop3A_465 = arith.constant 44 : i32
        %parallel_loop3A_466 = arith.index_cast %parallel_loop3A_465 : i32 to index
        %parallel_loop3A_467 = arith.index_cast %parallel_loop3A_84 : i32 to index
        %parallel_loop3A_468 = tpu.vector_load %arg9[%parallel_loop3A_466, %parallel_loop3A_467] {strides = array<i32>} : memref<166x128xf32, #tpu.memory_space<vmem>>, vector<16xf32>,
        tpu.vector_store %arg9[%parallel_loop3A_466, %parallel_loop3A_467], %parallel_loop3A_464 {strides = array<i32>} : memref<166x128xf32, #tpu.memory_space<vmem>>, vector<16xf32>,
        %parallel_loop3A_469 = arith.constant 5 : i32
        %parallel_loop3A_470 = vector.broadcast %parallel_loop3A_469 : i32 to vector<16xi32>
        %parallel_loop3A_471 = arith.addi %parallel_loop3A_428, %parallel_loop3A_470 : vector<16xi32>
        %parallel_loop3A_472 = tpu.vector_load_idx %arg12[%parallel_loop3A_471] : memref<600xf32, #tpu.memory_space<vmem>>[vector<16xi32>], vector<16xf32>,
        %parallel_loop3A_473 = arith.constant 45 : i32
        %parallel_loop3A_474 = arith.index_cast %parallel_loop3A_473 : i32 to index
        %parallel_loop3A_475 = arith.index_cast %parallel_loop3A_84 : i32 to index
        %parallel_loop3A_476 = tpu.vector_load %arg9[%parallel_loop3A_474, %parallel_loop3A_475] {strides = array<i32>} : memref<166x128xf32, #tpu.memory_space<vmem>>, vector<16xf32>,
        tpu.vector_store %arg9[%parallel_loop3A_474, %parallel_loop3A_475], %parallel_loop3A_472 {strides = array<i32>} : memref<166x128xf32, #tpu.memory_space<vmem>>, vector<16xf32>,
        %parallel_loop3A_477 = arith.constant 6 : i32
        %parallel_loop3A_478 = vector.broadcast %parallel_loop3A_477 : i32 to vector<16xi32>
        %parallel_loop3A_479 = arith.addi %parallel_loop3A_428, %parallel_loop3A_478 : vector<16xi32>
        %parallel_loop3A_480 = tpu.vector_load_idx %arg12[%parallel_loop3A_479] : memref<600xf32, #tpu.memory_space<vmem>>[vector<16xi32>], vector<16xf32>,
        %parallel_loop3A_481 = arith.constant 46 : i32
        %parallel_loop3A_482 = arith.index_cast %parallel_loop3A_481 : i32 to index
        %parallel_loop3A_483 = arith.index_cast %parallel_loop3A_84 : i32 to index
        %parallel_loop3A_484 = tpu.vector_load %arg9[%parallel_loop3A_482, %parallel_loop3A_483] {strides = array<i32>} : memref<166x128xf32, #tpu.memory_space<vmem>>, vector<16xf32>,
        tpu.vector_store %arg9[%parallel_loop3A_482, %parallel_loop3A_483], %parallel_loop3A_480 {strides = array<i32>} : memref<166x128xf32, #tpu.memory_space<vmem>>, vector<16xf32>,
        %parallel_loop3A_485 = arith.constant 7 : i32
        %parallel_loop3A_486 = vector.broadcast %parallel_loop3A_485 : i32 to vector<16xi32>
        %parallel_loop3A_487 = arith.addi %parallel_loop3A_428, %parallel_loop3A_486 : vector<16xi32>
        %parallel_loop3A_488 = tpu.vector_load_idx %arg12[%parallel_loop3A_487] : memref<600xf32, #tpu.memory_space<vmem>>[vector<16xi32>], vector<16xf32>,
        %parallel_loop3A_489 = arith.constant 47 : i32
        %parallel_loop3A_490 = arith.index_cast %parallel_loop3A_489 : i32 to index
        %parallel_loop3A_491 = arith.index_cast %parallel_loop3A_84 : i32 to index
        %parallel_loop3A_492 = tpu.vector_load %arg9[%parallel_loop3A_490, %parallel_loop3A_491] {strides = array<i32>} : memref<166x128xf32, #tpu.memory_space<vmem>>, vector<16xf32>,
        tpu.vector_store %arg9[%parallel_loop3A_490, %parallel_loop3A_491], %parallel_loop3A_488 {strides = array<i32>} : memref<166x128xf32, #tpu.memory_space<vmem>>, vector<16xf32>,
        %parallel_loop3A_493 = arith.constant 8 : i32
        %parallel_loop3A_494 = vector.broadcast %parallel_loop3A_493 : i32 to vector<16xi32>
        %parallel_loop3A_495 = arith.addi %parallel_loop3A_428, %parallel_loop3A_494 : vector<16xi32>
        %parallel_loop3A_496 = tpu.vector_load_idx %arg12[%parallel_loop3A_495] : memref<600xf32, #tpu.memory_space<vmem>>[vector<16xi32>], vector<16xf32>,
        %parallel_loop3A_497 = arith.constant 48 : i32
        %parallel_loop3A_498 = arith.index_cast %parallel_loop3A_497 : i32 to index
        %parallel_loop3A_499 = arith.index_cast %parallel_loop3A_84 : i32 to index
        %parallel_loop3A_500 = tpu.vector_load %arg9[%parallel_loop3A_498, %parallel_loop3A_499] {strides = array<i32>} : memref<166x128xf32, #tpu.memory_space<vmem>>, vector<16xf32>,
        tpu.vector_store %arg9[%parallel_loop3A_498, %parallel_loop3A_499], %parallel_loop3A_496 {strides = array<i32>} : memref<166x128xf32, #tpu.memory_space<vmem>>, vector<16xf32>,
        %parallel_loop3A_501 = arith.constant 9 : i32
        %parallel_loop3A_502 = vector.broadcast %parallel_loop3A_501 : i32 to vector<16xi32>
        %parallel_loop3A_503 = arith.addi %parallel_loop3A_428, %parallel_loop3A_502 : vector<16xi32>
        %parallel_loop3A_504 = tpu.vector_load_idx %arg12[%parallel_loop3A_503] : memref<600xf32, #tpu.memory_space<vmem>>[vector<16xi32>], vector<16xf32>,
        %parallel_loop3A_505 = arith.constant 49 : i32
        %parallel_loop3A_506 = arith.index_cast %parallel_loop3A_505 : i32 to index
        %parallel_loop3A_507 = arith.index_cast %parallel_loop3A_84 : i32 to index
        %parallel_loop3A_508 = tpu.vector_load %arg9[%parallel_loop3A_506, %parallel_loop3A_507] {strides = array<i32>} : memref<166x128xf32, #tpu.memory_space<vmem>>, vector<16xf32>,
        tpu.vector_store %arg9[%parallel_loop3A_506, %parallel_loop3A_507], %parallel_loop3A_504 {strides = array<i32>} : memref<166x128xf32, #tpu.memory_space<vmem>>, vector<16xf32>,
        %parallel_loop3A_509 = arith.constant 5 : i32
        %parallel_loop3A_510 = arith.index_cast %parallel_loop3A_509 : i32 to index
        %parallel_loop3A_511 = arith.index_cast %parallel_loop3A_84 : i32 to index
        %parallel_loop3A_512 = tpu.vector_load %arg7[%parallel_loop3A_510, %parallel_loop3A_511] {strides = array<i32>} : memref<44x128xf32, #tpu.memory_space<vmem>>, vector<16xf32>,
        %parallel_loop3A_513 = arith.fptosi %parallel_loop3A_512 : vector<16xf32> to vector<16xi32>
        %parallel_loop3A_514 = arith.constant 10 : i32
        %parallel_loop3A_515 = vector.broadcast %parallel_loop3A_514 : i32 to vector<16xi32>
        %parallel_loop3A_516 = arith.muli %parallel_loop3A_513, %parallel_loop3A_515 : vector<16xi32>
        %parallel_loop3A_517 = arith.constant 0 : i32
        %parallel_loop3A_518 = vector.broadcast %parallel_loop3A_517 : i32 to vector<16xi32>
        %parallel_loop3A_519 = arith.addi %parallel_loop3A_516, %parallel_loop3A_518 : vector<16xi32>
        %parallel_loop3A_520 = tpu.vector_load_idx %arg12[%parallel_loop3A_519] : memref<600xf32, #tpu.memory_space<vmem>>[vector<16xi32>], vector<16xf32>,
        %parallel_loop3A_521 = arith.constant 50 : i32
        %parallel_loop3A_522 = arith.index_cast %parallel_loop3A_521 : i32 to index
        %parallel_loop3A_523 = arith.index_cast %parallel_loop3A_84 : i32 to index
        %parallel_loop3A_524 = tpu.vector_load %arg9[%parallel_loop3A_522, %parallel_loop3A_523] {strides = array<i32>} : memref<166x128xf32, #tpu.memory_space<vmem>>, vector<16xf32>,
        tpu.vector_store %arg9[%parallel_loop3A_522, %parallel_loop3A_523], %parallel_loop3A_520 {strides = array<i32>} : memref<166x128xf32, #tpu.memory_space<vmem>>, vector<16xf32>,
        %parallel_loop3A_525 = arith.constant 1 : i32
        %parallel_loop3A_526 = vector.broadcast %parallel_loop3A_525 : i32 to vector<16xi32>
        %parallel_loop3A_527 = arith.addi %parallel_loop3A_516, %parallel_loop3A_526 : vector<16xi32>
        %parallel_loop3A_528 = tpu.vector_load_idx %arg12[%parallel_loop3A_527] : memref<600xf32, #tpu.memory_space<vmem>>[vector<16xi32>], vector<16xf32>,
        %parallel_loop3A_529 = arith.constant 51 : i32
        %parallel_loop3A_530 = arith.index_cast %parallel_loop3A_529 : i32 to index
        %parallel_loop3A_531 = arith.index_cast %parallel_loop3A_84 : i32 to index
        %parallel_loop3A_532 = tpu.vector_load %arg9[%parallel_loop3A_530, %parallel_loop3A_531] {strides = array<i32>} : memref<166x128xf32, #tpu.memory_space<vmem>>, vector<16xf32>,
        tpu.vector_store %arg9[%parallel_loop3A_530, %parallel_loop3A_531], %parallel_loop3A_528 {strides = array<i32>} : memref<166x128xf32, #tpu.memory_space<vmem>>, vector<16xf32>,
        %parallel_loop3A_533 = arith.constant 2 : i32
        %parallel_loop3A_534 = vector.broadcast %parallel_loop3A_533 : i32 to vector<16xi32>
        %parallel_loop3A_535 = arith.addi %parallel_loop3A_516, %parallel_loop3A_534 : vector<16xi32>
        %parallel_loop3A_536 = tpu.vector_load_idx %arg12[%parallel_loop3A_535] : memref<600xf32, #tpu.memory_space<vmem>>[vector<16xi32>], vector<16xf32>,
        %parallel_loop3A_537 = arith.constant 52 : i32
        %parallel_loop3A_538 = arith.index_cast %parallel_loop3A_537 : i32 to index
        %parallel_loop3A_539 = arith.index_cast %parallel_loop3A_84 : i32 to index
        %parallel_loop3A_540 = tpu.vector_load %arg9[%parallel_loop3A_538, %parallel_loop3A_539] {strides = array<i32>} : memref<166x128xf32, #tpu.memory_space<vmem>>, vector<16xf32>,
        tpu.vector_store %arg9[%parallel_loop3A_538, %parallel_loop3A_539], %parallel_loop3A_536 {strides = array<i32>} : memref<166x128xf32, #tpu.memory_space<vmem>>, vector<16xf32>,
        %parallel_loop3A_541 = arith.constant 3 : i32
        %parallel_loop3A_542 = vector.broadcast %parallel_loop3A_541 : i32 to vector<16xi32>
        %parallel_loop3A_543 = arith.addi %parallel_loop3A_516, %parallel_loop3A_542 : vector<16xi32>
        %parallel_loop3A_544 = tpu.vector_load_idx %arg12[%parallel_loop3A_543] : memref<600xf32, #tpu.memory_space<vmem>>[vector<16xi32>], vector<16xf32>,
        %parallel_loop3A_545 = arith.constant 53 : i32
        %parallel_loop3A_546 = arith.index_cast %parallel_loop3A_545 : i32 to index
        %parallel_loop3A_547 = arith.index_cast %parallel_loop3A_84 : i32 to index
        %parallel_loop3A_548 = tpu.vector_load %arg9[%parallel_loop3A_546, %parallel_loop3A_547] {strides = array<i32>} : memref<166x128xf32, #tpu.memory_space<vmem>>, vector<16xf32>,
        tpu.vector_store %arg9[%parallel_loop3A_546, %parallel_loop3A_547], %parallel_loop3A_544 {strides = array<i32>} : memref<166x128xf32, #tpu.memory_space<vmem>>, vector<16xf32>,
        %parallel_loop3A_549 = arith.constant 4 : i32
        %parallel_loop3A_550 = vector.broadcast %parallel_loop3A_549 : i32 to vector<16xi32>
        %parallel_loop3A_551 = arith.addi %parallel_loop3A_516, %parallel_loop3A_550 : vector<16xi32>
        %parallel_loop3A_552 = tpu.vector_load_idx %arg12[%parallel_loop3A_551] : memref<600xf32, #tpu.memory_space<vmem>>[vector<16xi32>], vector<16xf32>,
        %parallel_loop3A_553 = arith.constant 54 : i32
        %parallel_loop3A_554 = arith.index_cast %parallel_loop3A_553 : i32 to index
        %parallel_loop3A_555 = arith.index_cast %parallel_loop3A_84 : i32 to index
        %parallel_loop3A_556 = tpu.vector_load %arg9[%parallel_loop3A_554, %parallel_loop3A_555] {strides = array<i32>} : memref<166x128xf32, #tpu.memory_space<vmem>>, vector<16xf32>,
        tpu.vector_store %arg9[%parallel_loop3A_554, %parallel_loop3A_555], %parallel_loop3A_552 {strides = array<i32>} : memref<166x128xf32, #tpu.memory_space<vmem>>, vector<16xf32>,
        %parallel_loop3A_557 = arith.constant 5 : i32
        %parallel_loop3A_558 = vector.broadcast %parallel_loop3A_557 : i32 to vector<16xi32>
        %parallel_loop3A_559 = arith.addi %parallel_loop3A_516, %parallel_loop3A_558 : vector<16xi32>
        %parallel_loop3A_560 = tpu.vector_load_idx %arg12[%parallel_loop3A_559] : memref<600xf32, #tpu.memory_space<vmem>>[vector<16xi32>], vector<16xf32>,
        %parallel_loop3A_561 = arith.constant 55 : i32
        %parallel_loop3A_562 = arith.index_cast %parallel_loop3A_561 : i32 to index
        %parallel_loop3A_563 = arith.index_cast %parallel_loop3A_84 : i32 to index
        %parallel_loop3A_564 = tpu.vector_load %arg9[%parallel_loop3A_562, %parallel_loop3A_563] {strides = array<i32>} : memref<166x128xf32, #tpu.memory_space<vmem>>, vector<16xf32>,
        tpu.vector_store %arg9[%parallel_loop3A_562, %parallel_loop3A_563], %parallel_loop3A_560 {strides = array<i32>} : memref<166x128xf32, #tpu.memory_space<vmem>>, vector<16xf32>,
        %parallel_loop3A_565 = arith.constant 6 : i32
        %parallel_loop3A_566 = vector.broadcast %parallel_loop3A_565 : i32 to vector<16xi32>
        %parallel_loop3A_567 = arith.addi %parallel_loop3A_516, %parallel_loop3A_566 : vector<16xi32>
        %parallel_loop3A_568 = tpu.vector_load_idx %arg12[%parallel_loop3A_567] : memref<600xf32, #tpu.memory_space<vmem>>[vector<16xi32>], vector<16xf32>,
        %parallel_loop3A_569 = arith.constant 56 : i32
        %parallel_loop3A_570 = arith.index_cast %parallel_loop3A_569 : i32 to index
        %parallel_loop3A_571 = arith.index_cast %parallel_loop3A_84 : i32 to index
        %parallel_loop3A_572 = tpu.vector_load %arg9[%parallel_loop3A_570, %parallel_loop3A_571] {strides = array<i32>} : memref<166x128xf32, #tpu.memory_space<vmem>>, vector<16xf32>,
        tpu.vector_store %arg9[%parallel_loop3A_570, %parallel_loop3A_571], %parallel_loop3A_568 {strides = array<i32>} : memref<166x128xf32, #tpu.memory_space<vmem>>, vector<16xf32>,
        %parallel_loop3A_573 = arith.constant 7 : i32
        %parallel_loop3A_574 = vector.broadcast %parallel_loop3A_573 : i32 to vector<16xi32>
        %parallel_loop3A_575 = arith.addi %parallel_loop3A_516, %parallel_loop3A_574 : vector<16xi32>
        %parallel_loop3A_576 = tpu.vector_load_idx %arg12[%parallel_loop3A_575] : memref<600xf32, #tpu.memory_space<vmem>>[vector<16xi32>], vector<16xf32>,
        %parallel_loop3A_577 = arith.constant 57 : i32
        %parallel_loop3A_578 = arith.index_cast %parallel_loop3A_577 : i32 to index
        %parallel_loop3A_579 = arith.index_cast %parallel_loop3A_84 : i32 to index
        %parallel_loop3A_580 = tpu.vector_load %arg9[%parallel_loop3A_578, %parallel_loop3A_579] {strides = array<i32>} : memref<166x128xf32, #tpu.memory_space<vmem>>, vector<16xf32>,
        tpu.vector_store %arg9[%parallel_loop3A_578, %parallel_loop3A_579], %parallel_loop3A_576 {strides = array<i32>} : memref<166x128xf32, #tpu.memory_space<vmem>>, vector<16xf32>,
        %parallel_loop3A_581 = arith.constant 8 : i32
        %parallel_loop3A_582 = vector.broadcast %parallel_loop3A_581 : i32 to vector<16xi32>
        %parallel_loop3A_583 = arith.addi %parallel_loop3A_516, %parallel_loop3A_582 : vector<16xi32>
        %parallel_loop3A_584 = tpu.vector_load_idx %arg12[%parallel_loop3A_583] : memref<600xf32, #tpu.memory_space<vmem>>[vector<16xi32>], vector<16xf32>,
        %parallel_loop3A_585 = arith.constant 58 : i32
        %parallel_loop3A_586 = arith.index_cast %parallel_loop3A_585 : i32 to index
        %parallel_loop3A_587 = arith.index_cast %parallel_loop3A_84 : i32 to index
        %parallel_loop3A_588 = tpu.vector_load %arg9[%parallel_loop3A_586, %parallel_loop3A_587] {strides = array<i32>} : memref<166x128xf32, #tpu.memory_space<vmem>>, vector<16xf32>,
        tpu.vector_store %arg9[%parallel_loop3A_586, %parallel_loop3A_587], %parallel_loop3A_584 {strides = array<i32>} : memref<166x128xf32, #tpu.memory_space<vmem>>, vector<16xf32>,
        %parallel_loop3A_589 = arith.constant 9 : i32
        %parallel_loop3A_590 = vector.broadcast %parallel_loop3A_589 : i32 to vector<16xi32>
        %parallel_loop3A_591 = arith.addi %parallel_loop3A_516, %parallel_loop3A_590 : vector<16xi32>
        %parallel_loop3A_592 = tpu.vector_load_idx %arg12[%parallel_loop3A_591] : memref<600xf32, #tpu.memory_space<vmem>>[vector<16xi32>], vector<16xf32>,
        %parallel_loop3A_593 = arith.constant 59 : i32
        %parallel_loop3A_594 = arith.index_cast %parallel_loop3A_593 : i32 to index
        %parallel_loop3A_595 = arith.index_cast %parallel_loop3A_84 : i32 to index
        %parallel_loop3A_596 = tpu.vector_load %arg9[%parallel_loop3A_594, %parallel_loop3A_595] {strides = array<i32>} : memref<166x128xf32, #tpu.memory_space<vmem>>, vector<16xf32>,
        tpu.vector_store %arg9[%parallel_loop3A_594, %parallel_loop3A_595], %parallel_loop3A_592 {strides = array<i32>} : memref<166x128xf32, #tpu.memory_space<vmem>>, vector<16xf32>,
        %parallel_loop3A_597 = arith.constant 6 : i32
        %parallel_loop3A_598 = arith.index_cast %parallel_loop3A_597 : i32 to index
        %parallel_loop3A_599 = arith.index_cast %parallel_loop3A_84 : i32 to index
        %parallel_loop3A_600 = tpu.vector_load %arg7[%parallel_loop3A_598, %parallel_loop3A_599] {strides = array<i32>} : memref<44x128xf32, #tpu.memory_space<vmem>>, vector<16xf32>,
        %parallel_loop3A_601 = arith.fptosi %parallel_loop3A_600 : vector<16xf32> to vector<16xi32>
        %parallel_loop3A_602 = arith.constant 8 : i32
        %parallel_loop3A_603 = vector.broadcast %parallel_loop3A_602 : i32 to vector<16xi32>
        %parallel_loop3A_604 = arith.muli %parallel_loop3A_601, %parallel_loop3A_603 : vector<16xi32>
        %parallel_loop3A_605 = arith.constant 0 : i32
        %parallel_loop3A_606 = vector.broadcast %parallel_loop3A_605 : i32 to vector<16xi32>
        %parallel_loop3A_607 = arith.addi %parallel_loop3A_604, %parallel_loop3A_606 : vector<16xi32>
        %parallel_loop3A_608 = tpu.vector_load_idx %arg13[%parallel_loop3A_607] : memref<216xf32, #tpu.memory_space<vmem>>[vector<16xi32>], vector<16xf32>,
        %parallel_loop3A_609 = arith.constant 60 : i32
        %parallel_loop3A_610 = arith.index_cast %parallel_loop3A_609 : i32 to index
        %parallel_loop3A_611 = arith.index_cast %parallel_loop3A_84 : i32 to index
        %parallel_loop3A_612 = tpu.vector_load %arg9[%parallel_loop3A_610, %parallel_loop3A_611] {strides = array<i32>} : memref<166x128xf32, #tpu.memory_space<vmem>>, vector<16xf32>,
        tpu.vector_store %arg9[%parallel_loop3A_610, %parallel_loop3A_611], %parallel_loop3A_608 {strides = array<i32>} : memref<166x128xf32, #tpu.memory_space<vmem>>, vector<16xf32>,
        %parallel_loop3A_613 = arith.constant 1 : i32
        %parallel_loop3A_614 = vector.broadcast %parallel_loop3A_613 : i32 to vector<16xi32>
        %parallel_loop3A_615 = arith.addi %parallel_loop3A_604, %parallel_loop3A_614 : vector<16xi32>
        %parallel_loop3A_616 = tpu.vector_load_idx %arg13[%parallel_loop3A_615] : memref<216xf32, #tpu.memory_space<vmem>>[vector<16xi32>], vector<16xf32>,
        %parallel_loop3A_617 = arith.constant 61 : i32
        %parallel_loop3A_618 = arith.index_cast %parallel_loop3A_617 : i32 to index
        %parallel_loop3A_619 = arith.index_cast %parallel_loop3A_84 : i32 to index
        %parallel_loop3A_620 = tpu.vector_load %arg9[%parallel_loop3A_618, %parallel_loop3A_619] {strides = array<i32>} : memref<166x128xf32, #tpu.memory_space<vmem>>, vector<16xf32>,
        tpu.vector_store %arg9[%parallel_loop3A_618, %parallel_loop3A_619], %parallel_loop3A_616 {strides = array<i32>} : memref<166x128xf32, #tpu.memory_space<vmem>>, vector<16xf32>,
        %parallel_loop3A_621 = arith.constant 2 : i32
        %parallel_loop3A_622 = vector.broadcast %parallel_loop3A_621 : i32 to vector<16xi32>
        %parallel_loop3A_623 = arith.addi %parallel_loop3A_604, %parallel_loop3A_622 : vector<16xi32>
        %parallel_loop3A_624 = tpu.vector_load_idx %arg13[%parallel_loop3A_623] : memref<216xf32, #tpu.memory_space<vmem>>[vector<16xi32>], vector<16xf32>,
        %parallel_loop3A_625 = arith.constant 62 : i32
        %parallel_loop3A_626 = arith.index_cast %parallel_loop3A_625 : i32 to index
        %parallel_loop3A_627 = arith.index_cast %parallel_loop3A_84 : i32 to index
        %parallel_loop3A_628 = tpu.vector_load %arg9[%parallel_loop3A_626, %parallel_loop3A_627] {strides = array<i32>} : memref<166x128xf32, #tpu.memory_space<vmem>>, vector<16xf32>,
        tpu.vector_store %arg9[%parallel_loop3A_626, %parallel_loop3A_627], %parallel_loop3A_624 {strides = array<i32>} : memref<166x128xf32, #tpu.memory_space<vmem>>, vector<16xf32>,
        %parallel_loop3A_629 = arith.constant 3 : i32
        %parallel_loop3A_630 = vector.broadcast %parallel_loop3A_629 : i32 to vector<16xi32>
        %parallel_loop3A_631 = arith.addi %parallel_loop3A_604, %parallel_loop3A_630 : vector<16xi32>
        %parallel_loop3A_632 = tpu.vector_load_idx %arg13[%parallel_loop3A_631] : memref<216xf32, #tpu.memory_space<vmem>>[vector<16xi32>], vector<16xf32>,
        %parallel_loop3A_633 = arith.constant 63 : i32
        %parallel_loop3A_634 = arith.index_cast %parallel_loop3A_633 : i32 to index
        %parallel_loop3A_635 = arith.index_cast %parallel_loop3A_84 : i32 to index
        %parallel_loop3A_636 = tpu.vector_load %arg9[%parallel_loop3A_634, %parallel_loop3A_635] {strides = array<i32>} : memref<166x128xf32, #tpu.memory_space<vmem>>, vector<16xf32>,
        tpu.vector_store %arg9[%parallel_loop3A_634, %parallel_loop3A_635], %parallel_loop3A_632 {strides = array<i32>} : memref<166x128xf32, #tpu.memory_space<vmem>>, vector<16xf32>,
        %parallel_loop3A_637 = arith.constant 4 : i32
        %parallel_loop3A_638 = vector.broadcast %parallel_loop3A_637 : i32 to vector<16xi32>
        %parallel_loop3A_639 = arith.addi %parallel_loop3A_604, %parallel_loop3A_638 : vector<16xi32>
        %parallel_loop3A_640 = tpu.vector_load_idx %arg13[%parallel_loop3A_639] : memref<216xf32, #tpu.memory_space<vmem>>[vector<16xi32>], vector<16xf32>,
        %parallel_loop3A_641 = arith.constant 64 : i32
        %parallel_loop3A_642 = arith.index_cast %parallel_loop3A_641 : i32 to index
        %parallel_loop3A_643 = arith.index_cast %parallel_loop3A_84 : i32 to index
        %parallel_loop3A_644 = tpu.vector_load %arg9[%parallel_loop3A_642, %parallel_loop3A_643] {strides = array<i32>} : memref<166x128xf32, #tpu.memory_space<vmem>>, vector<16xf32>,
        tpu.vector_store %arg9[%parallel_loop3A_642, %parallel_loop3A_643], %parallel_loop3A_640 {strides = array<i32>} : memref<166x128xf32, #tpu.memory_space<vmem>>, vector<16xf32>,
        %parallel_loop3A_645 = arith.constant 5 : i32
        %parallel_loop3A_646 = vector.broadcast %parallel_loop3A_645 : i32 to vector<16xi32>
        %parallel_loop3A_647 = arith.addi %parallel_loop3A_604, %parallel_loop3A_646 : vector<16xi32>
        %parallel_loop3A_648 = tpu.vector_load_idx %arg13[%parallel_loop3A_647] : memref<216xf32, #tpu.memory_space<vmem>>[vector<16xi32>], vector<16xf32>,
        %parallel_loop3A_649 = arith.constant 65 : i32
        %parallel_loop3A_650 = arith.index_cast %parallel_loop3A_649 : i32 to index
        %parallel_loop3A_651 = arith.index_cast %parallel_loop3A_84 : i32 to index
        %parallel_loop3A_652 = tpu.vector_load %arg9[%parallel_loop3A_650, %parallel_loop3A_651] {strides = array<i32>} : memref<166x128xf32, #tpu.memory_space<vmem>>, vector<16xf32>,
        tpu.vector_store %arg9[%parallel_loop3A_650, %parallel_loop3A_651], %parallel_loop3A_648 {strides = array<i32>} : memref<166x128xf32, #tpu.memory_space<vmem>>, vector<16xf32>,
        %parallel_loop3A_653 = arith.constant 6 : i32
        %parallel_loop3A_654 = vector.broadcast %parallel_loop3A_653 : i32 to vector<16xi32>
        %parallel_loop3A_655 = arith.addi %parallel_loop3A_604, %parallel_loop3A_654 : vector<16xi32>
        %parallel_loop3A_656 = tpu.vector_load_idx %arg13[%parallel_loop3A_655] : memref<216xf32, #tpu.memory_space<vmem>>[vector<16xi32>], vector<16xf32>,
        %parallel_loop3A_657 = arith.constant 66 : i32
        %parallel_loop3A_658 = arith.index_cast %parallel_loop3A_657 : i32 to index
        %parallel_loop3A_659 = arith.index_cast %parallel_loop3A_84 : i32 to index
        %parallel_loop3A_660 = tpu.vector_load %arg9[%parallel_loop3A_658, %parallel_loop3A_659] {strides = array<i32>} : memref<166x128xf32, #tpu.memory_space<vmem>>, vector<16xf32>,
        tpu.vector_store %arg9[%parallel_loop3A_658, %parallel_loop3A_659], %parallel_loop3A_656 {strides = array<i32>} : memref<166x128xf32, #tpu.memory_space<vmem>>, vector<16xf32>,
        %parallel_loop3A_661 = arith.constant 7 : i32
        %parallel_loop3A_662 = vector.broadcast %parallel_loop3A_661 : i32 to vector<16xi32>
        %parallel_loop3A_663 = arith.addi %parallel_loop3A_604, %parallel_loop3A_662 : vector<16xi32>
        %parallel_loop3A_664 = tpu.vector_load_idx %arg13[%parallel_loop3A_663] : memref<216xf32, #tpu.memory_space<vmem>>[vector<16xi32>], vector<16xf32>,
        %parallel_loop3A_665 = arith.constant 67 : i32
        %parallel_loop3A_666 = arith.index_cast %parallel_loop3A_665 : i32 to index
        %parallel_loop3A_667 = arith.index_cast %parallel_loop3A_84 : i32 to index
        %parallel_loop3A_668 = tpu.vector_load %arg9[%parallel_loop3A_666, %parallel_loop3A_667] {strides = array<i32>} : memref<166x128xf32, #tpu.memory_space<vmem>>, vector<16xf32>,
        tpu.vector_store %arg9[%parallel_loop3A_666, %parallel_loop3A_667], %parallel_loop3A_664 {strides = array<i32>} : memref<166x128xf32, #tpu.memory_space<vmem>>, vector<16xf32>,
        %parallel_loop3A_669 = arith.constant 7 : i32
        %parallel_loop3A_670 = arith.index_cast %parallel_loop3A_669 : i32 to index
        %parallel_loop3A_671 = arith.index_cast %parallel_loop3A_84 : i32 to index
        %parallel_loop3A_672 = tpu.vector_load %arg7[%parallel_loop3A_670, %parallel_loop3A_671] {strides = array<i32>} : memref<44x128xf32, #tpu.memory_space<vmem>>, vector<16xf32>,
        %parallel_loop3A_673 = arith.fptosi %parallel_loop3A_672 : vector<16xf32> to vector<16xi32>
        %parallel_loop3A_674 = arith.constant 8 : i32
        %parallel_loop3A_675 = vector.broadcast %parallel_loop3A_674 : i32 to vector<16xi32>
        %parallel_loop3A_676 = arith.muli %parallel_loop3A_673, %parallel_loop3A_675 : vector<16xi32>
        %parallel_loop3A_677 = arith.constant 0 : i32
        %parallel_loop3A_678 = vector.broadcast %parallel_loop3A_677 : i32 to vector<16xi32>
        %parallel_loop3A_679 = arith.addi %parallel_loop3A_676, %parallel_loop3A_678 : vector<16xi32>
        %parallel_loop3A_680 = tpu.vector_load_idx %arg13[%parallel_loop3A_679] : memref<216xf32, #tpu.memory_space<vmem>>[vector<16xi32>], vector<16xf32>,
        %parallel_loop3A_681 = arith.constant 68 : i32
        %parallel_loop3A_682 = arith.index_cast %parallel_loop3A_681 : i32 to index
        %parallel_loop3A_683 = arith.index_cast %parallel_loop3A_84 : i32 to index
        %parallel_loop3A_684 = tpu.vector_load %arg9[%parallel_loop3A_682, %parallel_loop3A_683] {strides = array<i32>} : memref<166x128xf32, #tpu.memory_space<vmem>>, vector<16xf32>,
        tpu.vector_store %arg9[%parallel_loop3A_682, %parallel_loop3A_683], %parallel_loop3A_680 {strides = array<i32>} : memref<166x128xf32, #tpu.memory_space<vmem>>, vector<16xf32>,
        %parallel_loop3A_685 = arith.constant 1 : i32
        %parallel_loop3A_686 = vector.broadcast %parallel_loop3A_685 : i32 to vector<16xi32>
        %parallel_loop3A_687 = arith.addi %parallel_loop3A_676, %parallel_loop3A_686 : vector<16xi32>
        %parallel_loop3A_688 = tpu.vector_load_idx %arg13[%parallel_loop3A_687] : memref<216xf32, #tpu.memory_space<vmem>>[vector<16xi32>], vector<16xf32>,
        %parallel_loop3A_689 = arith.constant 69 : i32
        %parallel_loop3A_690 = arith.index_cast %parallel_loop3A_689 : i32 to index
        %parallel_loop3A_691 = arith.index_cast %parallel_loop3A_84 : i32 to index
        %parallel_loop3A_692 = tpu.vector_load %arg9[%parallel_loop3A_690, %parallel_loop3A_691] {strides = array<i32>} : memref<166x128xf32, #tpu.memory_space<vmem>>, vector<16xf32>,
        tpu.vector_store %arg9[%parallel_loop3A_690, %parallel_loop3A_691], %parallel_loop3A_688 {strides = array<i32>} : memref<166x128xf32, #tpu.memory_space<vmem>>, vector<16xf32>,
        %parallel_loop3A_693 = arith.constant 2 : i32
        %parallel_loop3A_694 = vector.broadcast %parallel_loop3A_693 : i32 to vector<16xi32>
        %parallel_loop3A_695 = arith.addi %parallel_loop3A_676, %parallel_loop3A_694 : vector<16xi32>
        %parallel_loop3A_696 = tpu.vector_load_idx %arg13[%parallel_loop3A_695] : memref<216xf32, #tpu.memory_space<vmem>>[vector<16xi32>], vector<16xf32>,
        %parallel_loop3A_697 = arith.constant 70 : i32
        %parallel_loop3A_698 = arith.index_cast %parallel_loop3A_697 : i32 to index
        %parallel_loop3A_699 = arith.index_cast %parallel_loop3A_84 : i32 to index
        %parallel_loop3A_700 = tpu.vector_load %arg9[%parallel_loop3A_698, %parallel_loop3A_699] {strides = array<i32>} : memref<166x128xf32, #tpu.memory_space<vmem>>, vector<16xf32>,
        tpu.vector_store %arg9[%parallel_loop3A_698, %parallel_loop3A_699], %parallel_loop3A_696 {strides = array<i32>} : memref<166x128xf32, #tpu.memory_space<vmem>>, vector<16xf32>,
        %parallel_loop3A_701 = arith.constant 3 : i32
        %parallel_loop3A_702 = vector.broadcast %parallel_loop3A_701 : i32 to vector<16xi32>
        %parallel_loop3A_703 = arith.addi %parallel_loop3A_676, %parallel_loop3A_702 : vector<16xi32>
        %parallel_loop3A_704 = tpu.vector_load_idx %arg13[%parallel_loop3A_703] : memref<216xf32, #tpu.memory_space<vmem>>[vector<16xi32>], vector<16xf32>,
        %parallel_loop3A_705 = arith.constant 71 : i32
        %parallel_loop3A_706 = arith.index_cast %parallel_loop3A_705 : i32 to index
        %parallel_loop3A_707 = arith.index_cast %parallel_loop3A_84 : i32 to index
        %parallel_loop3A_708 = tpu.vector_load %arg9[%parallel_loop3A_706, %parallel_loop3A_707] {strides = array<i32>} : memref<166x128xf32, #tpu.memory_space<vmem>>, vector<16xf32>,
        tpu.vector_store %arg9[%parallel_loop3A_706, %parallel_loop3A_707], %parallel_loop3A_704 {strides = array<i32>} : memref<166x128xf32, #tpu.memory_space<vmem>>, vector<16xf32>,
        %parallel_loop3A_709 = arith.constant 4 : i32
        %parallel_loop3A_710 = vector.broadcast %parallel_loop3A_709 : i32 to vector<16xi32>
        %parallel_loop3A_711 = arith.addi %parallel_loop3A_676, %parallel_loop3A_710 : vector<16xi32>
        %parallel_loop3A_712 = tpu.vector_load_idx %arg13[%parallel_loop3A_711] : memref<216xf32, #tpu.memory_space<vmem>>[vector<16xi32>], vector<16xf32>,
        %parallel_loop3A_713 = arith.constant 72 : i32
        %parallel_loop3A_714 = arith.index_cast %parallel_loop3A_713 : i32 to index
        %parallel_loop3A_715 = arith.index_cast %parallel_loop3A_84 : i32 to index
        %parallel_loop3A_716 = tpu.vector_load %arg9[%parallel_loop3A_714, %parallel_loop3A_715] {strides = array<i32>} : memref<166x128xf32, #tpu.memory_space<vmem>>, vector<16xf32>,
        tpu.vector_store %arg9[%parallel_loop3A_714, %parallel_loop3A_715], %parallel_loop3A_712 {strides = array<i32>} : memref<166x128xf32, #tpu.memory_space<vmem>>, vector<16xf32>,
        %parallel_loop3A_717 = arith.constant 5 : i32
        %parallel_loop3A_718 = vector.broadcast %parallel_loop3A_717 : i32 to vector<16xi32>
        %parallel_loop3A_719 = arith.addi %parallel_loop3A_676, %parallel_loop3A_718 : vector<16xi32>
        %parallel_loop3A_720 = tpu.vector_load_idx %arg13[%parallel_loop3A_719] : memref<216xf32, #tpu.memory_space<vmem>>[vector<16xi32>], vector<16xf32>,
        %parallel_loop3A_721 = arith.constant 73 : i32
        %parallel_loop3A_722 = arith.index_cast %parallel_loop3A_721 : i32 to index
        %parallel_loop3A_723 = arith.index_cast %parallel_loop3A_84 : i32 to index
        %parallel_loop3A_724 = tpu.vector_load %arg9[%parallel_loop3A_722, %parallel_loop3A_723] {strides = array<i32>} : memref<166x128xf32, #tpu.memory_space<vmem>>, vector<16xf32>,
        tpu.vector_store %arg9[%parallel_loop3A_722, %parallel_loop3A_723], %parallel_loop3A_720 {strides = array<i32>} : memref<166x128xf32, #tpu.memory_space<vmem>>, vector<16xf32>,
        %parallel_loop3A_725 = arith.constant 6 : i32
        %parallel_loop3A_726 = vector.broadcast %parallel_loop3A_725 : i32 to vector<16xi32>
        %parallel_loop3A_727 = arith.addi %parallel_loop3A_676, %parallel_loop3A_726 : vector<16xi32>
        %parallel_loop3A_728 = tpu.vector_load_idx %arg13[%parallel_loop3A_727] : memref<216xf32, #tpu.memory_space<vmem>>[vector<16xi32>], vector<16xf32>,
        %parallel_loop3A_729 = arith.constant 74 : i32
        %parallel_loop3A_730 = arith.index_cast %parallel_loop3A_729 : i32 to index
        %parallel_loop3A_731 = arith.index_cast %parallel_loop3A_84 : i32 to index
        %parallel_loop3A_732 = tpu.vector_load %arg9[%parallel_loop3A_730, %parallel_loop3A_731] {strides = array<i32>} : memref<166x128xf32, #tpu.memory_space<vmem>>, vector<16xf32>,
        tpu.vector_store %arg9[%parallel_loop3A_730, %parallel_loop3A_731], %parallel_loop3A_728 {strides = array<i32>} : memref<166x128xf32, #tpu.memory_space<vmem>>, vector<16xf32>,
        %parallel_loop3A_733 = arith.constant 7 : i32
        %parallel_loop3A_734 = vector.broadcast %parallel_loop3A_733 : i32 to vector<16xi32>
        %parallel_loop3A_735 = arith.addi %parallel_loop3A_676, %parallel_loop3A_734 : vector<16xi32>
        %parallel_loop3A_736 = tpu.vector_load_idx %arg13[%parallel_loop3A_735] : memref<216xf32, #tpu.memory_space<vmem>>[vector<16xi32>], vector<16xf32>,
        %parallel_loop3A_737 = arith.constant 75 : i32
        %parallel_loop3A_738 = arith.index_cast %parallel_loop3A_737 : i32 to index
        %parallel_loop3A_739 = arith.index_cast %parallel_loop3A_84 : i32 to index
        %parallel_loop3A_740 = tpu.vector_load %arg9[%parallel_loop3A_738, %parallel_loop3A_739] {strides = array<i32>} : memref<166x128xf32, #tpu.memory_space<vmem>>, vector<16xf32>,
        tpu.vector_store %arg9[%parallel_loop3A_738, %parallel_loop3A_739], %parallel_loop3A_736 {strides = array<i32>} : memref<166x128xf32, #tpu.memory_space<vmem>>, vector<16xf32>,
        %parallel_loop3A_741 = arith.constant 8 : i32
        %parallel_loop3A_742 = arith.index_cast %parallel_loop3A_741 : i32 to index
        %parallel_loop3A_743 = arith.index_cast %parallel_loop3A_84 : i32 to index
        %parallel_loop3A_744 = tpu.vector_load %arg7[%parallel_loop3A_742, %parallel_loop3A_743] {strides = array<i32>} : memref<44x128xf32, #tpu.memory_space<vmem>>, vector<16xf32>,
        %parallel_loop3A_745 = arith.fptosi %parallel_loop3A_744 : vector<16xf32> to vector<16xi32>
        %parallel_loop3A_746 = arith.constant 8 : i32
        %parallel_loop3A_747 = vector.broadcast %parallel_loop3A_746 : i32 to vector<16xi32>
        %parallel_loop3A_748 = arith.muli %parallel_loop3A_745, %parallel_loop3A_747 : vector<16xi32>
        %parallel_loop3A_749 = arith.constant 0 : i32
        %parallel_loop3A_750 = vector.broadcast %parallel_loop3A_749 : i32 to vector<16xi32>
        %parallel_loop3A_751 = arith.addi %parallel_loop3A_748, %parallel_loop3A_750 : vector<16xi32>
        %parallel_loop3A_752 = tpu.vector_load_idx %arg13[%parallel_loop3A_751] : memref<216xf32, #tpu.memory_space<vmem>>[vector<16xi32>], vector<16xf32>,
        %parallel_loop3A_753 = arith.constant 76 : i32
        %parallel_loop3A_754 = arith.index_cast %parallel_loop3A_753 : i32 to index
        %parallel_loop3A_755 = arith.index_cast %parallel_loop3A_84 : i32 to index
        %parallel_loop3A_756 = tpu.vector_load %arg9[%parallel_loop3A_754, %parallel_loop3A_755] {strides = array<i32>} : memref<166x128xf32, #tpu.memory_space<vmem>>, vector<16xf32>,
        tpu.vector_store %arg9[%parallel_loop3A_754, %parallel_loop3A_755], %parallel_loop3A_752 {strides = array<i32>} : memref<166x128xf32, #tpu.memory_space<vmem>>, vector<16xf32>,
        %parallel_loop3A_757 = arith.constant 1 : i32
        %parallel_loop3A_758 = vector.broadcast %parallel_loop3A_757 : i32 to vector<16xi32>
        %parallel_loop3A_759 = arith.addi %parallel_loop3A_748, %parallel_loop3A_758 : vector<16xi32>
        %parallel_loop3A_760 = tpu.vector_load_idx %arg13[%parallel_loop3A_759] : memref<216xf32, #tpu.memory_space<vmem>>[vector<16xi32>], vector<16xf32>,
        %parallel_loop3A_761 = arith.constant 77 : i32
        %parallel_loop3A_762 = arith.index_cast %parallel_loop3A_761 : i32 to index
        %parallel_loop3A_763 = arith.index_cast %parallel_loop3A_84 : i32 to index
        %parallel_loop3A_764 = tpu.vector_load %arg9[%parallel_loop3A_762, %parallel_loop3A_763] {strides = array<i32>} : memref<166x128xf32, #tpu.memory_space<vmem>>, vector<16xf32>,
        tpu.vector_store %arg9[%parallel_loop3A_762, %parallel_loop3A_763], %parallel_loop3A_760 {strides = array<i32>} : memref<166x128xf32, #tpu.memory_space<vmem>>, vector<16xf32>,
        %parallel_loop3A_765 = arith.constant 2 : i32
        %parallel_loop3A_766 = vector.broadcast %parallel_loop3A_765 : i32 to vector<16xi32>
        %parallel_loop3A_767 = arith.addi %parallel_loop3A_748, %parallel_loop3A_766 : vector<16xi32>
        %parallel_loop3A_768 = tpu.vector_load_idx %arg13[%parallel_loop3A_767] : memref<216xf32, #tpu.memory_space<vmem>>[vector<16xi32>], vector<16xf32>,
        %parallel_loop3A_769 = arith.constant 78 : i32
        %parallel_loop3A_770 = arith.index_cast %parallel_loop3A_769 : i32 to index
        %parallel_loop3A_771 = arith.index_cast %parallel_loop3A_84 : i32 to index
        %parallel_loop3A_772 = tpu.vector_load %arg9[%parallel_loop3A_770, %parallel_loop3A_771] {strides = array<i32>} : memref<166x128xf32, #tpu.memory_space<vmem>>, vector<16xf32>,
        tpu.vector_store %arg9[%parallel_loop3A_770, %parallel_loop3A_771], %parallel_loop3A_768 {strides = array<i32>} : memref<166x128xf32, #tpu.memory_space<vmem>>, vector<16xf32>,
        %parallel_loop3A_773 = arith.constant 3 : i32
        %parallel_loop3A_774 = vector.broadcast %parallel_loop3A_773 : i32 to vector<16xi32>
        %parallel_loop3A_775 = arith.addi %parallel_loop3A_748, %parallel_loop3A_774 : vector<16xi32>
        %parallel_loop3A_776 = tpu.vector_load_idx %arg13[%parallel_loop3A_775] : memref<216xf32, #tpu.memory_space<vmem>>[vector<16xi32>], vector<16xf32>,
        %parallel_loop3A_777 = arith.constant 79 : i32
        %parallel_loop3A_778 = arith.index_cast %parallel_loop3A_777 : i32 to index
        %parallel_loop3A_779 = arith.index_cast %parallel_loop3A_84 : i32 to index
        %parallel_loop3A_780 = tpu.vector_load %arg9[%parallel_loop3A_778, %parallel_loop3A_779] {strides = array<i32>} : memref<166x128xf32, #tpu.memory_space<vmem>>, vector<16xf32>,
        tpu.vector_store %arg9[%parallel_loop3A_778, %parallel_loop3A_779], %parallel_loop3A_776 {strides = array<i32>} : memref<166x128xf32, #tpu.memory_space<vmem>>, vector<16xf32>,
        %parallel_loop3A_781 = arith.constant 4 : i32
        %parallel_loop3A_782 = vector.broadcast %parallel_loop3A_781 : i32 to vector<16xi32>
        %parallel_loop3A_783 = arith.addi %parallel_loop3A_748, %parallel_loop3A_782 : vector<16xi32>
        %parallel_loop3A_784 = tpu.vector_load_idx %arg13[%parallel_loop3A_783] : memref<216xf32, #tpu.memory_space<vmem>>[vector<16xi32>], vector<16xf32>,
        %parallel_loop3A_785 = arith.constant 80 : i32
        %parallel_loop3A_786 = arith.index_cast %parallel_loop3A_785 : i32 to index
        %parallel_loop3A_787 = arith.index_cast %parallel_loop3A_84 : i32 to index
        %parallel_loop3A_788 = tpu.vector_load %arg9[%parallel_loop3A_786, %parallel_loop3A_787] {strides = array<i32>} : memref<166x128xf32, #tpu.memory_space<vmem>>, vector<16xf32>,
        tpu.vector_store %arg9[%parallel_loop3A_786, %parallel_loop3A_787], %parallel_loop3A_784 {strides = array<i32>} : memref<166x128xf32, #tpu.memory_space<vmem>>, vector<16xf32>,
        %parallel_loop3A_789 = arith.constant 5 : i32
        %parallel_loop3A_790 = vector.broadcast %parallel_loop3A_789 : i32 to vector<16xi32>
        %parallel_loop3A_791 = arith.addi %parallel_loop3A_748, %parallel_loop3A_790 : vector<16xi32>
        %parallel_loop3A_792 = tpu.vector_load_idx %arg13[%parallel_loop3A_791] : memref<216xf32, #tpu.memory_space<vmem>>[vector<16xi32>], vector<16xf32>,
        %parallel_loop3A_793 = arith.constant 81 : i32
        %parallel_loop3A_794 = arith.index_cast %parallel_loop3A_793 : i32 to index
        %parallel_loop3A_795 = arith.index_cast %parallel_loop3A_84 : i32 to index
        %parallel_loop3A_796 = tpu.vector_load %arg9[%parallel_loop3A_794, %parallel_loop3A_795] {strides = array<i32>} : memref<166x128xf32, #tpu.memory_space<vmem>>, vector<16xf32>,
        tpu.vector_store %arg9[%parallel_loop3A_794, %parallel_loop3A_795], %parallel_loop3A_792 {strides = array<i32>} : memref<166x128xf32, #tpu.memory_space<vmem>>, vector<16xf32>,
        %parallel_loop3A_797 = arith.constant 6 : i32
        %parallel_loop3A_798 = vector.broadcast %parallel_loop3A_797 : i32 to vector<16xi32>
        %parallel_loop3A_799 = arith.addi %parallel_loop3A_748, %parallel_loop3A_798 : vector<16xi32>
        %parallel_loop3A_800 = tpu.vector_load_idx %arg13[%parallel_loop3A_799] : memref<216xf32, #tpu.memory_space<vmem>>[vector<16xi32>], vector<16xf32>,
        %parallel_loop3A_801 = arith.constant 82 : i32
        %parallel_loop3A_802 = arith.index_cast %parallel_loop3A_801 : i32 to index
        %parallel_loop3A_803 = arith.index_cast %parallel_loop3A_84 : i32 to index
        %parallel_loop3A_804 = tpu.vector_load %arg9[%parallel_loop3A_802, %parallel_loop3A_803] {strides = array<i32>} : memref<166x128xf32, #tpu.memory_space<vmem>>, vector<16xf32>,
        tpu.vector_store %arg9[%parallel_loop3A_802, %parallel_loop3A_803], %parallel_loop3A_800 {strides = array<i32>} : memref<166x128xf32, #tpu.memory_space<vmem>>, vector<16xf32>,
        %parallel_loop3A_805 = arith.constant 7 : i32
        %parallel_loop3A_806 = vector.broadcast %parallel_loop3A_805 : i32 to vector<16xi32>
        %parallel_loop3A_807 = arith.addi %parallel_loop3A_748, %parallel_loop3A_806 : vector<16xi32>
        %parallel_loop3A_808 = tpu.vector_load_idx %arg13[%parallel_loop3A_807] : memref<216xf32, #tpu.memory_space<vmem>>[vector<16xi32>], vector<16xf32>,
        %parallel_loop3A_809 = arith.constant 83 : i32
        %parallel_loop3A_810 = arith.index_cast %parallel_loop3A_809 : i32 to index
        %parallel_loop3A_811 = arith.index_cast %parallel_loop3A_84 : i32 to index
        %parallel_loop3A_812 = tpu.vector_load %arg9[%parallel_loop3A_810, %parallel_loop3A_811] {strides = array<i32>} : memref<166x128xf32, #tpu.memory_space<vmem>>, vector<16xf32>,
        tpu.vector_store %arg9[%parallel_loop3A_810, %parallel_loop3A_811], %parallel_loop3A_808 {strides = array<i32>} : memref<166x128xf32, #tpu.memory_space<vmem>>, vector<16xf32>,
        %parallel_loop3A_813 = arith.constant 9 : i32
        %parallel_loop3A_814 = arith.index_cast %parallel_loop3A_813 : i32 to index
        %parallel_loop3A_815 = arith.index_cast %parallel_loop3A_84 : i32 to index
        %parallel_loop3A_816 = tpu.vector_load %arg7[%parallel_loop3A_814, %parallel_loop3A_815] {strides = array<i32>} : memref<44x128xf32, #tpu.memory_space<vmem>>, vector<16xf32>,
        %parallel_loop3A_817 = arith.fptosi %parallel_loop3A_816 : vector<16xf32> to vector<16xi32>
        %parallel_loop3A_818 = arith.constant 8 : i32
        %parallel_loop3A_819 = vector.broadcast %parallel_loop3A_818 : i32 to vector<16xi32>
        %parallel_loop3A_820 = arith.muli %parallel_loop3A_817, %parallel_loop3A_819 : vector<16xi32>
        %parallel_loop3A_821 = arith.constant 0 : i32
        %parallel_loop3A_822 = vector.broadcast %parallel_loop3A_821 : i32 to vector<16xi32>
        %parallel_loop3A_823 = arith.addi %parallel_loop3A_820, %parallel_loop3A_822 : vector<16xi32>
        %parallel_loop3A_824 = tpu.vector_load_idx %arg13[%parallel_loop3A_823] : memref<216xf32, #tpu.memory_space<vmem>>[vector<16xi32>], vector<16xf32>,
        %parallel_loop3A_825 = arith.constant 84 : i32
        %parallel_loop3A_826 = arith.index_cast %parallel_loop3A_825 : i32 to index
        %parallel_loop3A_827 = arith.index_cast %parallel_loop3A_84 : i32 to index
        %parallel_loop3A_828 = tpu.vector_load %arg9[%parallel_loop3A_826, %parallel_loop3A_827] {strides = array<i32>} : memref<166x128xf32, #tpu.memory_space<vmem>>, vector<16xf32>,
        tpu.vector_store %arg9[%parallel_loop3A_826, %parallel_loop3A_827], %parallel_loop3A_824 {strides = array<i32>} : memref<166x128xf32, #tpu.memory_space<vmem>>, vector<16xf32>,
        %parallel_loop3A_829 = arith.constant 1 : i32
        %parallel_loop3A_830 = vector.broadcast %parallel_loop3A_829 : i32 to vector<16xi32>
        %parallel_loop3A_831 = arith.addi %parallel_loop3A_820, %parallel_loop3A_830 : vector<16xi32>
        %parallel_loop3A_832 = tpu.vector_load_idx %arg13[%parallel_loop3A_831] : memref<216xf32, #tpu.memory_space<vmem>>[vector<16xi32>], vector<16xf32>,
        %parallel_loop3A_833 = arith.constant 85 : i32
        %parallel_loop3A_834 = arith.index_cast %parallel_loop3A_833 : i32 to index
        %parallel_loop3A_835 = arith.index_cast %parallel_loop3A_84 : i32 to index
        %parallel_loop3A_836 = tpu.vector_load %arg9[%parallel_loop3A_834, %parallel_loop3A_835] {strides = array<i32>} : memref<166x128xf32, #tpu.memory_space<vmem>>, vector<16xf32>,
        tpu.vector_store %arg9[%parallel_loop3A_834, %parallel_loop3A_835], %parallel_loop3A_832 {strides = array<i32>} : memref<166x128xf32, #tpu.memory_space<vmem>>, vector<16xf32>,
        %parallel_loop3A_837 = arith.constant 2 : i32
        %parallel_loop3A_838 = vector.broadcast %parallel_loop3A_837 : i32 to vector<16xi32>
        %parallel_loop3A_839 = arith.addi %parallel_loop3A_820, %parallel_loop3A_838 : vector<16xi32>
        %parallel_loop3A_840 = tpu.vector_load_idx %arg13[%parallel_loop3A_839] : memref<216xf32, #tpu.memory_space<vmem>>[vector<16xi32>], vector<16xf32>,
        %parallel_loop3A_841 = arith.constant 86 : i32
        %parallel_loop3A_842 = arith.index_cast %parallel_loop3A_841 : i32 to index
        %parallel_loop3A_843 = arith.index_cast %parallel_loop3A_84 : i32 to index
        %parallel_loop3A_844 = tpu.vector_load %arg9[%parallel_loop3A_842, %parallel_loop3A_843] {strides = array<i32>} : memref<166x128xf32, #tpu.memory_space<vmem>>, vector<16xf32>,
        tpu.vector_store %arg9[%parallel_loop3A_842, %parallel_loop3A_843], %parallel_loop3A_840 {strides = array<i32>} : memref<166x128xf32, #tpu.memory_space<vmem>>, vector<16xf32>,
        %parallel_loop3A_845 = arith.constant 3 : i32
        %parallel_loop3A_846 = vector.broadcast %parallel_loop3A_845 : i32 to vector<16xi32>
        %parallel_loop3A_847 = arith.addi %parallel_loop3A_820, %parallel_loop3A_846 : vector<16xi32>
        %parallel_loop3A_848 = tpu.vector_load_idx %arg13[%parallel_loop3A_847] : memref<216xf32, #tpu.memory_space<vmem>>[vector<16xi32>], vector<16xf32>,
        %parallel_loop3A_849 = arith.constant 87 : i32
        %parallel_loop3A_850 = arith.index_cast %parallel_loop3A_849 : i32 to index
        %parallel_loop3A_851 = arith.index_cast %parallel_loop3A_84 : i32 to index
        %parallel_loop3A_852 = tpu.vector_load %arg9[%parallel_loop3A_850, %parallel_loop3A_851] {strides = array<i32>} : memref<166x128xf32, #tpu.memory_space<vmem>>, vector<16xf32>,
        tpu.vector_store %arg9[%parallel_loop3A_850, %parallel_loop3A_851], %parallel_loop3A_848 {strides = array<i32>} : memref<166x128xf32, #tpu.memory_space<vmem>>, vector<16xf32>,
        %parallel_loop3A_853 = arith.constant 4 : i32
        %parallel_loop3A_854 = vector.broadcast %parallel_loop3A_853 : i32 to vector<16xi32>
        %parallel_loop3A_855 = arith.addi %parallel_loop3A_820, %parallel_loop3A_854 : vector<16xi32>
        %parallel_loop3A_856 = tpu.vector_load_idx %arg13[%parallel_loop3A_855] : memref<216xf32, #tpu.memory_space<vmem>>[vector<16xi32>], vector<16xf32>,
        %parallel_loop3A_857 = arith.constant 88 : i32
        %parallel_loop3A_858 = arith.index_cast %parallel_loop3A_857 : i32 to index
        %parallel_loop3A_859 = arith.index_cast %parallel_loop3A_84 : i32 to index
        %parallel_loop3A_860 = tpu.vector_load %arg9[%parallel_loop3A_858, %parallel_loop3A_859] {strides = array<i32>} : memref<166x128xf32, #tpu.memory_space<vmem>>, vector<16xf32>,
        tpu.vector_store %arg9[%parallel_loop3A_858, %parallel_loop3A_859], %parallel_loop3A_856 {strides = array<i32>} : memref<166x128xf32, #tpu.memory_space<vmem>>, vector<16xf32>,
        %parallel_loop3A_861 = arith.constant 5 : i32
        %parallel_loop3A_862 = vector.broadcast %parallel_loop3A_861 : i32 to vector<16xi32>
        %parallel_loop3A_863 = arith.addi %parallel_loop3A_820, %parallel_loop3A_862 : vector<16xi32>
        %parallel_loop3A_864 = tpu.vector_load_idx %arg13[%parallel_loop3A_863] : memref<216xf32, #tpu.memory_space<vmem>>[vector<16xi32>], vector<16xf32>,
        %parallel_loop3A_865 = arith.constant 89 : i32
        %parallel_loop3A_866 = arith.index_cast %parallel_loop3A_865 : i32 to index
        %parallel_loop3A_867 = arith.index_cast %parallel_loop3A_84 : i32 to index
        %parallel_loop3A_868 = tpu.vector_load %arg9[%parallel_loop3A_866, %parallel_loop3A_867] {strides = array<i32>} : memref<166x128xf32, #tpu.memory_space<vmem>>, vector<16xf32>,
        tpu.vector_store %arg9[%parallel_loop3A_866, %parallel_loop3A_867], %parallel_loop3A_864 {strides = array<i32>} : memref<166x128xf32, #tpu.memory_space<vmem>>, vector<16xf32>,
        %parallel_loop3A_869 = arith.constant 6 : i32
        %parallel_loop3A_870 = vector.broadcast %parallel_loop3A_869 : i32 to vector<16xi32>
        %parallel_loop3A_871 = arith.addi %parallel_loop3A_820, %parallel_loop3A_870 : vector<16xi32>
        %parallel_loop3A_872 = tpu.vector_load_idx %arg13[%parallel_loop3A_871] : memref<216xf32, #tpu.memory_space<vmem>>[vector<16xi32>], vector<16xf32>,
        %parallel_loop3A_873 = arith.constant 90 : i32
        %parallel_loop3A_874 = arith.index_cast %parallel_loop3A_873 : i32 to index
        %parallel_loop3A_875 = arith.index_cast %parallel_loop3A_84 : i32 to index
        %parallel_loop3A_876 = tpu.vector_load %arg9[%parallel_loop3A_874, %parallel_loop3A_875] {strides = array<i32>} : memref<166x128xf32, #tpu.memory_space<vmem>>, vector<16xf32>,
        tpu.vector_store %arg9[%parallel_loop3A_874, %parallel_loop3A_875], %parallel_loop3A_872 {strides = array<i32>} : memref<166x128xf32, #tpu.memory_space<vmem>>, vector<16xf32>,
        %parallel_loop3A_877 = arith.constant 7 : i32
        %parallel_loop3A_878 = vector.broadcast %parallel_loop3A_877 : i32 to vector<16xi32>
        %parallel_loop3A_879 = arith.addi %parallel_loop3A_820, %parallel_loop3A_878 : vector<16xi32>
        %parallel_loop3A_880 = tpu.vector_load_idx %arg13[%parallel_loop3A_879] : memref<216xf32, #tpu.memory_space<vmem>>[vector<16xi32>], vector<16xf32>,
        %parallel_loop3A_881 = arith.constant 91 : i32
        %parallel_loop3A_882 = arith.index_cast %parallel_loop3A_881 : i32 to index
        %parallel_loop3A_883 = arith.index_cast %parallel_loop3A_84 : i32 to index
        %parallel_loop3A_884 = tpu.vector_load %arg9[%parallel_loop3A_882, %parallel_loop3A_883] {strides = array<i32>} : memref<166x128xf32, #tpu.memory_space<vmem>>, vector<16xf32>,
        tpu.vector_store %arg9[%parallel_loop3A_882, %parallel_loop3A_883], %parallel_loop3A_880 {strides = array<i32>} : memref<166x128xf32, #tpu.memory_space<vmem>>, vector<16xf32>,
        %parallel_loop3A_885 = arith.constant 10 : i32
        %parallel_loop3A_886 = arith.index_cast %parallel_loop3A_885 : i32 to index
        %parallel_loop3A_887 = arith.index_cast %parallel_loop3A_84 : i32 to index
        %parallel_loop3A_888 = tpu.vector_load %arg7[%parallel_loop3A_886, %parallel_loop3A_887] {strides = array<i32>} : memref<44x128xf32, #tpu.memory_space<vmem>>, vector<16xf32>,
        %parallel_loop3A_889 = arith.fptosi %parallel_loop3A_888 : vector<16xf32> to vector<16xi32>
        %parallel_loop3A_890 = arith.constant 8 : i32
        %parallel_loop3A_891 = vector.broadcast %parallel_loop3A_890 : i32 to vector<16xi32>
        %parallel_loop3A_892 = arith.muli %parallel_loop3A_889, %parallel_loop3A_891 : vector<16xi32>
        %parallel_loop3A_893 = arith.constant 0 : i32
        %parallel_loop3A_894 = vector.broadcast %parallel_loop3A_893 : i32 to vector<16xi32>
        %parallel_loop3A_895 = arith.addi %parallel_loop3A_892, %parallel_loop3A_894 : vector<16xi32>
        %parallel_loop3A_896 = tpu.vector_load_idx %arg13[%parallel_loop3A_895] : memref<216xf32, #tpu.memory_space<vmem>>[vector<16xi32>], vector<16xf32>,
        %parallel_loop3A_897 = arith.constant 92 : i32
        %parallel_loop3A_898 = arith.index_cast %parallel_loop3A_897 : i32 to index
        %parallel_loop3A_899 = arith.index_cast %parallel_loop3A_84 : i32 to index
        %parallel_loop3A_900 = tpu.vector_load %arg9[%parallel_loop3A_898, %parallel_loop3A_899] {strides = array<i32>} : memref<166x128xf32, #tpu.memory_space<vmem>>, vector<16xf32>,
        tpu.vector_store %arg9[%parallel_loop3A_898, %parallel_loop3A_899], %parallel_loop3A_896 {strides = array<i32>} : memref<166x128xf32, #tpu.memory_space<vmem>>, vector<16xf32>,
        %parallel_loop3A_901 = arith.constant 1 : i32
        %parallel_loop3A_902 = vector.broadcast %parallel_loop3A_901 : i32 to vector<16xi32>
        %parallel_loop3A_903 = arith.addi %parallel_loop3A_892, %parallel_loop3A_902 : vector<16xi32>
        %parallel_loop3A_904 = tpu.vector_load_idx %arg13[%parallel_loop3A_903] : memref<216xf32, #tpu.memory_space<vmem>>[vector<16xi32>], vector<16xf32>,
        %parallel_loop3A_905 = arith.constant 93 : i32
        %parallel_loop3A_906 = arith.index_cast %parallel_loop3A_905 : i32 to index
        %parallel_loop3A_907 = arith.index_cast %parallel_loop3A_84 : i32 to index
        %parallel_loop3A_908 = tpu.vector_load %arg9[%parallel_loop3A_906, %parallel_loop3A_907] {strides = array<i32>} : memref<166x128xf32, #tpu.memory_space<vmem>>, vector<16xf32>,
        tpu.vector_store %arg9[%parallel_loop3A_906, %parallel_loop3A_907], %parallel_loop3A_904 {strides = array<i32>} : memref<166x128xf32, #tpu.memory_space<vmem>>, vector<16xf32>,
        %parallel_loop3A_909 = arith.constant 2 : i32
        %parallel_loop3A_910 = vector.broadcast %parallel_loop3A_909 : i32 to vector<16xi32>
        %parallel_loop3A_911 = arith.addi %parallel_loop3A_892, %parallel_loop3A_910 : vector<16xi32>
        %parallel_loop3A_912 = tpu.vector_load_idx %arg13[%parallel_loop3A_911] : memref<216xf32, #tpu.memory_space<vmem>>[vector<16xi32>], vector<16xf32>,
        %parallel_loop3A_913 = arith.constant 94 : i32
        %parallel_loop3A_914 = arith.index_cast %parallel_loop3A_913 : i32 to index
        %parallel_loop3A_915 = arith.index_cast %parallel_loop3A_84 : i32 to index
        %parallel_loop3A_916 = tpu.vector_load %arg9[%parallel_loop3A_914, %parallel_loop3A_915] {strides = array<i32>} : memref<166x128xf32, #tpu.memory_space<vmem>>, vector<16xf32>,
        tpu.vector_store %arg9[%parallel_loop3A_914, %parallel_loop3A_915], %parallel_loop3A_912 {strides = array<i32>} : memref<166x128xf32, #tpu.memory_space<vmem>>, vector<16xf32>,
        %parallel_loop3A_917 = arith.constant 3 : i32
        %parallel_loop3A_918 = vector.broadcast %parallel_loop3A_917 : i32 to vector<16xi32>
        %parallel_loop3A_919 = arith.addi %parallel_loop3A_892, %parallel_loop3A_918 : vector<16xi32>
        %parallel_loop3A_920 = tpu.vector_load_idx %arg13[%parallel_loop3A_919] : memref<216xf32, #tpu.memory_space<vmem>>[vector<16xi32>], vector<16xf32>,
        %parallel_loop3A_921 = arith.constant 95 : i32
        %parallel_loop3A_922 = arith.index_cast %parallel_loop3A_921 : i32 to index
        %parallel_loop3A_923 = arith.index_cast %parallel_loop3A_84 : i32 to index
        %parallel_loop3A_924 = tpu.vector_load %arg9[%parallel_loop3A_922, %parallel_loop3A_923] {strides = array<i32>} : memref<166x128xf32, #tpu.memory_space<vmem>>, vector<16xf32>,
        tpu.vector_store %arg9[%parallel_loop3A_922, %parallel_loop3A_923], %parallel_loop3A_920 {strides = array<i32>} : memref<166x128xf32, #tpu.memory_space<vmem>>, vector<16xf32>,
        %parallel_loop3A_925 = arith.constant 4 : i32
        %parallel_loop3A_926 = vector.broadcast %parallel_loop3A_925 : i32 to vector<16xi32>
        %parallel_loop3A_927 = arith.addi %parallel_loop3A_892, %parallel_loop3A_926 : vector<16xi32>
        %parallel_loop3A_928 = tpu.vector_load_idx %arg13[%parallel_loop3A_927] : memref<216xf32, #tpu.memory_space<vmem>>[vector<16xi32>], vector<16xf32>,
        %parallel_loop3A_929 = arith.constant 96 : i32
        %parallel_loop3A_930 = arith.index_cast %parallel_loop3A_929 : i32 to index
        %parallel_loop3A_931 = arith.index_cast %parallel_loop3A_84 : i32 to index
        %parallel_loop3A_932 = tpu.vector_load %arg9[%parallel_loop3A_930, %parallel_loop3A_931] {strides = array<i32>} : memref<166x128xf32, #tpu.memory_space<vmem>>, vector<16xf32>,
        tpu.vector_store %arg9[%parallel_loop3A_930, %parallel_loop3A_931], %parallel_loop3A_928 {strides = array<i32>} : memref<166x128xf32, #tpu.memory_space<vmem>>, vector<16xf32>,
        %parallel_loop3A_933 = arith.constant 5 : i32
        %parallel_loop3A_934 = vector.broadcast %parallel_loop3A_933 : i32 to vector<16xi32>
        %parallel_loop3A_935 = arith.addi %parallel_loop3A_892, %parallel_loop3A_934 : vector<16xi32>
        %parallel_loop3A_936 = tpu.vector_load_idx %arg13[%parallel_loop3A_935] : memref<216xf32, #tpu.memory_space<vmem>>[vector<16xi32>], vector<16xf32>,
        %parallel_loop3A_937 = arith.constant 97 : i32
        %parallel_loop3A_938 = arith.index_cast %parallel_loop3A_937 : i32 to index
        %parallel_loop3A_939 = arith.index_cast %parallel_loop3A_84 : i32 to index
        %parallel_loop3A_940 = tpu.vector_load %arg9[%parallel_loop3A_938, %parallel_loop3A_939] {strides = array<i32>} : memref<166x128xf32, #tpu.memory_space<vmem>>, vector<16xf32>,
        tpu.vector_store %arg9[%parallel_loop3A_938, %parallel_loop3A_939], %parallel_loop3A_936 {strides = array<i32>} : memref<166x128xf32, #tpu.memory_space<vmem>>, vector<16xf32>,
        %parallel_loop3A_941 = arith.constant 6 : i32
        %parallel_loop3A_942 = vector.broadcast %parallel_loop3A_941 : i32 to vector<16xi32>
        %parallel_loop3A_943 = arith.addi %parallel_loop3A_892, %parallel_loop3A_942 : vector<16xi32>
        %parallel_loop3A_944 = tpu.vector_load_idx %arg13[%parallel_loop3A_943] : memref<216xf32, #tpu.memory_space<vmem>>[vector<16xi32>], vector<16xf32>,
        %parallel_loop3A_945 = arith.constant 98 : i32
        %parallel_loop3A_946 = arith.index_cast %parallel_loop3A_945 : i32 to index
        %parallel_loop3A_947 = arith.index_cast %parallel_loop3A_84 : i32 to index
        %parallel_loop3A_948 = tpu.vector_load %arg9[%parallel_loop3A_946, %parallel_loop3A_947] {strides = array<i32>} : memref<166x128xf32, #tpu.memory_space<vmem>>, vector<16xf32>,
        tpu.vector_store %arg9[%parallel_loop3A_946, %parallel_loop3A_947], %parallel_loop3A_944 {strides = array<i32>} : memref<166x128xf32, #tpu.memory_space<vmem>>, vector<16xf32>,
        %parallel_loop3A_949 = arith.constant 7 : i32
        %parallel_loop3A_950 = vector.broadcast %parallel_loop3A_949 : i32 to vector<16xi32>
        %parallel_loop3A_951 = arith.addi %parallel_loop3A_892, %parallel_loop3A_950 : vector<16xi32>
        %parallel_loop3A_952 = tpu.vector_load_idx %arg13[%parallel_loop3A_951] : memref<216xf32, #tpu.memory_space<vmem>>[vector<16xi32>], vector<16xf32>,
        %parallel_loop3A_953 = arith.constant 99 : i32
        %parallel_loop3A_954 = arith.index_cast %parallel_loop3A_953 : i32 to index
        %parallel_loop3A_955 = arith.index_cast %parallel_loop3A_84 : i32 to index
        %parallel_loop3A_956 = tpu.vector_load %arg9[%parallel_loop3A_954, %parallel_loop3A_955] {strides = array<i32>} : memref<166x128xf32, #tpu.memory_space<vmem>>, vector<16xf32>,
        tpu.vector_store %arg9[%parallel_loop3A_954, %parallel_loop3A_955], %parallel_loop3A_952 {strides = array<i32>} : memref<166x128xf32, #tpu.memory_space<vmem>>, vector<16xf32>,
        %parallel_loop3A_957 = arith.constant 11 : i32
        %parallel_loop3A_958 = arith.index_cast %parallel_loop3A_957 : i32 to index
        %parallel_loop3A_959 = arith.index_cast %parallel_loop3A_84 : i32 to index
        %parallel_loop3A_960 = tpu.vector_load %arg7[%parallel_loop3A_958, %parallel_loop3A_959] {strides = array<i32>} : memref<44x128xf32, #tpu.memory_space<vmem>>, vector<16xf32>,
        %parallel_loop3A_961 = arith.fptosi %parallel_loop3A_960 : vector<16xf32> to vector<16xi32>
        %parallel_loop3A_962 = arith.constant 8 : i32
        %parallel_loop3A_963 = vector.broadcast %parallel_loop3A_962 : i32 to vector<16xi32>
        %parallel_loop3A_964 = arith.muli %parallel_loop3A_961, %parallel_loop3A_963 : vector<16xi32>
        %parallel_loop3A_965 = arith.constant 0 : i32
        %parallel_loop3A_966 = vector.broadcast %parallel_loop3A_965 : i32 to vector<16xi32>
        %parallel_loop3A_967 = arith.addi %parallel_loop3A_964, %parallel_loop3A_966 : vector<16xi32>
        %parallel_loop3A_968 = tpu.vector_load_idx %arg13[%parallel_loop3A_967] : memref<216xf32, #tpu.memory_space<vmem>>[vector<16xi32>], vector<16xf32>,
        %parallel_loop3A_969 = arith.constant 100 : i32
        %parallel_loop3A_970 = arith.index_cast %parallel_loop3A_969 : i32 to index
        %parallel_loop3A_971 = arith.index_cast %parallel_loop3A_84 : i32 to index
        %parallel_loop3A_972 = tpu.vector_load %arg9[%parallel_loop3A_970, %parallel_loop3A_971] {strides = array<i32>} : memref<166x128xf32, #tpu.memory_space<vmem>>, vector<16xf32>,
        tpu.vector_store %arg9[%parallel_loop3A_970, %parallel_loop3A_971], %parallel_loop3A_968 {strides = array<i32>} : memref<166x128xf32, #tpu.memory_space<vmem>>, vector<16xf32>,
        %parallel_loop3A_973 = arith.constant 1 : i32
        %parallel_loop3A_974 = vector.broadcast %parallel_loop3A_973 : i32 to vector<16xi32>
        %parallel_loop3A_975 = arith.addi %parallel_loop3A_964, %parallel_loop3A_974 : vector<16xi32>
        %parallel_loop3A_976 = tpu.vector_load_idx %arg13[%parallel_loop3A_975] : memref<216xf32, #tpu.memory_space<vmem>>[vector<16xi32>], vector<16xf32>,
        %parallel_loop3A_977 = arith.constant 101 : i32
        %parallel_loop3A_978 = arith.index_cast %parallel_loop3A_977 : i32 to index
        %parallel_loop3A_979 = arith.index_cast %parallel_loop3A_84 : i32 to index
        %parallel_loop3A_980 = tpu.vector_load %arg9[%parallel_loop3A_978, %parallel_loop3A_979] {strides = array<i32>} : memref<166x128xf32, #tpu.memory_space<vmem>>, vector<16xf32>,
        tpu.vector_store %arg9[%parallel_loop3A_978, %parallel_loop3A_979], %parallel_loop3A_976 {strides = array<i32>} : memref<166x128xf32, #tpu.memory_space<vmem>>, vector<16xf32>,
        %parallel_loop3A_981 = arith.constant 2 : i32
        %parallel_loop3A_982 = vector.broadcast %parallel_loop3A_981 : i32 to vector<16xi32>
        %parallel_loop3A_983 = arith.addi %parallel_loop3A_964, %parallel_loop3A_982 : vector<16xi32>
        %parallel_loop3A_984 = tpu.vector_load_idx %arg13[%parallel_loop3A_983] : memref<216xf32, #tpu.memory_space<vmem>>[vector<16xi32>], vector<16xf32>,
        %parallel_loop3A_985 = arith.constant 102 : i32
        %parallel_loop3A_986 = arith.index_cast %parallel_loop3A_985 : i32 to index
        %parallel_loop3A_987 = arith.index_cast %parallel_loop3A_84 : i32 to index
        %parallel_loop3A_988 = tpu.vector_load %arg9[%parallel_loop3A_986, %parallel_loop3A_987] {strides = array<i32>} : memref<166x128xf32, #tpu.memory_space<vmem>>, vector<16xf32>,
        tpu.vector_store %arg9[%parallel_loop3A_986, %parallel_loop3A_987], %parallel_loop3A_984 {strides = array<i32>} : memref<166x128xf32, #tpu.memory_space<vmem>>, vector<16xf32>,
        %parallel_loop3A_989 = arith.constant 3 : i32
        %parallel_loop3A_990 = vector.broadcast %parallel_loop3A_989 : i32 to vector<16xi32>
        %parallel_loop3A_991 = arith.addi %parallel_loop3A_964, %parallel_loop3A_990 : vector<16xi32>
        %parallel_loop3A_992 = tpu.vector_load_idx %arg13[%parallel_loop3A_991] : memref<216xf32, #tpu.memory_space<vmem>>[vector<16xi32>], vector<16xf32>,
        %parallel_loop3A_993 = arith.constant 103 : i32
        %parallel_loop3A_994 = arith.index_cast %parallel_loop3A_993 : i32 to index
        %parallel_loop3A_995 = arith.index_cast %parallel_loop3A_84 : i32 to index
        %parallel_loop3A_996 = tpu.vector_load %arg9[%parallel_loop3A_994, %parallel_loop3A_995] {strides = array<i32>} : memref<166x128xf32, #tpu.memory_space<vmem>>, vector<16xf32>,
        tpu.vector_store %arg9[%parallel_loop3A_994, %parallel_loop3A_995], %parallel_loop3A_992 {strides = array<i32>} : memref<166x128xf32, #tpu.memory_space<vmem>>, vector<16xf32>,
        %parallel_loop3A_997 = arith.constant 4 : i32
        %parallel_loop3A_998 = vector.broadcast %parallel_loop3A_997 : i32 to vector<16xi32>
        %parallel_loop3A_999 = arith.addi %parallel_loop3A_964, %parallel_loop3A_998 : vector<16xi32>
        %parallel_loop3A_1000 = tpu.vector_load_idx %arg13[%parallel_loop3A_999] : memref<216xf32, #tpu.memory_space<vmem>>[vector<16xi32>], vector<16xf32>,
        %parallel_loop3A_1001 = arith.constant 104 : i32
        %parallel_loop3A_1002 = arith.index_cast %parallel_loop3A_1001 : i32 to index
        %parallel_loop3A_1003 = arith.index_cast %parallel_loop3A_84 : i32 to index
        %parallel_loop3A_1004 = tpu.vector_load %arg9[%parallel_loop3A_1002, %parallel_loop3A_1003] {strides = array<i32>} : memref<166x128xf32, #tpu.memory_space<vmem>>, vector<16xf32>,
        tpu.vector_store %arg9[%parallel_loop3A_1002, %parallel_loop3A_1003], %parallel_loop3A_1000 {strides = array<i32>} : memref<166x128xf32, #tpu.memory_space<vmem>>, vector<16xf32>,
        %parallel_loop3A_1005 = arith.constant 5 : i32
        %parallel_loop3A_1006 = vector.broadcast %parallel_loop3A_1005 : i32 to vector<16xi32>
        %parallel_loop3A_1007 = arith.addi %parallel_loop3A_964, %parallel_loop3A_1006 : vector<16xi32>
        %parallel_loop3A_1008 = tpu.vector_load_idx %arg13[%parallel_loop3A_1007] : memref<216xf32, #tpu.memory_space<vmem>>[vector<16xi32>], vector<16xf32>,
        %parallel_loop3A_1009 = arith.constant 105 : i32
        %parallel_loop3A_1010 = arith.index_cast %parallel_loop3A_1009 : i32 to index
        %parallel_loop3A_1011 = arith.index_cast %parallel_loop3A_84 : i32 to index
        %parallel_loop3A_1012 = tpu.vector_load %arg9[%parallel_loop3A_1010, %parallel_loop3A_1011] {strides = array<i32>} : memref<166x128xf32, #tpu.memory_space<vmem>>, vector<16xf32>,
        tpu.vector_store %arg9[%parallel_loop3A_1010, %parallel_loop3A_1011], %parallel_loop3A_1008 {strides = array<i32>} : memref<166x128xf32, #tpu.memory_space<vmem>>, vector<16xf32>,
        %parallel_loop3A_1013 = arith.constant 6 : i32
        %parallel_loop3A_1014 = vector.broadcast %parallel_loop3A_1013 : i32 to vector<16xi32>
        %parallel_loop3A_1015 = arith.addi %parallel_loop3A_964, %parallel_loop3A_1014 : vector<16xi32>
        %parallel_loop3A_1016 = tpu.vector_load_idx %arg13[%parallel_loop3A_1015] : memref<216xf32, #tpu.memory_space<vmem>>[vector<16xi32>], vector<16xf32>,
        %parallel_loop3A_1017 = arith.constant 106 : i32
        %parallel_loop3A_1018 = arith.index_cast %parallel_loop3A_1017 : i32 to index
        %parallel_loop3A_1019 = arith.index_cast %parallel_loop3A_84 : i32 to index
        %parallel_loop3A_1020 = tpu.vector_load %arg9[%parallel_loop3A_1018, %parallel_loop3A_1019] {strides = array<i32>} : memref<166x128xf32, #tpu.memory_space<vmem>>, vector<16xf32>,
        tpu.vector_store %arg9[%parallel_loop3A_1018, %parallel_loop3A_1019], %parallel_loop3A_1016 {strides = array<i32>} : memref<166x128xf32, #tpu.memory_space<vmem>>, vector<16xf32>,
        %parallel_loop3A_1021 = arith.constant 7 : i32
        %parallel_loop3A_1022 = vector.broadcast %parallel_loop3A_1021 : i32 to vector<16xi32>
        %parallel_loop3A_1023 = arith.addi %parallel_loop3A_964, %parallel_loop3A_1022 : vector<16xi32>
        %parallel_loop3A_1024 = tpu.vector_load_idx %arg13[%parallel_loop3A_1023] : memref<216xf32, #tpu.memory_space<vmem>>[vector<16xi32>], vector<16xf32>,
        %parallel_loop3A_1025 = arith.constant 107 : i32
        %parallel_loop3A_1026 = arith.index_cast %parallel_loop3A_1025 : i32 to index
        %parallel_loop3A_1027 = arith.index_cast %parallel_loop3A_84 : i32 to index
        %parallel_loop3A_1028 = tpu.vector_load %arg9[%parallel_loop3A_1026, %parallel_loop3A_1027] {strides = array<i32>} : memref<166x128xf32, #tpu.memory_space<vmem>>, vector<16xf32>,
        tpu.vector_store %arg9[%parallel_loop3A_1026, %parallel_loop3A_1027], %parallel_loop3A_1024 {strides = array<i32>} : memref<166x128xf32, #tpu.memory_space<vmem>>, vector<16xf32>,
        %parallel_loop3A_1029 = arith.constant 12 : i32
        %parallel_loop3A_1030 = arith.index_cast %parallel_loop3A_1029 : i32 to index
        %parallel_loop3A_1031 = arith.index_cast %parallel_loop3A_84 : i32 to index
        %parallel_loop3A_1032 = tpu.vector_load %arg7[%parallel_loop3A_1030, %parallel_loop3A_1031] {strides = array<i32>} : memref<44x128xf32, #tpu.memory_space<vmem>>, vector<16xf32>,
        %parallel_loop3A_1033 = arith.fptosi %parallel_loop3A_1032 : vector<16xf32> to vector<16xi32>
        %parallel_loop3A_1034 = arith.constant 8 : i32
        %parallel_loop3A_1035 = vector.broadcast %parallel_loop3A_1034 : i32 to vector<16xi32>
        %parallel_loop3A_1036 = arith.muli %parallel_loop3A_1033, %parallel_loop3A_1035 : vector<16xi32>
        %parallel_loop3A_1037 = arith.constant 0 : i32
        %parallel_loop3A_1038 = vector.broadcast %parallel_loop3A_1037 : i32 to vector<16xi32>
        %parallel_loop3A_1039 = arith.addi %parallel_loop3A_1036, %parallel_loop3A_1038 : vector<16xi32>
        %parallel_loop3A_1040 = tpu.vector_load_idx %arg13[%parallel_loop3A_1039] : memref<216xf32, #tpu.memory_space<vmem>>[vector<16xi32>], vector<16xf32>,
        %parallel_loop3A_1041 = arith.constant 108 : i32
        %parallel_loop3A_1042 = arith.index_cast %parallel_loop3A_1041 : i32 to index
        %parallel_loop3A_1043 = arith.index_cast %parallel_loop3A_84 : i32 to index
        %parallel_loop3A_1044 = tpu.vector_load %arg9[%parallel_loop3A_1042, %parallel_loop3A_1043] {strides = array<i32>} : memref<166x128xf32, #tpu.memory_space<vmem>>, vector<16xf32>,
        tpu.vector_store %arg9[%parallel_loop3A_1042, %parallel_loop3A_1043], %parallel_loop3A_1040 {strides = array<i32>} : memref<166x128xf32, #tpu.memory_space<vmem>>, vector<16xf32>,
        %parallel_loop3A_1045 = arith.constant 1 : i32
        %parallel_loop3A_1046 = vector.broadcast %parallel_loop3A_1045 : i32 to vector<16xi32>
        %parallel_loop3A_1047 = arith.addi %parallel_loop3A_1036, %parallel_loop3A_1046 : vector<16xi32>
        %parallel_loop3A_1048 = tpu.vector_load_idx %arg13[%parallel_loop3A_1047] : memref<216xf32, #tpu.memory_space<vmem>>[vector<16xi32>], vector<16xf32>,
        %parallel_loop3A_1049 = arith.constant 109 : i32
        %parallel_loop3A_1050 = arith.index_cast %parallel_loop3A_1049 : i32 to index
        %parallel_loop3A_1051 = arith.index_cast %parallel_loop3A_84 : i32 to index
        %parallel_loop3A_1052 = tpu.vector_load %arg9[%parallel_loop3A_1050, %parallel_loop3A_1051] {strides = array<i32>} : memref<166x128xf32, #tpu.memory_space<vmem>>, vector<16xf32>,
        tpu.vector_store %arg9[%parallel_loop3A_1050, %parallel_loop3A_1051], %parallel_loop3A_1048 {strides = array<i32>} : memref<166x128xf32, #tpu.memory_space<vmem>>, vector<16xf32>,
        %parallel_loop3A_1053 = arith.constant 2 : i32
        %parallel_loop3A_1054 = vector.broadcast %parallel_loop3A_1053 : i32 to vector<16xi32>
        %parallel_loop3A_1055 = arith.addi %parallel_loop3A_1036, %parallel_loop3A_1054 : vector<16xi32>
        %parallel_loop3A_1056 = tpu.vector_load_idx %arg13[%parallel_loop3A_1055] : memref<216xf32, #tpu.memory_space<vmem>>[vector<16xi32>], vector<16xf32>,
        %parallel_loop3A_1057 = arith.constant 110 : i32
        %parallel_loop3A_1058 = arith.index_cast %parallel_loop3A_1057 : i32 to index
        %parallel_loop3A_1059 = arith.index_cast %parallel_loop3A_84 : i32 to index
        %parallel_loop3A_1060 = tpu.vector_load %arg9[%parallel_loop3A_1058, %parallel_loop3A_1059] {strides = array<i32>} : memref<166x128xf32, #tpu.memory_space<vmem>>, vector<16xf32>,
        tpu.vector_store %arg9[%parallel_loop3A_1058, %parallel_loop3A_1059], %parallel_loop3A_1056 {strides = array<i32>} : memref<166x128xf32, #tpu.memory_space<vmem>>, vector<16xf32>,
        %parallel_loop3A_1061 = arith.constant 3 : i32
        %parallel_loop3A_1062 = vector.broadcast %parallel_loop3A_1061 : i32 to vector<16xi32>
        %parallel_loop3A_1063 = arith.addi %parallel_loop3A_1036, %parallel_loop3A_1062 : vector<16xi32>
        %parallel_loop3A_1064 = tpu.vector_load_idx %arg13[%parallel_loop3A_1063] : memref<216xf32, #tpu.memory_space<vmem>>[vector<16xi32>], vector<16xf32>,
        %parallel_loop3A_1065 = arith.constant 111 : i32
        %parallel_loop3A_1066 = arith.index_cast %parallel_loop3A_1065 : i32 to index
        %parallel_loop3A_1067 = arith.index_cast %parallel_loop3A_84 : i32 to index
        %parallel_loop3A_1068 = tpu.vector_load %arg9[%parallel_loop3A_1066, %parallel_loop3A_1067] {strides = array<i32>} : memref<166x128xf32, #tpu.memory_space<vmem>>, vector<16xf32>,
        tpu.vector_store %arg9[%parallel_loop3A_1066, %parallel_loop3A_1067], %parallel_loop3A_1064 {strides = array<i32>} : memref<166x128xf32, #tpu.memory_space<vmem>>, vector<16xf32>,
        %parallel_loop3A_1069 = arith.constant 4 : i32
        %parallel_loop3A_1070 = vector.broadcast %parallel_loop3A_1069 : i32 to vector<16xi32>
        %parallel_loop3A_1071 = arith.addi %parallel_loop3A_1036, %parallel_loop3A_1070 : vector<16xi32>
        %parallel_loop3A_1072 = tpu.vector_load_idx %arg13[%parallel_loop3A_1071] : memref<216xf32, #tpu.memory_space<vmem>>[vector<16xi32>], vector<16xf32>,
        %parallel_loop3A_1073 = arith.constant 112 : i32
        %parallel_loop3A_1074 = arith.index_cast %parallel_loop3A_1073 : i32 to index
        %parallel_loop3A_1075 = arith.index_cast %parallel_loop3A_84 : i32 to index
        %parallel_loop3A_1076 = tpu.vector_load %arg9[%parallel_loop3A_1074, %parallel_loop3A_1075] {strides = array<i32>} : memref<166x128xf32, #tpu.memory_space<vmem>>, vector<16xf32>,
        tpu.vector_store %arg9[%parallel_loop3A_1074, %parallel_loop3A_1075], %parallel_loop3A_1072 {strides = array<i32>} : memref<166x128xf32, #tpu.memory_space<vmem>>, vector<16xf32>,
        %parallel_loop3A_1077 = arith.constant 5 : i32
        %parallel_loop3A_1078 = vector.broadcast %parallel_loop3A_1077 : i32 to vector<16xi32>
        %parallel_loop3A_1079 = arith.addi %parallel_loop3A_1036, %parallel_loop3A_1078 : vector<16xi32>
        %parallel_loop3A_1080 = tpu.vector_load_idx %arg13[%parallel_loop3A_1079] : memref<216xf32, #tpu.memory_space<vmem>>[vector<16xi32>], vector<16xf32>,
        %parallel_loop3A_1081 = arith.constant 113 : i32
        %parallel_loop3A_1082 = arith.index_cast %parallel_loop3A_1081 : i32 to index
        %parallel_loop3A_1083 = arith.index_cast %parallel_loop3A_84 : i32 to index
        %parallel_loop3A_1084 = tpu.vector_load %arg9[%parallel_loop3A_1082, %parallel_loop3A_1083] {strides = array<i32>} : memref<166x128xf32, #tpu.memory_space<vmem>>, vector<16xf32>,
        tpu.vector_store %arg9[%parallel_loop3A_1082, %parallel_loop3A_1083], %parallel_loop3A_1080 {strides = array<i32>} : memref<166x128xf32, #tpu.memory_space<vmem>>, vector<16xf32>,
        %parallel_loop3A_1085 = arith.constant 6 : i32
        %parallel_loop3A_1086 = vector.broadcast %parallel_loop3A_1085 : i32 to vector<16xi32>
        %parallel_loop3A_1087 = arith.addi %parallel_loop3A_1036, %parallel_loop3A_1086 : vector<16xi32>
        %parallel_loop3A_1088 = tpu.vector_load_idx %arg13[%parallel_loop3A_1087] : memref<216xf32, #tpu.memory_space<vmem>>[vector<16xi32>], vector<16xf32>,
        %parallel_loop3A_1089 = arith.constant 114 : i32
        %parallel_loop3A_1090 = arith.index_cast %parallel_loop3A_1089 : i32 to index
        %parallel_loop3A_1091 = arith.index_cast %parallel_loop3A_84 : i32 to index
        %parallel_loop3A_1092 = tpu.vector_load %arg9[%parallel_loop3A_1090, %parallel_loop3A_1091] {strides = array<i32>} : memref<166x128xf32, #tpu.memory_space<vmem>>, vector<16xf32>,
        tpu.vector_store %arg9[%parallel_loop3A_1090, %parallel_loop3A_1091], %parallel_loop3A_1088 {strides = array<i32>} : memref<166x128xf32, #tpu.memory_space<vmem>>, vector<16xf32>,
        %parallel_loop3A_1093 = arith.constant 7 : i32
        %parallel_loop3A_1094 = vector.broadcast %parallel_loop3A_1093 : i32 to vector<16xi32>
        %parallel_loop3A_1095 = arith.addi %parallel_loop3A_1036, %parallel_loop3A_1094 : vector<16xi32>
        %parallel_loop3A_1096 = tpu.vector_load_idx %arg13[%parallel_loop3A_1095] : memref<216xf32, #tpu.memory_space<vmem>>[vector<16xi32>], vector<16xf32>,
        %parallel_loop3A_1097 = arith.constant 115 : i32
        %parallel_loop3A_1098 = arith.index_cast %parallel_loop3A_1097 : i32 to index
        %parallel_loop3A_1099 = arith.index_cast %parallel_loop3A_84 : i32 to index
        %parallel_loop3A_1100 = tpu.vector_load %arg9[%parallel_loop3A_1098, %parallel_loop3A_1099] {strides = array<i32>} : memref<166x128xf32, #tpu.memory_space<vmem>>, vector<16xf32>,
        tpu.vector_store %arg9[%parallel_loop3A_1098, %parallel_loop3A_1099], %parallel_loop3A_1096 {strides = array<i32>} : memref<166x128xf32, #tpu.memory_space<vmem>>, vector<16xf32>,
        %parallel_loop3A_1101 = arith.constant 1 : i32
        %parallel_loop3A_1102 = arith.index_cast %parallel_loop3A_1101 : i32 to index
        %parallel_loop3A_1103 = arith.index_cast %parallel_loop3A_84 : i32 to index
        %parallel_loop3A_1104 = tpu.vector_load %arg7[%parallel_loop3A_1102, %parallel_loop3A_1103] {strides = array<i32>} : memref<44x128xf32, #tpu.memory_space<vmem>>, vector<16xf32>,
        %parallel_loop3A_1105 = arith.constant 0.000000e+00 : f32
        %parallel_loop3A_1106 = vector.broadcast %parallel_loop3A_1105 : f32 to vector<16xf32>
        %parallel_loop3A_1107 = arith.cmpf oeq, %parallel_loop3A_1104, %parallel_loop3A_1106 : vector<16xf32>
        %parallel_loop3A_1108 = arith.constant 1.000000e+00 : f32
        %parallel_loop3A_1109 = arith.constant 0.000000e+00 : f32
        %parallel_loop3A_1110 = vector.broadcast %parallel_loop3A_1108 : f32 to vector<16xf32>
        %parallel_loop3A_1111 = vector.broadcast %parallel_loop3A_1109 : f32 to vector<16xf32>
        %parallel_loop3A_1112 = arith.select %parallel_loop3A_1107, %parallel_loop3A_1110, %parallel_loop3A_1111 : vector<16xi1>, vector<16xf32>
        %parallel_loop3A_1113 = arith.constant 116 : i32
        %parallel_loop3A_1114 = arith.index_cast %parallel_loop3A_1113 : i32 to index
        %parallel_loop3A_1115 = arith.index_cast %parallel_loop3A_84 : i32 to index
        %parallel_loop3A_1116 = tpu.vector_load %arg9[%parallel_loop3A_1114, %parallel_loop3A_1115] {strides = array<i32>} : memref<166x128xf32, #tpu.memory_space<vmem>>, vector<16xf32>,
        tpu.vector_store %arg9[%parallel_loop3A_1114, %parallel_loop3A_1115], %parallel_loop3A_1112 {strides = array<i32>} : memref<166x128xf32, #tpu.memory_space<vmem>>, vector<16xf32>,
        %parallel_loop3A_1117 = arith.constant 1.000000e+00 : f32
        %parallel_loop3A_1118 = vector.broadcast %parallel_loop3A_1117 : f32 to vector<16xf32>
        %parallel_loop3A_1119 = arith.cmpf oeq, %parallel_loop3A_1104, %parallel_loop3A_1118 : vector<16xf32>
        %parallel_loop3A_1120 = arith.constant 1.000000e+00 : f32
        %parallel_loop3A_1121 = arith.constant 0.000000e+00 : f32
        %parallel_loop3A_1122 = vector.broadcast %parallel_loop3A_1120 : f32 to vector<16xf32>
        %parallel_loop3A_1123 = vector.broadcast %parallel_loop3A_1121 : f32 to vector<16xf32>
        %parallel_loop3A_1124 = arith.select %parallel_loop3A_1119, %parallel_loop3A_1122, %parallel_loop3A_1123 : vector<16xi1>, vector<16xf32>
        %parallel_loop3A_1125 = arith.constant 117 : i32
        %parallel_loop3A_1126 = arith.index_cast %parallel_loop3A_1125 : i32 to index
        %parallel_loop3A_1127 = arith.index_cast %parallel_loop3A_84 : i32 to index
        %parallel_loop3A_1128 = tpu.vector_load %arg9[%parallel_loop3A_1126, %parallel_loop3A_1127] {strides = array<i32>} : memref<166x128xf32, #tpu.memory_space<vmem>>, vector<16xf32>,
        tpu.vector_store %arg9[%parallel_loop3A_1126, %parallel_loop3A_1127], %parallel_loop3A_1124 {strides = array<i32>} : memref<166x128xf32, #tpu.memory_space<vmem>>, vector<16xf32>,
        %parallel_loop3A_1129 = arith.constant 2.000000e+00 : f32
        %parallel_loop3A_1130 = vector.broadcast %parallel_loop3A_1129 : f32 to vector<16xf32>
        %parallel_loop3A_1131 = arith.cmpf oeq, %parallel_loop3A_1104, %parallel_loop3A_1130 : vector<16xf32>
        %parallel_loop3A_1132 = arith.constant 1.000000e+00 : f32
        %parallel_loop3A_1133 = arith.constant 0.000000e+00 : f32
        %parallel_loop3A_1134 = vector.broadcast %parallel_loop3A_1132 : f32 to vector<16xf32>
        %parallel_loop3A_1135 = vector.broadcast %parallel_loop3A_1133 : f32 to vector<16xf32>
        %parallel_loop3A_1136 = arith.select %parallel_loop3A_1131, %parallel_loop3A_1134, %parallel_loop3A_1135 : vector<16xi1>, vector<16xf32>
        %parallel_loop3A_1137 = arith.constant 118 : i32
        %parallel_loop3A_1138 = arith.index_cast %parallel_loop3A_1137 : i32 to index
        %parallel_loop3A_1139 = arith.index_cast %parallel_loop3A_84 : i32 to index
        %parallel_loop3A_1140 = tpu.vector_load %arg9[%parallel_loop3A_1138, %parallel_loop3A_1139] {strides = array<i32>} : memref<166x128xf32, #tpu.memory_space<vmem>>, vector<16xf32>,
        tpu.vector_store %arg9[%parallel_loop3A_1138, %parallel_loop3A_1139], %parallel_loop3A_1136 {strides = array<i32>} : memref<166x128xf32, #tpu.memory_space<vmem>>, vector<16xf32>,
        %parallel_loop3A_1141 = arith.constant 3.000000e+00 : f32
        %parallel_loop3A_1142 = vector.broadcast %parallel_loop3A_1141 : f32 to vector<16xf32>
        %parallel_loop3A_1143 = arith.cmpf oeq, %parallel_loop3A_1104, %parallel_loop3A_1142 : vector<16xf32>
        %parallel_loop3A_1144 = arith.constant 1.000000e+00 : f32
        %parallel_loop3A_1145 = arith.constant 0.000000e+00 : f32
        %parallel_loop3A_1146 = vector.broadcast %parallel_loop3A_1144 : f32 to vector<16xf32>
        %parallel_loop3A_1147 = vector.broadcast %parallel_loop3A_1145 : f32 to vector<16xf32>
        %parallel_loop3A_1148 = arith.select %parallel_loop3A_1143, %parallel_loop3A_1146, %parallel_loop3A_1147 : vector<16xi1>, vector<16xf32>
        %parallel_loop3A_1149 = arith.constant 119 : i32
        %parallel_loop3A_1150 = arith.index_cast %parallel_loop3A_1149 : i32 to index
        %parallel_loop3A_1151 = arith.index_cast %parallel_loop3A_84 : i32 to index
        %parallel_loop3A_1152 = tpu.vector_load %arg9[%parallel_loop3A_1150, %parallel_loop3A_1151] {strides = array<i32>} : memref<166x128xf32, #tpu.memory_space<vmem>>, vector<16xf32>,
        tpu.vector_store %arg9[%parallel_loop3A_1150, %parallel_loop3A_1151], %parallel_loop3A_1148 {strides = array<i32>} : memref<166x128xf32, #tpu.memory_space<vmem>>, vector<16xf32>,
        %parallel_loop3A_1153 = arith.constant 2 : i32
        %parallel_loop3A_1154 = arith.index_cast %parallel_loop3A_1153 : i32 to index
        %parallel_loop3A_1155 = arith.index_cast %parallel_loop3A_84 : i32 to index
        %parallel_loop3A_1156 = tpu.vector_load %arg7[%parallel_loop3A_1154, %parallel_loop3A_1155] {strides = array<i32>} : memref<44x128xf32, #tpu.memory_space<vmem>>, vector<16xf32>,
        %parallel_loop3A_1157 = arith.constant 0.000000e+00 : f32
        %parallel_loop3A_1158 = vector.broadcast %parallel_loop3A_1157 : f32 to vector<16xf32>
        %parallel_loop3A_1159 = arith.cmpf oeq, %parallel_loop3A_1156, %parallel_loop3A_1158 : vector<16xf32>
        %parallel_loop3A_1160 = arith.constant 1.000000e+00 : f32
        %parallel_loop3A_1161 = arith.constant 0.000000e+00 : f32
        %parallel_loop3A_1162 = vector.broadcast %parallel_loop3A_1160 : f32 to vector<16xf32>
        %parallel_loop3A_1163 = vector.broadcast %parallel_loop3A_1161 : f32 to vector<16xf32>
        %parallel_loop3A_1164 = arith.select %parallel_loop3A_1159, %parallel_loop3A_1162, %parallel_loop3A_1163 : vector<16xi1>, vector<16xf32>
        %parallel_loop3A_1165 = arith.constant 120 : i32
        %parallel_loop3A_1166 = arith.index_cast %parallel_loop3A_1165 : i32 to index
        %parallel_loop3A_1167 = arith.index_cast %parallel_loop3A_84 : i32 to index
        %parallel_loop3A_1168 = tpu.vector_load %arg9[%parallel_loop3A_1166, %parallel_loop3A_1167] {strides = array<i32>} : memref<166x128xf32, #tpu.memory_space<vmem>>, vector<16xf32>,
        tpu.vector_store %arg9[%parallel_loop3A_1166, %parallel_loop3A_1167], %parallel_loop3A_1164 {strides = array<i32>} : memref<166x128xf32, #tpu.memory_space<vmem>>, vector<16xf32>,
        %parallel_loop3A_1169 = arith.constant 1.000000e+00 : f32
        %parallel_loop3A_1170 = vector.broadcast %parallel_loop3A_1169 : f32 to vector<16xf32>
        %parallel_loop3A_1171 = arith.cmpf oeq, %parallel_loop3A_1156, %parallel_loop3A_1170 : vector<16xf32>
        %parallel_loop3A_1172 = arith.constant 1.000000e+00 : f32
        %parallel_loop3A_1173 = arith.constant 0.000000e+00 : f32
        %parallel_loop3A_1174 = vector.broadcast %parallel_loop3A_1172 : f32 to vector<16xf32>
        %parallel_loop3A_1175 = vector.broadcast %parallel_loop3A_1173 : f32 to vector<16xf32>
        %parallel_loop3A_1176 = arith.select %parallel_loop3A_1171, %parallel_loop3A_1174, %parallel_loop3A_1175 : vector<16xi1>, vector<16xf32>
        %parallel_loop3A_1177 = arith.constant 121 : i32
        %parallel_loop3A_1178 = arith.index_cast %parallel_loop3A_1177 : i32 to index
        %parallel_loop3A_1179 = arith.index_cast %parallel_loop3A_84 : i32 to index
        %parallel_loop3A_1180 = tpu.vector_load %arg9[%parallel_loop3A_1178, %parallel_loop3A_1179] {strides = array<i32>} : memref<166x128xf32, #tpu.memory_space<vmem>>, vector<16xf32>,
        tpu.vector_store %arg9[%parallel_loop3A_1178, %parallel_loop3A_1179], %parallel_loop3A_1176 {strides = array<i32>} : memref<166x128xf32, #tpu.memory_space<vmem>>, vector<16xf32>,
        %parallel_loop3A_1181 = arith.constant 2.000000e+00 : f32
        %parallel_loop3A_1182 = vector.broadcast %parallel_loop3A_1181 : f32 to vector<16xf32>
        %parallel_loop3A_1183 = arith.cmpf oeq, %parallel_loop3A_1156, %parallel_loop3A_1182 : vector<16xf32>
        %parallel_loop3A_1184 = arith.constant 1.000000e+00 : f32
        %parallel_loop3A_1185 = arith.constant 0.000000e+00 : f32
        %parallel_loop3A_1186 = vector.broadcast %parallel_loop3A_1184 : f32 to vector<16xf32>
        %parallel_loop3A_1187 = vector.broadcast %parallel_loop3A_1185 : f32 to vector<16xf32>
        %parallel_loop3A_1188 = arith.select %parallel_loop3A_1183, %parallel_loop3A_1186, %parallel_loop3A_1187 : vector<16xi1>, vector<16xf32>
        %parallel_loop3A_1189 = arith.constant 122 : i32
        %parallel_loop3A_1190 = arith.index_cast %parallel_loop3A_1189 : i32 to index
        %parallel_loop3A_1191 = arith.index_cast %parallel_loop3A_84 : i32 to index
        %parallel_loop3A_1192 = tpu.vector_load %arg9[%parallel_loop3A_1190, %parallel_loop3A_1191] {strides = array<i32>} : memref<166x128xf32, #tpu.memory_space<vmem>>, vector<16xf32>,
        tpu.vector_store %arg9[%parallel_loop3A_1190, %parallel_loop3A_1191], %parallel_loop3A_1188 {strides = array<i32>} : memref<166x128xf32, #tpu.memory_space<vmem>>, vector<16xf32>,
        %parallel_loop3A_1193 = arith.constant 3.000000e+00 : f32
        %parallel_loop3A_1194 = vector.broadcast %parallel_loop3A_1193 : f32 to vector<16xf32>
        %parallel_loop3A_1195 = arith.cmpf oeq, %parallel_loop3A_1156, %parallel_loop3A_1194 : vector<16xf32>
        %parallel_loop3A_1196 = arith.constant 1.000000e+00 : f32
        %parallel_loop3A_1197 = arith.constant 0.000000e+00 : f32
        %parallel_loop3A_1198 = vector.broadcast %parallel_loop3A_1196 : f32 to vector<16xf32>
        %parallel_loop3A_1199 = vector.broadcast %parallel_loop3A_1197 : f32 to vector<16xf32>
        %parallel_loop3A_1200 = arith.select %parallel_loop3A_1195, %parallel_loop3A_1198, %parallel_loop3A_1199 : vector<16xi1>, vector<16xf32>
        %parallel_loop3A_1201 = arith.constant 123 : i32
        %parallel_loop3A_1202 = arith.index_cast %parallel_loop3A_1201 : i32 to index
        %parallel_loop3A_1203 = arith.index_cast %parallel_loop3A_84 : i32 to index
        %parallel_loop3A_1204 = tpu.vector_load %arg9[%parallel_loop3A_1202, %parallel_loop3A_1203] {strides = array<i32>} : memref<166x128xf32, #tpu.memory_space<vmem>>, vector<16xf32>,
        tpu.vector_store %arg9[%parallel_loop3A_1202, %parallel_loop3A_1203], %parallel_loop3A_1200 {strides = array<i32>} : memref<166x128xf32, #tpu.memory_space<vmem>>, vector<16xf32>,
        %parallel_loop3A_1205 = arith.constant 4.000000e+00 : f32
        %parallel_loop3A_1206 = vector.broadcast %parallel_loop3A_1205 : f32 to vector<16xf32>
        %parallel_loop3A_1207 = arith.cmpf oeq, %parallel_loop3A_1156, %parallel_loop3A_1206 : vector<16xf32>
        %parallel_loop3A_1208 = arith.constant 1.000000e+00 : f32
        %parallel_loop3A_1209 = arith.constant 0.000000e+00 : f32
        %parallel_loop3A_1210 = vector.broadcast %parallel_loop3A_1208 : f32 to vector<16xf32>
        %parallel_loop3A_1211 = vector.broadcast %parallel_loop3A_1209 : f32 to vector<16xf32>
        %parallel_loop3A_1212 = arith.select %parallel_loop3A_1207, %parallel_loop3A_1210, %parallel_loop3A_1211 : vector<16xi1>, vector<16xf32>
        %parallel_loop3A_1213 = arith.constant 124 : i32
        %parallel_loop3A_1214 = arith.index_cast %parallel_loop3A_1213 : i32 to index
        %parallel_loop3A_1215 = arith.index_cast %parallel_loop3A_84 : i32 to index
        %parallel_loop3A_1216 = tpu.vector_load %arg9[%parallel_loop3A_1214, %parallel_loop3A_1215] {strides = array<i32>} : memref<166x128xf32, #tpu.memory_space<vmem>>, vector<16xf32>,
        tpu.vector_store %arg9[%parallel_loop3A_1214, %parallel_loop3A_1215], %parallel_loop3A_1212 {strides = array<i32>} : memref<166x128xf32, #tpu.memory_space<vmem>>, vector<16xf32>,
        %parallel_loop3A_1217 = arith.constant 5.000000e+00 : f32
        %parallel_loop3A_1218 = vector.broadcast %parallel_loop3A_1217 : f32 to vector<16xf32>
        %parallel_loop3A_1219 = arith.cmpf oeq, %parallel_loop3A_1156, %parallel_loop3A_1218 : vector<16xf32>
        %parallel_loop3A_1220 = arith.constant 1.000000e+00 : f32
        %parallel_loop3A_1221 = arith.constant 0.000000e+00 : f32
        %parallel_loop3A_1222 = vector.broadcast %parallel_loop3A_1220 : f32 to vector<16xf32>
        %parallel_loop3A_1223 = vector.broadcast %parallel_loop3A_1221 : f32 to vector<16xf32>
        %parallel_loop3A_1224 = arith.select %parallel_loop3A_1219, %parallel_loop3A_1222, %parallel_loop3A_1223 : vector<16xi1>, vector<16xf32>
        %parallel_loop3A_1225 = arith.constant 125 : i32
        %parallel_loop3A_1226 = arith.index_cast %parallel_loop3A_1225 : i32 to index
        %parallel_loop3A_1227 = arith.index_cast %parallel_loop3A_84 : i32 to index
        %parallel_loop3A_1228 = tpu.vector_load %arg9[%parallel_loop3A_1226, %parallel_loop3A_1227] {strides = array<i32>} : memref<166x128xf32, #tpu.memory_space<vmem>>, vector<16xf32>,
        tpu.vector_store %arg9[%parallel_loop3A_1226, %parallel_loop3A_1227], %parallel_loop3A_1224 {strides = array<i32>} : memref<166x128xf32, #tpu.memory_space<vmem>>, vector<16xf32>,
        %parallel_loop3A_1229 = arith.constant 6.000000e+00 : f32
        %parallel_loop3A_1230 = vector.broadcast %parallel_loop3A_1229 : f32 to vector<16xf32>
        %parallel_loop3A_1231 = arith.cmpf oeq, %parallel_loop3A_1156, %parallel_loop3A_1230 : vector<16xf32>
        %parallel_loop3A_1232 = arith.constant 1.000000e+00 : f32
        %parallel_loop3A_1233 = arith.constant 0.000000e+00 : f32
        %parallel_loop3A_1234 = vector.broadcast %parallel_loop3A_1232 : f32 to vector<16xf32>
        %parallel_loop3A_1235 = vector.broadcast %parallel_loop3A_1233 : f32 to vector<16xf32>
        %parallel_loop3A_1236 = arith.select %parallel_loop3A_1231, %parallel_loop3A_1234, %parallel_loop3A_1235 : vector<16xi1>, vector<16xf32>
        %parallel_loop3A_1237 = arith.constant 126 : i32
        %parallel_loop3A_1238 = arith.index_cast %parallel_loop3A_1237 : i32 to index
        %parallel_loop3A_1239 = arith.index_cast %parallel_loop3A_84 : i32 to index
        %parallel_loop3A_1240 = tpu.vector_load %arg9[%parallel_loop3A_1238, %parallel_loop3A_1239] {strides = array<i32>} : memref<166x128xf32, #tpu.memory_space<vmem>>, vector<16xf32>,
        tpu.vector_store %arg9[%parallel_loop3A_1238, %parallel_loop3A_1239], %parallel_loop3A_1236 {strides = array<i32>} : memref<166x128xf32, #tpu.memory_space<vmem>>, vector<16xf32>,
        %parallel_loop3A_1241 = arith.constant 7.000000e+00 : f32
        %parallel_loop3A_1242 = vector.broadcast %parallel_loop3A_1241 : f32 to vector<16xf32>
        %parallel_loop3A_1243 = arith.cmpf oeq, %parallel_loop3A_1156, %parallel_loop3A_1242 : vector<16xf32>
        %parallel_loop3A_1244 = arith.constant 1.000000e+00 : f32
        %parallel_loop3A_1245 = arith.constant 0.000000e+00 : f32
        %parallel_loop3A_1246 = vector.broadcast %parallel_loop3A_1244 : f32 to vector<16xf32>
        %parallel_loop3A_1247 = vector.broadcast %parallel_loop3A_1245 : f32 to vector<16xf32>
        %parallel_loop3A_1248 = arith.select %parallel_loop3A_1243, %parallel_loop3A_1246, %parallel_loop3A_1247 : vector<16xi1>, vector<16xf32>
        %parallel_loop3A_1249 = arith.constant 127 : i32
        %parallel_loop3A_1250 = arith.index_cast %parallel_loop3A_1249 : i32 to index
        %parallel_loop3A_1251 = arith.index_cast %parallel_loop3A_84 : i32 to index
        %parallel_loop3A_1252 = tpu.vector_load %arg9[%parallel_loop3A_1250, %parallel_loop3A_1251] {strides = array<i32>} : memref<166x128xf32, #tpu.memory_space<vmem>>, vector<16xf32>,
        tpu.vector_store %arg9[%parallel_loop3A_1250, %parallel_loop3A_1251], %parallel_loop3A_1248 {strides = array<i32>} : memref<166x128xf32, #tpu.memory_space<vmem>>, vector<16xf32>,
        %parallel_loop3A_1253 = arith.constant 8.000000e+00 : f32
        %parallel_loop3A_1254 = vector.broadcast %parallel_loop3A_1253 : f32 to vector<16xf32>
        %parallel_loop3A_1255 = arith.cmpf oeq, %parallel_loop3A_1156, %parallel_loop3A_1254 : vector<16xf32>
        %parallel_loop3A_1256 = arith.constant 1.000000e+00 : f32
        %parallel_loop3A_1257 = arith.constant 0.000000e+00 : f32
        %parallel_loop3A_1258 = vector.broadcast %parallel_loop3A_1256 : f32 to vector<16xf32>
        %parallel_loop3A_1259 = vector.broadcast %parallel_loop3A_1257 : f32 to vector<16xf32>
        %parallel_loop3A_1260 = arith.select %parallel_loop3A_1255, %parallel_loop3A_1258, %parallel_loop3A_1259 : vector<16xi1>, vector<16xf32>
        %parallel_loop3A_1261 = arith.constant 128 : i32
        %parallel_loop3A_1262 = arith.index_cast %parallel_loop3A_1261 : i32 to index
        %parallel_loop3A_1263 = arith.index_cast %parallel_loop3A_84 : i32 to index
        %parallel_loop3A_1264 = tpu.vector_load %arg9[%parallel_loop3A_1262, %parallel_loop3A_1263] {strides = array<i32>} : memref<166x128xf32, #tpu.memory_space<vmem>>, vector<16xf32>,
        tpu.vector_store %arg9[%parallel_loop3A_1262, %parallel_loop3A_1263], %parallel_loop3A_1260 {strides = array<i32>} : memref<166x128xf32, #tpu.memory_space<vmem>>, vector<16xf32>,
        %parallel_loop3A_1265 = arith.constant 9.000000e+00 : f32
        %parallel_loop3A_1266 = vector.broadcast %parallel_loop3A_1265 : f32 to vector<16xf32>
        %parallel_loop3A_1267 = arith.cmpf oeq, %parallel_loop3A_1156, %parallel_loop3A_1266 : vector<16xf32>
        %parallel_loop3A_1268 = arith.constant 1.000000e+00 : f32
        %parallel_loop3A_1269 = arith.constant 0.000000e+00 : f32
        %parallel_loop3A_1270 = vector.broadcast %parallel_loop3A_1268 : f32 to vector<16xf32>
        %parallel_loop3A_1271 = vector.broadcast %parallel_loop3A_1269 : f32 to vector<16xf32>
        %parallel_loop3A_1272 = arith.select %parallel_loop3A_1267, %parallel_loop3A_1270, %parallel_loop3A_1271 : vector<16xi1>, vector<16xf32>
        %parallel_loop3A_1273 = arith.constant 129 : i32
        %parallel_loop3A_1274 = arith.index_cast %parallel_loop3A_1273 : i32 to index
        %parallel_loop3A_1275 = arith.index_cast %parallel_loop3A_84 : i32 to index
        %parallel_loop3A_1276 = tpu.vector_load %arg9[%parallel_loop3A_1274, %parallel_loop3A_1275] {strides = array<i32>} : memref<166x128xf32, #tpu.memory_space<vmem>>, vector<16xf32>,
        tpu.vector_store %arg9[%parallel_loop3A_1274, %parallel_loop3A_1275], %parallel_loop3A_1272 {strides = array<i32>} : memref<166x128xf32, #tpu.memory_space<vmem>>, vector<16xf32>,
        %parallel_loop3A_1277 = arith.constant 1.000000e+01 : f32
        %parallel_loop3A_1278 = vector.broadcast %parallel_loop3A_1277 : f32 to vector<16xf32>
        %parallel_loop3A_1279 = arith.cmpf oeq, %parallel_loop3A_1156, %parallel_loop3A_1278 : vector<16xf32>
        %parallel_loop3A_1280 = arith.constant 1.000000e+00 : f32
        %parallel_loop3A_1281 = arith.constant 0.000000e+00 : f32
        %parallel_loop3A_1282 = vector.broadcast %parallel_loop3A_1280 : f32 to vector<16xf32>
        %parallel_loop3A_1283 = vector.broadcast %parallel_loop3A_1281 : f32 to vector<16xf32>
        %parallel_loop3A_1284 = arith.select %parallel_loop3A_1279, %parallel_loop3A_1282, %parallel_loop3A_1283 : vector<16xi1>, vector<16xf32>
        %parallel_loop3A_1285 = arith.constant 130 : i32
        %parallel_loop3A_1286 = arith.index_cast %parallel_loop3A_1285 : i32 to index
        %parallel_loop3A_1287 = arith.index_cast %parallel_loop3A_84 : i32 to index
        %parallel_loop3A_1288 = tpu.vector_load %arg9[%parallel_loop3A_1286, %parallel_loop3A_1287] {strides = array<i32>} : memref<166x128xf32, #tpu.memory_space<vmem>>, vector<16xf32>,
        tpu.vector_store %arg9[%parallel_loop3A_1286, %parallel_loop3A_1287], %parallel_loop3A_1284 {strides = array<i32>} : memref<166x128xf32, #tpu.memory_space<vmem>>, vector<16xf32>,
        %parallel_loop3A_1289 = arith.constant 1.100000e+01 : f32
        %parallel_loop3A_1290 = vector.broadcast %parallel_loop3A_1289 : f32 to vector<16xf32>
        %parallel_loop3A_1291 = arith.cmpf oeq, %parallel_loop3A_1156, %parallel_loop3A_1290 : vector<16xf32>
        %parallel_loop3A_1292 = arith.constant 1.000000e+00 : f32
        %parallel_loop3A_1293 = arith.constant 0.000000e+00 : f32
        %parallel_loop3A_1294 = vector.broadcast %parallel_loop3A_1292 : f32 to vector<16xf32>
        %parallel_loop3A_1295 = vector.broadcast %parallel_loop3A_1293 : f32 to vector<16xf32>
        %parallel_loop3A_1296 = arith.select %parallel_loop3A_1291, %parallel_loop3A_1294, %parallel_loop3A_1295 : vector<16xi1>, vector<16xf32>
        %parallel_loop3A_1297 = arith.constant 131 : i32
        %parallel_loop3A_1298 = arith.index_cast %parallel_loop3A_1297 : i32 to index
        %parallel_loop3A_1299 = arith.index_cast %parallel_loop3A_84 : i32 to index
        %parallel_loop3A_1300 = tpu.vector_load %arg9[%parallel_loop3A_1298, %parallel_loop3A_1299] {strides = array<i32>} : memref<166x128xf32, #tpu.memory_space<vmem>>, vector<16xf32>,
        tpu.vector_store %arg9[%parallel_loop3A_1298, %parallel_loop3A_1299], %parallel_loop3A_1296 {strides = array<i32>} : memref<166x128xf32, #tpu.memory_space<vmem>>, vector<16xf32>,
        %parallel_loop3A_1301 = arith.constant 1.200000e+01 : f32
        %parallel_loop3A_1302 = vector.broadcast %parallel_loop3A_1301 : f32 to vector<16xf32>
        %parallel_loop3A_1303 = arith.cmpf oeq, %parallel_loop3A_1156, %parallel_loop3A_1302 : vector<16xf32>
        %parallel_loop3A_1304 = arith.constant 1.000000e+00 : f32
        %parallel_loop3A_1305 = arith.constant 0.000000e+00 : f32
        %parallel_loop3A_1306 = vector.broadcast %parallel_loop3A_1304 : f32 to vector<16xf32>
        %parallel_loop3A_1307 = vector.broadcast %parallel_loop3A_1305 : f32 to vector<16xf32>
        %parallel_loop3A_1308 = arith.select %parallel_loop3A_1303, %parallel_loop3A_1306, %parallel_loop3A_1307 : vector<16xi1>, vector<16xf32>
        %parallel_loop3A_1309 = arith.constant 132 : i32
        %parallel_loop3A_1310 = arith.index_cast %parallel_loop3A_1309 : i32 to index
        %parallel_loop3A_1311 = arith.index_cast %parallel_loop3A_84 : i32 to index
        %parallel_loop3A_1312 = tpu.vector_load %arg9[%parallel_loop3A_1310, %parallel_loop3A_1311] {strides = array<i32>} : memref<166x128xf32, #tpu.memory_space<vmem>>, vector<16xf32>,
        tpu.vector_store %arg9[%parallel_loop3A_1310, %parallel_loop3A_1311], %parallel_loop3A_1308 {strides = array<i32>} : memref<166x128xf32, #tpu.memory_space<vmem>>, vector<16xf32>,
        %parallel_loop3A_1313 = arith.constant 1.300000e+01 : f32
        %parallel_loop3A_1314 = vector.broadcast %parallel_loop3A_1313 : f32 to vector<16xf32>
        %parallel_loop3A_1315 = arith.cmpf oeq, %parallel_loop3A_1156, %parallel_loop3A_1314 : vector<16xf32>
        %parallel_loop3A_1316 = arith.constant 1.000000e+00 : f32
        %parallel_loop3A_1317 = arith.constant 0.000000e+00 : f32
        %parallel_loop3A_1318 = vector.broadcast %parallel_loop3A_1316 : f32 to vector<16xf32>
        %parallel_loop3A_1319 = vector.broadcast %parallel_loop3A_1317 : f32 to vector<16xf32>
        %parallel_loop3A_1320 = arith.select %parallel_loop3A_1315, %parallel_loop3A_1318, %parallel_loop3A_1319 : vector<16xi1>, vector<16xf32>
        %parallel_loop3A_1321 = arith.constant 133 : i32
        %parallel_loop3A_1322 = arith.index_cast %parallel_loop3A_1321 : i32 to index
        %parallel_loop3A_1323 = arith.index_cast %parallel_loop3A_84 : i32 to index
        %parallel_loop3A_1324 = tpu.vector_load %arg9[%parallel_loop3A_1322, %parallel_loop3A_1323] {strides = array<i32>} : memref<166x128xf32, #tpu.memory_space<vmem>>, vector<16xf32>,
        tpu.vector_store %arg9[%parallel_loop3A_1322, %parallel_loop3A_1323], %parallel_loop3A_1320 {strides = array<i32>} : memref<166x128xf32, #tpu.memory_space<vmem>>, vector<16xf32>,
        %parallel_loop3A_1325 = arith.constant 1.400000e+01 : f32
        %parallel_loop3A_1326 = vector.broadcast %parallel_loop3A_1325 : f32 to vector<16xf32>
        %parallel_loop3A_1327 = arith.cmpf oeq, %parallel_loop3A_1156, %parallel_loop3A_1326 : vector<16xf32>
        %parallel_loop3A_1328 = arith.constant 1.000000e+00 : f32
        %parallel_loop3A_1329 = arith.constant 0.000000e+00 : f32
        %parallel_loop3A_1330 = vector.broadcast %parallel_loop3A_1328 : f32 to vector<16xf32>
        %parallel_loop3A_1331 = vector.broadcast %parallel_loop3A_1329 : f32 to vector<16xf32>
        %parallel_loop3A_1332 = arith.select %parallel_loop3A_1327, %parallel_loop3A_1330, %parallel_loop3A_1331 : vector<16xi1>, vector<16xf32>
        %parallel_loop3A_1333 = arith.constant 134 : i32
        %parallel_loop3A_1334 = arith.index_cast %parallel_loop3A_1333 : i32 to index
        %parallel_loop3A_1335 = arith.index_cast %parallel_loop3A_84 : i32 to index
        %parallel_loop3A_1336 = tpu.vector_load %arg9[%parallel_loop3A_1334, %parallel_loop3A_1335] {strides = array<i32>} : memref<166x128xf32, #tpu.memory_space<vmem>>, vector<16xf32>,
        tpu.vector_store %arg9[%parallel_loop3A_1334, %parallel_loop3A_1335], %parallel_loop3A_1332 {strides = array<i32>} : memref<166x128xf32, #tpu.memory_space<vmem>>, vector<16xf32>,
        %parallel_loop3A_1337 = arith.constant 13 : i32
        %parallel_loop3A_1338 = arith.index_cast %parallel_loop3A_1337 : i32 to index
        %parallel_loop3A_1339 = arith.index_cast %parallel_loop3A_84 : i32 to index
        %parallel_loop3A_1340 = tpu.vector_load %arg7[%parallel_loop3A_1338, %parallel_loop3A_1339] {strides = array<i32>} : memref<44x128xf32, #tpu.memory_space<vmem>>, vector<16xf32>,
        %parallel_loop3A_1341 = arith.constant 135 : i32
        %parallel_loop3A_1342 = arith.index_cast %parallel_loop3A_1341 : i32 to index
        %parallel_loop3A_1343 = arith.index_cast %parallel_loop3A_84 : i32 to index
        %parallel_loop3A_1344 = tpu.vector_load %arg9[%parallel_loop3A_1342, %parallel_loop3A_1343] {strides = array<i32>} : memref<166x128xf32, #tpu.memory_space<vmem>>, vector<16xf32>,
        tpu.vector_store %arg9[%parallel_loop3A_1342, %parallel_loop3A_1343], %parallel_loop3A_1340 {strides = array<i32>} : memref<166x128xf32, #tpu.memory_space<vmem>>, vector<16xf32>,
        %parallel_loop3A_1345 = arith.constant 14 : i32
        %parallel_loop3A_1346 = arith.index_cast %parallel_loop3A_1345 : i32 to index
        %parallel_loop3A_1347 = arith.index_cast %parallel_loop3A_84 : i32 to index
        %parallel_loop3A_1348 = tpu.vector_load %arg7[%parallel_loop3A_1346, %parallel_loop3A_1347] {strides = array<i32>} : memref<44x128xf32, #tpu.memory_space<vmem>>, vector<16xf32>,
        %parallel_loop3A_1349 = arith.constant 136 : i32
        %parallel_loop3A_1350 = arith.index_cast %parallel_loop3A_1349 : i32 to index
        %parallel_loop3A_1351 = arith.index_cast %parallel_loop3A_84 : i32 to index
        %parallel_loop3A_1352 = tpu.vector_load %arg9[%parallel_loop3A_1350, %parallel_loop3A_1351] {strides = array<i32>} : memref<166x128xf32, #tpu.memory_space<vmem>>, vector<16xf32>,
        tpu.vector_store %arg9[%parallel_loop3A_1350, %parallel_loop3A_1351], %parallel_loop3A_1348 {strides = array<i32>} : memref<166x128xf32, #tpu.memory_space<vmem>>, vector<16xf32>,
        %parallel_loop3A_1353 = arith.constant 15 : i32
        %parallel_loop3A_1354 = arith.index_cast %parallel_loop3A_1353 : i32 to index
        %parallel_loop3A_1355 = arith.index_cast %parallel_loop3A_84 : i32 to index
        %parallel_loop3A_1356 = tpu.vector_load %arg7[%parallel_loop3A_1354, %parallel_loop3A_1355] {strides = array<i32>} : memref<44x128xf32, #tpu.memory_space<vmem>>, vector<16xf32>,
        %parallel_loop3A_1357 = arith.constant 137 : i32
        %parallel_loop3A_1358 = arith.index_cast %parallel_loop3A_1357 : i32 to index
        %parallel_loop3A_1359 = arith.index_cast %parallel_loop3A_84 : i32 to index
        %parallel_loop3A_1360 = tpu.vector_load %arg9[%parallel_loop3A_1358, %parallel_loop3A_1359] {strides = array<i32>} : memref<166x128xf32, #tpu.memory_space<vmem>>, vector<16xf32>,
        tpu.vector_store %arg9[%parallel_loop3A_1358, %parallel_loop3A_1359], %parallel_loop3A_1356 {strides = array<i32>} : memref<166x128xf32, #tpu.memory_space<vmem>>, vector<16xf32>,
        %parallel_loop3A_1361 = arith.constant 16 : i32
        %parallel_loop3A_1362 = arith.index_cast %parallel_loop3A_1361 : i32 to index
        %parallel_loop3A_1363 = arith.index_cast %parallel_loop3A_84 : i32 to index
        %parallel_loop3A_1364 = tpu.vector_load %arg7[%parallel_loop3A_1362, %parallel_loop3A_1363] {strides = array<i32>} : memref<44x128xf32, #tpu.memory_space<vmem>>, vector<16xf32>,
        %parallel_loop3A_1365 = arith.constant 138 : i32
        %parallel_loop3A_1366 = arith.index_cast %parallel_loop3A_1365 : i32 to index
        %parallel_loop3A_1367 = arith.index_cast %parallel_loop3A_84 : i32 to index
        %parallel_loop3A_1368 = tpu.vector_load %arg9[%parallel_loop3A_1366, %parallel_loop3A_1367] {strides = array<i32>} : memref<166x128xf32, #tpu.memory_space<vmem>>, vector<16xf32>,
        tpu.vector_store %arg9[%parallel_loop3A_1366, %parallel_loop3A_1367], %parallel_loop3A_1364 {strides = array<i32>} : memref<166x128xf32, #tpu.memory_space<vmem>>, vector<16xf32>,
        %parallel_loop3A_1369 = arith.constant 17 : i32
        %parallel_loop3A_1370 = arith.index_cast %parallel_loop3A_1369 : i32 to index
        %parallel_loop3A_1371 = arith.index_cast %parallel_loop3A_84 : i32 to index
        %parallel_loop3A_1372 = tpu.vector_load %arg7[%parallel_loop3A_1370, %parallel_loop3A_1371] {strides = array<i32>} : memref<44x128xf32, #tpu.memory_space<vmem>>, vector<16xf32>,
        %parallel_loop3A_1373 = arith.constant 139 : i32
        %parallel_loop3A_1374 = arith.index_cast %parallel_loop3A_1373 : i32 to index
        %parallel_loop3A_1375 = arith.index_cast %parallel_loop3A_84 : i32 to index
        %parallel_loop3A_1376 = tpu.vector_load %arg9[%parallel_loop3A_1374, %parallel_loop3A_1375] {strides = array<i32>} : memref<166x128xf32, #tpu.memory_space<vmem>>, vector<16xf32>,
        tpu.vector_store %arg9[%parallel_loop3A_1374, %parallel_loop3A_1375], %parallel_loop3A_1372 {strides = array<i32>} : memref<166x128xf32, #tpu.memory_space<vmem>>, vector<16xf32>,
        %parallel_loop3A_1377 = arith.constant 18 : i32
        %parallel_loop3A_1378 = arith.index_cast %parallel_loop3A_1377 : i32 to index
        %parallel_loop3A_1379 = arith.index_cast %parallel_loop3A_84 : i32 to index
        %parallel_loop3A_1380 = tpu.vector_load %arg7[%parallel_loop3A_1378, %parallel_loop3A_1379] {strides = array<i32>} : memref<44x128xf32, #tpu.memory_space<vmem>>, vector<16xf32>,
        %parallel_loop3A_1381 = arith.constant 140 : i32
        %parallel_loop3A_1382 = arith.index_cast %parallel_loop3A_1381 : i32 to index
        %parallel_loop3A_1383 = arith.index_cast %parallel_loop3A_84 : i32 to index
        %parallel_loop3A_1384 = tpu.vector_load %arg9[%parallel_loop3A_1382, %parallel_loop3A_1383] {strides = array<i32>} : memref<166x128xf32, #tpu.memory_space<vmem>>, vector<16xf32>,
        tpu.vector_store %arg9[%parallel_loop3A_1382, %parallel_loop3A_1383], %parallel_loop3A_1380 {strides = array<i32>} : memref<166x128xf32, #tpu.memory_space<vmem>>, vector<16xf32>,
        %parallel_loop3A_1385 = arith.constant 19 : i32
        %parallel_loop3A_1386 = arith.index_cast %parallel_loop3A_1385 : i32 to index
        %parallel_loop3A_1387 = arith.index_cast %parallel_loop3A_84 : i32 to index
        %parallel_loop3A_1388 = tpu.vector_load %arg7[%parallel_loop3A_1386, %parallel_loop3A_1387] {strides = array<i32>} : memref<44x128xf32, #tpu.memory_space<vmem>>, vector<16xf32>,
        %parallel_loop3A_1389 = arith.constant 141 : i32
        %parallel_loop3A_1390 = arith.index_cast %parallel_loop3A_1389 : i32 to index
        %parallel_loop3A_1391 = arith.index_cast %parallel_loop3A_84 : i32 to index
        %parallel_loop3A_1392 = tpu.vector_load %arg9[%parallel_loop3A_1390, %parallel_loop3A_1391] {strides = array<i32>} : memref<166x128xf32, #tpu.memory_space<vmem>>, vector<16xf32>,
        tpu.vector_store %arg9[%parallel_loop3A_1390, %parallel_loop3A_1391], %parallel_loop3A_1388 {strides = array<i32>} : memref<166x128xf32, #tpu.memory_space<vmem>>, vector<16xf32>,
        %parallel_loop3A_1393 = arith.constant 20 : i32
        %parallel_loop3A_1394 = arith.index_cast %parallel_loop3A_1393 : i32 to index
        %parallel_loop3A_1395 = arith.index_cast %parallel_loop3A_84 : i32 to index
        %parallel_loop3A_1396 = tpu.vector_load %arg7[%parallel_loop3A_1394, %parallel_loop3A_1395] {strides = array<i32>} : memref<44x128xf32, #tpu.memory_space<vmem>>, vector<16xf32>,
        %parallel_loop3A_1397 = arith.constant 142 : i32
        %parallel_loop3A_1398 = arith.index_cast %parallel_loop3A_1397 : i32 to index
        %parallel_loop3A_1399 = arith.index_cast %parallel_loop3A_84 : i32 to index
        %parallel_loop3A_1400 = tpu.vector_load %arg9[%parallel_loop3A_1398, %parallel_loop3A_1399] {strides = array<i32>} : memref<166x128xf32, #tpu.memory_space<vmem>>, vector<16xf32>,
        tpu.vector_store %arg9[%parallel_loop3A_1398, %parallel_loop3A_1399], %parallel_loop3A_1396 {strides = array<i32>} : memref<166x128xf32, #tpu.memory_space<vmem>>, vector<16xf32>,
        %parallel_loop3A_1401 = arith.constant 21 : i32
        %parallel_loop3A_1402 = arith.index_cast %parallel_loop3A_1401 : i32 to index
        %parallel_loop3A_1403 = arith.index_cast %parallel_loop3A_84 : i32 to index
        %parallel_loop3A_1404 = tpu.vector_load %arg7[%parallel_loop3A_1402, %parallel_loop3A_1403] {strides = array<i32>} : memref<44x128xf32, #tpu.memory_space<vmem>>, vector<16xf32>,
        %parallel_loop3A_1405 = arith.constant 143 : i32
        %parallel_loop3A_1406 = arith.index_cast %parallel_loop3A_1405 : i32 to index
        %parallel_loop3A_1407 = arith.index_cast %parallel_loop3A_84 : i32 to index
        %parallel_loop3A_1408 = tpu.vector_load %arg9[%parallel_loop3A_1406, %parallel_loop3A_1407] {strides = array<i32>} : memref<166x128xf32, #tpu.memory_space<vmem>>, vector<16xf32>,
        tpu.vector_store %arg9[%parallel_loop3A_1406, %parallel_loop3A_1407], %parallel_loop3A_1404 {strides = array<i32>} : memref<166x128xf32, #tpu.memory_space<vmem>>, vector<16xf32>,
        %parallel_loop3A_1409 = arith.constant 22 : i32
        %parallel_loop3A_1410 = arith.index_cast %parallel_loop3A_1409 : i32 to index
        %parallel_loop3A_1411 = arith.index_cast %parallel_loop3A_84 : i32 to index
        %parallel_loop3A_1412 = tpu.vector_load %arg7[%parallel_loop3A_1410, %parallel_loop3A_1411] {strides = array<i32>} : memref<44x128xf32, #tpu.memory_space<vmem>>, vector<16xf32>,
        %parallel_loop3A_1413 = arith.constant 144 : i32
        %parallel_loop3A_1414 = arith.index_cast %parallel_loop3A_1413 : i32 to index
        %parallel_loop3A_1415 = arith.index_cast %parallel_loop3A_84 : i32 to index
        %parallel_loop3A_1416 = tpu.vector_load %arg9[%parallel_loop3A_1414, %parallel_loop3A_1415] {strides = array<i32>} : memref<166x128xf32, #tpu.memory_space<vmem>>, vector<16xf32>,
        tpu.vector_store %arg9[%parallel_loop3A_1414, %parallel_loop3A_1415], %parallel_loop3A_1412 {strides = array<i32>} : memref<166x128xf32, #tpu.memory_space<vmem>>, vector<16xf32>,
        %parallel_loop3A_1417 = arith.constant 23 : i32
        %parallel_loop3A_1418 = arith.index_cast %parallel_loop3A_1417 : i32 to index
        %parallel_loop3A_1419 = arith.index_cast %parallel_loop3A_84 : i32 to index
        %parallel_loop3A_1420 = tpu.vector_load %arg7[%parallel_loop3A_1418, %parallel_loop3A_1419] {strides = array<i32>} : memref<44x128xf32, #tpu.memory_space<vmem>>, vector<16xf32>,
        %parallel_loop3A_1421 = arith.constant 145 : i32
        %parallel_loop3A_1422 = arith.index_cast %parallel_loop3A_1421 : i32 to index
        %parallel_loop3A_1423 = arith.index_cast %parallel_loop3A_84 : i32 to index
        %parallel_loop3A_1424 = tpu.vector_load %arg9[%parallel_loop3A_1422, %parallel_loop3A_1423] {strides = array<i32>} : memref<166x128xf32, #tpu.memory_space<vmem>>, vector<16xf32>,
        tpu.vector_store %arg9[%parallel_loop3A_1422, %parallel_loop3A_1423], %parallel_loop3A_1420 {strides = array<i32>} : memref<166x128xf32, #tpu.memory_space<vmem>>, vector<16xf32>,
        %parallel_loop3A_1425 = arith.constant 24 : i32
        %parallel_loop3A_1426 = arith.index_cast %parallel_loop3A_1425 : i32 to index
        %parallel_loop3A_1427 = arith.index_cast %parallel_loop3A_84 : i32 to index
        %parallel_loop3A_1428 = tpu.vector_load %arg7[%parallel_loop3A_1426, %parallel_loop3A_1427] {strides = array<i32>} : memref<44x128xf32, #tpu.memory_space<vmem>>, vector<16xf32>,
        %parallel_loop3A_1429 = arith.constant 146 : i32
        %parallel_loop3A_1430 = arith.index_cast %parallel_loop3A_1429 : i32 to index
        %parallel_loop3A_1431 = arith.index_cast %parallel_loop3A_84 : i32 to index
        %parallel_loop3A_1432 = tpu.vector_load %arg9[%parallel_loop3A_1430, %parallel_loop3A_1431] {strides = array<i32>} : memref<166x128xf32, #tpu.memory_space<vmem>>, vector<16xf32>,
        tpu.vector_store %arg9[%parallel_loop3A_1430, %parallel_loop3A_1431], %parallel_loop3A_1428 {strides = array<i32>} : memref<166x128xf32, #tpu.memory_space<vmem>>, vector<16xf32>,
        %parallel_loop3A_1433 = arith.constant 25 : i32
        %parallel_loop3A_1434 = arith.index_cast %parallel_loop3A_1433 : i32 to index
        %parallel_loop3A_1435 = arith.index_cast %parallel_loop3A_84 : i32 to index
        %parallel_loop3A_1436 = tpu.vector_load %arg7[%parallel_loop3A_1434, %parallel_loop3A_1435] {strides = array<i32>} : memref<44x128xf32, #tpu.memory_space<vmem>>, vector<16xf32>,
        %parallel_loop3A_1437 = arith.constant 147 : i32
        %parallel_loop3A_1438 = arith.index_cast %parallel_loop3A_1437 : i32 to index
        %parallel_loop3A_1439 = arith.index_cast %parallel_loop3A_84 : i32 to index
        %parallel_loop3A_1440 = tpu.vector_load %arg9[%parallel_loop3A_1438, %parallel_loop3A_1439] {strides = array<i32>} : memref<166x128xf32, #tpu.memory_space<vmem>>, vector<16xf32>,
        tpu.vector_store %arg9[%parallel_loop3A_1438, %parallel_loop3A_1439], %parallel_loop3A_1436 {strides = array<i32>} : memref<166x128xf32, #tpu.memory_space<vmem>>, vector<16xf32>,
        %parallel_loop3A_1441 = arith.constant 26 : i32
        %parallel_loop3A_1442 = arith.index_cast %parallel_loop3A_1441 : i32 to index
        %parallel_loop3A_1443 = arith.index_cast %parallel_loop3A_84 : i32 to index
        %parallel_loop3A_1444 = tpu.vector_load %arg7[%parallel_loop3A_1442, %parallel_loop3A_1443] {strides = array<i32>} : memref<44x128xf32, #tpu.memory_space<vmem>>, vector<16xf32>,
        %parallel_loop3A_1445 = arith.constant 148 : i32
        %parallel_loop3A_1446 = arith.index_cast %parallel_loop3A_1445 : i32 to index
        %parallel_loop3A_1447 = arith.index_cast %parallel_loop3A_84 : i32 to index
        %parallel_loop3A_1448 = tpu.vector_load %arg9[%parallel_loop3A_1446, %parallel_loop3A_1447] {strides = array<i32>} : memref<166x128xf32, #tpu.memory_space<vmem>>, vector<16xf32>,
        tpu.vector_store %arg9[%parallel_loop3A_1446, %parallel_loop3A_1447], %parallel_loop3A_1444 {strides = array<i32>} : memref<166x128xf32, #tpu.memory_space<vmem>>, vector<16xf32>,
        %parallel_loop3A_1449 = arith.constant 27 : i32
        %parallel_loop3A_1450 = arith.index_cast %parallel_loop3A_1449 : i32 to index
        %parallel_loop3A_1451 = arith.index_cast %parallel_loop3A_84 : i32 to index
        %parallel_loop3A_1452 = tpu.vector_load %arg7[%parallel_loop3A_1450, %parallel_loop3A_1451] {strides = array<i32>} : memref<44x128xf32, #tpu.memory_space<vmem>>, vector<16xf32>,
        %parallel_loop3A_1453 = arith.constant 149 : i32
        %parallel_loop3A_1454 = arith.index_cast %parallel_loop3A_1453 : i32 to index
        %parallel_loop3A_1455 = arith.index_cast %parallel_loop3A_84 : i32 to index
        %parallel_loop3A_1456 = tpu.vector_load %arg9[%parallel_loop3A_1454, %parallel_loop3A_1455] {strides = array<i32>} : memref<166x128xf32, #tpu.memory_space<vmem>>, vector<16xf32>,
        tpu.vector_store %arg9[%parallel_loop3A_1454, %parallel_loop3A_1455], %parallel_loop3A_1452 {strides = array<i32>} : memref<166x128xf32, #tpu.memory_space<vmem>>, vector<16xf32>,
        %parallel_loop3A_1457 = arith.constant 28 : i32
        %parallel_loop3A_1458 = arith.index_cast %parallel_loop3A_1457 : i32 to index
        %parallel_loop3A_1459 = arith.index_cast %parallel_loop3A_84 : i32 to index
        %parallel_loop3A_1460 = tpu.vector_load %arg7[%parallel_loop3A_1458, %parallel_loop3A_1459] {strides = array<i32>} : memref<44x128xf32, #tpu.memory_space<vmem>>, vector<16xf32>,
        %parallel_loop3A_1461 = arith.constant 150 : i32
        %parallel_loop3A_1462 = arith.index_cast %parallel_loop3A_1461 : i32 to index
        %parallel_loop3A_1463 = arith.index_cast %parallel_loop3A_84 : i32 to index
        %parallel_loop3A_1464 = tpu.vector_load %arg9[%parallel_loop3A_1462, %parallel_loop3A_1463] {strides = array<i32>} : memref<166x128xf32, #tpu.memory_space<vmem>>, vector<16xf32>,
        tpu.vector_store %arg9[%parallel_loop3A_1462, %parallel_loop3A_1463], %parallel_loop3A_1460 {strides = array<i32>} : memref<166x128xf32, #tpu.memory_space<vmem>>, vector<16xf32>,
        %parallel_loop3A_1465 = arith.constant 29 : i32
        %parallel_loop3A_1466 = arith.index_cast %parallel_loop3A_1465 : i32 to index
        %parallel_loop3A_1467 = arith.index_cast %parallel_loop3A_84 : i32 to index
        %parallel_loop3A_1468 = tpu.vector_load %arg7[%parallel_loop3A_1466, %parallel_loop3A_1467] {strides = array<i32>} : memref<44x128xf32, #tpu.memory_space<vmem>>, vector<16xf32>,
        %parallel_loop3A_1469 = arith.constant 151 : i32
        %parallel_loop3A_1470 = arith.index_cast %parallel_loop3A_1469 : i32 to index
        %parallel_loop3A_1471 = arith.index_cast %parallel_loop3A_84 : i32 to index
        %parallel_loop3A_1472 = tpu.vector_load %arg9[%parallel_loop3A_1470, %parallel_loop3A_1471] {strides = array<i32>} : memref<166x128xf32, #tpu.memory_space<vmem>>, vector<16xf32>,
        tpu.vector_store %arg9[%parallel_loop3A_1470, %parallel_loop3A_1471], %parallel_loop3A_1468 {strides = array<i32>} : memref<166x128xf32, #tpu.memory_space<vmem>>, vector<16xf32>,
        %parallel_loop3A_1473 = arith.constant 30 : i32
        %parallel_loop3A_1474 = arith.index_cast %parallel_loop3A_1473 : i32 to index
        %parallel_loop3A_1475 = arith.index_cast %parallel_loop3A_84 : i32 to index
        %parallel_loop3A_1476 = tpu.vector_load %arg7[%parallel_loop3A_1474, %parallel_loop3A_1475] {strides = array<i32>} : memref<44x128xf32, #tpu.memory_space<vmem>>, vector<16xf32>,
        %parallel_loop3A_1477 = arith.constant 152 : i32
        %parallel_loop3A_1478 = arith.index_cast %parallel_loop3A_1477 : i32 to index
        %parallel_loop3A_1479 = arith.index_cast %parallel_loop3A_84 : i32 to index
        %parallel_loop3A_1480 = tpu.vector_load %arg9[%parallel_loop3A_1478, %parallel_loop3A_1479] {strides = array<i32>} : memref<166x128xf32, #tpu.memory_space<vmem>>, vector<16xf32>,
        tpu.vector_store %arg9[%parallel_loop3A_1478, %parallel_loop3A_1479], %parallel_loop3A_1476 {strides = array<i32>} : memref<166x128xf32, #tpu.memory_space<vmem>>, vector<16xf32>,
        %parallel_loop3A_1481 = arith.constant 31 : i32
        %parallel_loop3A_1482 = arith.index_cast %parallel_loop3A_1481 : i32 to index
        %parallel_loop3A_1483 = arith.index_cast %parallel_loop3A_84 : i32 to index
        %parallel_loop3A_1484 = tpu.vector_load %arg7[%parallel_loop3A_1482, %parallel_loop3A_1483] {strides = array<i32>} : memref<44x128xf32, #tpu.memory_space<vmem>>, vector<16xf32>,
        %parallel_loop3A_1485 = arith.constant 153 : i32
        %parallel_loop3A_1486 = arith.index_cast %parallel_loop3A_1485 : i32 to index
        %parallel_loop3A_1487 = arith.index_cast %parallel_loop3A_84 : i32 to index
        %parallel_loop3A_1488 = tpu.vector_load %arg9[%parallel_loop3A_1486, %parallel_loop3A_1487] {strides = array<i32>} : memref<166x128xf32, #tpu.memory_space<vmem>>, vector<16xf32>,
        tpu.vector_store %arg9[%parallel_loop3A_1486, %parallel_loop3A_1487], %parallel_loop3A_1484 {strides = array<i32>} : memref<166x128xf32, #tpu.memory_space<vmem>>, vector<16xf32>,
        %parallel_loop3A_1489 = arith.constant 32 : i32
        %parallel_loop3A_1490 = arith.index_cast %parallel_loop3A_1489 : i32 to index
        %parallel_loop3A_1491 = arith.index_cast %parallel_loop3A_84 : i32 to index
        %parallel_loop3A_1492 = tpu.vector_load %arg7[%parallel_loop3A_1490, %parallel_loop3A_1491] {strides = array<i32>} : memref<44x128xf32, #tpu.memory_space<vmem>>, vector<16xf32>,
        %parallel_loop3A_1493 = arith.constant 154 : i32
        %parallel_loop3A_1494 = arith.index_cast %parallel_loop3A_1493 : i32 to index
        %parallel_loop3A_1495 = arith.index_cast %parallel_loop3A_84 : i32 to index
        %parallel_loop3A_1496 = tpu.vector_load %arg9[%parallel_loop3A_1494, %parallel_loop3A_1495] {strides = array<i32>} : memref<166x128xf32, #tpu.memory_space<vmem>>, vector<16xf32>,
        tpu.vector_store %arg9[%parallel_loop3A_1494, %parallel_loop3A_1495], %parallel_loop3A_1492 {strides = array<i32>} : memref<166x128xf32, #tpu.memory_space<vmem>>, vector<16xf32>,
        %parallel_loop3A_1497 = arith.constant 33 : i32
        %parallel_loop3A_1498 = arith.index_cast %parallel_loop3A_1497 : i32 to index
        %parallel_loop3A_1499 = arith.index_cast %parallel_loop3A_84 : i32 to index
        %parallel_loop3A_1500 = tpu.vector_load %arg7[%parallel_loop3A_1498, %parallel_loop3A_1499] {strides = array<i32>} : memref<44x128xf32, #tpu.memory_space<vmem>>, vector<16xf32>,
        %parallel_loop3A_1501 = arith.constant 155 : i32
        %parallel_loop3A_1502 = arith.index_cast %parallel_loop3A_1501 : i32 to index
        %parallel_loop3A_1503 = arith.index_cast %parallel_loop3A_84 : i32 to index
        %parallel_loop3A_1504 = tpu.vector_load %arg9[%parallel_loop3A_1502, %parallel_loop3A_1503] {strides = array<i32>} : memref<166x128xf32, #tpu.memory_space<vmem>>, vector<16xf32>,
        tpu.vector_store %arg9[%parallel_loop3A_1502, %parallel_loop3A_1503], %parallel_loop3A_1500 {strides = array<i32>} : memref<166x128xf32, #tpu.memory_space<vmem>>, vector<16xf32>,
        %parallel_loop3A_1505 = arith.constant 34 : i32
        %parallel_loop3A_1506 = arith.index_cast %parallel_loop3A_1505 : i32 to index
        %parallel_loop3A_1507 = arith.index_cast %parallel_loop3A_84 : i32 to index
        %parallel_loop3A_1508 = tpu.vector_load %arg7[%parallel_loop3A_1506, %parallel_loop3A_1507] {strides = array<i32>} : memref<44x128xf32, #tpu.memory_space<vmem>>, vector<16xf32>,
        %parallel_loop3A_1509 = arith.constant 156 : i32
        %parallel_loop3A_1510 = arith.index_cast %parallel_loop3A_1509 : i32 to index
        %parallel_loop3A_1511 = arith.index_cast %parallel_loop3A_84 : i32 to index
        %parallel_loop3A_1512 = tpu.vector_load %arg9[%parallel_loop3A_1510, %parallel_loop3A_1511] {strides = array<i32>} : memref<166x128xf32, #tpu.memory_space<vmem>>, vector<16xf32>,
        tpu.vector_store %arg9[%parallel_loop3A_1510, %parallel_loop3A_1511], %parallel_loop3A_1508 {strides = array<i32>} : memref<166x128xf32, #tpu.memory_space<vmem>>, vector<16xf32>,
        %parallel_loop3A_1513 = arith.constant 35 : i32
        %parallel_loop3A_1514 = arith.index_cast %parallel_loop3A_1513 : i32 to index
        %parallel_loop3A_1515 = arith.index_cast %parallel_loop3A_84 : i32 to index
        %parallel_loop3A_1516 = tpu.vector_load %arg7[%parallel_loop3A_1514, %parallel_loop3A_1515] {strides = array<i32>} : memref<44x128xf32, #tpu.memory_space<vmem>>, vector<16xf32>,
        %parallel_loop3A_1517 = arith.constant 157 : i32
        %parallel_loop3A_1518 = arith.index_cast %parallel_loop3A_1517 : i32 to index
        %parallel_loop3A_1519 = arith.index_cast %parallel_loop3A_84 : i32 to index
        %parallel_loop3A_1520 = tpu.vector_load %arg9[%parallel_loop3A_1518, %parallel_loop3A_1519] {strides = array<i32>} : memref<166x128xf32, #tpu.memory_space<vmem>>, vector<16xf32>,
        tpu.vector_store %arg9[%parallel_loop3A_1518, %parallel_loop3A_1519], %parallel_loop3A_1516 {strides = array<i32>} : memref<166x128xf32, #tpu.memory_space<vmem>>, vector<16xf32>,
        %parallel_loop3A_1521 = arith.constant 36 : i32
        %parallel_loop3A_1522 = arith.index_cast %parallel_loop3A_1521 : i32 to index
        %parallel_loop3A_1523 = arith.index_cast %parallel_loop3A_84 : i32 to index
        %parallel_loop3A_1524 = tpu.vector_load %arg7[%parallel_loop3A_1522, %parallel_loop3A_1523] {strides = array<i32>} : memref<44x128xf32, #tpu.memory_space<vmem>>, vector<16xf32>,
        %parallel_loop3A_1525 = arith.constant 158 : i32
        %parallel_loop3A_1526 = arith.index_cast %parallel_loop3A_1525 : i32 to index
        %parallel_loop3A_1527 = arith.index_cast %parallel_loop3A_84 : i32 to index
        %parallel_loop3A_1528 = tpu.vector_load %arg9[%parallel_loop3A_1526, %parallel_loop3A_1527] {strides = array<i32>} : memref<166x128xf32, #tpu.memory_space<vmem>>, vector<16xf32>,
        tpu.vector_store %arg9[%parallel_loop3A_1526, %parallel_loop3A_1527], %parallel_loop3A_1524 {strides = array<i32>} : memref<166x128xf32, #tpu.memory_space<vmem>>, vector<16xf32>,
        %parallel_loop3A_1529 = arith.constant 37 : i32
        %parallel_loop3A_1530 = arith.index_cast %parallel_loop3A_1529 : i32 to index
        %parallel_loop3A_1531 = arith.index_cast %parallel_loop3A_84 : i32 to index
        %parallel_loop3A_1532 = tpu.vector_load %arg7[%parallel_loop3A_1530, %parallel_loop3A_1531] {strides = array<i32>} : memref<44x128xf32, #tpu.memory_space<vmem>>, vector<16xf32>,
        %parallel_loop3A_1533 = arith.constant 159 : i32
        %parallel_loop3A_1534 = arith.index_cast %parallel_loop3A_1533 : i32 to index
        %parallel_loop3A_1535 = arith.index_cast %parallel_loop3A_84 : i32 to index
        %parallel_loop3A_1536 = tpu.vector_load %arg9[%parallel_loop3A_1534, %parallel_loop3A_1535] {strides = array<i32>} : memref<166x128xf32, #tpu.memory_space<vmem>>, vector<16xf32>,
        tpu.vector_store %arg9[%parallel_loop3A_1534, %parallel_loop3A_1535], %parallel_loop3A_1532 {strides = array<i32>} : memref<166x128xf32, #tpu.memory_space<vmem>>, vector<16xf32>,
        %parallel_loop3A_1537 = arith.constant 38 : i32
        %parallel_loop3A_1538 = arith.index_cast %parallel_loop3A_1537 : i32 to index
        %parallel_loop3A_1539 = arith.index_cast %parallel_loop3A_84 : i32 to index
        %parallel_loop3A_1540 = tpu.vector_load %arg7[%parallel_loop3A_1538, %parallel_loop3A_1539] {strides = array<i32>} : memref<44x128xf32, #tpu.memory_space<vmem>>, vector<16xf32>,
        %parallel_loop3A_1541 = arith.constant 160 : i32
        %parallel_loop3A_1542 = arith.index_cast %parallel_loop3A_1541 : i32 to index
        %parallel_loop3A_1543 = arith.index_cast %parallel_loop3A_84 : i32 to index
        %parallel_loop3A_1544 = tpu.vector_load %arg9[%parallel_loop3A_1542, %parallel_loop3A_1543] {strides = array<i32>} : memref<166x128xf32, #tpu.memory_space<vmem>>, vector<16xf32>,
        tpu.vector_store %arg9[%parallel_loop3A_1542, %parallel_loop3A_1543], %parallel_loop3A_1540 {strides = array<i32>} : memref<166x128xf32, #tpu.memory_space<vmem>>, vector<16xf32>,
        %parallel_loop3A_1545 = arith.constant 39 : i32
        %parallel_loop3A_1546 = arith.index_cast %parallel_loop3A_1545 : i32 to index
        %parallel_loop3A_1547 = arith.index_cast %parallel_loop3A_84 : i32 to index
        %parallel_loop3A_1548 = tpu.vector_load %arg7[%parallel_loop3A_1546, %parallel_loop3A_1547] {strides = array<i32>} : memref<44x128xf32, #tpu.memory_space<vmem>>, vector<16xf32>,
        %parallel_loop3A_1549 = arith.constant 161 : i32
        %parallel_loop3A_1550 = arith.index_cast %parallel_loop3A_1549 : i32 to index
        %parallel_loop3A_1551 = arith.index_cast %parallel_loop3A_84 : i32 to index
        %parallel_loop3A_1552 = tpu.vector_load %arg9[%parallel_loop3A_1550, %parallel_loop3A_1551] {strides = array<i32>} : memref<166x128xf32, #tpu.memory_space<vmem>>, vector<16xf32>,
        tpu.vector_store %arg9[%parallel_loop3A_1550, %parallel_loop3A_1551], %parallel_loop3A_1548 {strides = array<i32>} : memref<166x128xf32, #tpu.memory_space<vmem>>, vector<16xf32>,
        %parallel_loop3A_1553 = arith.constant 40 : i32
        %parallel_loop3A_1554 = arith.index_cast %parallel_loop3A_1553 : i32 to index
        %parallel_loop3A_1555 = arith.index_cast %parallel_loop3A_84 : i32 to index
        %parallel_loop3A_1556 = tpu.vector_load %arg7[%parallel_loop3A_1554, %parallel_loop3A_1555] {strides = array<i32>} : memref<44x128xf32, #tpu.memory_space<vmem>>, vector<16xf32>,
        %parallel_loop3A_1557 = arith.constant 162 : i32
        %parallel_loop3A_1558 = arith.index_cast %parallel_loop3A_1557 : i32 to index
        %parallel_loop3A_1559 = arith.index_cast %parallel_loop3A_84 : i32 to index
        %parallel_loop3A_1560 = tpu.vector_load %arg9[%parallel_loop3A_1558, %parallel_loop3A_1559] {strides = array<i32>} : memref<166x128xf32, #tpu.memory_space<vmem>>, vector<16xf32>,
        tpu.vector_store %arg9[%parallel_loop3A_1558, %parallel_loop3A_1559], %parallel_loop3A_1556 {strides = array<i32>} : memref<166x128xf32, #tpu.memory_space<vmem>>, vector<16xf32>,
        %parallel_loop3A_1561 = arith.constant 41 : i32
        %parallel_loop3A_1562 = arith.index_cast %parallel_loop3A_1561 : i32 to index
        %parallel_loop3A_1563 = arith.index_cast %parallel_loop3A_84 : i32 to index
        %parallel_loop3A_1564 = tpu.vector_load %arg7[%parallel_loop3A_1562, %parallel_loop3A_1563] {strides = array<i32>} : memref<44x128xf32, #tpu.memory_space<vmem>>, vector<16xf32>,
        %parallel_loop3A_1565 = arith.constant 163 : i32
        %parallel_loop3A_1566 = arith.index_cast %parallel_loop3A_1565 : i32 to index
        %parallel_loop3A_1567 = arith.index_cast %parallel_loop3A_84 : i32 to index
        %parallel_loop3A_1568 = tpu.vector_load %arg9[%parallel_loop3A_1566, %parallel_loop3A_1567] {strides = array<i32>} : memref<166x128xf32, #tpu.memory_space<vmem>>, vector<16xf32>,
        tpu.vector_store %arg9[%parallel_loop3A_1566, %parallel_loop3A_1567], %parallel_loop3A_1564 {strides = array<i32>} : memref<166x128xf32, #tpu.memory_space<vmem>>, vector<16xf32>,
        %parallel_loop3A_1569 = arith.constant 42 : i32
        %parallel_loop3A_1570 = arith.index_cast %parallel_loop3A_1569 : i32 to index
        %parallel_loop3A_1571 = arith.index_cast %parallel_loop3A_84 : i32 to index
        %parallel_loop3A_1572 = tpu.vector_load %arg7[%parallel_loop3A_1570, %parallel_loop3A_1571] {strides = array<i32>} : memref<44x128xf32, #tpu.memory_space<vmem>>, vector<16xf32>,
        %parallel_loop3A_1573 = arith.constant 164 : i32
        %parallel_loop3A_1574 = arith.index_cast %parallel_loop3A_1573 : i32 to index
        %parallel_loop3A_1575 = arith.index_cast %parallel_loop3A_84 : i32 to index
        %parallel_loop3A_1576 = tpu.vector_load %arg9[%parallel_loop3A_1574, %parallel_loop3A_1575] {strides = array<i32>} : memref<166x128xf32, #tpu.memory_space<vmem>>, vector<16xf32>,
        tpu.vector_store %arg9[%parallel_loop3A_1574, %parallel_loop3A_1575], %parallel_loop3A_1572 {strides = array<i32>} : memref<166x128xf32, #tpu.memory_space<vmem>>, vector<16xf32>,
        %parallel_loop3A_1577 = arith.constant 43 : i32
        %parallel_loop3A_1578 = arith.index_cast %parallel_loop3A_1577 : i32 to index
        %parallel_loop3A_1579 = arith.index_cast %parallel_loop3A_84 : i32 to index
        %parallel_loop3A_1580 = tpu.vector_load %arg7[%parallel_loop3A_1578, %parallel_loop3A_1579] {strides = array<i32>} : memref<44x128xf32, #tpu.memory_space<vmem>>, vector<16xf32>,
        %parallel_loop3A_1581 = arith.constant 165 : i32
        %parallel_loop3A_1582 = arith.index_cast %parallel_loop3A_1581 : i32 to index
        %parallel_loop3A_1583 = arith.index_cast %parallel_loop3A_84 : i32 to index
        %parallel_loop3A_1584 = tpu.vector_load %arg9[%parallel_loop3A_1582, %parallel_loop3A_1583] {strides = array<i32>} : memref<166x128xf32, #tpu.memory_space<vmem>>, vector<16xf32>,
        tpu.vector_store %arg9[%parallel_loop3A_1582, %parallel_loop3A_1583], %parallel_loop3A_1580 {strides = array<i32>} : memref<166x128xf32, #tpu.memory_space<vmem>>, vector<16xf32>,
      } {sc.loop_unroll_factor = 2 : i64, sc.parallel_access}
      %dma_start3A_48 = arith.constant 0 : i32
      %dma_start3A_49 = tpu.memref_slice %arg6[%mul3A_29, %dma_start3A_48, %mul3A_2] : memref<50x166x4096xf32, #tpu.memory_space<hbm>> -> memref<1x166x128xf32, #tpu.memory_space<hbm>>
      %dma_start3A_50 = tpu.memref_squeeze %dma_start3A_49 : memref<1x166x128xf32, #tpu.memory_space<hbm>> -> memref<166x128xf32, #tpu.memory_space<hbm>>
      %dma_start3A_51 = arith.constant 0 : i32
      %dma_start3A_52 = tpu.memref_slice %arg6[%mul3A_29, %dma_start3A_51, %mul3A_2] : memref<50x166x4096xf32, #tpu.memory_space<hbm>> -> memref<1x166x128xf32, #tpu.memory_space<hbm>>
      %dma_start3A_53 = tpu.memref_squeeze %dma_start3A_52 : memref<1x166x128xf32, #tpu.memory_space<hbm>> -> memref<166x128xf32, #tpu.memory_space<hbm>>
      tpu.enqueue_dma source(%arg9 : memref<166x128xf32, #tpu.memory_space<vmem>>) target(%dma_start3A_53 : memref<166x128xf32, #tpu.memory_space<hbm>>) target_semaphore(%arg16 : memref<!tpu.dma_semaphore, #tpu.memory_space<semaphore_mem>>)
      %lt3A = arith.constant 24 : i32
      %lt3A_54 = arith.cmpi slt, %scan3A_27, %lt3A : i32
      %convert_element_type3A_55 = arith.extui %lt3A_54 : i1 to i32
      %cond3A_56 = arith.constant 0 : i32
      %cond3A_57 = arith.cmpi ne, %convert_element_type3A_55, %cond3A_56 : i32
      scf.if %cond3A_57 {
        %add3A_82 = arith.constant 2 : i32
        %add3A_83 = arith.addi %mul3A_29, %add3A_82 : i32
        %dma_start3A_84 = arith.constant 0 : i32
        %dma_start3A_85 = tpu.memref_slice %arg2[%add3A_83, %dma_start3A_84, %mul3A_2] : memref<50x44x4096xf32, #tpu.memory_space<hbm>> -> memref<1x44x128xf32, #tpu.memory_space<hbm>>
        %dma_start3A_86 = tpu.memref_squeeze %dma_start3A_85 : memref<1x44x128xf32, #tpu.memory_space<hbm>> -> memref<44x128xf32, #tpu.memory_space<hbm>>
        %dma_start3A_87 = arith.constant 0 : i32
        %dma_start3A_88 = tpu.memref_slice %arg2[%add3A_83, %dma_start3A_87, %mul3A_2] : memref<50x44x4096xf32, #tpu.memory_space<hbm>> -> memref<1x44x128xf32, #tpu.memory_space<hbm>>
        %dma_start3A_89 = tpu.memref_squeeze %dma_start3A_88 : memref<1x44x128xf32, #tpu.memory_space<hbm>> -> memref<44x128xf32, #tpu.memory_space<hbm>>
        tpu.enqueue_dma source(%dma_start3A_89 : memref<44x128xf32, #tpu.memory_space<hbm>>) target(%arg7 : memref<44x128xf32, #tpu.memory_space<vmem>>) target_semaphore(%arg14 : memref<!tpu.dma_semaphore, #tpu.memory_space<semaphore_mem>>)
      } else {
      }
      %add3A_58 = arith.constant 1 : i32
      %add3A_59 = arith.addi %mul3A_29, %add3A_58 : i32
      %dma_wait3A_60 = arith.constant 0 : i32
      %dma_wait3A_61 = tpu.memref_slice %arg2[%add3A_59, %dma_wait3A_60, %mul3A_2] : memref<50x44x4096xf32, #tpu.memory_space<hbm>> -> memref<1x44x128xf32, #tpu.memory_space<hbm>>
      %dma_wait3A_62 = tpu.memref_squeeze %dma_wait3A_61 : memref<1x44x128xf32, #tpu.memory_space<hbm>> -> memref<44x128xf32, #tpu.memory_space<hbm>>
      %dma_wait3A_63 = arith.constant 0 : i32
      %dma_wait3A_64 = tpu.memref_slice %arg2[%add3A_59, %dma_wait3A_63, %mul3A_2] : memref<50x44x4096xf32, #tpu.memory_space<hbm>> -> memref<1x44x128xf32, #tpu.memory_space<hbm>>
      %dma_wait3A_65 = tpu.memref_squeeze %dma_wait3A_64 : memref<1x44x128xf32, #tpu.memory_space<hbm>> -> memref<44x128xf32, #tpu.memory_space<hbm>>
      tpu.wait_dma2 semaphore(%arg15 : memref<!tpu.dma_semaphore, #tpu.memory_space<semaphore_mem>>) src(%dma_wait3A_65 : memref<44x128xf32, #tpu.memory_space<hbm>>) dst(%arg8 : memref<44x128xf32, #tpu.memory_space<vmem>>)
      %gt3A_66 = arith.constant 0 : i32
      %gt3A_67 = arith.cmpi sgt, %scan3A_27, %gt3A_66 : i32
      %convert_element_type3A_68 = arith.extui %gt3A_67 : i1 to i32
      %cond3A_69 = arith.constant 0 : i32
      %cond3A_70 = arith.cmpi ne, %convert_element_type3A_68, %cond3A_69 : i32
      scf.if %cond3A_70 {
        %sub3A = arith.constant 1 : i32
        %sub3A_82 = arith.subi %mul3A_29, %sub3A : i32
        %dma_wait3A_83 = arith.constant 0 : i32
        %dma_wait3A_84 = tpu.memref_slice %arg6[%sub3A_82, %dma_wait3A_83, %mul3A_2] : memref<50x166x4096xf32, #tpu.memory_space<hbm>> -> memref<1x166x128xf32, #tpu.memory_space<hbm>>
        %dma_wait3A_85 = tpu.memref_squeeze %dma_wait3A_84 : memref<1x166x128xf32, #tpu.memory_space<hbm>> -> memref<166x128xf32, #tpu.memory_space<hbm>>
        %dma_wait3A_86 = arith.constant 0 : i32
        %dma_wait3A_87 = tpu.memref_slice %arg6[%sub3A_82, %dma_wait3A_86, %mul3A_2] : memref<50x166x4096xf32, #tpu.memory_space<hbm>> -> memref<1x166x128xf32, #tpu.memory_space<hbm>>
        %dma_wait3A_88 = tpu.memref_squeeze %dma_wait3A_87 : memref<1x166x128xf32, #tpu.memory_space<hbm>> -> memref<166x128xf32, #tpu.memory_space<hbm>>
        tpu.wait_dma2 semaphore(%arg17 : memref<!tpu.dma_semaphore, #tpu.memory_space<semaphore_mem>>) src(%arg10 : memref<166x128xf32, #tpu.memory_space<vmem>>) dst(%dma_wait3A_88 : memref<166x128xf32, #tpu.memory_space<hbm>>)
      } else {
      }
      %parallel_loop3A_71 = arith.constant 0 : i32
      %parallel_loop3A_72 = arith.constant 8 : i32
      %parallel_loop3A_73 = arith.constant 1 : i32
      scf.for %parallel_loop3A_82 = %parallel_loop3A_71 to %parallel_loop3A_72 step %parallel_loop3A_73  : i32 {
        %parallel_loop3A_83 = arith.constant 16 : i32
        %parallel_loop3A_84 = arith.muli %parallel_loop3A_82, %parallel_loop3A_83 : i32
        %parallel_loop3A_85 = arith.constant 0 : i32
        %parallel_loop3A_86 = arith.index_cast %parallel_loop3A_85 : i32 to index
        %parallel_loop3A_87 = arith.index_cast %parallel_loop3A_84 : i32 to index
        %parallel_loop3A_88 = tpu.vector_load %arg8[%parallel_loop3A_86, %parallel_loop3A_87] {strides = array<i32>} : memref<44x128xf32, #tpu.memory_space<vmem>>, vector<16xf32>,
        %parallel_loop3A_89 = arith.fptosi %parallel_loop3A_88 : vector<16xf32> to vector<16xi32>
        %parallel_loop3A_90 = arith.constant 30 : i32
        %parallel_loop3A_91 = vector.broadcast %parallel_loop3A_90 : i32 to vector<16xi32>
        %parallel_loop3A_92 = arith.muli %parallel_loop3A_89, %parallel_loop3A_91 : vector<16xi32>
        %parallel_loop3A_93 = arith.constant 0 : i32
        %parallel_loop3A_94 = vector.broadcast %parallel_loop3A_93 : i32 to vector<16xi32>
        %parallel_loop3A_95 = arith.addi %parallel_loop3A_92, %parallel_loop3A_94 : vector<16xi32>
        %parallel_loop3A_96 = tpu.vector_load_idx %arg11[%parallel_loop3A_95] : memref<1800xf32, #tpu.memory_space<vmem>>[vector<16xi32>], vector<16xf32>,
        %parallel_loop3A_97 = arith.constant 0 : i32
        %parallel_loop3A_98 = arith.index_cast %parallel_loop3A_97 : i32 to index
        %parallel_loop3A_99 = arith.index_cast %parallel_loop3A_84 : i32 to index
        %parallel_loop3A_100 = tpu.vector_load %arg10[%parallel_loop3A_98, %parallel_loop3A_99] {strides = array<i32>} : memref<166x128xf32, #tpu.memory_space<vmem>>, vector<16xf32>,
        tpu.vector_store %arg10[%parallel_loop3A_98, %parallel_loop3A_99], %parallel_loop3A_96 {strides = array<i32>} : memref<166x128xf32, #tpu.memory_space<vmem>>, vector<16xf32>,
        %parallel_loop3A_101 = arith.constant 1 : i32
        %parallel_loop3A_102 = vector.broadcast %parallel_loop3A_101 : i32 to vector<16xi32>
        %parallel_loop3A_103 = arith.addi %parallel_loop3A_92, %parallel_loop3A_102 : vector<16xi32>
        %parallel_loop3A_104 = tpu.vector_load_idx %arg11[%parallel_loop3A_103] : memref<1800xf32, #tpu.memory_space<vmem>>[vector<16xi32>], vector<16xf32>,
        %parallel_loop3A_105 = arith.constant 1 : i32
        %parallel_loop3A_106 = arith.index_cast %parallel_loop3A_105 : i32 to index
        %parallel_loop3A_107 = arith.index_cast %parallel_loop3A_84 : i32 to index
        %parallel_loop3A_108 = tpu.vector_load %arg10[%parallel_loop3A_106, %parallel_loop3A_107] {strides = array<i32>} : memref<166x128xf32, #tpu.memory_space<vmem>>, vector<16xf32>,
        tpu.vector_store %arg10[%parallel_loop3A_106, %parallel_loop3A_107], %parallel_loop3A_104 {strides = array<i32>} : memref<166x128xf32, #tpu.memory_space<vmem>>, vector<16xf32>,
        %parallel_loop3A_109 = arith.constant 2 : i32
        %parallel_loop3A_110 = vector.broadcast %parallel_loop3A_109 : i32 to vector<16xi32>
        %parallel_loop3A_111 = arith.addi %parallel_loop3A_92, %parallel_loop3A_110 : vector<16xi32>
        %parallel_loop3A_112 = tpu.vector_load_idx %arg11[%parallel_loop3A_111] : memref<1800xf32, #tpu.memory_space<vmem>>[vector<16xi32>], vector<16xf32>,
        %parallel_loop3A_113 = arith.constant 2 : i32
        %parallel_loop3A_114 = arith.index_cast %parallel_loop3A_113 : i32 to index
        %parallel_loop3A_115 = arith.index_cast %parallel_loop3A_84 : i32 to index
        %parallel_loop3A_116 = tpu.vector_load %arg10[%parallel_loop3A_114, %parallel_loop3A_115] {strides = array<i32>} : memref<166x128xf32, #tpu.memory_space<vmem>>, vector<16xf32>,
        tpu.vector_store %arg10[%parallel_loop3A_114, %parallel_loop3A_115], %parallel_loop3A_112 {strides = array<i32>} : memref<166x128xf32, #tpu.memory_space<vmem>>, vector<16xf32>,
        %parallel_loop3A_117 = arith.constant 3 : i32
        %parallel_loop3A_118 = vector.broadcast %parallel_loop3A_117 : i32 to vector<16xi32>
        %parallel_loop3A_119 = arith.addi %parallel_loop3A_92, %parallel_loop3A_118 : vector<16xi32>
        %parallel_loop3A_120 = tpu.vector_load_idx %arg11[%parallel_loop3A_119] : memref<1800xf32, #tpu.memory_space<vmem>>[vector<16xi32>], vector<16xf32>,
        %parallel_loop3A_121 = arith.constant 3 : i32
        %parallel_loop3A_122 = arith.index_cast %parallel_loop3A_121 : i32 to index
        %parallel_loop3A_123 = arith.index_cast %parallel_loop3A_84 : i32 to index
        %parallel_loop3A_124 = tpu.vector_load %arg10[%parallel_loop3A_122, %parallel_loop3A_123] {strides = array<i32>} : memref<166x128xf32, #tpu.memory_space<vmem>>, vector<16xf32>,
        tpu.vector_store %arg10[%parallel_loop3A_122, %parallel_loop3A_123], %parallel_loop3A_120 {strides = array<i32>} : memref<166x128xf32, #tpu.memory_space<vmem>>, vector<16xf32>,
        %parallel_loop3A_125 = arith.constant 4 : i32
        %parallel_loop3A_126 = vector.broadcast %parallel_loop3A_125 : i32 to vector<16xi32>
        %parallel_loop3A_127 = arith.addi %parallel_loop3A_92, %parallel_loop3A_126 : vector<16xi32>
        %parallel_loop3A_128 = tpu.vector_load_idx %arg11[%parallel_loop3A_127] : memref<1800xf32, #tpu.memory_space<vmem>>[vector<16xi32>], vector<16xf32>,
        %parallel_loop3A_129 = arith.constant 4 : i32
        %parallel_loop3A_130 = arith.index_cast %parallel_loop3A_129 : i32 to index
        %parallel_loop3A_131 = arith.index_cast %parallel_loop3A_84 : i32 to index
        %parallel_loop3A_132 = tpu.vector_load %arg10[%parallel_loop3A_130, %parallel_loop3A_131] {strides = array<i32>} : memref<166x128xf32, #tpu.memory_space<vmem>>, vector<16xf32>,
        tpu.vector_store %arg10[%parallel_loop3A_130, %parallel_loop3A_131], %parallel_loop3A_128 {strides = array<i32>} : memref<166x128xf32, #tpu.memory_space<vmem>>, vector<16xf32>,
        %parallel_loop3A_133 = arith.constant 5 : i32
        %parallel_loop3A_134 = vector.broadcast %parallel_loop3A_133 : i32 to vector<16xi32>
        %parallel_loop3A_135 = arith.addi %parallel_loop3A_92, %parallel_loop3A_134 : vector<16xi32>
        %parallel_loop3A_136 = tpu.vector_load_idx %arg11[%parallel_loop3A_135] : memref<1800xf32, #tpu.memory_space<vmem>>[vector<16xi32>], vector<16xf32>,
        %parallel_loop3A_137 = arith.constant 5 : i32
        %parallel_loop3A_138 = arith.index_cast %parallel_loop3A_137 : i32 to index
        %parallel_loop3A_139 = arith.index_cast %parallel_loop3A_84 : i32 to index
        %parallel_loop3A_140 = tpu.vector_load %arg10[%parallel_loop3A_138, %parallel_loop3A_139] {strides = array<i32>} : memref<166x128xf32, #tpu.memory_space<vmem>>, vector<16xf32>,
        tpu.vector_store %arg10[%parallel_loop3A_138, %parallel_loop3A_139], %parallel_loop3A_136 {strides = array<i32>} : memref<166x128xf32, #tpu.memory_space<vmem>>, vector<16xf32>,
        %parallel_loop3A_141 = arith.constant 6 : i32
        %parallel_loop3A_142 = vector.broadcast %parallel_loop3A_141 : i32 to vector<16xi32>
        %parallel_loop3A_143 = arith.addi %parallel_loop3A_92, %parallel_loop3A_142 : vector<16xi32>
        %parallel_loop3A_144 = tpu.vector_load_idx %arg11[%parallel_loop3A_143] : memref<1800xf32, #tpu.memory_space<vmem>>[vector<16xi32>], vector<16xf32>,
        %parallel_loop3A_145 = arith.constant 6 : i32
        %parallel_loop3A_146 = arith.index_cast %parallel_loop3A_145 : i32 to index
        %parallel_loop3A_147 = arith.index_cast %parallel_loop3A_84 : i32 to index
        %parallel_loop3A_148 = tpu.vector_load %arg10[%parallel_loop3A_146, %parallel_loop3A_147] {strides = array<i32>} : memref<166x128xf32, #tpu.memory_space<vmem>>, vector<16xf32>,
        tpu.vector_store %arg10[%parallel_loop3A_146, %parallel_loop3A_147], %parallel_loop3A_144 {strides = array<i32>} : memref<166x128xf32, #tpu.memory_space<vmem>>, vector<16xf32>,
        %parallel_loop3A_149 = arith.constant 7 : i32
        %parallel_loop3A_150 = vector.broadcast %parallel_loop3A_149 : i32 to vector<16xi32>
        %parallel_loop3A_151 = arith.addi %parallel_loop3A_92, %parallel_loop3A_150 : vector<16xi32>
        %parallel_loop3A_152 = tpu.vector_load_idx %arg11[%parallel_loop3A_151] : memref<1800xf32, #tpu.memory_space<vmem>>[vector<16xi32>], vector<16xf32>,
        %parallel_loop3A_153 = arith.constant 7 : i32
        %parallel_loop3A_154 = arith.index_cast %parallel_loop3A_153 : i32 to index
        %parallel_loop3A_155 = arith.index_cast %parallel_loop3A_84 : i32 to index
        %parallel_loop3A_156 = tpu.vector_load %arg10[%parallel_loop3A_154, %parallel_loop3A_155] {strides = array<i32>} : memref<166x128xf32, #tpu.memory_space<vmem>>, vector<16xf32>,
        tpu.vector_store %arg10[%parallel_loop3A_154, %parallel_loop3A_155], %parallel_loop3A_152 {strides = array<i32>} : memref<166x128xf32, #tpu.memory_space<vmem>>, vector<16xf32>,
        %parallel_loop3A_157 = arith.constant 8 : i32
        %parallel_loop3A_158 = vector.broadcast %parallel_loop3A_157 : i32 to vector<16xi32>
        %parallel_loop3A_159 = arith.addi %parallel_loop3A_92, %parallel_loop3A_158 : vector<16xi32>
        %parallel_loop3A_160 = tpu.vector_load_idx %arg11[%parallel_loop3A_159] : memref<1800xf32, #tpu.memory_space<vmem>>[vector<16xi32>], vector<16xf32>,
        %parallel_loop3A_161 = arith.constant 8 : i32
        %parallel_loop3A_162 = arith.index_cast %parallel_loop3A_161 : i32 to index
        %parallel_loop3A_163 = arith.index_cast %parallel_loop3A_84 : i32 to index
        %parallel_loop3A_164 = tpu.vector_load %arg10[%parallel_loop3A_162, %parallel_loop3A_163] {strides = array<i32>} : memref<166x128xf32, #tpu.memory_space<vmem>>, vector<16xf32>,
        tpu.vector_store %arg10[%parallel_loop3A_162, %parallel_loop3A_163], %parallel_loop3A_160 {strides = array<i32>} : memref<166x128xf32, #tpu.memory_space<vmem>>, vector<16xf32>,
        %parallel_loop3A_165 = arith.constant 9 : i32
        %parallel_loop3A_166 = vector.broadcast %parallel_loop3A_165 : i32 to vector<16xi32>
        %parallel_loop3A_167 = arith.addi %parallel_loop3A_92, %parallel_loop3A_166 : vector<16xi32>
        %parallel_loop3A_168 = tpu.vector_load_idx %arg11[%parallel_loop3A_167] : memref<1800xf32, #tpu.memory_space<vmem>>[vector<16xi32>], vector<16xf32>,
        %parallel_loop3A_169 = arith.constant 9 : i32
        %parallel_loop3A_170 = arith.index_cast %parallel_loop3A_169 : i32 to index
        %parallel_loop3A_171 = arith.index_cast %parallel_loop3A_84 : i32 to index
        %parallel_loop3A_172 = tpu.vector_load %arg10[%parallel_loop3A_170, %parallel_loop3A_171] {strides = array<i32>} : memref<166x128xf32, #tpu.memory_space<vmem>>, vector<16xf32>,
        tpu.vector_store %arg10[%parallel_loop3A_170, %parallel_loop3A_171], %parallel_loop3A_168 {strides = array<i32>} : memref<166x128xf32, #tpu.memory_space<vmem>>, vector<16xf32>,
        %parallel_loop3A_173 = arith.constant 10 : i32
        %parallel_loop3A_174 = vector.broadcast %parallel_loop3A_173 : i32 to vector<16xi32>
        %parallel_loop3A_175 = arith.addi %parallel_loop3A_92, %parallel_loop3A_174 : vector<16xi32>
        %parallel_loop3A_176 = tpu.vector_load_idx %arg11[%parallel_loop3A_175] : memref<1800xf32, #tpu.memory_space<vmem>>[vector<16xi32>], vector<16xf32>,
        %parallel_loop3A_177 = arith.constant 10 : i32
        %parallel_loop3A_178 = arith.index_cast %parallel_loop3A_177 : i32 to index
        %parallel_loop3A_179 = arith.index_cast %parallel_loop3A_84 : i32 to index
        %parallel_loop3A_180 = tpu.vector_load %arg10[%parallel_loop3A_178, %parallel_loop3A_179] {strides = array<i32>} : memref<166x128xf32, #tpu.memory_space<vmem>>, vector<16xf32>,
        tpu.vector_store %arg10[%parallel_loop3A_178, %parallel_loop3A_179], %parallel_loop3A_176 {strides = array<i32>} : memref<166x128xf32, #tpu.memory_space<vmem>>, vector<16xf32>,
        %parallel_loop3A_181 = arith.constant 11 : i32
        %parallel_loop3A_182 = vector.broadcast %parallel_loop3A_181 : i32 to vector<16xi32>
        %parallel_loop3A_183 = arith.addi %parallel_loop3A_92, %parallel_loop3A_182 : vector<16xi32>
        %parallel_loop3A_184 = tpu.vector_load_idx %arg11[%parallel_loop3A_183] : memref<1800xf32, #tpu.memory_space<vmem>>[vector<16xi32>], vector<16xf32>,
        %parallel_loop3A_185 = arith.constant 11 : i32
        %parallel_loop3A_186 = arith.index_cast %parallel_loop3A_185 : i32 to index
        %parallel_loop3A_187 = arith.index_cast %parallel_loop3A_84 : i32 to index
        %parallel_loop3A_188 = tpu.vector_load %arg10[%parallel_loop3A_186, %parallel_loop3A_187] {strides = array<i32>} : memref<166x128xf32, #tpu.memory_space<vmem>>, vector<16xf32>,
        tpu.vector_store %arg10[%parallel_loop3A_186, %parallel_loop3A_187], %parallel_loop3A_184 {strides = array<i32>} : memref<166x128xf32, #tpu.memory_space<vmem>>, vector<16xf32>,
        %parallel_loop3A_189 = arith.constant 12 : i32
        %parallel_loop3A_190 = vector.broadcast %parallel_loop3A_189 : i32 to vector<16xi32>
        %parallel_loop3A_191 = arith.addi %parallel_loop3A_92, %parallel_loop3A_190 : vector<16xi32>
        %parallel_loop3A_192 = tpu.vector_load_idx %arg11[%parallel_loop3A_191] : memref<1800xf32, #tpu.memory_space<vmem>>[vector<16xi32>], vector<16xf32>,
        %parallel_loop3A_193 = arith.constant 12 : i32
        %parallel_loop3A_194 = arith.index_cast %parallel_loop3A_193 : i32 to index
        %parallel_loop3A_195 = arith.index_cast %parallel_loop3A_84 : i32 to index
        %parallel_loop3A_196 = tpu.vector_load %arg10[%parallel_loop3A_194, %parallel_loop3A_195] {strides = array<i32>} : memref<166x128xf32, #tpu.memory_space<vmem>>, vector<16xf32>,
        tpu.vector_store %arg10[%parallel_loop3A_194, %parallel_loop3A_195], %parallel_loop3A_192 {strides = array<i32>} : memref<166x128xf32, #tpu.memory_space<vmem>>, vector<16xf32>,
        %parallel_loop3A_197 = arith.constant 13 : i32
        %parallel_loop3A_198 = vector.broadcast %parallel_loop3A_197 : i32 to vector<16xi32>
        %parallel_loop3A_199 = arith.addi %parallel_loop3A_92, %parallel_loop3A_198 : vector<16xi32>
        %parallel_loop3A_200 = tpu.vector_load_idx %arg11[%parallel_loop3A_199] : memref<1800xf32, #tpu.memory_space<vmem>>[vector<16xi32>], vector<16xf32>,
        %parallel_loop3A_201 = arith.constant 13 : i32
        %parallel_loop3A_202 = arith.index_cast %parallel_loop3A_201 : i32 to index
        %parallel_loop3A_203 = arith.index_cast %parallel_loop3A_84 : i32 to index
        %parallel_loop3A_204 = tpu.vector_load %arg10[%parallel_loop3A_202, %parallel_loop3A_203] {strides = array<i32>} : memref<166x128xf32, #tpu.memory_space<vmem>>, vector<16xf32>,
        tpu.vector_store %arg10[%parallel_loop3A_202, %parallel_loop3A_203], %parallel_loop3A_200 {strides = array<i32>} : memref<166x128xf32, #tpu.memory_space<vmem>>, vector<16xf32>,
        %parallel_loop3A_205 = arith.constant 14 : i32
        %parallel_loop3A_206 = vector.broadcast %parallel_loop3A_205 : i32 to vector<16xi32>
        %parallel_loop3A_207 = arith.addi %parallel_loop3A_92, %parallel_loop3A_206 : vector<16xi32>
        %parallel_loop3A_208 = tpu.vector_load_idx %arg11[%parallel_loop3A_207] : memref<1800xf32, #tpu.memory_space<vmem>>[vector<16xi32>], vector<16xf32>,
        %parallel_loop3A_209 = arith.constant 14 : i32
        %parallel_loop3A_210 = arith.index_cast %parallel_loop3A_209 : i32 to index
        %parallel_loop3A_211 = arith.index_cast %parallel_loop3A_84 : i32 to index
        %parallel_loop3A_212 = tpu.vector_load %arg10[%parallel_loop3A_210, %parallel_loop3A_211] {strides = array<i32>} : memref<166x128xf32, #tpu.memory_space<vmem>>, vector<16xf32>,
        tpu.vector_store %arg10[%parallel_loop3A_210, %parallel_loop3A_211], %parallel_loop3A_208 {strides = array<i32>} : memref<166x128xf32, #tpu.memory_space<vmem>>, vector<16xf32>,
        %parallel_loop3A_213 = arith.constant 15 : i32
        %parallel_loop3A_214 = vector.broadcast %parallel_loop3A_213 : i32 to vector<16xi32>
        %parallel_loop3A_215 = arith.addi %parallel_loop3A_92, %parallel_loop3A_214 : vector<16xi32>
        %parallel_loop3A_216 = tpu.vector_load_idx %arg11[%parallel_loop3A_215] : memref<1800xf32, #tpu.memory_space<vmem>>[vector<16xi32>], vector<16xf32>,
        %parallel_loop3A_217 = arith.constant 15 : i32
        %parallel_loop3A_218 = arith.index_cast %parallel_loop3A_217 : i32 to index
        %parallel_loop3A_219 = arith.index_cast %parallel_loop3A_84 : i32 to index
        %parallel_loop3A_220 = tpu.vector_load %arg10[%parallel_loop3A_218, %parallel_loop3A_219] {strides = array<i32>} : memref<166x128xf32, #tpu.memory_space<vmem>>, vector<16xf32>,
        tpu.vector_store %arg10[%parallel_loop3A_218, %parallel_loop3A_219], %parallel_loop3A_216 {strides = array<i32>} : memref<166x128xf32, #tpu.memory_space<vmem>>, vector<16xf32>,
        %parallel_loop3A_221 = arith.constant 16 : i32
        %parallel_loop3A_222 = vector.broadcast %parallel_loop3A_221 : i32 to vector<16xi32>
        %parallel_loop3A_223 = arith.addi %parallel_loop3A_92, %parallel_loop3A_222 : vector<16xi32>
        %parallel_loop3A_224 = tpu.vector_load_idx %arg11[%parallel_loop3A_223] : memref<1800xf32, #tpu.memory_space<vmem>>[vector<16xi32>], vector<16xf32>,
        %parallel_loop3A_225 = arith.constant 16 : i32
        %parallel_loop3A_226 = arith.index_cast %parallel_loop3A_225 : i32 to index
        %parallel_loop3A_227 = arith.index_cast %parallel_loop3A_84 : i32 to index
        %parallel_loop3A_228 = tpu.vector_load %arg10[%parallel_loop3A_226, %parallel_loop3A_227] {strides = array<i32>} : memref<166x128xf32, #tpu.memory_space<vmem>>, vector<16xf32>,
        tpu.vector_store %arg10[%parallel_loop3A_226, %parallel_loop3A_227], %parallel_loop3A_224 {strides = array<i32>} : memref<166x128xf32, #tpu.memory_space<vmem>>, vector<16xf32>,
        %parallel_loop3A_229 = arith.constant 17 : i32
        %parallel_loop3A_230 = vector.broadcast %parallel_loop3A_229 : i32 to vector<16xi32>
        %parallel_loop3A_231 = arith.addi %parallel_loop3A_92, %parallel_loop3A_230 : vector<16xi32>
        %parallel_loop3A_232 = tpu.vector_load_idx %arg11[%parallel_loop3A_231] : memref<1800xf32, #tpu.memory_space<vmem>>[vector<16xi32>], vector<16xf32>,
        %parallel_loop3A_233 = arith.constant 17 : i32
        %parallel_loop3A_234 = arith.index_cast %parallel_loop3A_233 : i32 to index
        %parallel_loop3A_235 = arith.index_cast %parallel_loop3A_84 : i32 to index
        %parallel_loop3A_236 = tpu.vector_load %arg10[%parallel_loop3A_234, %parallel_loop3A_235] {strides = array<i32>} : memref<166x128xf32, #tpu.memory_space<vmem>>, vector<16xf32>,
        tpu.vector_store %arg10[%parallel_loop3A_234, %parallel_loop3A_235], %parallel_loop3A_232 {strides = array<i32>} : memref<166x128xf32, #tpu.memory_space<vmem>>, vector<16xf32>,
        %parallel_loop3A_237 = arith.constant 18 : i32
        %parallel_loop3A_238 = vector.broadcast %parallel_loop3A_237 : i32 to vector<16xi32>
        %parallel_loop3A_239 = arith.addi %parallel_loop3A_92, %parallel_loop3A_238 : vector<16xi32>
        %parallel_loop3A_240 = tpu.vector_load_idx %arg11[%parallel_loop3A_239] : memref<1800xf32, #tpu.memory_space<vmem>>[vector<16xi32>], vector<16xf32>,
        %parallel_loop3A_241 = arith.constant 18 : i32
        %parallel_loop3A_242 = arith.index_cast %parallel_loop3A_241 : i32 to index
        %parallel_loop3A_243 = arith.index_cast %parallel_loop3A_84 : i32 to index
        %parallel_loop3A_244 = tpu.vector_load %arg10[%parallel_loop3A_242, %parallel_loop3A_243] {strides = array<i32>} : memref<166x128xf32, #tpu.memory_space<vmem>>, vector<16xf32>,
        tpu.vector_store %arg10[%parallel_loop3A_242, %parallel_loop3A_243], %parallel_loop3A_240 {strides = array<i32>} : memref<166x128xf32, #tpu.memory_space<vmem>>, vector<16xf32>,
        %parallel_loop3A_245 = arith.constant 19 : i32
        %parallel_loop3A_246 = vector.broadcast %parallel_loop3A_245 : i32 to vector<16xi32>
        %parallel_loop3A_247 = arith.addi %parallel_loop3A_92, %parallel_loop3A_246 : vector<16xi32>
        %parallel_loop3A_248 = tpu.vector_load_idx %arg11[%parallel_loop3A_247] : memref<1800xf32, #tpu.memory_space<vmem>>[vector<16xi32>], vector<16xf32>,
        %parallel_loop3A_249 = arith.constant 19 : i32
        %parallel_loop3A_250 = arith.index_cast %parallel_loop3A_249 : i32 to index
        %parallel_loop3A_251 = arith.index_cast %parallel_loop3A_84 : i32 to index
        %parallel_loop3A_252 = tpu.vector_load %arg10[%parallel_loop3A_250, %parallel_loop3A_251] {strides = array<i32>} : memref<166x128xf32, #tpu.memory_space<vmem>>, vector<16xf32>,
        tpu.vector_store %arg10[%parallel_loop3A_250, %parallel_loop3A_251], %parallel_loop3A_248 {strides = array<i32>} : memref<166x128xf32, #tpu.memory_space<vmem>>, vector<16xf32>,
        %parallel_loop3A_253 = arith.constant 20 : i32
        %parallel_loop3A_254 = vector.broadcast %parallel_loop3A_253 : i32 to vector<16xi32>
        %parallel_loop3A_255 = arith.addi %parallel_loop3A_92, %parallel_loop3A_254 : vector<16xi32>
        %parallel_loop3A_256 = tpu.vector_load_idx %arg11[%parallel_loop3A_255] : memref<1800xf32, #tpu.memory_space<vmem>>[vector<16xi32>], vector<16xf32>,
        %parallel_loop3A_257 = arith.constant 20 : i32
        %parallel_loop3A_258 = arith.index_cast %parallel_loop3A_257 : i32 to index
        %parallel_loop3A_259 = arith.index_cast %parallel_loop3A_84 : i32 to index
        %parallel_loop3A_260 = tpu.vector_load %arg10[%parallel_loop3A_258, %parallel_loop3A_259] {strides = array<i32>} : memref<166x128xf32, #tpu.memory_space<vmem>>, vector<16xf32>,
        tpu.vector_store %arg10[%parallel_loop3A_258, %parallel_loop3A_259], %parallel_loop3A_256 {strides = array<i32>} : memref<166x128xf32, #tpu.memory_space<vmem>>, vector<16xf32>,
        %parallel_loop3A_261 = arith.constant 21 : i32
        %parallel_loop3A_262 = vector.broadcast %parallel_loop3A_261 : i32 to vector<16xi32>
        %parallel_loop3A_263 = arith.addi %parallel_loop3A_92, %parallel_loop3A_262 : vector<16xi32>
        %parallel_loop3A_264 = tpu.vector_load_idx %arg11[%parallel_loop3A_263] : memref<1800xf32, #tpu.memory_space<vmem>>[vector<16xi32>], vector<16xf32>,
        %parallel_loop3A_265 = arith.constant 21 : i32
        %parallel_loop3A_266 = arith.index_cast %parallel_loop3A_265 : i32 to index
        %parallel_loop3A_267 = arith.index_cast %parallel_loop3A_84 : i32 to index
        %parallel_loop3A_268 = tpu.vector_load %arg10[%parallel_loop3A_266, %parallel_loop3A_267] {strides = array<i32>} : memref<166x128xf32, #tpu.memory_space<vmem>>, vector<16xf32>,
        tpu.vector_store %arg10[%parallel_loop3A_266, %parallel_loop3A_267], %parallel_loop3A_264 {strides = array<i32>} : memref<166x128xf32, #tpu.memory_space<vmem>>, vector<16xf32>,
        %parallel_loop3A_269 = arith.constant 22 : i32
        %parallel_loop3A_270 = vector.broadcast %parallel_loop3A_269 : i32 to vector<16xi32>
        %parallel_loop3A_271 = arith.addi %parallel_loop3A_92, %parallel_loop3A_270 : vector<16xi32>
        %parallel_loop3A_272 = tpu.vector_load_idx %arg11[%parallel_loop3A_271] : memref<1800xf32, #tpu.memory_space<vmem>>[vector<16xi32>], vector<16xf32>,
        %parallel_loop3A_273 = arith.constant 22 : i32
        %parallel_loop3A_274 = arith.index_cast %parallel_loop3A_273 : i32 to index
        %parallel_loop3A_275 = arith.index_cast %parallel_loop3A_84 : i32 to index
        %parallel_loop3A_276 = tpu.vector_load %arg10[%parallel_loop3A_274, %parallel_loop3A_275] {strides = array<i32>} : memref<166x128xf32, #tpu.memory_space<vmem>>, vector<16xf32>,
        tpu.vector_store %arg10[%parallel_loop3A_274, %parallel_loop3A_275], %parallel_loop3A_272 {strides = array<i32>} : memref<166x128xf32, #tpu.memory_space<vmem>>, vector<16xf32>,
        %parallel_loop3A_277 = arith.constant 23 : i32
        %parallel_loop3A_278 = vector.broadcast %parallel_loop3A_277 : i32 to vector<16xi32>
        %parallel_loop3A_279 = arith.addi %parallel_loop3A_92, %parallel_loop3A_278 : vector<16xi32>
        %parallel_loop3A_280 = tpu.vector_load_idx %arg11[%parallel_loop3A_279] : memref<1800xf32, #tpu.memory_space<vmem>>[vector<16xi32>], vector<16xf32>,
        %parallel_loop3A_281 = arith.constant 23 : i32
        %parallel_loop3A_282 = arith.index_cast %parallel_loop3A_281 : i32 to index
        %parallel_loop3A_283 = arith.index_cast %parallel_loop3A_84 : i32 to index
        %parallel_loop3A_284 = tpu.vector_load %arg10[%parallel_loop3A_282, %parallel_loop3A_283] {strides = array<i32>} : memref<166x128xf32, #tpu.memory_space<vmem>>, vector<16xf32>,
        tpu.vector_store %arg10[%parallel_loop3A_282, %parallel_loop3A_283], %parallel_loop3A_280 {strides = array<i32>} : memref<166x128xf32, #tpu.memory_space<vmem>>, vector<16xf32>,
        %parallel_loop3A_285 = arith.constant 24 : i32
        %parallel_loop3A_286 = vector.broadcast %parallel_loop3A_285 : i32 to vector<16xi32>
        %parallel_loop3A_287 = arith.addi %parallel_loop3A_92, %parallel_loop3A_286 : vector<16xi32>
        %parallel_loop3A_288 = tpu.vector_load_idx %arg11[%parallel_loop3A_287] : memref<1800xf32, #tpu.memory_space<vmem>>[vector<16xi32>], vector<16xf32>,
        %parallel_loop3A_289 = arith.constant 24 : i32
        %parallel_loop3A_290 = arith.index_cast %parallel_loop3A_289 : i32 to index
        %parallel_loop3A_291 = arith.index_cast %parallel_loop3A_84 : i32 to index
        %parallel_loop3A_292 = tpu.vector_load %arg10[%parallel_loop3A_290, %parallel_loop3A_291] {strides = array<i32>} : memref<166x128xf32, #tpu.memory_space<vmem>>, vector<16xf32>,
        tpu.vector_store %arg10[%parallel_loop3A_290, %parallel_loop3A_291], %parallel_loop3A_288 {strides = array<i32>} : memref<166x128xf32, #tpu.memory_space<vmem>>, vector<16xf32>,
        %parallel_loop3A_293 = arith.constant 25 : i32
        %parallel_loop3A_294 = vector.broadcast %parallel_loop3A_293 : i32 to vector<16xi32>
        %parallel_loop3A_295 = arith.addi %parallel_loop3A_92, %parallel_loop3A_294 : vector<16xi32>
        %parallel_loop3A_296 = tpu.vector_load_idx %arg11[%parallel_loop3A_295] : memref<1800xf32, #tpu.memory_space<vmem>>[vector<16xi32>], vector<16xf32>,
        %parallel_loop3A_297 = arith.constant 25 : i32
        %parallel_loop3A_298 = arith.index_cast %parallel_loop3A_297 : i32 to index
        %parallel_loop3A_299 = arith.index_cast %parallel_loop3A_84 : i32 to index
        %parallel_loop3A_300 = tpu.vector_load %arg10[%parallel_loop3A_298, %parallel_loop3A_299] {strides = array<i32>} : memref<166x128xf32, #tpu.memory_space<vmem>>, vector<16xf32>,
        tpu.vector_store %arg10[%parallel_loop3A_298, %parallel_loop3A_299], %parallel_loop3A_296 {strides = array<i32>} : memref<166x128xf32, #tpu.memory_space<vmem>>, vector<16xf32>,
        %parallel_loop3A_301 = arith.constant 26 : i32
        %parallel_loop3A_302 = vector.broadcast %parallel_loop3A_301 : i32 to vector<16xi32>
        %parallel_loop3A_303 = arith.addi %parallel_loop3A_92, %parallel_loop3A_302 : vector<16xi32>
        %parallel_loop3A_304 = tpu.vector_load_idx %arg11[%parallel_loop3A_303] : memref<1800xf32, #tpu.memory_space<vmem>>[vector<16xi32>], vector<16xf32>,
        %parallel_loop3A_305 = arith.constant 26 : i32
        %parallel_loop3A_306 = arith.index_cast %parallel_loop3A_305 : i32 to index
        %parallel_loop3A_307 = arith.index_cast %parallel_loop3A_84 : i32 to index
        %parallel_loop3A_308 = tpu.vector_load %arg10[%parallel_loop3A_306, %parallel_loop3A_307] {strides = array<i32>} : memref<166x128xf32, #tpu.memory_space<vmem>>, vector<16xf32>,
        tpu.vector_store %arg10[%parallel_loop3A_306, %parallel_loop3A_307], %parallel_loop3A_304 {strides = array<i32>} : memref<166x128xf32, #tpu.memory_space<vmem>>, vector<16xf32>,
        %parallel_loop3A_309 = arith.constant 27 : i32
        %parallel_loop3A_310 = vector.broadcast %parallel_loop3A_309 : i32 to vector<16xi32>
        %parallel_loop3A_311 = arith.addi %parallel_loop3A_92, %parallel_loop3A_310 : vector<16xi32>
        %parallel_loop3A_312 = tpu.vector_load_idx %arg11[%parallel_loop3A_311] : memref<1800xf32, #tpu.memory_space<vmem>>[vector<16xi32>], vector<16xf32>,
        %parallel_loop3A_313 = arith.constant 27 : i32
        %parallel_loop3A_314 = arith.index_cast %parallel_loop3A_313 : i32 to index
        %parallel_loop3A_315 = arith.index_cast %parallel_loop3A_84 : i32 to index
        %parallel_loop3A_316 = tpu.vector_load %arg10[%parallel_loop3A_314, %parallel_loop3A_315] {strides = array<i32>} : memref<166x128xf32, #tpu.memory_space<vmem>>, vector<16xf32>,
        tpu.vector_store %arg10[%parallel_loop3A_314, %parallel_loop3A_315], %parallel_loop3A_312 {strides = array<i32>} : memref<166x128xf32, #tpu.memory_space<vmem>>, vector<16xf32>,
        %parallel_loop3A_317 = arith.constant 28 : i32
        %parallel_loop3A_318 = vector.broadcast %parallel_loop3A_317 : i32 to vector<16xi32>
        %parallel_loop3A_319 = arith.addi %parallel_loop3A_92, %parallel_loop3A_318 : vector<16xi32>
        %parallel_loop3A_320 = tpu.vector_load_idx %arg11[%parallel_loop3A_319] : memref<1800xf32, #tpu.memory_space<vmem>>[vector<16xi32>], vector<16xf32>,
        %parallel_loop3A_321 = arith.constant 28 : i32
        %parallel_loop3A_322 = arith.index_cast %parallel_loop3A_321 : i32 to index
        %parallel_loop3A_323 = arith.index_cast %parallel_loop3A_84 : i32 to index
        %parallel_loop3A_324 = tpu.vector_load %arg10[%parallel_loop3A_322, %parallel_loop3A_323] {strides = array<i32>} : memref<166x128xf32, #tpu.memory_space<vmem>>, vector<16xf32>,
        tpu.vector_store %arg10[%parallel_loop3A_322, %parallel_loop3A_323], %parallel_loop3A_320 {strides = array<i32>} : memref<166x128xf32, #tpu.memory_space<vmem>>, vector<16xf32>,
        %parallel_loop3A_325 = arith.constant 29 : i32
        %parallel_loop3A_326 = vector.broadcast %parallel_loop3A_325 : i32 to vector<16xi32>
        %parallel_loop3A_327 = arith.addi %parallel_loop3A_92, %parallel_loop3A_326 : vector<16xi32>
        %parallel_loop3A_328 = tpu.vector_load_idx %arg11[%parallel_loop3A_327] : memref<1800xf32, #tpu.memory_space<vmem>>[vector<16xi32>], vector<16xf32>,
        %parallel_loop3A_329 = arith.constant 29 : i32
        %parallel_loop3A_330 = arith.index_cast %parallel_loop3A_329 : i32 to index
        %parallel_loop3A_331 = arith.index_cast %parallel_loop3A_84 : i32 to index
        %parallel_loop3A_332 = tpu.vector_load %arg10[%parallel_loop3A_330, %parallel_loop3A_331] {strides = array<i32>} : memref<166x128xf32, #tpu.memory_space<vmem>>, vector<16xf32>,
        tpu.vector_store %arg10[%parallel_loop3A_330, %parallel_loop3A_331], %parallel_loop3A_328 {strides = array<i32>} : memref<166x128xf32, #tpu.memory_space<vmem>>, vector<16xf32>,
        %parallel_loop3A_333 = arith.constant 3 : i32
        %parallel_loop3A_334 = arith.index_cast %parallel_loop3A_333 : i32 to index
        %parallel_loop3A_335 = arith.index_cast %parallel_loop3A_84 : i32 to index
        %parallel_loop3A_336 = tpu.vector_load %arg8[%parallel_loop3A_334, %parallel_loop3A_335] {strides = array<i32>} : memref<44x128xf32, #tpu.memory_space<vmem>>, vector<16xf32>,
        %parallel_loop3A_337 = arith.fptosi %parallel_loop3A_336 : vector<16xf32> to vector<16xi32>
        %parallel_loop3A_338 = arith.constant 10 : i32
        %parallel_loop3A_339 = vector.broadcast %parallel_loop3A_338 : i32 to vector<16xi32>
        %parallel_loop3A_340 = arith.muli %parallel_loop3A_337, %parallel_loop3A_339 : vector<16xi32>
        %parallel_loop3A_341 = arith.constant 0 : i32
        %parallel_loop3A_342 = vector.broadcast %parallel_loop3A_341 : i32 to vector<16xi32>
        %parallel_loop3A_343 = arith.addi %parallel_loop3A_340, %parallel_loop3A_342 : vector<16xi32>
        %parallel_loop3A_344 = tpu.vector_load_idx %arg12[%parallel_loop3A_343] : memref<600xf32, #tpu.memory_space<vmem>>[vector<16xi32>], vector<16xf32>,
        %parallel_loop3A_345 = arith.constant 30 : i32
        %parallel_loop3A_346 = arith.index_cast %parallel_loop3A_345 : i32 to index
        %parallel_loop3A_347 = arith.index_cast %parallel_loop3A_84 : i32 to index
        %parallel_loop3A_348 = tpu.vector_load %arg10[%parallel_loop3A_346, %parallel_loop3A_347] {strides = array<i32>} : memref<166x128xf32, #tpu.memory_space<vmem>>, vector<16xf32>,
        tpu.vector_store %arg10[%parallel_loop3A_346, %parallel_loop3A_347], %parallel_loop3A_344 {strides = array<i32>} : memref<166x128xf32, #tpu.memory_space<vmem>>, vector<16xf32>,
        %parallel_loop3A_349 = arith.constant 1 : i32
        %parallel_loop3A_350 = vector.broadcast %parallel_loop3A_349 : i32 to vector<16xi32>
        %parallel_loop3A_351 = arith.addi %parallel_loop3A_340, %parallel_loop3A_350 : vector<16xi32>
        %parallel_loop3A_352 = tpu.vector_load_idx %arg12[%parallel_loop3A_351] : memref<600xf32, #tpu.memory_space<vmem>>[vector<16xi32>], vector<16xf32>,
        %parallel_loop3A_353 = arith.constant 31 : i32
        %parallel_loop3A_354 = arith.index_cast %parallel_loop3A_353 : i32 to index
        %parallel_loop3A_355 = arith.index_cast %parallel_loop3A_84 : i32 to index
        %parallel_loop3A_356 = tpu.vector_load %arg10[%parallel_loop3A_354, %parallel_loop3A_355] {strides = array<i32>} : memref<166x128xf32, #tpu.memory_space<vmem>>, vector<16xf32>,
        tpu.vector_store %arg10[%parallel_loop3A_354, %parallel_loop3A_355], %parallel_loop3A_352 {strides = array<i32>} : memref<166x128xf32, #tpu.memory_space<vmem>>, vector<16xf32>,
        %parallel_loop3A_357 = arith.constant 2 : i32
        %parallel_loop3A_358 = vector.broadcast %parallel_loop3A_357 : i32 to vector<16xi32>
        %parallel_loop3A_359 = arith.addi %parallel_loop3A_340, %parallel_loop3A_358 : vector<16xi32>
        %parallel_loop3A_360 = tpu.vector_load_idx %arg12[%parallel_loop3A_359] : memref<600xf32, #tpu.memory_space<vmem>>[vector<16xi32>], vector<16xf32>,
        %parallel_loop3A_361 = arith.constant 32 : i32
        %parallel_loop3A_362 = arith.index_cast %parallel_loop3A_361 : i32 to index
        %parallel_loop3A_363 = arith.index_cast %parallel_loop3A_84 : i32 to index
        %parallel_loop3A_364 = tpu.vector_load %arg10[%parallel_loop3A_362, %parallel_loop3A_363] {strides = array<i32>} : memref<166x128xf32, #tpu.memory_space<vmem>>, vector<16xf32>,
        tpu.vector_store %arg10[%parallel_loop3A_362, %parallel_loop3A_363], %parallel_loop3A_360 {strides = array<i32>} : memref<166x128xf32, #tpu.memory_space<vmem>>, vector<16xf32>,
        %parallel_loop3A_365 = arith.constant 3 : i32
        %parallel_loop3A_366 = vector.broadcast %parallel_loop3A_365 : i32 to vector<16xi32>
        %parallel_loop3A_367 = arith.addi %parallel_loop3A_340, %parallel_loop3A_366 : vector<16xi32>
        %parallel_loop3A_368 = tpu.vector_load_idx %arg12[%parallel_loop3A_367] : memref<600xf32, #tpu.memory_space<vmem>>[vector<16xi32>], vector<16xf32>,
        %parallel_loop3A_369 = arith.constant 33 : i32
        %parallel_loop3A_370 = arith.index_cast %parallel_loop3A_369 : i32 to index
        %parallel_loop3A_371 = arith.index_cast %parallel_loop3A_84 : i32 to index
        %parallel_loop3A_372 = tpu.vector_load %arg10[%parallel_loop3A_370, %parallel_loop3A_371] {strides = array<i32>} : memref<166x128xf32, #tpu.memory_space<vmem>>, vector<16xf32>,
        tpu.vector_store %arg10[%parallel_loop3A_370, %parallel_loop3A_371], %parallel_loop3A_368 {strides = array<i32>} : memref<166x128xf32, #tpu.memory_space<vmem>>, vector<16xf32>,
        %parallel_loop3A_373 = arith.constant 4 : i32
        %parallel_loop3A_374 = vector.broadcast %parallel_loop3A_373 : i32 to vector<16xi32>
        %parallel_loop3A_375 = arith.addi %parallel_loop3A_340, %parallel_loop3A_374 : vector<16xi32>
        %parallel_loop3A_376 = tpu.vector_load_idx %arg12[%parallel_loop3A_375] : memref<600xf32, #tpu.memory_space<vmem>>[vector<16xi32>], vector<16xf32>,
        %parallel_loop3A_377 = arith.constant 34 : i32
        %parallel_loop3A_378 = arith.index_cast %parallel_loop3A_377 : i32 to index
        %parallel_loop3A_379 = arith.index_cast %parallel_loop3A_84 : i32 to index
        %parallel_loop3A_380 = tpu.vector_load %arg10[%parallel_loop3A_378, %parallel_loop3A_379] {strides = array<i32>} : memref<166x128xf32, #tpu.memory_space<vmem>>, vector<16xf32>,
        tpu.vector_store %arg10[%parallel_loop3A_378, %parallel_loop3A_379], %parallel_loop3A_376 {strides = array<i32>} : memref<166x128xf32, #tpu.memory_space<vmem>>, vector<16xf32>,
        %parallel_loop3A_381 = arith.constant 5 : i32
        %parallel_loop3A_382 = vector.broadcast %parallel_loop3A_381 : i32 to vector<16xi32>
        %parallel_loop3A_383 = arith.addi %parallel_loop3A_340, %parallel_loop3A_382 : vector<16xi32>
        %parallel_loop3A_384 = tpu.vector_load_idx %arg12[%parallel_loop3A_383] : memref<600xf32, #tpu.memory_space<vmem>>[vector<16xi32>], vector<16xf32>,
        %parallel_loop3A_385 = arith.constant 35 : i32
        %parallel_loop3A_386 = arith.index_cast %parallel_loop3A_385 : i32 to index
        %parallel_loop3A_387 = arith.index_cast %parallel_loop3A_84 : i32 to index
        %parallel_loop3A_388 = tpu.vector_load %arg10[%parallel_loop3A_386, %parallel_loop3A_387] {strides = array<i32>} : memref<166x128xf32, #tpu.memory_space<vmem>>, vector<16xf32>,
        tpu.vector_store %arg10[%parallel_loop3A_386, %parallel_loop3A_387], %parallel_loop3A_384 {strides = array<i32>} : memref<166x128xf32, #tpu.memory_space<vmem>>, vector<16xf32>,
        %parallel_loop3A_389 = arith.constant 6 : i32
        %parallel_loop3A_390 = vector.broadcast %parallel_loop3A_389 : i32 to vector<16xi32>
        %parallel_loop3A_391 = arith.addi %parallel_loop3A_340, %parallel_loop3A_390 : vector<16xi32>
        %parallel_loop3A_392 = tpu.vector_load_idx %arg12[%parallel_loop3A_391] : memref<600xf32, #tpu.memory_space<vmem>>[vector<16xi32>], vector<16xf32>,
        %parallel_loop3A_393 = arith.constant 36 : i32
        %parallel_loop3A_394 = arith.index_cast %parallel_loop3A_393 : i32 to index
        %parallel_loop3A_395 = arith.index_cast %parallel_loop3A_84 : i32 to index
        %parallel_loop3A_396 = tpu.vector_load %arg10[%parallel_loop3A_394, %parallel_loop3A_395] {strides = array<i32>} : memref<166x128xf32, #tpu.memory_space<vmem>>, vector<16xf32>,
        tpu.vector_store %arg10[%parallel_loop3A_394, %parallel_loop3A_395], %parallel_loop3A_392 {strides = array<i32>} : memref<166x128xf32, #tpu.memory_space<vmem>>, vector<16xf32>,
        %parallel_loop3A_397 = arith.constant 7 : i32
        %parallel_loop3A_398 = vector.broadcast %parallel_loop3A_397 : i32 to vector<16xi32>
        %parallel_loop3A_399 = arith.addi %parallel_loop3A_340, %parallel_loop3A_398 : vector<16xi32>
        %parallel_loop3A_400 = tpu.vector_load_idx %arg12[%parallel_loop3A_399] : memref<600xf32, #tpu.memory_space<vmem>>[vector<16xi32>], vector<16xf32>,
        %parallel_loop3A_401 = arith.constant 37 : i32
        %parallel_loop3A_402 = arith.index_cast %parallel_loop3A_401 : i32 to index
        %parallel_loop3A_403 = arith.index_cast %parallel_loop3A_84 : i32 to index
        %parallel_loop3A_404 = tpu.vector_load %arg10[%parallel_loop3A_402, %parallel_loop3A_403] {strides = array<i32>} : memref<166x128xf32, #tpu.memory_space<vmem>>, vector<16xf32>,
        tpu.vector_store %arg10[%parallel_loop3A_402, %parallel_loop3A_403], %parallel_loop3A_400 {strides = array<i32>} : memref<166x128xf32, #tpu.memory_space<vmem>>, vector<16xf32>,
        %parallel_loop3A_405 = arith.constant 8 : i32
        %parallel_loop3A_406 = vector.broadcast %parallel_loop3A_405 : i32 to vector<16xi32>
        %parallel_loop3A_407 = arith.addi %parallel_loop3A_340, %parallel_loop3A_406 : vector<16xi32>
        %parallel_loop3A_408 = tpu.vector_load_idx %arg12[%parallel_loop3A_407] : memref<600xf32, #tpu.memory_space<vmem>>[vector<16xi32>], vector<16xf32>,
        %parallel_loop3A_409 = arith.constant 38 : i32
        %parallel_loop3A_410 = arith.index_cast %parallel_loop3A_409 : i32 to index
        %parallel_loop3A_411 = arith.index_cast %parallel_loop3A_84 : i32 to index
        %parallel_loop3A_412 = tpu.vector_load %arg10[%parallel_loop3A_410, %parallel_loop3A_411] {strides = array<i32>} : memref<166x128xf32, #tpu.memory_space<vmem>>, vector<16xf32>,
        tpu.vector_store %arg10[%parallel_loop3A_410, %parallel_loop3A_411], %parallel_loop3A_408 {strides = array<i32>} : memref<166x128xf32, #tpu.memory_space<vmem>>, vector<16xf32>,
        %parallel_loop3A_413 = arith.constant 9 : i32
        %parallel_loop3A_414 = vector.broadcast %parallel_loop3A_413 : i32 to vector<16xi32>
        %parallel_loop3A_415 = arith.addi %parallel_loop3A_340, %parallel_loop3A_414 : vector<16xi32>
        %parallel_loop3A_416 = tpu.vector_load_idx %arg12[%parallel_loop3A_415] : memref<600xf32, #tpu.memory_space<vmem>>[vector<16xi32>], vector<16xf32>,
        %parallel_loop3A_417 = arith.constant 39 : i32
        %parallel_loop3A_418 = arith.index_cast %parallel_loop3A_417 : i32 to index
        %parallel_loop3A_419 = arith.index_cast %parallel_loop3A_84 : i32 to index
        %parallel_loop3A_420 = tpu.vector_load %arg10[%parallel_loop3A_418, %parallel_loop3A_419] {strides = array<i32>} : memref<166x128xf32, #tpu.memory_space<vmem>>, vector<16xf32>,
        tpu.vector_store %arg10[%parallel_loop3A_418, %parallel_loop3A_419], %parallel_loop3A_416 {strides = array<i32>} : memref<166x128xf32, #tpu.memory_space<vmem>>, vector<16xf32>,
        %parallel_loop3A_421 = arith.constant 4 : i32
        %parallel_loop3A_422 = arith.index_cast %parallel_loop3A_421 : i32 to index
        %parallel_loop3A_423 = arith.index_cast %parallel_loop3A_84 : i32 to index
        %parallel_loop3A_424 = tpu.vector_load %arg8[%parallel_loop3A_422, %parallel_loop3A_423] {strides = array<i32>} : memref<44x128xf32, #tpu.memory_space<vmem>>, vector<16xf32>,
        %parallel_loop3A_425 = arith.fptosi %parallel_loop3A_424 : vector<16xf32> to vector<16xi32>
        %parallel_loop3A_426 = arith.constant 10 : i32
        %parallel_loop3A_427 = vector.broadcast %parallel_loop3A_426 : i32 to vector<16xi32>
        %parallel_loop3A_428 = arith.muli %parallel_loop3A_425, %parallel_loop3A_427 : vector<16xi32>
        %parallel_loop3A_429 = arith.constant 0 : i32
        %parallel_loop3A_430 = vector.broadcast %parallel_loop3A_429 : i32 to vector<16xi32>
        %parallel_loop3A_431 = arith.addi %parallel_loop3A_428, %parallel_loop3A_430 : vector<16xi32>
        %parallel_loop3A_432 = tpu.vector_load_idx %arg12[%parallel_loop3A_431] : memref<600xf32, #tpu.memory_space<vmem>>[vector<16xi32>], vector<16xf32>,
        %parallel_loop3A_433 = arith.constant 40 : i32
        %parallel_loop3A_434 = arith.index_cast %parallel_loop3A_433 : i32 to index
        %parallel_loop3A_435 = arith.index_cast %parallel_loop3A_84 : i32 to index
        %parallel_loop3A_436 = tpu.vector_load %arg10[%parallel_loop3A_434, %parallel_loop3A_435] {strides = array<i32>} : memref<166x128xf32, #tpu.memory_space<vmem>>, vector<16xf32>,
        tpu.vector_store %arg10[%parallel_loop3A_434, %parallel_loop3A_435], %parallel_loop3A_432 {strides = array<i32>} : memref<166x128xf32, #tpu.memory_space<vmem>>, vector<16xf32>,
        %parallel_loop3A_437 = arith.constant 1 : i32
        %parallel_loop3A_438 = vector.broadcast %parallel_loop3A_437 : i32 to vector<16xi32>
        %parallel_loop3A_439 = arith.addi %parallel_loop3A_428, %parallel_loop3A_438 : vector<16xi32>
        %parallel_loop3A_440 = tpu.vector_load_idx %arg12[%parallel_loop3A_439] : memref<600xf32, #tpu.memory_space<vmem>>[vector<16xi32>], vector<16xf32>,
        %parallel_loop3A_441 = arith.constant 41 : i32
        %parallel_loop3A_442 = arith.index_cast %parallel_loop3A_441 : i32 to index
        %parallel_loop3A_443 = arith.index_cast %parallel_loop3A_84 : i32 to index
        %parallel_loop3A_444 = tpu.vector_load %arg10[%parallel_loop3A_442, %parallel_loop3A_443] {strides = array<i32>} : memref<166x128xf32, #tpu.memory_space<vmem>>, vector<16xf32>,
        tpu.vector_store %arg10[%parallel_loop3A_442, %parallel_loop3A_443], %parallel_loop3A_440 {strides = array<i32>} : memref<166x128xf32, #tpu.memory_space<vmem>>, vector<16xf32>,
        %parallel_loop3A_445 = arith.constant 2 : i32
        %parallel_loop3A_446 = vector.broadcast %parallel_loop3A_445 : i32 to vector<16xi32>
        %parallel_loop3A_447 = arith.addi %parallel_loop3A_428, %parallel_loop3A_446 : vector<16xi32>
        %parallel_loop3A_448 = tpu.vector_load_idx %arg12[%parallel_loop3A_447] : memref<600xf32, #tpu.memory_space<vmem>>[vector<16xi32>], vector<16xf32>,
        %parallel_loop3A_449 = arith.constant 42 : i32
        %parallel_loop3A_450 = arith.index_cast %parallel_loop3A_449 : i32 to index
        %parallel_loop3A_451 = arith.index_cast %parallel_loop3A_84 : i32 to index
        %parallel_loop3A_452 = tpu.vector_load %arg10[%parallel_loop3A_450, %parallel_loop3A_451] {strides = array<i32>} : memref<166x128xf32, #tpu.memory_space<vmem>>, vector<16xf32>,
        tpu.vector_store %arg10[%parallel_loop3A_450, %parallel_loop3A_451], %parallel_loop3A_448 {strides = array<i32>} : memref<166x128xf32, #tpu.memory_space<vmem>>, vector<16xf32>,
        %parallel_loop3A_453 = arith.constant 3 : i32
        %parallel_loop3A_454 = vector.broadcast %parallel_loop3A_453 : i32 to vector<16xi32>
        %parallel_loop3A_455 = arith.addi %parallel_loop3A_428, %parallel_loop3A_454 : vector<16xi32>
        %parallel_loop3A_456 = tpu.vector_load_idx %arg12[%parallel_loop3A_455] : memref<600xf32, #tpu.memory_space<vmem>>[vector<16xi32>], vector<16xf32>,
        %parallel_loop3A_457 = arith.constant 43 : i32
        %parallel_loop3A_458 = arith.index_cast %parallel_loop3A_457 : i32 to index
        %parallel_loop3A_459 = arith.index_cast %parallel_loop3A_84 : i32 to index
        %parallel_loop3A_460 = tpu.vector_load %arg10[%parallel_loop3A_458, %parallel_loop3A_459] {strides = array<i32>} : memref<166x128xf32, #tpu.memory_space<vmem>>, vector<16xf32>,
        tpu.vector_store %arg10[%parallel_loop3A_458, %parallel_loop3A_459], %parallel_loop3A_456 {strides = array<i32>} : memref<166x128xf32, #tpu.memory_space<vmem>>, vector<16xf32>,
        %parallel_loop3A_461 = arith.constant 4 : i32
        %parallel_loop3A_462 = vector.broadcast %parallel_loop3A_461 : i32 to vector<16xi32>
        %parallel_loop3A_463 = arith.addi %parallel_loop3A_428, %parallel_loop3A_462 : vector<16xi32>
        %parallel_loop3A_464 = tpu.vector_load_idx %arg12[%parallel_loop3A_463] : memref<600xf32, #tpu.memory_space<vmem>>[vector<16xi32>], vector<16xf32>,
        %parallel_loop3A_465 = arith.constant 44 : i32
        %parallel_loop3A_466 = arith.index_cast %parallel_loop3A_465 : i32 to index
        %parallel_loop3A_467 = arith.index_cast %parallel_loop3A_84 : i32 to index
        %parallel_loop3A_468 = tpu.vector_load %arg10[%parallel_loop3A_466, %parallel_loop3A_467] {strides = array<i32>} : memref<166x128xf32, #tpu.memory_space<vmem>>, vector<16xf32>,
        tpu.vector_store %arg10[%parallel_loop3A_466, %parallel_loop3A_467], %parallel_loop3A_464 {strides = array<i32>} : memref<166x128xf32, #tpu.memory_space<vmem>>, vector<16xf32>,
        %parallel_loop3A_469 = arith.constant 5 : i32
        %parallel_loop3A_470 = vector.broadcast %parallel_loop3A_469 : i32 to vector<16xi32>
        %parallel_loop3A_471 = arith.addi %parallel_loop3A_428, %parallel_loop3A_470 : vector<16xi32>
        %parallel_loop3A_472 = tpu.vector_load_idx %arg12[%parallel_loop3A_471] : memref<600xf32, #tpu.memory_space<vmem>>[vector<16xi32>], vector<16xf32>,
        %parallel_loop3A_473 = arith.constant 45 : i32
        %parallel_loop3A_474 = arith.index_cast %parallel_loop3A_473 : i32 to index
        %parallel_loop3A_475 = arith.index_cast %parallel_loop3A_84 : i32 to index
        %parallel_loop3A_476 = tpu.vector_load %arg10[%parallel_loop3A_474, %parallel_loop3A_475] {strides = array<i32>} : memref<166x128xf32, #tpu.memory_space<vmem>>, vector<16xf32>,
        tpu.vector_store %arg10[%parallel_loop3A_474, %parallel_loop3A_475], %parallel_loop3A_472 {strides = array<i32>} : memref<166x128xf32, #tpu.memory_space<vmem>>, vector<16xf32>,
        %parallel_loop3A_477 = arith.constant 6 : i32
        %parallel_loop3A_478 = vector.broadcast %parallel_loop3A_477 : i32 to vector<16xi32>
        %parallel_loop3A_479 = arith.addi %parallel_loop3A_428, %parallel_loop3A_478 : vector<16xi32>
        %parallel_loop3A_480 = tpu.vector_load_idx %arg12[%parallel_loop3A_479] : memref<600xf32, #tpu.memory_space<vmem>>[vector<16xi32>], vector<16xf32>,
        %parallel_loop3A_481 = arith.constant 46 : i32
        %parallel_loop3A_482 = arith.index_cast %parallel_loop3A_481 : i32 to index
        %parallel_loop3A_483 = arith.index_cast %parallel_loop3A_84 : i32 to index
        %parallel_loop3A_484 = tpu.vector_load %arg10[%parallel_loop3A_482, %parallel_loop3A_483] {strides = array<i32>} : memref<166x128xf32, #tpu.memory_space<vmem>>, vector<16xf32>,
        tpu.vector_store %arg10[%parallel_loop3A_482, %parallel_loop3A_483], %parallel_loop3A_480 {strides = array<i32>} : memref<166x128xf32, #tpu.memory_space<vmem>>, vector<16xf32>,
        %parallel_loop3A_485 = arith.constant 7 : i32
        %parallel_loop3A_486 = vector.broadcast %parallel_loop3A_485 : i32 to vector<16xi32>
        %parallel_loop3A_487 = arith.addi %parallel_loop3A_428, %parallel_loop3A_486 : vector<16xi32>
        %parallel_loop3A_488 = tpu.vector_load_idx %arg12[%parallel_loop3A_487] : memref<600xf32, #tpu.memory_space<vmem>>[vector<16xi32>], vector<16xf32>,
        %parallel_loop3A_489 = arith.constant 47 : i32
        %parallel_loop3A_490 = arith.index_cast %parallel_loop3A_489 : i32 to index
        %parallel_loop3A_491 = arith.index_cast %parallel_loop3A_84 : i32 to index
        %parallel_loop3A_492 = tpu.vector_load %arg10[%parallel_loop3A_490, %parallel_loop3A_491] {strides = array<i32>} : memref<166x128xf32, #tpu.memory_space<vmem>>, vector<16xf32>,
        tpu.vector_store %arg10[%parallel_loop3A_490, %parallel_loop3A_491], %parallel_loop3A_488 {strides = array<i32>} : memref<166x128xf32, #tpu.memory_space<vmem>>, vector<16xf32>,
        %parallel_loop3A_493 = arith.constant 8 : i32
        %parallel_loop3A_494 = vector.broadcast %parallel_loop3A_493 : i32 to vector<16xi32>
        %parallel_loop3A_495 = arith.addi %parallel_loop3A_428, %parallel_loop3A_494 : vector<16xi32>
        %parallel_loop3A_496 = tpu.vector_load_idx %arg12[%parallel_loop3A_495] : memref<600xf32, #tpu.memory_space<vmem>>[vector<16xi32>], vector<16xf32>,
        %parallel_loop3A_497 = arith.constant 48 : i32
        %parallel_loop3A_498 = arith.index_cast %parallel_loop3A_497 : i32 to index
        %parallel_loop3A_499 = arith.index_cast %parallel_loop3A_84 : i32 to index
        %parallel_loop3A_500 = tpu.vector_load %arg10[%parallel_loop3A_498, %parallel_loop3A_499] {strides = array<i32>} : memref<166x128xf32, #tpu.memory_space<vmem>>, vector<16xf32>,
        tpu.vector_store %arg10[%parallel_loop3A_498, %parallel_loop3A_499], %parallel_loop3A_496 {strides = array<i32>} : memref<166x128xf32, #tpu.memory_space<vmem>>, vector<16xf32>,
        %parallel_loop3A_501 = arith.constant 9 : i32
        %parallel_loop3A_502 = vector.broadcast %parallel_loop3A_501 : i32 to vector<16xi32>
        %parallel_loop3A_503 = arith.addi %parallel_loop3A_428, %parallel_loop3A_502 : vector<16xi32>
        %parallel_loop3A_504 = tpu.vector_load_idx %arg12[%parallel_loop3A_503] : memref<600xf32, #tpu.memory_space<vmem>>[vector<16xi32>], vector<16xf32>,
        %parallel_loop3A_505 = arith.constant 49 : i32
        %parallel_loop3A_506 = arith.index_cast %parallel_loop3A_505 : i32 to index
        %parallel_loop3A_507 = arith.index_cast %parallel_loop3A_84 : i32 to index
        %parallel_loop3A_508 = tpu.vector_load %arg10[%parallel_loop3A_506, %parallel_loop3A_507] {strides = array<i32>} : memref<166x128xf32, #tpu.memory_space<vmem>>, vector<16xf32>,
        tpu.vector_store %arg10[%parallel_loop3A_506, %parallel_loop3A_507], %parallel_loop3A_504 {strides = array<i32>} : memref<166x128xf32, #tpu.memory_space<vmem>>, vector<16xf32>,
        %parallel_loop3A_509 = arith.constant 5 : i32
        %parallel_loop3A_510 = arith.index_cast %parallel_loop3A_509 : i32 to index
        %parallel_loop3A_511 = arith.index_cast %parallel_loop3A_84 : i32 to index
        %parallel_loop3A_512 = tpu.vector_load %arg8[%parallel_loop3A_510, %parallel_loop3A_511] {strides = array<i32>} : memref<44x128xf32, #tpu.memory_space<vmem>>, vector<16xf32>,
        %parallel_loop3A_513 = arith.fptosi %parallel_loop3A_512 : vector<16xf32> to vector<16xi32>
        %parallel_loop3A_514 = arith.constant 10 : i32
        %parallel_loop3A_515 = vector.broadcast %parallel_loop3A_514 : i32 to vector<16xi32>
        %parallel_loop3A_516 = arith.muli %parallel_loop3A_513, %parallel_loop3A_515 : vector<16xi32>
        %parallel_loop3A_517 = arith.constant 0 : i32
        %parallel_loop3A_518 = vector.broadcast %parallel_loop3A_517 : i32 to vector<16xi32>
        %parallel_loop3A_519 = arith.addi %parallel_loop3A_516, %parallel_loop3A_518 : vector<16xi32>
        %parallel_loop3A_520 = tpu.vector_load_idx %arg12[%parallel_loop3A_519] : memref<600xf32, #tpu.memory_space<vmem>>[vector<16xi32>], vector<16xf32>,
        %parallel_loop3A_521 = arith.constant 50 : i32
        %parallel_loop3A_522 = arith.index_cast %parallel_loop3A_521 : i32 to index
        %parallel_loop3A_523 = arith.index_cast %parallel_loop3A_84 : i32 to index
        %parallel_loop3A_524 = tpu.vector_load %arg10[%parallel_loop3A_522, %parallel_loop3A_523] {strides = array<i32>} : memref<166x128xf32, #tpu.memory_space<vmem>>, vector<16xf32>,
        tpu.vector_store %arg10[%parallel_loop3A_522, %parallel_loop3A_523], %parallel_loop3A_520 {strides = array<i32>} : memref<166x128xf32, #tpu.memory_space<vmem>>, vector<16xf32>,
        %parallel_loop3A_525 = arith.constant 1 : i32
        %parallel_loop3A_526 = vector.broadcast %parallel_loop3A_525 : i32 to vector<16xi32>
        %parallel_loop3A_527 = arith.addi %parallel_loop3A_516, %parallel_loop3A_526 : vector<16xi32>
        %parallel_loop3A_528 = tpu.vector_load_idx %arg12[%parallel_loop3A_527] : memref<600xf32, #tpu.memory_space<vmem>>[vector<16xi32>], vector<16xf32>,
        %parallel_loop3A_529 = arith.constant 51 : i32
        %parallel_loop3A_530 = arith.index_cast %parallel_loop3A_529 : i32 to index
        %parallel_loop3A_531 = arith.index_cast %parallel_loop3A_84 : i32 to index
        %parallel_loop3A_532 = tpu.vector_load %arg10[%parallel_loop3A_530, %parallel_loop3A_531] {strides = array<i32>} : memref<166x128xf32, #tpu.memory_space<vmem>>, vector<16xf32>,
        tpu.vector_store %arg10[%parallel_loop3A_530, %parallel_loop3A_531], %parallel_loop3A_528 {strides = array<i32>} : memref<166x128xf32, #tpu.memory_space<vmem>>, vector<16xf32>,
        %parallel_loop3A_533 = arith.constant 2 : i32
        %parallel_loop3A_534 = vector.broadcast %parallel_loop3A_533 : i32 to vector<16xi32>
        %parallel_loop3A_535 = arith.addi %parallel_loop3A_516, %parallel_loop3A_534 : vector<16xi32>
        %parallel_loop3A_536 = tpu.vector_load_idx %arg12[%parallel_loop3A_535] : memref<600xf32, #tpu.memory_space<vmem>>[vector<16xi32>], vector<16xf32>,
        %parallel_loop3A_537 = arith.constant 52 : i32
        %parallel_loop3A_538 = arith.index_cast %parallel_loop3A_537 : i32 to index
        %parallel_loop3A_539 = arith.index_cast %parallel_loop3A_84 : i32 to index
        %parallel_loop3A_540 = tpu.vector_load %arg10[%parallel_loop3A_538, %parallel_loop3A_539] {strides = array<i32>} : memref<166x128xf32, #tpu.memory_space<vmem>>, vector<16xf32>,
        tpu.vector_store %arg10[%parallel_loop3A_538, %parallel_loop3A_539], %parallel_loop3A_536 {strides = array<i32>} : memref<166x128xf32, #tpu.memory_space<vmem>>, vector<16xf32>,
        %parallel_loop3A_541 = arith.constant 3 : i32
        %parallel_loop3A_542 = vector.broadcast %parallel_loop3A_541 : i32 to vector<16xi32>
        %parallel_loop3A_543 = arith.addi %parallel_loop3A_516, %parallel_loop3A_542 : vector<16xi32>
        %parallel_loop3A_544 = tpu.vector_load_idx %arg12[%parallel_loop3A_543] : memref<600xf32, #tpu.memory_space<vmem>>[vector<16xi32>], vector<16xf32>,
        %parallel_loop3A_545 = arith.constant 53 : i32
        %parallel_loop3A_546 = arith.index_cast %parallel_loop3A_545 : i32 to index
        %parallel_loop3A_547 = arith.index_cast %parallel_loop3A_84 : i32 to index
        %parallel_loop3A_548 = tpu.vector_load %arg10[%parallel_loop3A_546, %parallel_loop3A_547] {strides = array<i32>} : memref<166x128xf32, #tpu.memory_space<vmem>>, vector<16xf32>,
        tpu.vector_store %arg10[%parallel_loop3A_546, %parallel_loop3A_547], %parallel_loop3A_544 {strides = array<i32>} : memref<166x128xf32, #tpu.memory_space<vmem>>, vector<16xf32>,
        %parallel_loop3A_549 = arith.constant 4 : i32
        %parallel_loop3A_550 = vector.broadcast %parallel_loop3A_549 : i32 to vector<16xi32>
        %parallel_loop3A_551 = arith.addi %parallel_loop3A_516, %parallel_loop3A_550 : vector<16xi32>
        %parallel_loop3A_552 = tpu.vector_load_idx %arg12[%parallel_loop3A_551] : memref<600xf32, #tpu.memory_space<vmem>>[vector<16xi32>], vector<16xf32>,
        %parallel_loop3A_553 = arith.constant 54 : i32
        %parallel_loop3A_554 = arith.index_cast %parallel_loop3A_553 : i32 to index
        %parallel_loop3A_555 = arith.index_cast %parallel_loop3A_84 : i32 to index
        %parallel_loop3A_556 = tpu.vector_load %arg10[%parallel_loop3A_554, %parallel_loop3A_555] {strides = array<i32>} : memref<166x128xf32, #tpu.memory_space<vmem>>, vector<16xf32>,
        tpu.vector_store %arg10[%parallel_loop3A_554, %parallel_loop3A_555], %parallel_loop3A_552 {strides = array<i32>} : memref<166x128xf32, #tpu.memory_space<vmem>>, vector<16xf32>,
        %parallel_loop3A_557 = arith.constant 5 : i32
        %parallel_loop3A_558 = vector.broadcast %parallel_loop3A_557 : i32 to vector<16xi32>
        %parallel_loop3A_559 = arith.addi %parallel_loop3A_516, %parallel_loop3A_558 : vector<16xi32>
        %parallel_loop3A_560 = tpu.vector_load_idx %arg12[%parallel_loop3A_559] : memref<600xf32, #tpu.memory_space<vmem>>[vector<16xi32>], vector<16xf32>,
        %parallel_loop3A_561 = arith.constant 55 : i32
        %parallel_loop3A_562 = arith.index_cast %parallel_loop3A_561 : i32 to index
        %parallel_loop3A_563 = arith.index_cast %parallel_loop3A_84 : i32 to index
        %parallel_loop3A_564 = tpu.vector_load %arg10[%parallel_loop3A_562, %parallel_loop3A_563] {strides = array<i32>} : memref<166x128xf32, #tpu.memory_space<vmem>>, vector<16xf32>,
        tpu.vector_store %arg10[%parallel_loop3A_562, %parallel_loop3A_563], %parallel_loop3A_560 {strides = array<i32>} : memref<166x128xf32, #tpu.memory_space<vmem>>, vector<16xf32>,
        %parallel_loop3A_565 = arith.constant 6 : i32
        %parallel_loop3A_566 = vector.broadcast %parallel_loop3A_565 : i32 to vector<16xi32>
        %parallel_loop3A_567 = arith.addi %parallel_loop3A_516, %parallel_loop3A_566 : vector<16xi32>
        %parallel_loop3A_568 = tpu.vector_load_idx %arg12[%parallel_loop3A_567] : memref<600xf32, #tpu.memory_space<vmem>>[vector<16xi32>], vector<16xf32>,
        %parallel_loop3A_569 = arith.constant 56 : i32
        %parallel_loop3A_570 = arith.index_cast %parallel_loop3A_569 : i32 to index
        %parallel_loop3A_571 = arith.index_cast %parallel_loop3A_84 : i32 to index
        %parallel_loop3A_572 = tpu.vector_load %arg10[%parallel_loop3A_570, %parallel_loop3A_571] {strides = array<i32>} : memref<166x128xf32, #tpu.memory_space<vmem>>, vector<16xf32>,
        tpu.vector_store %arg10[%parallel_loop3A_570, %parallel_loop3A_571], %parallel_loop3A_568 {strides = array<i32>} : memref<166x128xf32, #tpu.memory_space<vmem>>, vector<16xf32>,
        %parallel_loop3A_573 = arith.constant 7 : i32
        %parallel_loop3A_574 = vector.broadcast %parallel_loop3A_573 : i32 to vector<16xi32>
        %parallel_loop3A_575 = arith.addi %parallel_loop3A_516, %parallel_loop3A_574 : vector<16xi32>
        %parallel_loop3A_576 = tpu.vector_load_idx %arg12[%parallel_loop3A_575] : memref<600xf32, #tpu.memory_space<vmem>>[vector<16xi32>], vector<16xf32>,
        %parallel_loop3A_577 = arith.constant 57 : i32
        %parallel_loop3A_578 = arith.index_cast %parallel_loop3A_577 : i32 to index
        %parallel_loop3A_579 = arith.index_cast %parallel_loop3A_84 : i32 to index
        %parallel_loop3A_580 = tpu.vector_load %arg10[%parallel_loop3A_578, %parallel_loop3A_579] {strides = array<i32>} : memref<166x128xf32, #tpu.memory_space<vmem>>, vector<16xf32>,
        tpu.vector_store %arg10[%parallel_loop3A_578, %parallel_loop3A_579], %parallel_loop3A_576 {strides = array<i32>} : memref<166x128xf32, #tpu.memory_space<vmem>>, vector<16xf32>,
        %parallel_loop3A_581 = arith.constant 8 : i32
        %parallel_loop3A_582 = vector.broadcast %parallel_loop3A_581 : i32 to vector<16xi32>
        %parallel_loop3A_583 = arith.addi %parallel_loop3A_516, %parallel_loop3A_582 : vector<16xi32>
        %parallel_loop3A_584 = tpu.vector_load_idx %arg12[%parallel_loop3A_583] : memref<600xf32, #tpu.memory_space<vmem>>[vector<16xi32>], vector<16xf32>,
        %parallel_loop3A_585 = arith.constant 58 : i32
        %parallel_loop3A_586 = arith.index_cast %parallel_loop3A_585 : i32 to index
        %parallel_loop3A_587 = arith.index_cast %parallel_loop3A_84 : i32 to index
        %parallel_loop3A_588 = tpu.vector_load %arg10[%parallel_loop3A_586, %parallel_loop3A_587] {strides = array<i32>} : memref<166x128xf32, #tpu.memory_space<vmem>>, vector<16xf32>,
        tpu.vector_store %arg10[%parallel_loop3A_586, %parallel_loop3A_587], %parallel_loop3A_584 {strides = array<i32>} : memref<166x128xf32, #tpu.memory_space<vmem>>, vector<16xf32>,
        %parallel_loop3A_589 = arith.constant 9 : i32
        %parallel_loop3A_590 = vector.broadcast %parallel_loop3A_589 : i32 to vector<16xi32>
        %parallel_loop3A_591 = arith.addi %parallel_loop3A_516, %parallel_loop3A_590 : vector<16xi32>
        %parallel_loop3A_592 = tpu.vector_load_idx %arg12[%parallel_loop3A_591] : memref<600xf32, #tpu.memory_space<vmem>>[vector<16xi32>], vector<16xf32>,
        %parallel_loop3A_593 = arith.constant 59 : i32
        %parallel_loop3A_594 = arith.index_cast %parallel_loop3A_593 : i32 to index
        %parallel_loop3A_595 = arith.index_cast %parallel_loop3A_84 : i32 to index
        %parallel_loop3A_596 = tpu.vector_load %arg10[%parallel_loop3A_594, %parallel_loop3A_595] {strides = array<i32>} : memref<166x128xf32, #tpu.memory_space<vmem>>, vector<16xf32>,
        tpu.vector_store %arg10[%parallel_loop3A_594, %parallel_loop3A_595], %parallel_loop3A_592 {strides = array<i32>} : memref<166x128xf32, #tpu.memory_space<vmem>>, vector<16xf32>,
        %parallel_loop3A_597 = arith.constant 6 : i32
        %parallel_loop3A_598 = arith.index_cast %parallel_loop3A_597 : i32 to index
        %parallel_loop3A_599 = arith.index_cast %parallel_loop3A_84 : i32 to index
        %parallel_loop3A_600 = tpu.vector_load %arg8[%parallel_loop3A_598, %parallel_loop3A_599] {strides = array<i32>} : memref<44x128xf32, #tpu.memory_space<vmem>>, vector<16xf32>,
        %parallel_loop3A_601 = arith.fptosi %parallel_loop3A_600 : vector<16xf32> to vector<16xi32>
        %parallel_loop3A_602 = arith.constant 8 : i32
        %parallel_loop3A_603 = vector.broadcast %parallel_loop3A_602 : i32 to vector<16xi32>
        %parallel_loop3A_604 = arith.muli %parallel_loop3A_601, %parallel_loop3A_603 : vector<16xi32>
        %parallel_loop3A_605 = arith.constant 0 : i32
        %parallel_loop3A_606 = vector.broadcast %parallel_loop3A_605 : i32 to vector<16xi32>
        %parallel_loop3A_607 = arith.addi %parallel_loop3A_604, %parallel_loop3A_606 : vector<16xi32>
        %parallel_loop3A_608 = tpu.vector_load_idx %arg13[%parallel_loop3A_607] : memref<216xf32, #tpu.memory_space<vmem>>[vector<16xi32>], vector<16xf32>,
        %parallel_loop3A_609 = arith.constant 60 : i32
        %parallel_loop3A_610 = arith.index_cast %parallel_loop3A_609 : i32 to index
        %parallel_loop3A_611 = arith.index_cast %parallel_loop3A_84 : i32 to index
        %parallel_loop3A_612 = tpu.vector_load %arg10[%parallel_loop3A_610, %parallel_loop3A_611] {strides = array<i32>} : memref<166x128xf32, #tpu.memory_space<vmem>>, vector<16xf32>,
        tpu.vector_store %arg10[%parallel_loop3A_610, %parallel_loop3A_611], %parallel_loop3A_608 {strides = array<i32>} : memref<166x128xf32, #tpu.memory_space<vmem>>, vector<16xf32>,
        %parallel_loop3A_613 = arith.constant 1 : i32
        %parallel_loop3A_614 = vector.broadcast %parallel_loop3A_613 : i32 to vector<16xi32>
        %parallel_loop3A_615 = arith.addi %parallel_loop3A_604, %parallel_loop3A_614 : vector<16xi32>
        %parallel_loop3A_616 = tpu.vector_load_idx %arg13[%parallel_loop3A_615] : memref<216xf32, #tpu.memory_space<vmem>>[vector<16xi32>], vector<16xf32>,
        %parallel_loop3A_617 = arith.constant 61 : i32
        %parallel_loop3A_618 = arith.index_cast %parallel_loop3A_617 : i32 to index
        %parallel_loop3A_619 = arith.index_cast %parallel_loop3A_84 : i32 to index
        %parallel_loop3A_620 = tpu.vector_load %arg10[%parallel_loop3A_618, %parallel_loop3A_619] {strides = array<i32>} : memref<166x128xf32, #tpu.memory_space<vmem>>, vector<16xf32>,
        tpu.vector_store %arg10[%parallel_loop3A_618, %parallel_loop3A_619], %parallel_loop3A_616 {strides = array<i32>} : memref<166x128xf32, #tpu.memory_space<vmem>>, vector<16xf32>,
        %parallel_loop3A_621 = arith.constant 2 : i32
        %parallel_loop3A_622 = vector.broadcast %parallel_loop3A_621 : i32 to vector<16xi32>
        %parallel_loop3A_623 = arith.addi %parallel_loop3A_604, %parallel_loop3A_622 : vector<16xi32>
        %parallel_loop3A_624 = tpu.vector_load_idx %arg13[%parallel_loop3A_623] : memref<216xf32, #tpu.memory_space<vmem>>[vector<16xi32>], vector<16xf32>,
        %parallel_loop3A_625 = arith.constant 62 : i32
        %parallel_loop3A_626 = arith.index_cast %parallel_loop3A_625 : i32 to index
        %parallel_loop3A_627 = arith.index_cast %parallel_loop3A_84 : i32 to index
        %parallel_loop3A_628 = tpu.vector_load %arg10[%parallel_loop3A_626, %parallel_loop3A_627] {strides = array<i32>} : memref<166x128xf32, #tpu.memory_space<vmem>>, vector<16xf32>,
        tpu.vector_store %arg10[%parallel_loop3A_626, %parallel_loop3A_627], %parallel_loop3A_624 {strides = array<i32>} : memref<166x128xf32, #tpu.memory_space<vmem>>, vector<16xf32>,
        %parallel_loop3A_629 = arith.constant 3 : i32
        %parallel_loop3A_630 = vector.broadcast %parallel_loop3A_629 : i32 to vector<16xi32>
        %parallel_loop3A_631 = arith.addi %parallel_loop3A_604, %parallel_loop3A_630 : vector<16xi32>
        %parallel_loop3A_632 = tpu.vector_load_idx %arg13[%parallel_loop3A_631] : memref<216xf32, #tpu.memory_space<vmem>>[vector<16xi32>], vector<16xf32>,
        %parallel_loop3A_633 = arith.constant 63 : i32
        %parallel_loop3A_634 = arith.index_cast %parallel_loop3A_633 : i32 to index
        %parallel_loop3A_635 = arith.index_cast %parallel_loop3A_84 : i32 to index
        %parallel_loop3A_636 = tpu.vector_load %arg10[%parallel_loop3A_634, %parallel_loop3A_635] {strides = array<i32>} : memref<166x128xf32, #tpu.memory_space<vmem>>, vector<16xf32>,
        tpu.vector_store %arg10[%parallel_loop3A_634, %parallel_loop3A_635], %parallel_loop3A_632 {strides = array<i32>} : memref<166x128xf32, #tpu.memory_space<vmem>>, vector<16xf32>,
        %parallel_loop3A_637 = arith.constant 4 : i32
        %parallel_loop3A_638 = vector.broadcast %parallel_loop3A_637 : i32 to vector<16xi32>
        %parallel_loop3A_639 = arith.addi %parallel_loop3A_604, %parallel_loop3A_638 : vector<16xi32>
        %parallel_loop3A_640 = tpu.vector_load_idx %arg13[%parallel_loop3A_639] : memref<216xf32, #tpu.memory_space<vmem>>[vector<16xi32>], vector<16xf32>,
        %parallel_loop3A_641 = arith.constant 64 : i32
        %parallel_loop3A_642 = arith.index_cast %parallel_loop3A_641 : i32 to index
        %parallel_loop3A_643 = arith.index_cast %parallel_loop3A_84 : i32 to index
        %parallel_loop3A_644 = tpu.vector_load %arg10[%parallel_loop3A_642, %parallel_loop3A_643] {strides = array<i32>} : memref<166x128xf32, #tpu.memory_space<vmem>>, vector<16xf32>,
        tpu.vector_store %arg10[%parallel_loop3A_642, %parallel_loop3A_643], %parallel_loop3A_640 {strides = array<i32>} : memref<166x128xf32, #tpu.memory_space<vmem>>, vector<16xf32>,
        %parallel_loop3A_645 = arith.constant 5 : i32
        %parallel_loop3A_646 = vector.broadcast %parallel_loop3A_645 : i32 to vector<16xi32>
        %parallel_loop3A_647 = arith.addi %parallel_loop3A_604, %parallel_loop3A_646 : vector<16xi32>
        %parallel_loop3A_648 = tpu.vector_load_idx %arg13[%parallel_loop3A_647] : memref<216xf32, #tpu.memory_space<vmem>>[vector<16xi32>], vector<16xf32>,
        %parallel_loop3A_649 = arith.constant 65 : i32
        %parallel_loop3A_650 = arith.index_cast %parallel_loop3A_649 : i32 to index
        %parallel_loop3A_651 = arith.index_cast %parallel_loop3A_84 : i32 to index
        %parallel_loop3A_652 = tpu.vector_load %arg10[%parallel_loop3A_650, %parallel_loop3A_651] {strides = array<i32>} : memref<166x128xf32, #tpu.memory_space<vmem>>, vector<16xf32>,
        tpu.vector_store %arg10[%parallel_loop3A_650, %parallel_loop3A_651], %parallel_loop3A_648 {strides = array<i32>} : memref<166x128xf32, #tpu.memory_space<vmem>>, vector<16xf32>,
        %parallel_loop3A_653 = arith.constant 6 : i32
        %parallel_loop3A_654 = vector.broadcast %parallel_loop3A_653 : i32 to vector<16xi32>
        %parallel_loop3A_655 = arith.addi %parallel_loop3A_604, %parallel_loop3A_654 : vector<16xi32>
        %parallel_loop3A_656 = tpu.vector_load_idx %arg13[%parallel_loop3A_655] : memref<216xf32, #tpu.memory_space<vmem>>[vector<16xi32>], vector<16xf32>,
        %parallel_loop3A_657 = arith.constant 66 : i32
        %parallel_loop3A_658 = arith.index_cast %parallel_loop3A_657 : i32 to index
        %parallel_loop3A_659 = arith.index_cast %parallel_loop3A_84 : i32 to index
        %parallel_loop3A_660 = tpu.vector_load %arg10[%parallel_loop3A_658, %parallel_loop3A_659] {strides = array<i32>} : memref<166x128xf32, #tpu.memory_space<vmem>>, vector<16xf32>,
        tpu.vector_store %arg10[%parallel_loop3A_658, %parallel_loop3A_659], %parallel_loop3A_656 {strides = array<i32>} : memref<166x128xf32, #tpu.memory_space<vmem>>, vector<16xf32>,
        %parallel_loop3A_661 = arith.constant 7 : i32
        %parallel_loop3A_662 = vector.broadcast %parallel_loop3A_661 : i32 to vector<16xi32>
        %parallel_loop3A_663 = arith.addi %parallel_loop3A_604, %parallel_loop3A_662 : vector<16xi32>
        %parallel_loop3A_664 = tpu.vector_load_idx %arg13[%parallel_loop3A_663] : memref<216xf32, #tpu.memory_space<vmem>>[vector<16xi32>], vector<16xf32>,
        %parallel_loop3A_665 = arith.constant 67 : i32
        %parallel_loop3A_666 = arith.index_cast %parallel_loop3A_665 : i32 to index
        %parallel_loop3A_667 = arith.index_cast %parallel_loop3A_84 : i32 to index
        %parallel_loop3A_668 = tpu.vector_load %arg10[%parallel_loop3A_666, %parallel_loop3A_667] {strides = array<i32>} : memref<166x128xf32, #tpu.memory_space<vmem>>, vector<16xf32>,
        tpu.vector_store %arg10[%parallel_loop3A_666, %parallel_loop3A_667], %parallel_loop3A_664 {strides = array<i32>} : memref<166x128xf32, #tpu.memory_space<vmem>>, vector<16xf32>,
        %parallel_loop3A_669 = arith.constant 7 : i32
        %parallel_loop3A_670 = arith.index_cast %parallel_loop3A_669 : i32 to index
        %parallel_loop3A_671 = arith.index_cast %parallel_loop3A_84 : i32 to index
        %parallel_loop3A_672 = tpu.vector_load %arg8[%parallel_loop3A_670, %parallel_loop3A_671] {strides = array<i32>} : memref<44x128xf32, #tpu.memory_space<vmem>>, vector<16xf32>,
        %parallel_loop3A_673 = arith.fptosi %parallel_loop3A_672 : vector<16xf32> to vector<16xi32>
        %parallel_loop3A_674 = arith.constant 8 : i32
        %parallel_loop3A_675 = vector.broadcast %parallel_loop3A_674 : i32 to vector<16xi32>
        %parallel_loop3A_676 = arith.muli %parallel_loop3A_673, %parallel_loop3A_675 : vector<16xi32>
        %parallel_loop3A_677 = arith.constant 0 : i32
        %parallel_loop3A_678 = vector.broadcast %parallel_loop3A_677 : i32 to vector<16xi32>
        %parallel_loop3A_679 = arith.addi %parallel_loop3A_676, %parallel_loop3A_678 : vector<16xi32>
        %parallel_loop3A_680 = tpu.vector_load_idx %arg13[%parallel_loop3A_679] : memref<216xf32, #tpu.memory_space<vmem>>[vector<16xi32>], vector<16xf32>,
        %parallel_loop3A_681 = arith.constant 68 : i32
        %parallel_loop3A_682 = arith.index_cast %parallel_loop3A_681 : i32 to index
        %parallel_loop3A_683 = arith.index_cast %parallel_loop3A_84 : i32 to index
        %parallel_loop3A_684 = tpu.vector_load %arg10[%parallel_loop3A_682, %parallel_loop3A_683] {strides = array<i32>} : memref<166x128xf32, #tpu.memory_space<vmem>>, vector<16xf32>,
        tpu.vector_store %arg10[%parallel_loop3A_682, %parallel_loop3A_683], %parallel_loop3A_680 {strides = array<i32>} : memref<166x128xf32, #tpu.memory_space<vmem>>, vector<16xf32>,
        %parallel_loop3A_685 = arith.constant 1 : i32
        %parallel_loop3A_686 = vector.broadcast %parallel_loop3A_685 : i32 to vector<16xi32>
        %parallel_loop3A_687 = arith.addi %parallel_loop3A_676, %parallel_loop3A_686 : vector<16xi32>
        %parallel_loop3A_688 = tpu.vector_load_idx %arg13[%parallel_loop3A_687] : memref<216xf32, #tpu.memory_space<vmem>>[vector<16xi32>], vector<16xf32>,
        %parallel_loop3A_689 = arith.constant 69 : i32
        %parallel_loop3A_690 = arith.index_cast %parallel_loop3A_689 : i32 to index
        %parallel_loop3A_691 = arith.index_cast %parallel_loop3A_84 : i32 to index
        %parallel_loop3A_692 = tpu.vector_load %arg10[%parallel_loop3A_690, %parallel_loop3A_691] {strides = array<i32>} : memref<166x128xf32, #tpu.memory_space<vmem>>, vector<16xf32>,
        tpu.vector_store %arg10[%parallel_loop3A_690, %parallel_loop3A_691], %parallel_loop3A_688 {strides = array<i32>} : memref<166x128xf32, #tpu.memory_space<vmem>>, vector<16xf32>,
        %parallel_loop3A_693 = arith.constant 2 : i32
        %parallel_loop3A_694 = vector.broadcast %parallel_loop3A_693 : i32 to vector<16xi32>
        %parallel_loop3A_695 = arith.addi %parallel_loop3A_676, %parallel_loop3A_694 : vector<16xi32>
        %parallel_loop3A_696 = tpu.vector_load_idx %arg13[%parallel_loop3A_695] : memref<216xf32, #tpu.memory_space<vmem>>[vector<16xi32>], vector<16xf32>,
        %parallel_loop3A_697 = arith.constant 70 : i32
        %parallel_loop3A_698 = arith.index_cast %parallel_loop3A_697 : i32 to index
        %parallel_loop3A_699 = arith.index_cast %parallel_loop3A_84 : i32 to index
        %parallel_loop3A_700 = tpu.vector_load %arg10[%parallel_loop3A_698, %parallel_loop3A_699] {strides = array<i32>} : memref<166x128xf32, #tpu.memory_space<vmem>>, vector<16xf32>,
        tpu.vector_store %arg10[%parallel_loop3A_698, %parallel_loop3A_699], %parallel_loop3A_696 {strides = array<i32>} : memref<166x128xf32, #tpu.memory_space<vmem>>, vector<16xf32>,
        %parallel_loop3A_701 = arith.constant 3 : i32
        %parallel_loop3A_702 = vector.broadcast %parallel_loop3A_701 : i32 to vector<16xi32>
        %parallel_loop3A_703 = arith.addi %parallel_loop3A_676, %parallel_loop3A_702 : vector<16xi32>
        %parallel_loop3A_704 = tpu.vector_load_idx %arg13[%parallel_loop3A_703] : memref<216xf32, #tpu.memory_space<vmem>>[vector<16xi32>], vector<16xf32>,
        %parallel_loop3A_705 = arith.constant 71 : i32
        %parallel_loop3A_706 = arith.index_cast %parallel_loop3A_705 : i32 to index
        %parallel_loop3A_707 = arith.index_cast %parallel_loop3A_84 : i32 to index
        %parallel_loop3A_708 = tpu.vector_load %arg10[%parallel_loop3A_706, %parallel_loop3A_707] {strides = array<i32>} : memref<166x128xf32, #tpu.memory_space<vmem>>, vector<16xf32>,
        tpu.vector_store %arg10[%parallel_loop3A_706, %parallel_loop3A_707], %parallel_loop3A_704 {strides = array<i32>} : memref<166x128xf32, #tpu.memory_space<vmem>>, vector<16xf32>,
        %parallel_loop3A_709 = arith.constant 4 : i32
        %parallel_loop3A_710 = vector.broadcast %parallel_loop3A_709 : i32 to vector<16xi32>
        %parallel_loop3A_711 = arith.addi %parallel_loop3A_676, %parallel_loop3A_710 : vector<16xi32>
        %parallel_loop3A_712 = tpu.vector_load_idx %arg13[%parallel_loop3A_711] : memref<216xf32, #tpu.memory_space<vmem>>[vector<16xi32>], vector<16xf32>,
        %parallel_loop3A_713 = arith.constant 72 : i32
        %parallel_loop3A_714 = arith.index_cast %parallel_loop3A_713 : i32 to index
        %parallel_loop3A_715 = arith.index_cast %parallel_loop3A_84 : i32 to index
        %parallel_loop3A_716 = tpu.vector_load %arg10[%parallel_loop3A_714, %parallel_loop3A_715] {strides = array<i32>} : memref<166x128xf32, #tpu.memory_space<vmem>>, vector<16xf32>,
        tpu.vector_store %arg10[%parallel_loop3A_714, %parallel_loop3A_715], %parallel_loop3A_712 {strides = array<i32>} : memref<166x128xf32, #tpu.memory_space<vmem>>, vector<16xf32>,
        %parallel_loop3A_717 = arith.constant 5 : i32
        %parallel_loop3A_718 = vector.broadcast %parallel_loop3A_717 : i32 to vector<16xi32>
        %parallel_loop3A_719 = arith.addi %parallel_loop3A_676, %parallel_loop3A_718 : vector<16xi32>
        %parallel_loop3A_720 = tpu.vector_load_idx %arg13[%parallel_loop3A_719] : memref<216xf32, #tpu.memory_space<vmem>>[vector<16xi32>], vector<16xf32>,
        %parallel_loop3A_721 = arith.constant 73 : i32
        %parallel_loop3A_722 = arith.index_cast %parallel_loop3A_721 : i32 to index
        %parallel_loop3A_723 = arith.index_cast %parallel_loop3A_84 : i32 to index
        %parallel_loop3A_724 = tpu.vector_load %arg10[%parallel_loop3A_722, %parallel_loop3A_723] {strides = array<i32>} : memref<166x128xf32, #tpu.memory_space<vmem>>, vector<16xf32>,
        tpu.vector_store %arg10[%parallel_loop3A_722, %parallel_loop3A_723], %parallel_loop3A_720 {strides = array<i32>} : memref<166x128xf32, #tpu.memory_space<vmem>>, vector<16xf32>,
        %parallel_loop3A_725 = arith.constant 6 : i32
        %parallel_loop3A_726 = vector.broadcast %parallel_loop3A_725 : i32 to vector<16xi32>
        %parallel_loop3A_727 = arith.addi %parallel_loop3A_676, %parallel_loop3A_726 : vector<16xi32>
        %parallel_loop3A_728 = tpu.vector_load_idx %arg13[%parallel_loop3A_727] : memref<216xf32, #tpu.memory_space<vmem>>[vector<16xi32>], vector<16xf32>,
        %parallel_loop3A_729 = arith.constant 74 : i32
        %parallel_loop3A_730 = arith.index_cast %parallel_loop3A_729 : i32 to index
        %parallel_loop3A_731 = arith.index_cast %parallel_loop3A_84 : i32 to index
        %parallel_loop3A_732 = tpu.vector_load %arg10[%parallel_loop3A_730, %parallel_loop3A_731] {strides = array<i32>} : memref<166x128xf32, #tpu.memory_space<vmem>>, vector<16xf32>,
        tpu.vector_store %arg10[%parallel_loop3A_730, %parallel_loop3A_731], %parallel_loop3A_728 {strides = array<i32>} : memref<166x128xf32, #tpu.memory_space<vmem>>, vector<16xf32>,
        %parallel_loop3A_733 = arith.constant 7 : i32
        %parallel_loop3A_734 = vector.broadcast %parallel_loop3A_733 : i32 to vector<16xi32>
        %parallel_loop3A_735 = arith.addi %parallel_loop3A_676, %parallel_loop3A_734 : vector<16xi32>
        %parallel_loop3A_736 = tpu.vector_load_idx %arg13[%parallel_loop3A_735] : memref<216xf32, #tpu.memory_space<vmem>>[vector<16xi32>], vector<16xf32>,
        %parallel_loop3A_737 = arith.constant 75 : i32
        %parallel_loop3A_738 = arith.index_cast %parallel_loop3A_737 : i32 to index
        %parallel_loop3A_739 = arith.index_cast %parallel_loop3A_84 : i32 to index
        %parallel_loop3A_740 = tpu.vector_load %arg10[%parallel_loop3A_738, %parallel_loop3A_739] {strides = array<i32>} : memref<166x128xf32, #tpu.memory_space<vmem>>, vector<16xf32>,
        tpu.vector_store %arg10[%parallel_loop3A_738, %parallel_loop3A_739], %parallel_loop3A_736 {strides = array<i32>} : memref<166x128xf32, #tpu.memory_space<vmem>>, vector<16xf32>,
        %parallel_loop3A_741 = arith.constant 8 : i32
        %parallel_loop3A_742 = arith.index_cast %parallel_loop3A_741 : i32 to index
        %parallel_loop3A_743 = arith.index_cast %parallel_loop3A_84 : i32 to index
        %parallel_loop3A_744 = tpu.vector_load %arg8[%parallel_loop3A_742, %parallel_loop3A_743] {strides = array<i32>} : memref<44x128xf32, #tpu.memory_space<vmem>>, vector<16xf32>,
        %parallel_loop3A_745 = arith.fptosi %parallel_loop3A_744 : vector<16xf32> to vector<16xi32>
        %parallel_loop3A_746 = arith.constant 8 : i32
        %parallel_loop3A_747 = vector.broadcast %parallel_loop3A_746 : i32 to vector<16xi32>
        %parallel_loop3A_748 = arith.muli %parallel_loop3A_745, %parallel_loop3A_747 : vector<16xi32>
        %parallel_loop3A_749 = arith.constant 0 : i32
        %parallel_loop3A_750 = vector.broadcast %parallel_loop3A_749 : i32 to vector<16xi32>
        %parallel_loop3A_751 = arith.addi %parallel_loop3A_748, %parallel_loop3A_750 : vector<16xi32>
        %parallel_loop3A_752 = tpu.vector_load_idx %arg13[%parallel_loop3A_751] : memref<216xf32, #tpu.memory_space<vmem>>[vector<16xi32>], vector<16xf32>,
        %parallel_loop3A_753 = arith.constant 76 : i32
        %parallel_loop3A_754 = arith.index_cast %parallel_loop3A_753 : i32 to index
        %parallel_loop3A_755 = arith.index_cast %parallel_loop3A_84 : i32 to index
        %parallel_loop3A_756 = tpu.vector_load %arg10[%parallel_loop3A_754, %parallel_loop3A_755] {strides = array<i32>} : memref<166x128xf32, #tpu.memory_space<vmem>>, vector<16xf32>,
        tpu.vector_store %arg10[%parallel_loop3A_754, %parallel_loop3A_755], %parallel_loop3A_752 {strides = array<i32>} : memref<166x128xf32, #tpu.memory_space<vmem>>, vector<16xf32>,
        %parallel_loop3A_757 = arith.constant 1 : i32
        %parallel_loop3A_758 = vector.broadcast %parallel_loop3A_757 : i32 to vector<16xi32>
        %parallel_loop3A_759 = arith.addi %parallel_loop3A_748, %parallel_loop3A_758 : vector<16xi32>
        %parallel_loop3A_760 = tpu.vector_load_idx %arg13[%parallel_loop3A_759] : memref<216xf32, #tpu.memory_space<vmem>>[vector<16xi32>], vector<16xf32>,
        %parallel_loop3A_761 = arith.constant 77 : i32
        %parallel_loop3A_762 = arith.index_cast %parallel_loop3A_761 : i32 to index
        %parallel_loop3A_763 = arith.index_cast %parallel_loop3A_84 : i32 to index
        %parallel_loop3A_764 = tpu.vector_load %arg10[%parallel_loop3A_762, %parallel_loop3A_763] {strides = array<i32>} : memref<166x128xf32, #tpu.memory_space<vmem>>, vector<16xf32>,
        tpu.vector_store %arg10[%parallel_loop3A_762, %parallel_loop3A_763], %parallel_loop3A_760 {strides = array<i32>} : memref<166x128xf32, #tpu.memory_space<vmem>>, vector<16xf32>,
        %parallel_loop3A_765 = arith.constant 2 : i32
        %parallel_loop3A_766 = vector.broadcast %parallel_loop3A_765 : i32 to vector<16xi32>
        %parallel_loop3A_767 = arith.addi %parallel_loop3A_748, %parallel_loop3A_766 : vector<16xi32>
        %parallel_loop3A_768 = tpu.vector_load_idx %arg13[%parallel_loop3A_767] : memref<216xf32, #tpu.memory_space<vmem>>[vector<16xi32>], vector<16xf32>,
        %parallel_loop3A_769 = arith.constant 78 : i32
        %parallel_loop3A_770 = arith.index_cast %parallel_loop3A_769 : i32 to index
        %parallel_loop3A_771 = arith.index_cast %parallel_loop3A_84 : i32 to index
        %parallel_loop3A_772 = tpu.vector_load %arg10[%parallel_loop3A_770, %parallel_loop3A_771] {strides = array<i32>} : memref<166x128xf32, #tpu.memory_space<vmem>>, vector<16xf32>,
        tpu.vector_store %arg10[%parallel_loop3A_770, %parallel_loop3A_771], %parallel_loop3A_768 {strides = array<i32>} : memref<166x128xf32, #tpu.memory_space<vmem>>, vector<16xf32>,
        %parallel_loop3A_773 = arith.constant 3 : i32
        %parallel_loop3A_774 = vector.broadcast %parallel_loop3A_773 : i32 to vector<16xi32>
        %parallel_loop3A_775 = arith.addi %parallel_loop3A_748, %parallel_loop3A_774 : vector<16xi32>
        %parallel_loop3A_776 = tpu.vector_load_idx %arg13[%parallel_loop3A_775] : memref<216xf32, #tpu.memory_space<vmem>>[vector<16xi32>], vector<16xf32>,
        %parallel_loop3A_777 = arith.constant 79 : i32
        %parallel_loop3A_778 = arith.index_cast %parallel_loop3A_777 : i32 to index
        %parallel_loop3A_779 = arith.index_cast %parallel_loop3A_84 : i32 to index
        %parallel_loop3A_780 = tpu.vector_load %arg10[%parallel_loop3A_778, %parallel_loop3A_779] {strides = array<i32>} : memref<166x128xf32, #tpu.memory_space<vmem>>, vector<16xf32>,
        tpu.vector_store %arg10[%parallel_loop3A_778, %parallel_loop3A_779], %parallel_loop3A_776 {strides = array<i32>} : memref<166x128xf32, #tpu.memory_space<vmem>>, vector<16xf32>,
        %parallel_loop3A_781 = arith.constant 4 : i32
        %parallel_loop3A_782 = vector.broadcast %parallel_loop3A_781 : i32 to vector<16xi32>
        %parallel_loop3A_783 = arith.addi %parallel_loop3A_748, %parallel_loop3A_782 : vector<16xi32>
        %parallel_loop3A_784 = tpu.vector_load_idx %arg13[%parallel_loop3A_783] : memref<216xf32, #tpu.memory_space<vmem>>[vector<16xi32>], vector<16xf32>,
        %parallel_loop3A_785 = arith.constant 80 : i32
        %parallel_loop3A_786 = arith.index_cast %parallel_loop3A_785 : i32 to index
        %parallel_loop3A_787 = arith.index_cast %parallel_loop3A_84 : i32 to index
        %parallel_loop3A_788 = tpu.vector_load %arg10[%parallel_loop3A_786, %parallel_loop3A_787] {strides = array<i32>} : memref<166x128xf32, #tpu.memory_space<vmem>>, vector<16xf32>,
        tpu.vector_store %arg10[%parallel_loop3A_786, %parallel_loop3A_787], %parallel_loop3A_784 {strides = array<i32>} : memref<166x128xf32, #tpu.memory_space<vmem>>, vector<16xf32>,
        %parallel_loop3A_789 = arith.constant 5 : i32
        %parallel_loop3A_790 = vector.broadcast %parallel_loop3A_789 : i32 to vector<16xi32>
        %parallel_loop3A_791 = arith.addi %parallel_loop3A_748, %parallel_loop3A_790 : vector<16xi32>
        %parallel_loop3A_792 = tpu.vector_load_idx %arg13[%parallel_loop3A_791] : memref<216xf32, #tpu.memory_space<vmem>>[vector<16xi32>], vector<16xf32>,
        %parallel_loop3A_793 = arith.constant 81 : i32
        %parallel_loop3A_794 = arith.index_cast %parallel_loop3A_793 : i32 to index
        %parallel_loop3A_795 = arith.index_cast %parallel_loop3A_84 : i32 to index
        %parallel_loop3A_796 = tpu.vector_load %arg10[%parallel_loop3A_794, %parallel_loop3A_795] {strides = array<i32>} : memref<166x128xf32, #tpu.memory_space<vmem>>, vector<16xf32>,
        tpu.vector_store %arg10[%parallel_loop3A_794, %parallel_loop3A_795], %parallel_loop3A_792 {strides = array<i32>} : memref<166x128xf32, #tpu.memory_space<vmem>>, vector<16xf32>,
        %parallel_loop3A_797 = arith.constant 6 : i32
        %parallel_loop3A_798 = vector.broadcast %parallel_loop3A_797 : i32 to vector<16xi32>
        %parallel_loop3A_799 = arith.addi %parallel_loop3A_748, %parallel_loop3A_798 : vector<16xi32>
        %parallel_loop3A_800 = tpu.vector_load_idx %arg13[%parallel_loop3A_799] : memref<216xf32, #tpu.memory_space<vmem>>[vector<16xi32>], vector<16xf32>,
        %parallel_loop3A_801 = arith.constant 82 : i32
        %parallel_loop3A_802 = arith.index_cast %parallel_loop3A_801 : i32 to index
        %parallel_loop3A_803 = arith.index_cast %parallel_loop3A_84 : i32 to index
        %parallel_loop3A_804 = tpu.vector_load %arg10[%parallel_loop3A_802, %parallel_loop3A_803] {strides = array<i32>} : memref<166x128xf32, #tpu.memory_space<vmem>>, vector<16xf32>,
        tpu.vector_store %arg10[%parallel_loop3A_802, %parallel_loop3A_803], %parallel_loop3A_800 {strides = array<i32>} : memref<166x128xf32, #tpu.memory_space<vmem>>, vector<16xf32>,
        %parallel_loop3A_805 = arith.constant 7 : i32
        %parallel_loop3A_806 = vector.broadcast %parallel_loop3A_805 : i32 to vector<16xi32>
        %parallel_loop3A_807 = arith.addi %parallel_loop3A_748, %parallel_loop3A_806 : vector<16xi32>
        %parallel_loop3A_808 = tpu.vector_load_idx %arg13[%parallel_loop3A_807] : memref<216xf32, #tpu.memory_space<vmem>>[vector<16xi32>], vector<16xf32>,
        %parallel_loop3A_809 = arith.constant 83 : i32
        %parallel_loop3A_810 = arith.index_cast %parallel_loop3A_809 : i32 to index
        %parallel_loop3A_811 = arith.index_cast %parallel_loop3A_84 : i32 to index
        %parallel_loop3A_812 = tpu.vector_load %arg10[%parallel_loop3A_810, %parallel_loop3A_811] {strides = array<i32>} : memref<166x128xf32, #tpu.memory_space<vmem>>, vector<16xf32>,
        tpu.vector_store %arg10[%parallel_loop3A_810, %parallel_loop3A_811], %parallel_loop3A_808 {strides = array<i32>} : memref<166x128xf32, #tpu.memory_space<vmem>>, vector<16xf32>,
        %parallel_loop3A_813 = arith.constant 9 : i32
        %parallel_loop3A_814 = arith.index_cast %parallel_loop3A_813 : i32 to index
        %parallel_loop3A_815 = arith.index_cast %parallel_loop3A_84 : i32 to index
        %parallel_loop3A_816 = tpu.vector_load %arg8[%parallel_loop3A_814, %parallel_loop3A_815] {strides = array<i32>} : memref<44x128xf32, #tpu.memory_space<vmem>>, vector<16xf32>,
        %parallel_loop3A_817 = arith.fptosi %parallel_loop3A_816 : vector<16xf32> to vector<16xi32>
        %parallel_loop3A_818 = arith.constant 8 : i32
        %parallel_loop3A_819 = vector.broadcast %parallel_loop3A_818 : i32 to vector<16xi32>
        %parallel_loop3A_820 = arith.muli %parallel_loop3A_817, %parallel_loop3A_819 : vector<16xi32>
        %parallel_loop3A_821 = arith.constant 0 : i32
        %parallel_loop3A_822 = vector.broadcast %parallel_loop3A_821 : i32 to vector<16xi32>
        %parallel_loop3A_823 = arith.addi %parallel_loop3A_820, %parallel_loop3A_822 : vector<16xi32>
        %parallel_loop3A_824 = tpu.vector_load_idx %arg13[%parallel_loop3A_823] : memref<216xf32, #tpu.memory_space<vmem>>[vector<16xi32>], vector<16xf32>,
        %parallel_loop3A_825 = arith.constant 84 : i32
        %parallel_loop3A_826 = arith.index_cast %parallel_loop3A_825 : i32 to index
        %parallel_loop3A_827 = arith.index_cast %parallel_loop3A_84 : i32 to index
        %parallel_loop3A_828 = tpu.vector_load %arg10[%parallel_loop3A_826, %parallel_loop3A_827] {strides = array<i32>} : memref<166x128xf32, #tpu.memory_space<vmem>>, vector<16xf32>,
        tpu.vector_store %arg10[%parallel_loop3A_826, %parallel_loop3A_827], %parallel_loop3A_824 {strides = array<i32>} : memref<166x128xf32, #tpu.memory_space<vmem>>, vector<16xf32>,
        %parallel_loop3A_829 = arith.constant 1 : i32
        %parallel_loop3A_830 = vector.broadcast %parallel_loop3A_829 : i32 to vector<16xi32>
        %parallel_loop3A_831 = arith.addi %parallel_loop3A_820, %parallel_loop3A_830 : vector<16xi32>
        %parallel_loop3A_832 = tpu.vector_load_idx %arg13[%parallel_loop3A_831] : memref<216xf32, #tpu.memory_space<vmem>>[vector<16xi32>], vector<16xf32>,
        %parallel_loop3A_833 = arith.constant 85 : i32
        %parallel_loop3A_834 = arith.index_cast %parallel_loop3A_833 : i32 to index
        %parallel_loop3A_835 = arith.index_cast %parallel_loop3A_84 : i32 to index
        %parallel_loop3A_836 = tpu.vector_load %arg10[%parallel_loop3A_834, %parallel_loop3A_835] {strides = array<i32>} : memref<166x128xf32, #tpu.memory_space<vmem>>, vector<16xf32>,
        tpu.vector_store %arg10[%parallel_loop3A_834, %parallel_loop3A_835], %parallel_loop3A_832 {strides = array<i32>} : memref<166x128xf32, #tpu.memory_space<vmem>>, vector<16xf32>,
        %parallel_loop3A_837 = arith.constant 2 : i32
        %parallel_loop3A_838 = vector.broadcast %parallel_loop3A_837 : i32 to vector<16xi32>
        %parallel_loop3A_839 = arith.addi %parallel_loop3A_820, %parallel_loop3A_838 : vector<16xi32>
        %parallel_loop3A_840 = tpu.vector_load_idx %arg13[%parallel_loop3A_839] : memref<216xf32, #tpu.memory_space<vmem>>[vector<16xi32>], vector<16xf32>,
        %parallel_loop3A_841 = arith.constant 86 : i32
        %parallel_loop3A_842 = arith.index_cast %parallel_loop3A_841 : i32 to index
        %parallel_loop3A_843 = arith.index_cast %parallel_loop3A_84 : i32 to index
        %parallel_loop3A_844 = tpu.vector_load %arg10[%parallel_loop3A_842, %parallel_loop3A_843] {strides = array<i32>} : memref<166x128xf32, #tpu.memory_space<vmem>>, vector<16xf32>,
        tpu.vector_store %arg10[%parallel_loop3A_842, %parallel_loop3A_843], %parallel_loop3A_840 {strides = array<i32>} : memref<166x128xf32, #tpu.memory_space<vmem>>, vector<16xf32>,
        %parallel_loop3A_845 = arith.constant 3 : i32
        %parallel_loop3A_846 = vector.broadcast %parallel_loop3A_845 : i32 to vector<16xi32>
        %parallel_loop3A_847 = arith.addi %parallel_loop3A_820, %parallel_loop3A_846 : vector<16xi32>
        %parallel_loop3A_848 = tpu.vector_load_idx %arg13[%parallel_loop3A_847] : memref<216xf32, #tpu.memory_space<vmem>>[vector<16xi32>], vector<16xf32>,
        %parallel_loop3A_849 = arith.constant 87 : i32
        %parallel_loop3A_850 = arith.index_cast %parallel_loop3A_849 : i32 to index
        %parallel_loop3A_851 = arith.index_cast %parallel_loop3A_84 : i32 to index
        %parallel_loop3A_852 = tpu.vector_load %arg10[%parallel_loop3A_850, %parallel_loop3A_851] {strides = array<i32>} : memref<166x128xf32, #tpu.memory_space<vmem>>, vector<16xf32>,
        tpu.vector_store %arg10[%parallel_loop3A_850, %parallel_loop3A_851], %parallel_loop3A_848 {strides = array<i32>} : memref<166x128xf32, #tpu.memory_space<vmem>>, vector<16xf32>,
        %parallel_loop3A_853 = arith.constant 4 : i32
        %parallel_loop3A_854 = vector.broadcast %parallel_loop3A_853 : i32 to vector<16xi32>
        %parallel_loop3A_855 = arith.addi %parallel_loop3A_820, %parallel_loop3A_854 : vector<16xi32>
        %parallel_loop3A_856 = tpu.vector_load_idx %arg13[%parallel_loop3A_855] : memref<216xf32, #tpu.memory_space<vmem>>[vector<16xi32>], vector<16xf32>,
        %parallel_loop3A_857 = arith.constant 88 : i32
        %parallel_loop3A_858 = arith.index_cast %parallel_loop3A_857 : i32 to index
        %parallel_loop3A_859 = arith.index_cast %parallel_loop3A_84 : i32 to index
        %parallel_loop3A_860 = tpu.vector_load %arg10[%parallel_loop3A_858, %parallel_loop3A_859] {strides = array<i32>} : memref<166x128xf32, #tpu.memory_space<vmem>>, vector<16xf32>,
        tpu.vector_store %arg10[%parallel_loop3A_858, %parallel_loop3A_859], %parallel_loop3A_856 {strides = array<i32>} : memref<166x128xf32, #tpu.memory_space<vmem>>, vector<16xf32>,
        %parallel_loop3A_861 = arith.constant 5 : i32
        %parallel_loop3A_862 = vector.broadcast %parallel_loop3A_861 : i32 to vector<16xi32>
        %parallel_loop3A_863 = arith.addi %parallel_loop3A_820, %parallel_loop3A_862 : vector<16xi32>
        %parallel_loop3A_864 = tpu.vector_load_idx %arg13[%parallel_loop3A_863] : memref<216xf32, #tpu.memory_space<vmem>>[vector<16xi32>], vector<16xf32>,
        %parallel_loop3A_865 = arith.constant 89 : i32
        %parallel_loop3A_866 = arith.index_cast %parallel_loop3A_865 : i32 to index
        %parallel_loop3A_867 = arith.index_cast %parallel_loop3A_84 : i32 to index
        %parallel_loop3A_868 = tpu.vector_load %arg10[%parallel_loop3A_866, %parallel_loop3A_867] {strides = array<i32>} : memref<166x128xf32, #tpu.memory_space<vmem>>, vector<16xf32>,
        tpu.vector_store %arg10[%parallel_loop3A_866, %parallel_loop3A_867], %parallel_loop3A_864 {strides = array<i32>} : memref<166x128xf32, #tpu.memory_space<vmem>>, vector<16xf32>,
        %parallel_loop3A_869 = arith.constant 6 : i32
        %parallel_loop3A_870 = vector.broadcast %parallel_loop3A_869 : i32 to vector<16xi32>
        %parallel_loop3A_871 = arith.addi %parallel_loop3A_820, %parallel_loop3A_870 : vector<16xi32>
        %parallel_loop3A_872 = tpu.vector_load_idx %arg13[%parallel_loop3A_871] : memref<216xf32, #tpu.memory_space<vmem>>[vector<16xi32>], vector<16xf32>,
        %parallel_loop3A_873 = arith.constant 90 : i32
        %parallel_loop3A_874 = arith.index_cast %parallel_loop3A_873 : i32 to index
        %parallel_loop3A_875 = arith.index_cast %parallel_loop3A_84 : i32 to index
        %parallel_loop3A_876 = tpu.vector_load %arg10[%parallel_loop3A_874, %parallel_loop3A_875] {strides = array<i32>} : memref<166x128xf32, #tpu.memory_space<vmem>>, vector<16xf32>,
        tpu.vector_store %arg10[%parallel_loop3A_874, %parallel_loop3A_875], %parallel_loop3A_872 {strides = array<i32>} : memref<166x128xf32, #tpu.memory_space<vmem>>, vector<16xf32>,
        %parallel_loop3A_877 = arith.constant 7 : i32
        %parallel_loop3A_878 = vector.broadcast %parallel_loop3A_877 : i32 to vector<16xi32>
        %parallel_loop3A_879 = arith.addi %parallel_loop3A_820, %parallel_loop3A_878 : vector<16xi32>
        %parallel_loop3A_880 = tpu.vector_load_idx %arg13[%parallel_loop3A_879] : memref<216xf32, #tpu.memory_space<vmem>>[vector<16xi32>], vector<16xf32>,
        %parallel_loop3A_881 = arith.constant 91 : i32
        %parallel_loop3A_882 = arith.index_cast %parallel_loop3A_881 : i32 to index
        %parallel_loop3A_883 = arith.index_cast %parallel_loop3A_84 : i32 to index
        %parallel_loop3A_884 = tpu.vector_load %arg10[%parallel_loop3A_882, %parallel_loop3A_883] {strides = array<i32>} : memref<166x128xf32, #tpu.memory_space<vmem>>, vector<16xf32>,
        tpu.vector_store %arg10[%parallel_loop3A_882, %parallel_loop3A_883], %parallel_loop3A_880 {strides = array<i32>} : memref<166x128xf32, #tpu.memory_space<vmem>>, vector<16xf32>,
        %parallel_loop3A_885 = arith.constant 10 : i32
        %parallel_loop3A_886 = arith.index_cast %parallel_loop3A_885 : i32 to index
        %parallel_loop3A_887 = arith.index_cast %parallel_loop3A_84 : i32 to index
        %parallel_loop3A_888 = tpu.vector_load %arg8[%parallel_loop3A_886, %parallel_loop3A_887] {strides = array<i32>} : memref<44x128xf32, #tpu.memory_space<vmem>>, vector<16xf32>,
        %parallel_loop3A_889 = arith.fptosi %parallel_loop3A_888 : vector<16xf32> to vector<16xi32>
        %parallel_loop3A_890 = arith.constant 8 : i32
        %parallel_loop3A_891 = vector.broadcast %parallel_loop3A_890 : i32 to vector<16xi32>
        %parallel_loop3A_892 = arith.muli %parallel_loop3A_889, %parallel_loop3A_891 : vector<16xi32>
        %parallel_loop3A_893 = arith.constant 0 : i32
        %parallel_loop3A_894 = vector.broadcast %parallel_loop3A_893 : i32 to vector<16xi32>
        %parallel_loop3A_895 = arith.addi %parallel_loop3A_892, %parallel_loop3A_894 : vector<16xi32>
        %parallel_loop3A_896 = tpu.vector_load_idx %arg13[%parallel_loop3A_895] : memref<216xf32, #tpu.memory_space<vmem>>[vector<16xi32>], vector<16xf32>,
        %parallel_loop3A_897 = arith.constant 92 : i32
        %parallel_loop3A_898 = arith.index_cast %parallel_loop3A_897 : i32 to index
        %parallel_loop3A_899 = arith.index_cast %parallel_loop3A_84 : i32 to index
        %parallel_loop3A_900 = tpu.vector_load %arg10[%parallel_loop3A_898, %parallel_loop3A_899] {strides = array<i32>} : memref<166x128xf32, #tpu.memory_space<vmem>>, vector<16xf32>,
        tpu.vector_store %arg10[%parallel_loop3A_898, %parallel_loop3A_899], %parallel_loop3A_896 {strides = array<i32>} : memref<166x128xf32, #tpu.memory_space<vmem>>, vector<16xf32>,
        %parallel_loop3A_901 = arith.constant 1 : i32
        %parallel_loop3A_902 = vector.broadcast %parallel_loop3A_901 : i32 to vector<16xi32>
        %parallel_loop3A_903 = arith.addi %parallel_loop3A_892, %parallel_loop3A_902 : vector<16xi32>
        %parallel_loop3A_904 = tpu.vector_load_idx %arg13[%parallel_loop3A_903] : memref<216xf32, #tpu.memory_space<vmem>>[vector<16xi32>], vector<16xf32>,
        %parallel_loop3A_905 = arith.constant 93 : i32
        %parallel_loop3A_906 = arith.index_cast %parallel_loop3A_905 : i32 to index
        %parallel_loop3A_907 = arith.index_cast %parallel_loop3A_84 : i32 to index
        %parallel_loop3A_908 = tpu.vector_load %arg10[%parallel_loop3A_906, %parallel_loop3A_907] {strides = array<i32>} : memref<166x128xf32, #tpu.memory_space<vmem>>, vector<16xf32>,
        tpu.vector_store %arg10[%parallel_loop3A_906, %parallel_loop3A_907], %parallel_loop3A_904 {strides = array<i32>} : memref<166x128xf32, #tpu.memory_space<vmem>>, vector<16xf32>,
        %parallel_loop3A_909 = arith.constant 2 : i32
        %parallel_loop3A_910 = vector.broadcast %parallel_loop3A_909 : i32 to vector<16xi32>
        %parallel_loop3A_911 = arith.addi %parallel_loop3A_892, %parallel_loop3A_910 : vector<16xi32>
        %parallel_loop3A_912 = tpu.vector_load_idx %arg13[%parallel_loop3A_911] : memref<216xf32, #tpu.memory_space<vmem>>[vector<16xi32>], vector<16xf32>,
        %parallel_loop3A_913 = arith.constant 94 : i32
        %parallel_loop3A_914 = arith.index_cast %parallel_loop3A_913 : i32 to index
        %parallel_loop3A_915 = arith.index_cast %parallel_loop3A_84 : i32 to index
        %parallel_loop3A_916 = tpu.vector_load %arg10[%parallel_loop3A_914, %parallel_loop3A_915] {strides = array<i32>} : memref<166x128xf32, #tpu.memory_space<vmem>>, vector<16xf32>,
        tpu.vector_store %arg10[%parallel_loop3A_914, %parallel_loop3A_915], %parallel_loop3A_912 {strides = array<i32>} : memref<166x128xf32, #tpu.memory_space<vmem>>, vector<16xf32>,
        %parallel_loop3A_917 = arith.constant 3 : i32
        %parallel_loop3A_918 = vector.broadcast %parallel_loop3A_917 : i32 to vector<16xi32>
        %parallel_loop3A_919 = arith.addi %parallel_loop3A_892, %parallel_loop3A_918 : vector<16xi32>
        %parallel_loop3A_920 = tpu.vector_load_idx %arg13[%parallel_loop3A_919] : memref<216xf32, #tpu.memory_space<vmem>>[vector<16xi32>], vector<16xf32>,
        %parallel_loop3A_921 = arith.constant 95 : i32
        %parallel_loop3A_922 = arith.index_cast %parallel_loop3A_921 : i32 to index
        %parallel_loop3A_923 = arith.index_cast %parallel_loop3A_84 : i32 to index
        %parallel_loop3A_924 = tpu.vector_load %arg10[%parallel_loop3A_922, %parallel_loop3A_923] {strides = array<i32>} : memref<166x128xf32, #tpu.memory_space<vmem>>, vector<16xf32>,
        tpu.vector_store %arg10[%parallel_loop3A_922, %parallel_loop3A_923], %parallel_loop3A_920 {strides = array<i32>} : memref<166x128xf32, #tpu.memory_space<vmem>>, vector<16xf32>,
        %parallel_loop3A_925 = arith.constant 4 : i32
        %parallel_loop3A_926 = vector.broadcast %parallel_loop3A_925 : i32 to vector<16xi32>
        %parallel_loop3A_927 = arith.addi %parallel_loop3A_892, %parallel_loop3A_926 : vector<16xi32>
        %parallel_loop3A_928 = tpu.vector_load_idx %arg13[%parallel_loop3A_927] : memref<216xf32, #tpu.memory_space<vmem>>[vector<16xi32>], vector<16xf32>,
        %parallel_loop3A_929 = arith.constant 96 : i32
        %parallel_loop3A_930 = arith.index_cast %parallel_loop3A_929 : i32 to index
        %parallel_loop3A_931 = arith.index_cast %parallel_loop3A_84 : i32 to index
        %parallel_loop3A_932 = tpu.vector_load %arg10[%parallel_loop3A_930, %parallel_loop3A_931] {strides = array<i32>} : memref<166x128xf32, #tpu.memory_space<vmem>>, vector<16xf32>,
        tpu.vector_store %arg10[%parallel_loop3A_930, %parallel_loop3A_931], %parallel_loop3A_928 {strides = array<i32>} : memref<166x128xf32, #tpu.memory_space<vmem>>, vector<16xf32>,
        %parallel_loop3A_933 = arith.constant 5 : i32
        %parallel_loop3A_934 = vector.broadcast %parallel_loop3A_933 : i32 to vector<16xi32>
        %parallel_loop3A_935 = arith.addi %parallel_loop3A_892, %parallel_loop3A_934 : vector<16xi32>
        %parallel_loop3A_936 = tpu.vector_load_idx %arg13[%parallel_loop3A_935] : memref<216xf32, #tpu.memory_space<vmem>>[vector<16xi32>], vector<16xf32>,
        %parallel_loop3A_937 = arith.constant 97 : i32
        %parallel_loop3A_938 = arith.index_cast %parallel_loop3A_937 : i32 to index
        %parallel_loop3A_939 = arith.index_cast %parallel_loop3A_84 : i32 to index
        %parallel_loop3A_940 = tpu.vector_load %arg10[%parallel_loop3A_938, %parallel_loop3A_939] {strides = array<i32>} : memref<166x128xf32, #tpu.memory_space<vmem>>, vector<16xf32>,
        tpu.vector_store %arg10[%parallel_loop3A_938, %parallel_loop3A_939], %parallel_loop3A_936 {strides = array<i32>} : memref<166x128xf32, #tpu.memory_space<vmem>>, vector<16xf32>,
        %parallel_loop3A_941 = arith.constant 6 : i32
        %parallel_loop3A_942 = vector.broadcast %parallel_loop3A_941 : i32 to vector<16xi32>
        %parallel_loop3A_943 = arith.addi %parallel_loop3A_892, %parallel_loop3A_942 : vector<16xi32>
        %parallel_loop3A_944 = tpu.vector_load_idx %arg13[%parallel_loop3A_943] : memref<216xf32, #tpu.memory_space<vmem>>[vector<16xi32>], vector<16xf32>,
        %parallel_loop3A_945 = arith.constant 98 : i32
        %parallel_loop3A_946 = arith.index_cast %parallel_loop3A_945 : i32 to index
        %parallel_loop3A_947 = arith.index_cast %parallel_loop3A_84 : i32 to index
        %parallel_loop3A_948 = tpu.vector_load %arg10[%parallel_loop3A_946, %parallel_loop3A_947] {strides = array<i32>} : memref<166x128xf32, #tpu.memory_space<vmem>>, vector<16xf32>,
        tpu.vector_store %arg10[%parallel_loop3A_946, %parallel_loop3A_947], %parallel_loop3A_944 {strides = array<i32>} : memref<166x128xf32, #tpu.memory_space<vmem>>, vector<16xf32>,
        %parallel_loop3A_949 = arith.constant 7 : i32
        %parallel_loop3A_950 = vector.broadcast %parallel_loop3A_949 : i32 to vector<16xi32>
        %parallel_loop3A_951 = arith.addi %parallel_loop3A_892, %parallel_loop3A_950 : vector<16xi32>
        %parallel_loop3A_952 = tpu.vector_load_idx %arg13[%parallel_loop3A_951] : memref<216xf32, #tpu.memory_space<vmem>>[vector<16xi32>], vector<16xf32>,
        %parallel_loop3A_953 = arith.constant 99 : i32
        %parallel_loop3A_954 = arith.index_cast %parallel_loop3A_953 : i32 to index
        %parallel_loop3A_955 = arith.index_cast %parallel_loop3A_84 : i32 to index
        %parallel_loop3A_956 = tpu.vector_load %arg10[%parallel_loop3A_954, %parallel_loop3A_955] {strides = array<i32>} : memref<166x128xf32, #tpu.memory_space<vmem>>, vector<16xf32>,
        tpu.vector_store %arg10[%parallel_loop3A_954, %parallel_loop3A_955], %parallel_loop3A_952 {strides = array<i32>} : memref<166x128xf32, #tpu.memory_space<vmem>>, vector<16xf32>,
        %parallel_loop3A_957 = arith.constant 11 : i32
        %parallel_loop3A_958 = arith.index_cast %parallel_loop3A_957 : i32 to index
        %parallel_loop3A_959 = arith.index_cast %parallel_loop3A_84 : i32 to index
        %parallel_loop3A_960 = tpu.vector_load %arg8[%parallel_loop3A_958, %parallel_loop3A_959] {strides = array<i32>} : memref<44x128xf32, #tpu.memory_space<vmem>>, vector<16xf32>,
        %parallel_loop3A_961 = arith.fptosi %parallel_loop3A_960 : vector<16xf32> to vector<16xi32>
        %parallel_loop3A_962 = arith.constant 8 : i32
        %parallel_loop3A_963 = vector.broadcast %parallel_loop3A_962 : i32 to vector<16xi32>
        %parallel_loop3A_964 = arith.muli %parallel_loop3A_961, %parallel_loop3A_963 : vector<16xi32>
        %parallel_loop3A_965 = arith.constant 0 : i32
        %parallel_loop3A_966 = vector.broadcast %parallel_loop3A_965 : i32 to vector<16xi32>
        %parallel_loop3A_967 = arith.addi %parallel_loop3A_964, %parallel_loop3A_966 : vector<16xi32>
        %parallel_loop3A_968 = tpu.vector_load_idx %arg13[%parallel_loop3A_967] : memref<216xf32, #tpu.memory_space<vmem>>[vector<16xi32>], vector<16xf32>,
        %parallel_loop3A_969 = arith.constant 100 : i32
        %parallel_loop3A_970 = arith.index_cast %parallel_loop3A_969 : i32 to index
        %parallel_loop3A_971 = arith.index_cast %parallel_loop3A_84 : i32 to index
        %parallel_loop3A_972 = tpu.vector_load %arg10[%parallel_loop3A_970, %parallel_loop3A_971] {strides = array<i32>} : memref<166x128xf32, #tpu.memory_space<vmem>>, vector<16xf32>,
        tpu.vector_store %arg10[%parallel_loop3A_970, %parallel_loop3A_971], %parallel_loop3A_968 {strides = array<i32>} : memref<166x128xf32, #tpu.memory_space<vmem>>, vector<16xf32>,
        %parallel_loop3A_973 = arith.constant 1 : i32
        %parallel_loop3A_974 = vector.broadcast %parallel_loop3A_973 : i32 to vector<16xi32>
        %parallel_loop3A_975 = arith.addi %parallel_loop3A_964, %parallel_loop3A_974 : vector<16xi32>
        %parallel_loop3A_976 = tpu.vector_load_idx %arg13[%parallel_loop3A_975] : memref<216xf32, #tpu.memory_space<vmem>>[vector<16xi32>], vector<16xf32>,
        %parallel_loop3A_977 = arith.constant 101 : i32
        %parallel_loop3A_978 = arith.index_cast %parallel_loop3A_977 : i32 to index
        %parallel_loop3A_979 = arith.index_cast %parallel_loop3A_84 : i32 to index
        %parallel_loop3A_980 = tpu.vector_load %arg10[%parallel_loop3A_978, %parallel_loop3A_979] {strides = array<i32>} : memref<166x128xf32, #tpu.memory_space<vmem>>, vector<16xf32>,
        tpu.vector_store %arg10[%parallel_loop3A_978, %parallel_loop3A_979], %parallel_loop3A_976 {strides = array<i32>} : memref<166x128xf32, #tpu.memory_space<vmem>>, vector<16xf32>,
        %parallel_loop3A_981 = arith.constant 2 : i32
        %parallel_loop3A_982 = vector.broadcast %parallel_loop3A_981 : i32 to vector<16xi32>
        %parallel_loop3A_983 = arith.addi %parallel_loop3A_964, %parallel_loop3A_982 : vector<16xi32>
        %parallel_loop3A_984 = tpu.vector_load_idx %arg13[%parallel_loop3A_983] : memref<216xf32, #tpu.memory_space<vmem>>[vector<16xi32>], vector<16xf32>,
        %parallel_loop3A_985 = arith.constant 102 : i32
        %parallel_loop3A_986 = arith.index_cast %parallel_loop3A_985 : i32 to index
        %parallel_loop3A_987 = arith.index_cast %parallel_loop3A_84 : i32 to index
        %parallel_loop3A_988 = tpu.vector_load %arg10[%parallel_loop3A_986, %parallel_loop3A_987] {strides = array<i32>} : memref<166x128xf32, #tpu.memory_space<vmem>>, vector<16xf32>,
        tpu.vector_store %arg10[%parallel_loop3A_986, %parallel_loop3A_987], %parallel_loop3A_984 {strides = array<i32>} : memref<166x128xf32, #tpu.memory_space<vmem>>, vector<16xf32>,
        %parallel_loop3A_989 = arith.constant 3 : i32
        %parallel_loop3A_990 = vector.broadcast %parallel_loop3A_989 : i32 to vector<16xi32>
        %parallel_loop3A_991 = arith.addi %parallel_loop3A_964, %parallel_loop3A_990 : vector<16xi32>
        %parallel_loop3A_992 = tpu.vector_load_idx %arg13[%parallel_loop3A_991] : memref<216xf32, #tpu.memory_space<vmem>>[vector<16xi32>], vector<16xf32>,
        %parallel_loop3A_993 = arith.constant 103 : i32
        %parallel_loop3A_994 = arith.index_cast %parallel_loop3A_993 : i32 to index
        %parallel_loop3A_995 = arith.index_cast %parallel_loop3A_84 : i32 to index
        %parallel_loop3A_996 = tpu.vector_load %arg10[%parallel_loop3A_994, %parallel_loop3A_995] {strides = array<i32>} : memref<166x128xf32, #tpu.memory_space<vmem>>, vector<16xf32>,
        tpu.vector_store %arg10[%parallel_loop3A_994, %parallel_loop3A_995], %parallel_loop3A_992 {strides = array<i32>} : memref<166x128xf32, #tpu.memory_space<vmem>>, vector<16xf32>,
        %parallel_loop3A_997 = arith.constant 4 : i32
        %parallel_loop3A_998 = vector.broadcast %parallel_loop3A_997 : i32 to vector<16xi32>
        %parallel_loop3A_999 = arith.addi %parallel_loop3A_964, %parallel_loop3A_998 : vector<16xi32>
        %parallel_loop3A_1000 = tpu.vector_load_idx %arg13[%parallel_loop3A_999] : memref<216xf32, #tpu.memory_space<vmem>>[vector<16xi32>], vector<16xf32>,
        %parallel_loop3A_1001 = arith.constant 104 : i32
        %parallel_loop3A_1002 = arith.index_cast %parallel_loop3A_1001 : i32 to index
        %parallel_loop3A_1003 = arith.index_cast %parallel_loop3A_84 : i32 to index
        %parallel_loop3A_1004 = tpu.vector_load %arg10[%parallel_loop3A_1002, %parallel_loop3A_1003] {strides = array<i32>} : memref<166x128xf32, #tpu.memory_space<vmem>>, vector<16xf32>,
        tpu.vector_store %arg10[%parallel_loop3A_1002, %parallel_loop3A_1003], %parallel_loop3A_1000 {strides = array<i32>} : memref<166x128xf32, #tpu.memory_space<vmem>>, vector<16xf32>,
        %parallel_loop3A_1005 = arith.constant 5 : i32
        %parallel_loop3A_1006 = vector.broadcast %parallel_loop3A_1005 : i32 to vector<16xi32>
        %parallel_loop3A_1007 = arith.addi %parallel_loop3A_964, %parallel_loop3A_1006 : vector<16xi32>
        %parallel_loop3A_1008 = tpu.vector_load_idx %arg13[%parallel_loop3A_1007] : memref<216xf32, #tpu.memory_space<vmem>>[vector<16xi32>], vector<16xf32>,
        %parallel_loop3A_1009 = arith.constant 105 : i32
        %parallel_loop3A_1010 = arith.index_cast %parallel_loop3A_1009 : i32 to index
        %parallel_loop3A_1011 = arith.index_cast %parallel_loop3A_84 : i32 to index
        %parallel_loop3A_1012 = tpu.vector_load %arg10[%parallel_loop3A_1010, %parallel_loop3A_1011] {strides = array<i32>} : memref<166x128xf32, #tpu.memory_space<vmem>>, vector<16xf32>,
        tpu.vector_store %arg10[%parallel_loop3A_1010, %parallel_loop3A_1011], %parallel_loop3A_1008 {strides = array<i32>} : memref<166x128xf32, #tpu.memory_space<vmem>>, vector<16xf32>,
        %parallel_loop3A_1013 = arith.constant 6 : i32
        %parallel_loop3A_1014 = vector.broadcast %parallel_loop3A_1013 : i32 to vector<16xi32>
        %parallel_loop3A_1015 = arith.addi %parallel_loop3A_964, %parallel_loop3A_1014 : vector<16xi32>
        %parallel_loop3A_1016 = tpu.vector_load_idx %arg13[%parallel_loop3A_1015] : memref<216xf32, #tpu.memory_space<vmem>>[vector<16xi32>], vector<16xf32>,
        %parallel_loop3A_1017 = arith.constant 106 : i32
        %parallel_loop3A_1018 = arith.index_cast %parallel_loop3A_1017 : i32 to index
        %parallel_loop3A_1019 = arith.index_cast %parallel_loop3A_84 : i32 to index
        %parallel_loop3A_1020 = tpu.vector_load %arg10[%parallel_loop3A_1018, %parallel_loop3A_1019] {strides = array<i32>} : memref<166x128xf32, #tpu.memory_space<vmem>>, vector<16xf32>,
        tpu.vector_store %arg10[%parallel_loop3A_1018, %parallel_loop3A_1019], %parallel_loop3A_1016 {strides = array<i32>} : memref<166x128xf32, #tpu.memory_space<vmem>>, vector<16xf32>,
        %parallel_loop3A_1021 = arith.constant 7 : i32
        %parallel_loop3A_1022 = vector.broadcast %parallel_loop3A_1021 : i32 to vector<16xi32>
        %parallel_loop3A_1023 = arith.addi %parallel_loop3A_964, %parallel_loop3A_1022 : vector<16xi32>
        %parallel_loop3A_1024 = tpu.vector_load_idx %arg13[%parallel_loop3A_1023] : memref<216xf32, #tpu.memory_space<vmem>>[vector<16xi32>], vector<16xf32>,
        %parallel_loop3A_1025 = arith.constant 107 : i32
        %parallel_loop3A_1026 = arith.index_cast %parallel_loop3A_1025 : i32 to index
        %parallel_loop3A_1027 = arith.index_cast %parallel_loop3A_84 : i32 to index
        %parallel_loop3A_1028 = tpu.vector_load %arg10[%parallel_loop3A_1026, %parallel_loop3A_1027] {strides = array<i32>} : memref<166x128xf32, #tpu.memory_space<vmem>>, vector<16xf32>,
        tpu.vector_store %arg10[%parallel_loop3A_1026, %parallel_loop3A_1027], %parallel_loop3A_1024 {strides = array<i32>} : memref<166x128xf32, #tpu.memory_space<vmem>>, vector<16xf32>,
        %parallel_loop3A_1029 = arith.constant 12 : i32
        %parallel_loop3A_1030 = arith.index_cast %parallel_loop3A_1029 : i32 to index
        %parallel_loop3A_1031 = arith.index_cast %parallel_loop3A_84 : i32 to index
        %parallel_loop3A_1032 = tpu.vector_load %arg8[%parallel_loop3A_1030, %parallel_loop3A_1031] {strides = array<i32>} : memref<44x128xf32, #tpu.memory_space<vmem>>, vector<16xf32>,
        %parallel_loop3A_1033 = arith.fptosi %parallel_loop3A_1032 : vector<16xf32> to vector<16xi32>
        %parallel_loop3A_1034 = arith.constant 8 : i32
        %parallel_loop3A_1035 = vector.broadcast %parallel_loop3A_1034 : i32 to vector<16xi32>
        %parallel_loop3A_1036 = arith.muli %parallel_loop3A_1033, %parallel_loop3A_1035 : vector<16xi32>
        %parallel_loop3A_1037 = arith.constant 0 : i32
        %parallel_loop3A_1038 = vector.broadcast %parallel_loop3A_1037 : i32 to vector<16xi32>
        %parallel_loop3A_1039 = arith.addi %parallel_loop3A_1036, %parallel_loop3A_1038 : vector<16xi32>
        %parallel_loop3A_1040 = tpu.vector_load_idx %arg13[%parallel_loop3A_1039] : memref<216xf32, #tpu.memory_space<vmem>>[vector<16xi32>], vector<16xf32>,
        %parallel_loop3A_1041 = arith.constant 108 : i32
        %parallel_loop3A_1042 = arith.index_cast %parallel_loop3A_1041 : i32 to index
        %parallel_loop3A_1043 = arith.index_cast %parallel_loop3A_84 : i32 to index
        %parallel_loop3A_1044 = tpu.vector_load %arg10[%parallel_loop3A_1042, %parallel_loop3A_1043] {strides = array<i32>} : memref<166x128xf32, #tpu.memory_space<vmem>>, vector<16xf32>,
        tpu.vector_store %arg10[%parallel_loop3A_1042, %parallel_loop3A_1043], %parallel_loop3A_1040 {strides = array<i32>} : memref<166x128xf32, #tpu.memory_space<vmem>>, vector<16xf32>,
        %parallel_loop3A_1045 = arith.constant 1 : i32
        %parallel_loop3A_1046 = vector.broadcast %parallel_loop3A_1045 : i32 to vector<16xi32>
        %parallel_loop3A_1047 = arith.addi %parallel_loop3A_1036, %parallel_loop3A_1046 : vector<16xi32>
        %parallel_loop3A_1048 = tpu.vector_load_idx %arg13[%parallel_loop3A_1047] : memref<216xf32, #tpu.memory_space<vmem>>[vector<16xi32>], vector<16xf32>,
        %parallel_loop3A_1049 = arith.constant 109 : i32
        %parallel_loop3A_1050 = arith.index_cast %parallel_loop3A_1049 : i32 to index
        %parallel_loop3A_1051 = arith.index_cast %parallel_loop3A_84 : i32 to index
        %parallel_loop3A_1052 = tpu.vector_load %arg10[%parallel_loop3A_1050, %parallel_loop3A_1051] {strides = array<i32>} : memref<166x128xf32, #tpu.memory_space<vmem>>, vector<16xf32>,
        tpu.vector_store %arg10[%parallel_loop3A_1050, %parallel_loop3A_1051], %parallel_loop3A_1048 {strides = array<i32>} : memref<166x128xf32, #tpu.memory_space<vmem>>, vector<16xf32>,
        %parallel_loop3A_1053 = arith.constant 2 : i32
        %parallel_loop3A_1054 = vector.broadcast %parallel_loop3A_1053 : i32 to vector<16xi32>
        %parallel_loop3A_1055 = arith.addi %parallel_loop3A_1036, %parallel_loop3A_1054 : vector<16xi32>
        %parallel_loop3A_1056 = tpu.vector_load_idx %arg13[%parallel_loop3A_1055] : memref<216xf32, #tpu.memory_space<vmem>>[vector<16xi32>], vector<16xf32>,
        %parallel_loop3A_1057 = arith.constant 110 : i32
        %parallel_loop3A_1058 = arith.index_cast %parallel_loop3A_1057 : i32 to index
        %parallel_loop3A_1059 = arith.index_cast %parallel_loop3A_84 : i32 to index
        %parallel_loop3A_1060 = tpu.vector_load %arg10[%parallel_loop3A_1058, %parallel_loop3A_1059] {strides = array<i32>} : memref<166x128xf32, #tpu.memory_space<vmem>>, vector<16xf32>,
        tpu.vector_store %arg10[%parallel_loop3A_1058, %parallel_loop3A_1059], %parallel_loop3A_1056 {strides = array<i32>} : memref<166x128xf32, #tpu.memory_space<vmem>>, vector<16xf32>,
        %parallel_loop3A_1061 = arith.constant 3 : i32
        %parallel_loop3A_1062 = vector.broadcast %parallel_loop3A_1061 : i32 to vector<16xi32>
        %parallel_loop3A_1063 = arith.addi %parallel_loop3A_1036, %parallel_loop3A_1062 : vector<16xi32>
        %parallel_loop3A_1064 = tpu.vector_load_idx %arg13[%parallel_loop3A_1063] : memref<216xf32, #tpu.memory_space<vmem>>[vector<16xi32>], vector<16xf32>,
        %parallel_loop3A_1065 = arith.constant 111 : i32
        %parallel_loop3A_1066 = arith.index_cast %parallel_loop3A_1065 : i32 to index
        %parallel_loop3A_1067 = arith.index_cast %parallel_loop3A_84 : i32 to index
        %parallel_loop3A_1068 = tpu.vector_load %arg10[%parallel_loop3A_1066, %parallel_loop3A_1067] {strides = array<i32>} : memref<166x128xf32, #tpu.memory_space<vmem>>, vector<16xf32>,
        tpu.vector_store %arg10[%parallel_loop3A_1066, %parallel_loop3A_1067], %parallel_loop3A_1064 {strides = array<i32>} : memref<166x128xf32, #tpu.memory_space<vmem>>, vector<16xf32>,
        %parallel_loop3A_1069 = arith.constant 4 : i32
        %parallel_loop3A_1070 = vector.broadcast %parallel_loop3A_1069 : i32 to vector<16xi32>
        %parallel_loop3A_1071 = arith.addi %parallel_loop3A_1036, %parallel_loop3A_1070 : vector<16xi32>
        %parallel_loop3A_1072 = tpu.vector_load_idx %arg13[%parallel_loop3A_1071] : memref<216xf32, #tpu.memory_space<vmem>>[vector<16xi32>], vector<16xf32>,
        %parallel_loop3A_1073 = arith.constant 112 : i32
        %parallel_loop3A_1074 = arith.index_cast %parallel_loop3A_1073 : i32 to index
        %parallel_loop3A_1075 = arith.index_cast %parallel_loop3A_84 : i32 to index
        %parallel_loop3A_1076 = tpu.vector_load %arg10[%parallel_loop3A_1074, %parallel_loop3A_1075] {strides = array<i32>} : memref<166x128xf32, #tpu.memory_space<vmem>>, vector<16xf32>,
        tpu.vector_store %arg10[%parallel_loop3A_1074, %parallel_loop3A_1075], %parallel_loop3A_1072 {strides = array<i32>} : memref<166x128xf32, #tpu.memory_space<vmem>>, vector<16xf32>,
        %parallel_loop3A_1077 = arith.constant 5 : i32
        %parallel_loop3A_1078 = vector.broadcast %parallel_loop3A_1077 : i32 to vector<16xi32>
        %parallel_loop3A_1079 = arith.addi %parallel_loop3A_1036, %parallel_loop3A_1078 : vector<16xi32>
        %parallel_loop3A_1080 = tpu.vector_load_idx %arg13[%parallel_loop3A_1079] : memref<216xf32, #tpu.memory_space<vmem>>[vector<16xi32>], vector<16xf32>,
        %parallel_loop3A_1081 = arith.constant 113 : i32
        %parallel_loop3A_1082 = arith.index_cast %parallel_loop3A_1081 : i32 to index
        %parallel_loop3A_1083 = arith.index_cast %parallel_loop3A_84 : i32 to index
        %parallel_loop3A_1084 = tpu.vector_load %arg10[%parallel_loop3A_1082, %parallel_loop3A_1083] {strides = array<i32>} : memref<166x128xf32, #tpu.memory_space<vmem>>, vector<16xf32>,
        tpu.vector_store %arg10[%parallel_loop3A_1082, %parallel_loop3A_1083], %parallel_loop3A_1080 {strides = array<i32>} : memref<166x128xf32, #tpu.memory_space<vmem>>, vector<16xf32>,
        %parallel_loop3A_1085 = arith.constant 6 : i32
        %parallel_loop3A_1086 = vector.broadcast %parallel_loop3A_1085 : i32 to vector<16xi32>
        %parallel_loop3A_1087 = arith.addi %parallel_loop3A_1036, %parallel_loop3A_1086 : vector<16xi32>
        %parallel_loop3A_1088 = tpu.vector_load_idx %arg13[%parallel_loop3A_1087] : memref<216xf32, #tpu.memory_space<vmem>>[vector<16xi32>], vector<16xf32>,
        %parallel_loop3A_1089 = arith.constant 114 : i32
        %parallel_loop3A_1090 = arith.index_cast %parallel_loop3A_1089 : i32 to index
        %parallel_loop3A_1091 = arith.index_cast %parallel_loop3A_84 : i32 to index
        %parallel_loop3A_1092 = tpu.vector_load %arg10[%parallel_loop3A_1090, %parallel_loop3A_1091] {strides = array<i32>} : memref<166x128xf32, #tpu.memory_space<vmem>>, vector<16xf32>,
        tpu.vector_store %arg10[%parallel_loop3A_1090, %parallel_loop3A_1091], %parallel_loop3A_1088 {strides = array<i32>} : memref<166x128xf32, #tpu.memory_space<vmem>>, vector<16xf32>,
        %parallel_loop3A_1093 = arith.constant 7 : i32
        %parallel_loop3A_1094 = vector.broadcast %parallel_loop3A_1093 : i32 to vector<16xi32>
        %parallel_loop3A_1095 = arith.addi %parallel_loop3A_1036, %parallel_loop3A_1094 : vector<16xi32>
        %parallel_loop3A_1096 = tpu.vector_load_idx %arg13[%parallel_loop3A_1095] : memref<216xf32, #tpu.memory_space<vmem>>[vector<16xi32>], vector<16xf32>,
        %parallel_loop3A_1097 = arith.constant 115 : i32
        %parallel_loop3A_1098 = arith.index_cast %parallel_loop3A_1097 : i32 to index
        %parallel_loop3A_1099 = arith.index_cast %parallel_loop3A_84 : i32 to index
        %parallel_loop3A_1100 = tpu.vector_load %arg10[%parallel_loop3A_1098, %parallel_loop3A_1099] {strides = array<i32>} : memref<166x128xf32, #tpu.memory_space<vmem>>, vector<16xf32>,
        tpu.vector_store %arg10[%parallel_loop3A_1098, %parallel_loop3A_1099], %parallel_loop3A_1096 {strides = array<i32>} : memref<166x128xf32, #tpu.memory_space<vmem>>, vector<16xf32>,
        %parallel_loop3A_1101 = arith.constant 1 : i32
        %parallel_loop3A_1102 = arith.index_cast %parallel_loop3A_1101 : i32 to index
        %parallel_loop3A_1103 = arith.index_cast %parallel_loop3A_84 : i32 to index
        %parallel_loop3A_1104 = tpu.vector_load %arg8[%parallel_loop3A_1102, %parallel_loop3A_1103] {strides = array<i32>} : memref<44x128xf32, #tpu.memory_space<vmem>>, vector<16xf32>,
        %parallel_loop3A_1105 = arith.constant 0.000000e+00 : f32
        %parallel_loop3A_1106 = vector.broadcast %parallel_loop3A_1105 : f32 to vector<16xf32>
        %parallel_loop3A_1107 = arith.cmpf oeq, %parallel_loop3A_1104, %parallel_loop3A_1106 : vector<16xf32>
        %parallel_loop3A_1108 = arith.constant 1.000000e+00 : f32
        %parallel_loop3A_1109 = arith.constant 0.000000e+00 : f32
        %parallel_loop3A_1110 = vector.broadcast %parallel_loop3A_1108 : f32 to vector<16xf32>
        %parallel_loop3A_1111 = vector.broadcast %parallel_loop3A_1109 : f32 to vector<16xf32>
        %parallel_loop3A_1112 = arith.select %parallel_loop3A_1107, %parallel_loop3A_1110, %parallel_loop3A_1111 : vector<16xi1>, vector<16xf32>
        %parallel_loop3A_1113 = arith.constant 116 : i32
        %parallel_loop3A_1114 = arith.index_cast %parallel_loop3A_1113 : i32 to index
        %parallel_loop3A_1115 = arith.index_cast %parallel_loop3A_84 : i32 to index
        %parallel_loop3A_1116 = tpu.vector_load %arg10[%parallel_loop3A_1114, %parallel_loop3A_1115] {strides = array<i32>} : memref<166x128xf32, #tpu.memory_space<vmem>>, vector<16xf32>,
        tpu.vector_store %arg10[%parallel_loop3A_1114, %parallel_loop3A_1115], %parallel_loop3A_1112 {strides = array<i32>} : memref<166x128xf32, #tpu.memory_space<vmem>>, vector<16xf32>,
        %parallel_loop3A_1117 = arith.constant 1.000000e+00 : f32
        %parallel_loop3A_1118 = vector.broadcast %parallel_loop3A_1117 : f32 to vector<16xf32>
        %parallel_loop3A_1119 = arith.cmpf oeq, %parallel_loop3A_1104, %parallel_loop3A_1118 : vector<16xf32>
        %parallel_loop3A_1120 = arith.constant 1.000000e+00 : f32
        %parallel_loop3A_1121 = arith.constant 0.000000e+00 : f32
        %parallel_loop3A_1122 = vector.broadcast %parallel_loop3A_1120 : f32 to vector<16xf32>
        %parallel_loop3A_1123 = vector.broadcast %parallel_loop3A_1121 : f32 to vector<16xf32>
        %parallel_loop3A_1124 = arith.select %parallel_loop3A_1119, %parallel_loop3A_1122, %parallel_loop3A_1123 : vector<16xi1>, vector<16xf32>
        %parallel_loop3A_1125 = arith.constant 117 : i32
        %parallel_loop3A_1126 = arith.index_cast %parallel_loop3A_1125 : i32 to index
        %parallel_loop3A_1127 = arith.index_cast %parallel_loop3A_84 : i32 to index
        %parallel_loop3A_1128 = tpu.vector_load %arg10[%parallel_loop3A_1126, %parallel_loop3A_1127] {strides = array<i32>} : memref<166x128xf32, #tpu.memory_space<vmem>>, vector<16xf32>,
        tpu.vector_store %arg10[%parallel_loop3A_1126, %parallel_loop3A_1127], %parallel_loop3A_1124 {strides = array<i32>} : memref<166x128xf32, #tpu.memory_space<vmem>>, vector<16xf32>,
        %parallel_loop3A_1129 = arith.constant 2.000000e+00 : f32
        %parallel_loop3A_1130 = vector.broadcast %parallel_loop3A_1129 : f32 to vector<16xf32>
        %parallel_loop3A_1131 = arith.cmpf oeq, %parallel_loop3A_1104, %parallel_loop3A_1130 : vector<16xf32>
        %parallel_loop3A_1132 = arith.constant 1.000000e+00 : f32
        %parallel_loop3A_1133 = arith.constant 0.000000e+00 : f32
        %parallel_loop3A_1134 = vector.broadcast %parallel_loop3A_1132 : f32 to vector<16xf32>
        %parallel_loop3A_1135 = vector.broadcast %parallel_loop3A_1133 : f32 to vector<16xf32>
        %parallel_loop3A_1136 = arith.select %parallel_loop3A_1131, %parallel_loop3A_1134, %parallel_loop3A_1135 : vector<16xi1>, vector<16xf32>
        %parallel_loop3A_1137 = arith.constant 118 : i32
        %parallel_loop3A_1138 = arith.index_cast %parallel_loop3A_1137 : i32 to index
        %parallel_loop3A_1139 = arith.index_cast %parallel_loop3A_84 : i32 to index
        %parallel_loop3A_1140 = tpu.vector_load %arg10[%parallel_loop3A_1138, %parallel_loop3A_1139] {strides = array<i32>} : memref<166x128xf32, #tpu.memory_space<vmem>>, vector<16xf32>,
        tpu.vector_store %arg10[%parallel_loop3A_1138, %parallel_loop3A_1139], %parallel_loop3A_1136 {strides = array<i32>} : memref<166x128xf32, #tpu.memory_space<vmem>>, vector<16xf32>,
        %parallel_loop3A_1141 = arith.constant 3.000000e+00 : f32
        %parallel_loop3A_1142 = vector.broadcast %parallel_loop3A_1141 : f32 to vector<16xf32>
        %parallel_loop3A_1143 = arith.cmpf oeq, %parallel_loop3A_1104, %parallel_loop3A_1142 : vector<16xf32>
        %parallel_loop3A_1144 = arith.constant 1.000000e+00 : f32
        %parallel_loop3A_1145 = arith.constant 0.000000e+00 : f32
        %parallel_loop3A_1146 = vector.broadcast %parallel_loop3A_1144 : f32 to vector<16xf32>
        %parallel_loop3A_1147 = vector.broadcast %parallel_loop3A_1145 : f32 to vector<16xf32>
        %parallel_loop3A_1148 = arith.select %parallel_loop3A_1143, %parallel_loop3A_1146, %parallel_loop3A_1147 : vector<16xi1>, vector<16xf32>
        %parallel_loop3A_1149 = arith.constant 119 : i32
        %parallel_loop3A_1150 = arith.index_cast %parallel_loop3A_1149 : i32 to index
        %parallel_loop3A_1151 = arith.index_cast %parallel_loop3A_84 : i32 to index
        %parallel_loop3A_1152 = tpu.vector_load %arg10[%parallel_loop3A_1150, %parallel_loop3A_1151] {strides = array<i32>} : memref<166x128xf32, #tpu.memory_space<vmem>>, vector<16xf32>,
        tpu.vector_store %arg10[%parallel_loop3A_1150, %parallel_loop3A_1151], %parallel_loop3A_1148 {strides = array<i32>} : memref<166x128xf32, #tpu.memory_space<vmem>>, vector<16xf32>,
        %parallel_loop3A_1153 = arith.constant 2 : i32
        %parallel_loop3A_1154 = arith.index_cast %parallel_loop3A_1153 : i32 to index
        %parallel_loop3A_1155 = arith.index_cast %parallel_loop3A_84 : i32 to index
        %parallel_loop3A_1156 = tpu.vector_load %arg8[%parallel_loop3A_1154, %parallel_loop3A_1155] {strides = array<i32>} : memref<44x128xf32, #tpu.memory_space<vmem>>, vector<16xf32>,
        %parallel_loop3A_1157 = arith.constant 0.000000e+00 : f32
        %parallel_loop3A_1158 = vector.broadcast %parallel_loop3A_1157 : f32 to vector<16xf32>
        %parallel_loop3A_1159 = arith.cmpf oeq, %parallel_loop3A_1156, %parallel_loop3A_1158 : vector<16xf32>
        %parallel_loop3A_1160 = arith.constant 1.000000e+00 : f32
        %parallel_loop3A_1161 = arith.constant 0.000000e+00 : f32
        %parallel_loop3A_1162 = vector.broadcast %parallel_loop3A_1160 : f32 to vector<16xf32>
        %parallel_loop3A_1163 = vector.broadcast %parallel_loop3A_1161 : f32 to vector<16xf32>
        %parallel_loop3A_1164 = arith.select %parallel_loop3A_1159, %parallel_loop3A_1162, %parallel_loop3A_1163 : vector<16xi1>, vector<16xf32>
        %parallel_loop3A_1165 = arith.constant 120 : i32
        %parallel_loop3A_1166 = arith.index_cast %parallel_loop3A_1165 : i32 to index
        %parallel_loop3A_1167 = arith.index_cast %parallel_loop3A_84 : i32 to index
        %parallel_loop3A_1168 = tpu.vector_load %arg10[%parallel_loop3A_1166, %parallel_loop3A_1167] {strides = array<i32>} : memref<166x128xf32, #tpu.memory_space<vmem>>, vector<16xf32>,
        tpu.vector_store %arg10[%parallel_loop3A_1166, %parallel_loop3A_1167], %parallel_loop3A_1164 {strides = array<i32>} : memref<166x128xf32, #tpu.memory_space<vmem>>, vector<16xf32>,
        %parallel_loop3A_1169 = arith.constant 1.000000e+00 : f32
        %parallel_loop3A_1170 = vector.broadcast %parallel_loop3A_1169 : f32 to vector<16xf32>
        %parallel_loop3A_1171 = arith.cmpf oeq, %parallel_loop3A_1156, %parallel_loop3A_1170 : vector<16xf32>
        %parallel_loop3A_1172 = arith.constant 1.000000e+00 : f32
        %parallel_loop3A_1173 = arith.constant 0.000000e+00 : f32
        %parallel_loop3A_1174 = vector.broadcast %parallel_loop3A_1172 : f32 to vector<16xf32>
        %parallel_loop3A_1175 = vector.broadcast %parallel_loop3A_1173 : f32 to vector<16xf32>
        %parallel_loop3A_1176 = arith.select %parallel_loop3A_1171, %parallel_loop3A_1174, %parallel_loop3A_1175 : vector<16xi1>, vector<16xf32>
        %parallel_loop3A_1177 = arith.constant 121 : i32
        %parallel_loop3A_1178 = arith.index_cast %parallel_loop3A_1177 : i32 to index
        %parallel_loop3A_1179 = arith.index_cast %parallel_loop3A_84 : i32 to index
        %parallel_loop3A_1180 = tpu.vector_load %arg10[%parallel_loop3A_1178, %parallel_loop3A_1179] {strides = array<i32>} : memref<166x128xf32, #tpu.memory_space<vmem>>, vector<16xf32>,
        tpu.vector_store %arg10[%parallel_loop3A_1178, %parallel_loop3A_1179], %parallel_loop3A_1176 {strides = array<i32>} : memref<166x128xf32, #tpu.memory_space<vmem>>, vector<16xf32>,
        %parallel_loop3A_1181 = arith.constant 2.000000e+00 : f32
        %parallel_loop3A_1182 = vector.broadcast %parallel_loop3A_1181 : f32 to vector<16xf32>
        %parallel_loop3A_1183 = arith.cmpf oeq, %parallel_loop3A_1156, %parallel_loop3A_1182 : vector<16xf32>
        %parallel_loop3A_1184 = arith.constant 1.000000e+00 : f32
        %parallel_loop3A_1185 = arith.constant 0.000000e+00 : f32
        %parallel_loop3A_1186 = vector.broadcast %parallel_loop3A_1184 : f32 to vector<16xf32>
        %parallel_loop3A_1187 = vector.broadcast %parallel_loop3A_1185 : f32 to vector<16xf32>
        %parallel_loop3A_1188 = arith.select %parallel_loop3A_1183, %parallel_loop3A_1186, %parallel_loop3A_1187 : vector<16xi1>, vector<16xf32>
        %parallel_loop3A_1189 = arith.constant 122 : i32
        %parallel_loop3A_1190 = arith.index_cast %parallel_loop3A_1189 : i32 to index
        %parallel_loop3A_1191 = arith.index_cast %parallel_loop3A_84 : i32 to index
        %parallel_loop3A_1192 = tpu.vector_load %arg10[%parallel_loop3A_1190, %parallel_loop3A_1191] {strides = array<i32>} : memref<166x128xf32, #tpu.memory_space<vmem>>, vector<16xf32>,
        tpu.vector_store %arg10[%parallel_loop3A_1190, %parallel_loop3A_1191], %parallel_loop3A_1188 {strides = array<i32>} : memref<166x128xf32, #tpu.memory_space<vmem>>, vector<16xf32>,
        %parallel_loop3A_1193 = arith.constant 3.000000e+00 : f32
        %parallel_loop3A_1194 = vector.broadcast %parallel_loop3A_1193 : f32 to vector<16xf32>
        %parallel_loop3A_1195 = arith.cmpf oeq, %parallel_loop3A_1156, %parallel_loop3A_1194 : vector<16xf32>
        %parallel_loop3A_1196 = arith.constant 1.000000e+00 : f32
        %parallel_loop3A_1197 = arith.constant 0.000000e+00 : f32
        %parallel_loop3A_1198 = vector.broadcast %parallel_loop3A_1196 : f32 to vector<16xf32>
        %parallel_loop3A_1199 = vector.broadcast %parallel_loop3A_1197 : f32 to vector<16xf32>
        %parallel_loop3A_1200 = arith.select %parallel_loop3A_1195, %parallel_loop3A_1198, %parallel_loop3A_1199 : vector<16xi1>, vector<16xf32>
        %parallel_loop3A_1201 = arith.constant 123 : i32
        %parallel_loop3A_1202 = arith.index_cast %parallel_loop3A_1201 : i32 to index
        %parallel_loop3A_1203 = arith.index_cast %parallel_loop3A_84 : i32 to index
        %parallel_loop3A_1204 = tpu.vector_load %arg10[%parallel_loop3A_1202, %parallel_loop3A_1203] {strides = array<i32>} : memref<166x128xf32, #tpu.memory_space<vmem>>, vector<16xf32>,
        tpu.vector_store %arg10[%parallel_loop3A_1202, %parallel_loop3A_1203], %parallel_loop3A_1200 {strides = array<i32>} : memref<166x128xf32, #tpu.memory_space<vmem>>, vector<16xf32>,
        %parallel_loop3A_1205 = arith.constant 4.000000e+00 : f32
        %parallel_loop3A_1206 = vector.broadcast %parallel_loop3A_1205 : f32 to vector<16xf32>
        %parallel_loop3A_1207 = arith.cmpf oeq, %parallel_loop3A_1156, %parallel_loop3A_1206 : vector<16xf32>
        %parallel_loop3A_1208 = arith.constant 1.000000e+00 : f32
        %parallel_loop3A_1209 = arith.constant 0.000000e+00 : f32
        %parallel_loop3A_1210 = vector.broadcast %parallel_loop3A_1208 : f32 to vector<16xf32>
        %parallel_loop3A_1211 = vector.broadcast %parallel_loop3A_1209 : f32 to vector<16xf32>
        %parallel_loop3A_1212 = arith.select %parallel_loop3A_1207, %parallel_loop3A_1210, %parallel_loop3A_1211 : vector<16xi1>, vector<16xf32>
        %parallel_loop3A_1213 = arith.constant 124 : i32
        %parallel_loop3A_1214 = arith.index_cast %parallel_loop3A_1213 : i32 to index
        %parallel_loop3A_1215 = arith.index_cast %parallel_loop3A_84 : i32 to index
        %parallel_loop3A_1216 = tpu.vector_load %arg10[%parallel_loop3A_1214, %parallel_loop3A_1215] {strides = array<i32>} : memref<166x128xf32, #tpu.memory_space<vmem>>, vector<16xf32>,
        tpu.vector_store %arg10[%parallel_loop3A_1214, %parallel_loop3A_1215], %parallel_loop3A_1212 {strides = array<i32>} : memref<166x128xf32, #tpu.memory_space<vmem>>, vector<16xf32>,
        %parallel_loop3A_1217 = arith.constant 5.000000e+00 : f32
        %parallel_loop3A_1218 = vector.broadcast %parallel_loop3A_1217 : f32 to vector<16xf32>
        %parallel_loop3A_1219 = arith.cmpf oeq, %parallel_loop3A_1156, %parallel_loop3A_1218 : vector<16xf32>
        %parallel_loop3A_1220 = arith.constant 1.000000e+00 : f32
        %parallel_loop3A_1221 = arith.constant 0.000000e+00 : f32
        %parallel_loop3A_1222 = vector.broadcast %parallel_loop3A_1220 : f32 to vector<16xf32>
        %parallel_loop3A_1223 = vector.broadcast %parallel_loop3A_1221 : f32 to vector<16xf32>
        %parallel_loop3A_1224 = arith.select %parallel_loop3A_1219, %parallel_loop3A_1222, %parallel_loop3A_1223 : vector<16xi1>, vector<16xf32>
        %parallel_loop3A_1225 = arith.constant 125 : i32
        %parallel_loop3A_1226 = arith.index_cast %parallel_loop3A_1225 : i32 to index
        %parallel_loop3A_1227 = arith.index_cast %parallel_loop3A_84 : i32 to index
        %parallel_loop3A_1228 = tpu.vector_load %arg10[%parallel_loop3A_1226, %parallel_loop3A_1227] {strides = array<i32>} : memref<166x128xf32, #tpu.memory_space<vmem>>, vector<16xf32>,
        tpu.vector_store %arg10[%parallel_loop3A_1226, %parallel_loop3A_1227], %parallel_loop3A_1224 {strides = array<i32>} : memref<166x128xf32, #tpu.memory_space<vmem>>, vector<16xf32>,
        %parallel_loop3A_1229 = arith.constant 6.000000e+00 : f32
        %parallel_loop3A_1230 = vector.broadcast %parallel_loop3A_1229 : f32 to vector<16xf32>
        %parallel_loop3A_1231 = arith.cmpf oeq, %parallel_loop3A_1156, %parallel_loop3A_1230 : vector<16xf32>
        %parallel_loop3A_1232 = arith.constant 1.000000e+00 : f32
        %parallel_loop3A_1233 = arith.constant 0.000000e+00 : f32
        %parallel_loop3A_1234 = vector.broadcast %parallel_loop3A_1232 : f32 to vector<16xf32>
        %parallel_loop3A_1235 = vector.broadcast %parallel_loop3A_1233 : f32 to vector<16xf32>
        %parallel_loop3A_1236 = arith.select %parallel_loop3A_1231, %parallel_loop3A_1234, %parallel_loop3A_1235 : vector<16xi1>, vector<16xf32>
        %parallel_loop3A_1237 = arith.constant 126 : i32
        %parallel_loop3A_1238 = arith.index_cast %parallel_loop3A_1237 : i32 to index
        %parallel_loop3A_1239 = arith.index_cast %parallel_loop3A_84 : i32 to index
        %parallel_loop3A_1240 = tpu.vector_load %arg10[%parallel_loop3A_1238, %parallel_loop3A_1239] {strides = array<i32>} : memref<166x128xf32, #tpu.memory_space<vmem>>, vector<16xf32>,
        tpu.vector_store %arg10[%parallel_loop3A_1238, %parallel_loop3A_1239], %parallel_loop3A_1236 {strides = array<i32>} : memref<166x128xf32, #tpu.memory_space<vmem>>, vector<16xf32>,
        %parallel_loop3A_1241 = arith.constant 7.000000e+00 : f32
        %parallel_loop3A_1242 = vector.broadcast %parallel_loop3A_1241 : f32 to vector<16xf32>
        %parallel_loop3A_1243 = arith.cmpf oeq, %parallel_loop3A_1156, %parallel_loop3A_1242 : vector<16xf32>
        %parallel_loop3A_1244 = arith.constant 1.000000e+00 : f32
        %parallel_loop3A_1245 = arith.constant 0.000000e+00 : f32
        %parallel_loop3A_1246 = vector.broadcast %parallel_loop3A_1244 : f32 to vector<16xf32>
        %parallel_loop3A_1247 = vector.broadcast %parallel_loop3A_1245 : f32 to vector<16xf32>
        %parallel_loop3A_1248 = arith.select %parallel_loop3A_1243, %parallel_loop3A_1246, %parallel_loop3A_1247 : vector<16xi1>, vector<16xf32>
        %parallel_loop3A_1249 = arith.constant 127 : i32
        %parallel_loop3A_1250 = arith.index_cast %parallel_loop3A_1249 : i32 to index
        %parallel_loop3A_1251 = arith.index_cast %parallel_loop3A_84 : i32 to index
        %parallel_loop3A_1252 = tpu.vector_load %arg10[%parallel_loop3A_1250, %parallel_loop3A_1251] {strides = array<i32>} : memref<166x128xf32, #tpu.memory_space<vmem>>, vector<16xf32>,
        tpu.vector_store %arg10[%parallel_loop3A_1250, %parallel_loop3A_1251], %parallel_loop3A_1248 {strides = array<i32>} : memref<166x128xf32, #tpu.memory_space<vmem>>, vector<16xf32>,
        %parallel_loop3A_1253 = arith.constant 8.000000e+00 : f32
        %parallel_loop3A_1254 = vector.broadcast %parallel_loop3A_1253 : f32 to vector<16xf32>
        %parallel_loop3A_1255 = arith.cmpf oeq, %parallel_loop3A_1156, %parallel_loop3A_1254 : vector<16xf32>
        %parallel_loop3A_1256 = arith.constant 1.000000e+00 : f32
        %parallel_loop3A_1257 = arith.constant 0.000000e+00 : f32
        %parallel_loop3A_1258 = vector.broadcast %parallel_loop3A_1256 : f32 to vector<16xf32>
        %parallel_loop3A_1259 = vector.broadcast %parallel_loop3A_1257 : f32 to vector<16xf32>
        %parallel_loop3A_1260 = arith.select %parallel_loop3A_1255, %parallel_loop3A_1258, %parallel_loop3A_1259 : vector<16xi1>, vector<16xf32>
        %parallel_loop3A_1261 = arith.constant 128 : i32
        %parallel_loop3A_1262 = arith.index_cast %parallel_loop3A_1261 : i32 to index
        %parallel_loop3A_1263 = arith.index_cast %parallel_loop3A_84 : i32 to index
        %parallel_loop3A_1264 = tpu.vector_load %arg10[%parallel_loop3A_1262, %parallel_loop3A_1263] {strides = array<i32>} : memref<166x128xf32, #tpu.memory_space<vmem>>, vector<16xf32>,
        tpu.vector_store %arg10[%parallel_loop3A_1262, %parallel_loop3A_1263], %parallel_loop3A_1260 {strides = array<i32>} : memref<166x128xf32, #tpu.memory_space<vmem>>, vector<16xf32>,
        %parallel_loop3A_1265 = arith.constant 9.000000e+00 : f32
        %parallel_loop3A_1266 = vector.broadcast %parallel_loop3A_1265 : f32 to vector<16xf32>
        %parallel_loop3A_1267 = arith.cmpf oeq, %parallel_loop3A_1156, %parallel_loop3A_1266 : vector<16xf32>
        %parallel_loop3A_1268 = arith.constant 1.000000e+00 : f32
        %parallel_loop3A_1269 = arith.constant 0.000000e+00 : f32
        %parallel_loop3A_1270 = vector.broadcast %parallel_loop3A_1268 : f32 to vector<16xf32>
        %parallel_loop3A_1271 = vector.broadcast %parallel_loop3A_1269 : f32 to vector<16xf32>
        %parallel_loop3A_1272 = arith.select %parallel_loop3A_1267, %parallel_loop3A_1270, %parallel_loop3A_1271 : vector<16xi1>, vector<16xf32>
        %parallel_loop3A_1273 = arith.constant 129 : i32
        %parallel_loop3A_1274 = arith.index_cast %parallel_loop3A_1273 : i32 to index
        %parallel_loop3A_1275 = arith.index_cast %parallel_loop3A_84 : i32 to index
        %parallel_loop3A_1276 = tpu.vector_load %arg10[%parallel_loop3A_1274, %parallel_loop3A_1275] {strides = array<i32>} : memref<166x128xf32, #tpu.memory_space<vmem>>, vector<16xf32>,
        tpu.vector_store %arg10[%parallel_loop3A_1274, %parallel_loop3A_1275], %parallel_loop3A_1272 {strides = array<i32>} : memref<166x128xf32, #tpu.memory_space<vmem>>, vector<16xf32>,
        %parallel_loop3A_1277 = arith.constant 1.000000e+01 : f32
        %parallel_loop3A_1278 = vector.broadcast %parallel_loop3A_1277 : f32 to vector<16xf32>
        %parallel_loop3A_1279 = arith.cmpf oeq, %parallel_loop3A_1156, %parallel_loop3A_1278 : vector<16xf32>
        %parallel_loop3A_1280 = arith.constant 1.000000e+00 : f32
        %parallel_loop3A_1281 = arith.constant 0.000000e+00 : f32
        %parallel_loop3A_1282 = vector.broadcast %parallel_loop3A_1280 : f32 to vector<16xf32>
        %parallel_loop3A_1283 = vector.broadcast %parallel_loop3A_1281 : f32 to vector<16xf32>
        %parallel_loop3A_1284 = arith.select %parallel_loop3A_1279, %parallel_loop3A_1282, %parallel_loop3A_1283 : vector<16xi1>, vector<16xf32>
        %parallel_loop3A_1285 = arith.constant 130 : i32
        %parallel_loop3A_1286 = arith.index_cast %parallel_loop3A_1285 : i32 to index
        %parallel_loop3A_1287 = arith.index_cast %parallel_loop3A_84 : i32 to index
        %parallel_loop3A_1288 = tpu.vector_load %arg10[%parallel_loop3A_1286, %parallel_loop3A_1287] {strides = array<i32>} : memref<166x128xf32, #tpu.memory_space<vmem>>, vector<16xf32>,
        tpu.vector_store %arg10[%parallel_loop3A_1286, %parallel_loop3A_1287], %parallel_loop3A_1284 {strides = array<i32>} : memref<166x128xf32, #tpu.memory_space<vmem>>, vector<16xf32>,
        %parallel_loop3A_1289 = arith.constant 1.100000e+01 : f32
        %parallel_loop3A_1290 = vector.broadcast %parallel_loop3A_1289 : f32 to vector<16xf32>
        %parallel_loop3A_1291 = arith.cmpf oeq, %parallel_loop3A_1156, %parallel_loop3A_1290 : vector<16xf32>
        %parallel_loop3A_1292 = arith.constant 1.000000e+00 : f32
        %parallel_loop3A_1293 = arith.constant 0.000000e+00 : f32
        %parallel_loop3A_1294 = vector.broadcast %parallel_loop3A_1292 : f32 to vector<16xf32>
        %parallel_loop3A_1295 = vector.broadcast %parallel_loop3A_1293 : f32 to vector<16xf32>
        %parallel_loop3A_1296 = arith.select %parallel_loop3A_1291, %parallel_loop3A_1294, %parallel_loop3A_1295 : vector<16xi1>, vector<16xf32>
        %parallel_loop3A_1297 = arith.constant 131 : i32
        %parallel_loop3A_1298 = arith.index_cast %parallel_loop3A_1297 : i32 to index
        %parallel_loop3A_1299 = arith.index_cast %parallel_loop3A_84 : i32 to index
        %parallel_loop3A_1300 = tpu.vector_load %arg10[%parallel_loop3A_1298, %parallel_loop3A_1299] {strides = array<i32>} : memref<166x128xf32, #tpu.memory_space<vmem>>, vector<16xf32>,
        tpu.vector_store %arg10[%parallel_loop3A_1298, %parallel_loop3A_1299], %parallel_loop3A_1296 {strides = array<i32>} : memref<166x128xf32, #tpu.memory_space<vmem>>, vector<16xf32>,
        %parallel_loop3A_1301 = arith.constant 1.200000e+01 : f32
        %parallel_loop3A_1302 = vector.broadcast %parallel_loop3A_1301 : f32 to vector<16xf32>
        %parallel_loop3A_1303 = arith.cmpf oeq, %parallel_loop3A_1156, %parallel_loop3A_1302 : vector<16xf32>
        %parallel_loop3A_1304 = arith.constant 1.000000e+00 : f32
        %parallel_loop3A_1305 = arith.constant 0.000000e+00 : f32
        %parallel_loop3A_1306 = vector.broadcast %parallel_loop3A_1304 : f32 to vector<16xf32>
        %parallel_loop3A_1307 = vector.broadcast %parallel_loop3A_1305 : f32 to vector<16xf32>
        %parallel_loop3A_1308 = arith.select %parallel_loop3A_1303, %parallel_loop3A_1306, %parallel_loop3A_1307 : vector<16xi1>, vector<16xf32>
        %parallel_loop3A_1309 = arith.constant 132 : i32
        %parallel_loop3A_1310 = arith.index_cast %parallel_loop3A_1309 : i32 to index
        %parallel_loop3A_1311 = arith.index_cast %parallel_loop3A_84 : i32 to index
        %parallel_loop3A_1312 = tpu.vector_load %arg10[%parallel_loop3A_1310, %parallel_loop3A_1311] {strides = array<i32>} : memref<166x128xf32, #tpu.memory_space<vmem>>, vector<16xf32>,
        tpu.vector_store %arg10[%parallel_loop3A_1310, %parallel_loop3A_1311], %parallel_loop3A_1308 {strides = array<i32>} : memref<166x128xf32, #tpu.memory_space<vmem>>, vector<16xf32>,
        %parallel_loop3A_1313 = arith.constant 1.300000e+01 : f32
        %parallel_loop3A_1314 = vector.broadcast %parallel_loop3A_1313 : f32 to vector<16xf32>
        %parallel_loop3A_1315 = arith.cmpf oeq, %parallel_loop3A_1156, %parallel_loop3A_1314 : vector<16xf32>
        %parallel_loop3A_1316 = arith.constant 1.000000e+00 : f32
        %parallel_loop3A_1317 = arith.constant 0.000000e+00 : f32
        %parallel_loop3A_1318 = vector.broadcast %parallel_loop3A_1316 : f32 to vector<16xf32>
        %parallel_loop3A_1319 = vector.broadcast %parallel_loop3A_1317 : f32 to vector<16xf32>
        %parallel_loop3A_1320 = arith.select %parallel_loop3A_1315, %parallel_loop3A_1318, %parallel_loop3A_1319 : vector<16xi1>, vector<16xf32>
        %parallel_loop3A_1321 = arith.constant 133 : i32
        %parallel_loop3A_1322 = arith.index_cast %parallel_loop3A_1321 : i32 to index
        %parallel_loop3A_1323 = arith.index_cast %parallel_loop3A_84 : i32 to index
        %parallel_loop3A_1324 = tpu.vector_load %arg10[%parallel_loop3A_1322, %parallel_loop3A_1323] {strides = array<i32>} : memref<166x128xf32, #tpu.memory_space<vmem>>, vector<16xf32>,
        tpu.vector_store %arg10[%parallel_loop3A_1322, %parallel_loop3A_1323], %parallel_loop3A_1320 {strides = array<i32>} : memref<166x128xf32, #tpu.memory_space<vmem>>, vector<16xf32>,
        %parallel_loop3A_1325 = arith.constant 1.400000e+01 : f32
        %parallel_loop3A_1326 = vector.broadcast %parallel_loop3A_1325 : f32 to vector<16xf32>
        %parallel_loop3A_1327 = arith.cmpf oeq, %parallel_loop3A_1156, %parallel_loop3A_1326 : vector<16xf32>
        %parallel_loop3A_1328 = arith.constant 1.000000e+00 : f32
        %parallel_loop3A_1329 = arith.constant 0.000000e+00 : f32
        %parallel_loop3A_1330 = vector.broadcast %parallel_loop3A_1328 : f32 to vector<16xf32>
        %parallel_loop3A_1331 = vector.broadcast %parallel_loop3A_1329 : f32 to vector<16xf32>
        %parallel_loop3A_1332 = arith.select %parallel_loop3A_1327, %parallel_loop3A_1330, %parallel_loop3A_1331 : vector<16xi1>, vector<16xf32>
        %parallel_loop3A_1333 = arith.constant 134 : i32
        %parallel_loop3A_1334 = arith.index_cast %parallel_loop3A_1333 : i32 to index
        %parallel_loop3A_1335 = arith.index_cast %parallel_loop3A_84 : i32 to index
        %parallel_loop3A_1336 = tpu.vector_load %arg10[%parallel_loop3A_1334, %parallel_loop3A_1335] {strides = array<i32>} : memref<166x128xf32, #tpu.memory_space<vmem>>, vector<16xf32>,
        tpu.vector_store %arg10[%parallel_loop3A_1334, %parallel_loop3A_1335], %parallel_loop3A_1332 {strides = array<i32>} : memref<166x128xf32, #tpu.memory_space<vmem>>, vector<16xf32>,
        %parallel_loop3A_1337 = arith.constant 13 : i32
        %parallel_loop3A_1338 = arith.index_cast %parallel_loop3A_1337 : i32 to index
        %parallel_loop3A_1339 = arith.index_cast %parallel_loop3A_84 : i32 to index
        %parallel_loop3A_1340 = tpu.vector_load %arg8[%parallel_loop3A_1338, %parallel_loop3A_1339] {strides = array<i32>} : memref<44x128xf32, #tpu.memory_space<vmem>>, vector<16xf32>,
        %parallel_loop3A_1341 = arith.constant 135 : i32
        %parallel_loop3A_1342 = arith.index_cast %parallel_loop3A_1341 : i32 to index
        %parallel_loop3A_1343 = arith.index_cast %parallel_loop3A_84 : i32 to index
        %parallel_loop3A_1344 = tpu.vector_load %arg10[%parallel_loop3A_1342, %parallel_loop3A_1343] {strides = array<i32>} : memref<166x128xf32, #tpu.memory_space<vmem>>, vector<16xf32>,
        tpu.vector_store %arg10[%parallel_loop3A_1342, %parallel_loop3A_1343], %parallel_loop3A_1340 {strides = array<i32>} : memref<166x128xf32, #tpu.memory_space<vmem>>, vector<16xf32>,
        %parallel_loop3A_1345 = arith.constant 14 : i32
        %parallel_loop3A_1346 = arith.index_cast %parallel_loop3A_1345 : i32 to index
        %parallel_loop3A_1347 = arith.index_cast %parallel_loop3A_84 : i32 to index
        %parallel_loop3A_1348 = tpu.vector_load %arg8[%parallel_loop3A_1346, %parallel_loop3A_1347] {strides = array<i32>} : memref<44x128xf32, #tpu.memory_space<vmem>>, vector<16xf32>,
        %parallel_loop3A_1349 = arith.constant 136 : i32
        %parallel_loop3A_1350 = arith.index_cast %parallel_loop3A_1349 : i32 to index
        %parallel_loop3A_1351 = arith.index_cast %parallel_loop3A_84 : i32 to index
        %parallel_loop3A_1352 = tpu.vector_load %arg10[%parallel_loop3A_1350, %parallel_loop3A_1351] {strides = array<i32>} : memref<166x128xf32, #tpu.memory_space<vmem>>, vector<16xf32>,
        tpu.vector_store %arg10[%parallel_loop3A_1350, %parallel_loop3A_1351], %parallel_loop3A_1348 {strides = array<i32>} : memref<166x128xf32, #tpu.memory_space<vmem>>, vector<16xf32>,
        %parallel_loop3A_1353 = arith.constant 15 : i32
        %parallel_loop3A_1354 = arith.index_cast %parallel_loop3A_1353 : i32 to index
        %parallel_loop3A_1355 = arith.index_cast %parallel_loop3A_84 : i32 to index
        %parallel_loop3A_1356 = tpu.vector_load %arg8[%parallel_loop3A_1354, %parallel_loop3A_1355] {strides = array<i32>} : memref<44x128xf32, #tpu.memory_space<vmem>>, vector<16xf32>,
        %parallel_loop3A_1357 = arith.constant 137 : i32
        %parallel_loop3A_1358 = arith.index_cast %parallel_loop3A_1357 : i32 to index
        %parallel_loop3A_1359 = arith.index_cast %parallel_loop3A_84 : i32 to index
        %parallel_loop3A_1360 = tpu.vector_load %arg10[%parallel_loop3A_1358, %parallel_loop3A_1359] {strides = array<i32>} : memref<166x128xf32, #tpu.memory_space<vmem>>, vector<16xf32>,
        tpu.vector_store %arg10[%parallel_loop3A_1358, %parallel_loop3A_1359], %parallel_loop3A_1356 {strides = array<i32>} : memref<166x128xf32, #tpu.memory_space<vmem>>, vector<16xf32>,
        %parallel_loop3A_1361 = arith.constant 16 : i32
        %parallel_loop3A_1362 = arith.index_cast %parallel_loop3A_1361 : i32 to index
        %parallel_loop3A_1363 = arith.index_cast %parallel_loop3A_84 : i32 to index
        %parallel_loop3A_1364 = tpu.vector_load %arg8[%parallel_loop3A_1362, %parallel_loop3A_1363] {strides = array<i32>} : memref<44x128xf32, #tpu.memory_space<vmem>>, vector<16xf32>,
        %parallel_loop3A_1365 = arith.constant 138 : i32
        %parallel_loop3A_1366 = arith.index_cast %parallel_loop3A_1365 : i32 to index
        %parallel_loop3A_1367 = arith.index_cast %parallel_loop3A_84 : i32 to index
        %parallel_loop3A_1368 = tpu.vector_load %arg10[%parallel_loop3A_1366, %parallel_loop3A_1367] {strides = array<i32>} : memref<166x128xf32, #tpu.memory_space<vmem>>, vector<16xf32>,
        tpu.vector_store %arg10[%parallel_loop3A_1366, %parallel_loop3A_1367], %parallel_loop3A_1364 {strides = array<i32>} : memref<166x128xf32, #tpu.memory_space<vmem>>, vector<16xf32>,
        %parallel_loop3A_1369 = arith.constant 17 : i32
        %parallel_loop3A_1370 = arith.index_cast %parallel_loop3A_1369 : i32 to index
        %parallel_loop3A_1371 = arith.index_cast %parallel_loop3A_84 : i32 to index
        %parallel_loop3A_1372 = tpu.vector_load %arg8[%parallel_loop3A_1370, %parallel_loop3A_1371] {strides = array<i32>} : memref<44x128xf32, #tpu.memory_space<vmem>>, vector<16xf32>,
        %parallel_loop3A_1373 = arith.constant 139 : i32
        %parallel_loop3A_1374 = arith.index_cast %parallel_loop3A_1373 : i32 to index
        %parallel_loop3A_1375 = arith.index_cast %parallel_loop3A_84 : i32 to index
        %parallel_loop3A_1376 = tpu.vector_load %arg10[%parallel_loop3A_1374, %parallel_loop3A_1375] {strides = array<i32>} : memref<166x128xf32, #tpu.memory_space<vmem>>, vector<16xf32>,
        tpu.vector_store %arg10[%parallel_loop3A_1374, %parallel_loop3A_1375], %parallel_loop3A_1372 {strides = array<i32>} : memref<166x128xf32, #tpu.memory_space<vmem>>, vector<16xf32>,
        %parallel_loop3A_1377 = arith.constant 18 : i32
        %parallel_loop3A_1378 = arith.index_cast %parallel_loop3A_1377 : i32 to index
        %parallel_loop3A_1379 = arith.index_cast %parallel_loop3A_84 : i32 to index
        %parallel_loop3A_1380 = tpu.vector_load %arg8[%parallel_loop3A_1378, %parallel_loop3A_1379] {strides = array<i32>} : memref<44x128xf32, #tpu.memory_space<vmem>>, vector<16xf32>,
        %parallel_loop3A_1381 = arith.constant 140 : i32
        %parallel_loop3A_1382 = arith.index_cast %parallel_loop3A_1381 : i32 to index
        %parallel_loop3A_1383 = arith.index_cast %parallel_loop3A_84 : i32 to index
        %parallel_loop3A_1384 = tpu.vector_load %arg10[%parallel_loop3A_1382, %parallel_loop3A_1383] {strides = array<i32>} : memref<166x128xf32, #tpu.memory_space<vmem>>, vector<16xf32>,
        tpu.vector_store %arg10[%parallel_loop3A_1382, %parallel_loop3A_1383], %parallel_loop3A_1380 {strides = array<i32>} : memref<166x128xf32, #tpu.memory_space<vmem>>, vector<16xf32>,
        %parallel_loop3A_1385 = arith.constant 19 : i32
        %parallel_loop3A_1386 = arith.index_cast %parallel_loop3A_1385 : i32 to index
        %parallel_loop3A_1387 = arith.index_cast %parallel_loop3A_84 : i32 to index
        %parallel_loop3A_1388 = tpu.vector_load %arg8[%parallel_loop3A_1386, %parallel_loop3A_1387] {strides = array<i32>} : memref<44x128xf32, #tpu.memory_space<vmem>>, vector<16xf32>,
        %parallel_loop3A_1389 = arith.constant 141 : i32
        %parallel_loop3A_1390 = arith.index_cast %parallel_loop3A_1389 : i32 to index
        %parallel_loop3A_1391 = arith.index_cast %parallel_loop3A_84 : i32 to index
        %parallel_loop3A_1392 = tpu.vector_load %arg10[%parallel_loop3A_1390, %parallel_loop3A_1391] {strides = array<i32>} : memref<166x128xf32, #tpu.memory_space<vmem>>, vector<16xf32>,
        tpu.vector_store %arg10[%parallel_loop3A_1390, %parallel_loop3A_1391], %parallel_loop3A_1388 {strides = array<i32>} : memref<166x128xf32, #tpu.memory_space<vmem>>, vector<16xf32>,
        %parallel_loop3A_1393 = arith.constant 20 : i32
        %parallel_loop3A_1394 = arith.index_cast %parallel_loop3A_1393 : i32 to index
        %parallel_loop3A_1395 = arith.index_cast %parallel_loop3A_84 : i32 to index
        %parallel_loop3A_1396 = tpu.vector_load %arg8[%parallel_loop3A_1394, %parallel_loop3A_1395] {strides = array<i32>} : memref<44x128xf32, #tpu.memory_space<vmem>>, vector<16xf32>,
        %parallel_loop3A_1397 = arith.constant 142 : i32
        %parallel_loop3A_1398 = arith.index_cast %parallel_loop3A_1397 : i32 to index
        %parallel_loop3A_1399 = arith.index_cast %parallel_loop3A_84 : i32 to index
        %parallel_loop3A_1400 = tpu.vector_load %arg10[%parallel_loop3A_1398, %parallel_loop3A_1399] {strides = array<i32>} : memref<166x128xf32, #tpu.memory_space<vmem>>, vector<16xf32>,
        tpu.vector_store %arg10[%parallel_loop3A_1398, %parallel_loop3A_1399], %parallel_loop3A_1396 {strides = array<i32>} : memref<166x128xf32, #tpu.memory_space<vmem>>, vector<16xf32>,
        %parallel_loop3A_1401 = arith.constant 21 : i32
        %parallel_loop3A_1402 = arith.index_cast %parallel_loop3A_1401 : i32 to index
        %parallel_loop3A_1403 = arith.index_cast %parallel_loop3A_84 : i32 to index
        %parallel_loop3A_1404 = tpu.vector_load %arg8[%parallel_loop3A_1402, %parallel_loop3A_1403] {strides = array<i32>} : memref<44x128xf32, #tpu.memory_space<vmem>>, vector<16xf32>,
        %parallel_loop3A_1405 = arith.constant 143 : i32
        %parallel_loop3A_1406 = arith.index_cast %parallel_loop3A_1405 : i32 to index
        %parallel_loop3A_1407 = arith.index_cast %parallel_loop3A_84 : i32 to index
        %parallel_loop3A_1408 = tpu.vector_load %arg10[%parallel_loop3A_1406, %parallel_loop3A_1407] {strides = array<i32>} : memref<166x128xf32, #tpu.memory_space<vmem>>, vector<16xf32>,
        tpu.vector_store %arg10[%parallel_loop3A_1406, %parallel_loop3A_1407], %parallel_loop3A_1404 {strides = array<i32>} : memref<166x128xf32, #tpu.memory_space<vmem>>, vector<16xf32>,
        %parallel_loop3A_1409 = arith.constant 22 : i32
        %parallel_loop3A_1410 = arith.index_cast %parallel_loop3A_1409 : i32 to index
        %parallel_loop3A_1411 = arith.index_cast %parallel_loop3A_84 : i32 to index
        %parallel_loop3A_1412 = tpu.vector_load %arg8[%parallel_loop3A_1410, %parallel_loop3A_1411] {strides = array<i32>} : memref<44x128xf32, #tpu.memory_space<vmem>>, vector<16xf32>,
        %parallel_loop3A_1413 = arith.constant 144 : i32
        %parallel_loop3A_1414 = arith.index_cast %parallel_loop3A_1413 : i32 to index
        %parallel_loop3A_1415 = arith.index_cast %parallel_loop3A_84 : i32 to index
        %parallel_loop3A_1416 = tpu.vector_load %arg10[%parallel_loop3A_1414, %parallel_loop3A_1415] {strides = array<i32>} : memref<166x128xf32, #tpu.memory_space<vmem>>, vector<16xf32>,
        tpu.vector_store %arg10[%parallel_loop3A_1414, %parallel_loop3A_1415], %parallel_loop3A_1412 {strides = array<i32>} : memref<166x128xf32, #tpu.memory_space<vmem>>, vector<16xf32>,
        %parallel_loop3A_1417 = arith.constant 23 : i32
        %parallel_loop3A_1418 = arith.index_cast %parallel_loop3A_1417 : i32 to index
        %parallel_loop3A_1419 = arith.index_cast %parallel_loop3A_84 : i32 to index
        %parallel_loop3A_1420 = tpu.vector_load %arg8[%parallel_loop3A_1418, %parallel_loop3A_1419] {strides = array<i32>} : memref<44x128xf32, #tpu.memory_space<vmem>>, vector<16xf32>,
        %parallel_loop3A_1421 = arith.constant 145 : i32
        %parallel_loop3A_1422 = arith.index_cast %parallel_loop3A_1421 : i32 to index
        %parallel_loop3A_1423 = arith.index_cast %parallel_loop3A_84 : i32 to index
        %parallel_loop3A_1424 = tpu.vector_load %arg10[%parallel_loop3A_1422, %parallel_loop3A_1423] {strides = array<i32>} : memref<166x128xf32, #tpu.memory_space<vmem>>, vector<16xf32>,
        tpu.vector_store %arg10[%parallel_loop3A_1422, %parallel_loop3A_1423], %parallel_loop3A_1420 {strides = array<i32>} : memref<166x128xf32, #tpu.memory_space<vmem>>, vector<16xf32>,
        %parallel_loop3A_1425 = arith.constant 24 : i32
        %parallel_loop3A_1426 = arith.index_cast %parallel_loop3A_1425 : i32 to index
        %parallel_loop3A_1427 = arith.index_cast %parallel_loop3A_84 : i32 to index
        %parallel_loop3A_1428 = tpu.vector_load %arg8[%parallel_loop3A_1426, %parallel_loop3A_1427] {strides = array<i32>} : memref<44x128xf32, #tpu.memory_space<vmem>>, vector<16xf32>,
        %parallel_loop3A_1429 = arith.constant 146 : i32
        %parallel_loop3A_1430 = arith.index_cast %parallel_loop3A_1429 : i32 to index
        %parallel_loop3A_1431 = arith.index_cast %parallel_loop3A_84 : i32 to index
        %parallel_loop3A_1432 = tpu.vector_load %arg10[%parallel_loop3A_1430, %parallel_loop3A_1431] {strides = array<i32>} : memref<166x128xf32, #tpu.memory_space<vmem>>, vector<16xf32>,
        tpu.vector_store %arg10[%parallel_loop3A_1430, %parallel_loop3A_1431], %parallel_loop3A_1428 {strides = array<i32>} : memref<166x128xf32, #tpu.memory_space<vmem>>, vector<16xf32>,
        %parallel_loop3A_1433 = arith.constant 25 : i32
        %parallel_loop3A_1434 = arith.index_cast %parallel_loop3A_1433 : i32 to index
        %parallel_loop3A_1435 = arith.index_cast %parallel_loop3A_84 : i32 to index
        %parallel_loop3A_1436 = tpu.vector_load %arg8[%parallel_loop3A_1434, %parallel_loop3A_1435] {strides = array<i32>} : memref<44x128xf32, #tpu.memory_space<vmem>>, vector<16xf32>,
        %parallel_loop3A_1437 = arith.constant 147 : i32
        %parallel_loop3A_1438 = arith.index_cast %parallel_loop3A_1437 : i32 to index
        %parallel_loop3A_1439 = arith.index_cast %parallel_loop3A_84 : i32 to index
        %parallel_loop3A_1440 = tpu.vector_load %arg10[%parallel_loop3A_1438, %parallel_loop3A_1439] {strides = array<i32>} : memref<166x128xf32, #tpu.memory_space<vmem>>, vector<16xf32>,
        tpu.vector_store %arg10[%parallel_loop3A_1438, %parallel_loop3A_1439], %parallel_loop3A_1436 {strides = array<i32>} : memref<166x128xf32, #tpu.memory_space<vmem>>, vector<16xf32>,
        %parallel_loop3A_1441 = arith.constant 26 : i32
        %parallel_loop3A_1442 = arith.index_cast %parallel_loop3A_1441 : i32 to index
        %parallel_loop3A_1443 = arith.index_cast %parallel_loop3A_84 : i32 to index
        %parallel_loop3A_1444 = tpu.vector_load %arg8[%parallel_loop3A_1442, %parallel_loop3A_1443] {strides = array<i32>} : memref<44x128xf32, #tpu.memory_space<vmem>>, vector<16xf32>,
        %parallel_loop3A_1445 = arith.constant 148 : i32
        %parallel_loop3A_1446 = arith.index_cast %parallel_loop3A_1445 : i32 to index
        %parallel_loop3A_1447 = arith.index_cast %parallel_loop3A_84 : i32 to index
        %parallel_loop3A_1448 = tpu.vector_load %arg10[%parallel_loop3A_1446, %parallel_loop3A_1447] {strides = array<i32>} : memref<166x128xf32, #tpu.memory_space<vmem>>, vector<16xf32>,
        tpu.vector_store %arg10[%parallel_loop3A_1446, %parallel_loop3A_1447], %parallel_loop3A_1444 {strides = array<i32>} : memref<166x128xf32, #tpu.memory_space<vmem>>, vector<16xf32>,
        %parallel_loop3A_1449 = arith.constant 27 : i32
        %parallel_loop3A_1450 = arith.index_cast %parallel_loop3A_1449 : i32 to index
        %parallel_loop3A_1451 = arith.index_cast %parallel_loop3A_84 : i32 to index
        %parallel_loop3A_1452 = tpu.vector_load %arg8[%parallel_loop3A_1450, %parallel_loop3A_1451] {strides = array<i32>} : memref<44x128xf32, #tpu.memory_space<vmem>>, vector<16xf32>,
        %parallel_loop3A_1453 = arith.constant 149 : i32
        %parallel_loop3A_1454 = arith.index_cast %parallel_loop3A_1453 : i32 to index
        %parallel_loop3A_1455 = arith.index_cast %parallel_loop3A_84 : i32 to index
        %parallel_loop3A_1456 = tpu.vector_load %arg10[%parallel_loop3A_1454, %parallel_loop3A_1455] {strides = array<i32>} : memref<166x128xf32, #tpu.memory_space<vmem>>, vector<16xf32>,
        tpu.vector_store %arg10[%parallel_loop3A_1454, %parallel_loop3A_1455], %parallel_loop3A_1452 {strides = array<i32>} : memref<166x128xf32, #tpu.memory_space<vmem>>, vector<16xf32>,
        %parallel_loop3A_1457 = arith.constant 28 : i32
        %parallel_loop3A_1458 = arith.index_cast %parallel_loop3A_1457 : i32 to index
        %parallel_loop3A_1459 = arith.index_cast %parallel_loop3A_84 : i32 to index
        %parallel_loop3A_1460 = tpu.vector_load %arg8[%parallel_loop3A_1458, %parallel_loop3A_1459] {strides = array<i32>} : memref<44x128xf32, #tpu.memory_space<vmem>>, vector<16xf32>,
        %parallel_loop3A_1461 = arith.constant 150 : i32
        %parallel_loop3A_1462 = arith.index_cast %parallel_loop3A_1461 : i32 to index
        %parallel_loop3A_1463 = arith.index_cast %parallel_loop3A_84 : i32 to index
        %parallel_loop3A_1464 = tpu.vector_load %arg10[%parallel_loop3A_1462, %parallel_loop3A_1463] {strides = array<i32>} : memref<166x128xf32, #tpu.memory_space<vmem>>, vector<16xf32>,
        tpu.vector_store %arg10[%parallel_loop3A_1462, %parallel_loop3A_1463], %parallel_loop3A_1460 {strides = array<i32>} : memref<166x128xf32, #tpu.memory_space<vmem>>, vector<16xf32>,
        %parallel_loop3A_1465 = arith.constant 29 : i32
        %parallel_loop3A_1466 = arith.index_cast %parallel_loop3A_1465 : i32 to index
        %parallel_loop3A_1467 = arith.index_cast %parallel_loop3A_84 : i32 to index
        %parallel_loop3A_1468 = tpu.vector_load %arg8[%parallel_loop3A_1466, %parallel_loop3A_1467] {strides = array<i32>} : memref<44x128xf32, #tpu.memory_space<vmem>>, vector<16xf32>,
        %parallel_loop3A_1469 = arith.constant 151 : i32
        %parallel_loop3A_1470 = arith.index_cast %parallel_loop3A_1469 : i32 to index
        %parallel_loop3A_1471 = arith.index_cast %parallel_loop3A_84 : i32 to index
        %parallel_loop3A_1472 = tpu.vector_load %arg10[%parallel_loop3A_1470, %parallel_loop3A_1471] {strides = array<i32>} : memref<166x128xf32, #tpu.memory_space<vmem>>, vector<16xf32>,
        tpu.vector_store %arg10[%parallel_loop3A_1470, %parallel_loop3A_1471], %parallel_loop3A_1468 {strides = array<i32>} : memref<166x128xf32, #tpu.memory_space<vmem>>, vector<16xf32>,
        %parallel_loop3A_1473 = arith.constant 30 : i32
        %parallel_loop3A_1474 = arith.index_cast %parallel_loop3A_1473 : i32 to index
        %parallel_loop3A_1475 = arith.index_cast %parallel_loop3A_84 : i32 to index
        %parallel_loop3A_1476 = tpu.vector_load %arg8[%parallel_loop3A_1474, %parallel_loop3A_1475] {strides = array<i32>} : memref<44x128xf32, #tpu.memory_space<vmem>>, vector<16xf32>,
        %parallel_loop3A_1477 = arith.constant 152 : i32
        %parallel_loop3A_1478 = arith.index_cast %parallel_loop3A_1477 : i32 to index
        %parallel_loop3A_1479 = arith.index_cast %parallel_loop3A_84 : i32 to index
        %parallel_loop3A_1480 = tpu.vector_load %arg10[%parallel_loop3A_1478, %parallel_loop3A_1479] {strides = array<i32>} : memref<166x128xf32, #tpu.memory_space<vmem>>, vector<16xf32>,
        tpu.vector_store %arg10[%parallel_loop3A_1478, %parallel_loop3A_1479], %parallel_loop3A_1476 {strides = array<i32>} : memref<166x128xf32, #tpu.memory_space<vmem>>, vector<16xf32>,
        %parallel_loop3A_1481 = arith.constant 31 : i32
        %parallel_loop3A_1482 = arith.index_cast %parallel_loop3A_1481 : i32 to index
        %parallel_loop3A_1483 = arith.index_cast %parallel_loop3A_84 : i32 to index
        %parallel_loop3A_1484 = tpu.vector_load %arg8[%parallel_loop3A_1482, %parallel_loop3A_1483] {strides = array<i32>} : memref<44x128xf32, #tpu.memory_space<vmem>>, vector<16xf32>,
        %parallel_loop3A_1485 = arith.constant 153 : i32
        %parallel_loop3A_1486 = arith.index_cast %parallel_loop3A_1485 : i32 to index
        %parallel_loop3A_1487 = arith.index_cast %parallel_loop3A_84 : i32 to index
        %parallel_loop3A_1488 = tpu.vector_load %arg10[%parallel_loop3A_1486, %parallel_loop3A_1487] {strides = array<i32>} : memref<166x128xf32, #tpu.memory_space<vmem>>, vector<16xf32>,
        tpu.vector_store %arg10[%parallel_loop3A_1486, %parallel_loop3A_1487], %parallel_loop3A_1484 {strides = array<i32>} : memref<166x128xf32, #tpu.memory_space<vmem>>, vector<16xf32>,
        %parallel_loop3A_1489 = arith.constant 32 : i32
        %parallel_loop3A_1490 = arith.index_cast %parallel_loop3A_1489 : i32 to index
        %parallel_loop3A_1491 = arith.index_cast %parallel_loop3A_84 : i32 to index
        %parallel_loop3A_1492 = tpu.vector_load %arg8[%parallel_loop3A_1490, %parallel_loop3A_1491] {strides = array<i32>} : memref<44x128xf32, #tpu.memory_space<vmem>>, vector<16xf32>,
        %parallel_loop3A_1493 = arith.constant 154 : i32
        %parallel_loop3A_1494 = arith.index_cast %parallel_loop3A_1493 : i32 to index
        %parallel_loop3A_1495 = arith.index_cast %parallel_loop3A_84 : i32 to index
        %parallel_loop3A_1496 = tpu.vector_load %arg10[%parallel_loop3A_1494, %parallel_loop3A_1495] {strides = array<i32>} : memref<166x128xf32, #tpu.memory_space<vmem>>, vector<16xf32>,
        tpu.vector_store %arg10[%parallel_loop3A_1494, %parallel_loop3A_1495], %parallel_loop3A_1492 {strides = array<i32>} : memref<166x128xf32, #tpu.memory_space<vmem>>, vector<16xf32>,
        %parallel_loop3A_1497 = arith.constant 33 : i32
        %parallel_loop3A_1498 = arith.index_cast %parallel_loop3A_1497 : i32 to index
        %parallel_loop3A_1499 = arith.index_cast %parallel_loop3A_84 : i32 to index
        %parallel_loop3A_1500 = tpu.vector_load %arg8[%parallel_loop3A_1498, %parallel_loop3A_1499] {strides = array<i32>} : memref<44x128xf32, #tpu.memory_space<vmem>>, vector<16xf32>,
        %parallel_loop3A_1501 = arith.constant 155 : i32
        %parallel_loop3A_1502 = arith.index_cast %parallel_loop3A_1501 : i32 to index
        %parallel_loop3A_1503 = arith.index_cast %parallel_loop3A_84 : i32 to index
        %parallel_loop3A_1504 = tpu.vector_load %arg10[%parallel_loop3A_1502, %parallel_loop3A_1503] {strides = array<i32>} : memref<166x128xf32, #tpu.memory_space<vmem>>, vector<16xf32>,
        tpu.vector_store %arg10[%parallel_loop3A_1502, %parallel_loop3A_1503], %parallel_loop3A_1500 {strides = array<i32>} : memref<166x128xf32, #tpu.memory_space<vmem>>, vector<16xf32>,
        %parallel_loop3A_1505 = arith.constant 34 : i32
        %parallel_loop3A_1506 = arith.index_cast %parallel_loop3A_1505 : i32 to index
        %parallel_loop3A_1507 = arith.index_cast %parallel_loop3A_84 : i32 to index
        %parallel_loop3A_1508 = tpu.vector_load %arg8[%parallel_loop3A_1506, %parallel_loop3A_1507] {strides = array<i32>} : memref<44x128xf32, #tpu.memory_space<vmem>>, vector<16xf32>,
        %parallel_loop3A_1509 = arith.constant 156 : i32
        %parallel_loop3A_1510 = arith.index_cast %parallel_loop3A_1509 : i32 to index
        %parallel_loop3A_1511 = arith.index_cast %parallel_loop3A_84 : i32 to index
        %parallel_loop3A_1512 = tpu.vector_load %arg10[%parallel_loop3A_1510, %parallel_loop3A_1511] {strides = array<i32>} : memref<166x128xf32, #tpu.memory_space<vmem>>, vector<16xf32>,
        tpu.vector_store %arg10[%parallel_loop3A_1510, %parallel_loop3A_1511], %parallel_loop3A_1508 {strides = array<i32>} : memref<166x128xf32, #tpu.memory_space<vmem>>, vector<16xf32>,
        %parallel_loop3A_1513 = arith.constant 35 : i32
        %parallel_loop3A_1514 = arith.index_cast %parallel_loop3A_1513 : i32 to index
        %parallel_loop3A_1515 = arith.index_cast %parallel_loop3A_84 : i32 to index
        %parallel_loop3A_1516 = tpu.vector_load %arg8[%parallel_loop3A_1514, %parallel_loop3A_1515] {strides = array<i32>} : memref<44x128xf32, #tpu.memory_space<vmem>>, vector<16xf32>,
        %parallel_loop3A_1517 = arith.constant 157 : i32
        %parallel_loop3A_1518 = arith.index_cast %parallel_loop3A_1517 : i32 to index
        %parallel_loop3A_1519 = arith.index_cast %parallel_loop3A_84 : i32 to index
        %parallel_loop3A_1520 = tpu.vector_load %arg10[%parallel_loop3A_1518, %parallel_loop3A_1519] {strides = array<i32>} : memref<166x128xf32, #tpu.memory_space<vmem>>, vector<16xf32>,
        tpu.vector_store %arg10[%parallel_loop3A_1518, %parallel_loop3A_1519], %parallel_loop3A_1516 {strides = array<i32>} : memref<166x128xf32, #tpu.memory_space<vmem>>, vector<16xf32>,
        %parallel_loop3A_1521 = arith.constant 36 : i32
        %parallel_loop3A_1522 = arith.index_cast %parallel_loop3A_1521 : i32 to index
        %parallel_loop3A_1523 = arith.index_cast %parallel_loop3A_84 : i32 to index
        %parallel_loop3A_1524 = tpu.vector_load %arg8[%parallel_loop3A_1522, %parallel_loop3A_1523] {strides = array<i32>} : memref<44x128xf32, #tpu.memory_space<vmem>>, vector<16xf32>,
        %parallel_loop3A_1525 = arith.constant 158 : i32
        %parallel_loop3A_1526 = arith.index_cast %parallel_loop3A_1525 : i32 to index
        %parallel_loop3A_1527 = arith.index_cast %parallel_loop3A_84 : i32 to index
        %parallel_loop3A_1528 = tpu.vector_load %arg10[%parallel_loop3A_1526, %parallel_loop3A_1527] {strides = array<i32>} : memref<166x128xf32, #tpu.memory_space<vmem>>, vector<16xf32>,
        tpu.vector_store %arg10[%parallel_loop3A_1526, %parallel_loop3A_1527], %parallel_loop3A_1524 {strides = array<i32>} : memref<166x128xf32, #tpu.memory_space<vmem>>, vector<16xf32>,
        %parallel_loop3A_1529 = arith.constant 37 : i32
        %parallel_loop3A_1530 = arith.index_cast %parallel_loop3A_1529 : i32 to index
        %parallel_loop3A_1531 = arith.index_cast %parallel_loop3A_84 : i32 to index
        %parallel_loop3A_1532 = tpu.vector_load %arg8[%parallel_loop3A_1530, %parallel_loop3A_1531] {strides = array<i32>} : memref<44x128xf32, #tpu.memory_space<vmem>>, vector<16xf32>,
        %parallel_loop3A_1533 = arith.constant 159 : i32
        %parallel_loop3A_1534 = arith.index_cast %parallel_loop3A_1533 : i32 to index
        %parallel_loop3A_1535 = arith.index_cast %parallel_loop3A_84 : i32 to index
        %parallel_loop3A_1536 = tpu.vector_load %arg10[%parallel_loop3A_1534, %parallel_loop3A_1535] {strides = array<i32>} : memref<166x128xf32, #tpu.memory_space<vmem>>, vector<16xf32>,
        tpu.vector_store %arg10[%parallel_loop3A_1534, %parallel_loop3A_1535], %parallel_loop3A_1532 {strides = array<i32>} : memref<166x128xf32, #tpu.memory_space<vmem>>, vector<16xf32>,
        %parallel_loop3A_1537 = arith.constant 38 : i32
        %parallel_loop3A_1538 = arith.index_cast %parallel_loop3A_1537 : i32 to index
        %parallel_loop3A_1539 = arith.index_cast %parallel_loop3A_84 : i32 to index
        %parallel_loop3A_1540 = tpu.vector_load %arg8[%parallel_loop3A_1538, %parallel_loop3A_1539] {strides = array<i32>} : memref<44x128xf32, #tpu.memory_space<vmem>>, vector<16xf32>,
        %parallel_loop3A_1541 = arith.constant 160 : i32
        %parallel_loop3A_1542 = arith.index_cast %parallel_loop3A_1541 : i32 to index
        %parallel_loop3A_1543 = arith.index_cast %parallel_loop3A_84 : i32 to index
        %parallel_loop3A_1544 = tpu.vector_load %arg10[%parallel_loop3A_1542, %parallel_loop3A_1543] {strides = array<i32>} : memref<166x128xf32, #tpu.memory_space<vmem>>, vector<16xf32>,
        tpu.vector_store %arg10[%parallel_loop3A_1542, %parallel_loop3A_1543], %parallel_loop3A_1540 {strides = array<i32>} : memref<166x128xf32, #tpu.memory_space<vmem>>, vector<16xf32>,
        %parallel_loop3A_1545 = arith.constant 39 : i32
        %parallel_loop3A_1546 = arith.index_cast %parallel_loop3A_1545 : i32 to index
        %parallel_loop3A_1547 = arith.index_cast %parallel_loop3A_84 : i32 to index
        %parallel_loop3A_1548 = tpu.vector_load %arg8[%parallel_loop3A_1546, %parallel_loop3A_1547] {strides = array<i32>} : memref<44x128xf32, #tpu.memory_space<vmem>>, vector<16xf32>,
        %parallel_loop3A_1549 = arith.constant 161 : i32
        %parallel_loop3A_1550 = arith.index_cast %parallel_loop3A_1549 : i32 to index
        %parallel_loop3A_1551 = arith.index_cast %parallel_loop3A_84 : i32 to index
        %parallel_loop3A_1552 = tpu.vector_load %arg10[%parallel_loop3A_1550, %parallel_loop3A_1551] {strides = array<i32>} : memref<166x128xf32, #tpu.memory_space<vmem>>, vector<16xf32>,
        tpu.vector_store %arg10[%parallel_loop3A_1550, %parallel_loop3A_1551], %parallel_loop3A_1548 {strides = array<i32>} : memref<166x128xf32, #tpu.memory_space<vmem>>, vector<16xf32>,
        %parallel_loop3A_1553 = arith.constant 40 : i32
        %parallel_loop3A_1554 = arith.index_cast %parallel_loop3A_1553 : i32 to index
        %parallel_loop3A_1555 = arith.index_cast %parallel_loop3A_84 : i32 to index
        %parallel_loop3A_1556 = tpu.vector_load %arg8[%parallel_loop3A_1554, %parallel_loop3A_1555] {strides = array<i32>} : memref<44x128xf32, #tpu.memory_space<vmem>>, vector<16xf32>,
        %parallel_loop3A_1557 = arith.constant 162 : i32
        %parallel_loop3A_1558 = arith.index_cast %parallel_loop3A_1557 : i32 to index
        %parallel_loop3A_1559 = arith.index_cast %parallel_loop3A_84 : i32 to index
        %parallel_loop3A_1560 = tpu.vector_load %arg10[%parallel_loop3A_1558, %parallel_loop3A_1559] {strides = array<i32>} : memref<166x128xf32, #tpu.memory_space<vmem>>, vector<16xf32>,
        tpu.vector_store %arg10[%parallel_loop3A_1558, %parallel_loop3A_1559], %parallel_loop3A_1556 {strides = array<i32>} : memref<166x128xf32, #tpu.memory_space<vmem>>, vector<16xf32>,
        %parallel_loop3A_1561 = arith.constant 41 : i32
        %parallel_loop3A_1562 = arith.index_cast %parallel_loop3A_1561 : i32 to index
        %parallel_loop3A_1563 = arith.index_cast %parallel_loop3A_84 : i32 to index
        %parallel_loop3A_1564 = tpu.vector_load %arg8[%parallel_loop3A_1562, %parallel_loop3A_1563] {strides = array<i32>} : memref<44x128xf32, #tpu.memory_space<vmem>>, vector<16xf32>,
        %parallel_loop3A_1565 = arith.constant 163 : i32
        %parallel_loop3A_1566 = arith.index_cast %parallel_loop3A_1565 : i32 to index
        %parallel_loop3A_1567 = arith.index_cast %parallel_loop3A_84 : i32 to index
        %parallel_loop3A_1568 = tpu.vector_load %arg10[%parallel_loop3A_1566, %parallel_loop3A_1567] {strides = array<i32>} : memref<166x128xf32, #tpu.memory_space<vmem>>, vector<16xf32>,
        tpu.vector_store %arg10[%parallel_loop3A_1566, %parallel_loop3A_1567], %parallel_loop3A_1564 {strides = array<i32>} : memref<166x128xf32, #tpu.memory_space<vmem>>, vector<16xf32>,
        %parallel_loop3A_1569 = arith.constant 42 : i32
        %parallel_loop3A_1570 = arith.index_cast %parallel_loop3A_1569 : i32 to index
        %parallel_loop3A_1571 = arith.index_cast %parallel_loop3A_84 : i32 to index
        %parallel_loop3A_1572 = tpu.vector_load %arg8[%parallel_loop3A_1570, %parallel_loop3A_1571] {strides = array<i32>} : memref<44x128xf32, #tpu.memory_space<vmem>>, vector<16xf32>,
        %parallel_loop3A_1573 = arith.constant 164 : i32
        %parallel_loop3A_1574 = arith.index_cast %parallel_loop3A_1573 : i32 to index
        %parallel_loop3A_1575 = arith.index_cast %parallel_loop3A_84 : i32 to index
        %parallel_loop3A_1576 = tpu.vector_load %arg10[%parallel_loop3A_1574, %parallel_loop3A_1575] {strides = array<i32>} : memref<166x128xf32, #tpu.memory_space<vmem>>, vector<16xf32>,
        tpu.vector_store %arg10[%parallel_loop3A_1574, %parallel_loop3A_1575], %parallel_loop3A_1572 {strides = array<i32>} : memref<166x128xf32, #tpu.memory_space<vmem>>, vector<16xf32>,
        %parallel_loop3A_1577 = arith.constant 43 : i32
        %parallel_loop3A_1578 = arith.index_cast %parallel_loop3A_1577 : i32 to index
        %parallel_loop3A_1579 = arith.index_cast %parallel_loop3A_84 : i32 to index
        %parallel_loop3A_1580 = tpu.vector_load %arg8[%parallel_loop3A_1578, %parallel_loop3A_1579] {strides = array<i32>} : memref<44x128xf32, #tpu.memory_space<vmem>>, vector<16xf32>,
        %parallel_loop3A_1581 = arith.constant 165 : i32
        %parallel_loop3A_1582 = arith.index_cast %parallel_loop3A_1581 : i32 to index
        %parallel_loop3A_1583 = arith.index_cast %parallel_loop3A_84 : i32 to index
        %parallel_loop3A_1584 = tpu.vector_load %arg10[%parallel_loop3A_1582, %parallel_loop3A_1583] {strides = array<i32>} : memref<166x128xf32, #tpu.memory_space<vmem>>, vector<16xf32>,
        tpu.vector_store %arg10[%parallel_loop3A_1582, %parallel_loop3A_1583], %parallel_loop3A_1580 {strides = array<i32>} : memref<166x128xf32, #tpu.memory_space<vmem>>, vector<16xf32>,
      } {sc.loop_unroll_factor = 2 : i64, sc.parallel_access}
      %add3A_74 = arith.constant 1 : i32
      %add3A_75 = arith.addi %mul3A_29, %add3A_74 : i32
      %dma_start3A_76 = arith.constant 0 : i32
      %dma_start3A_77 = tpu.memref_slice %arg6[%add3A_75, %dma_start3A_76, %mul3A_2] : memref<50x166x4096xf32, #tpu.memory_space<hbm>> -> memref<1x166x128xf32, #tpu.memory_space<hbm>>
      %dma_start3A_78 = tpu.memref_squeeze %dma_start3A_77 : memref<1x166x128xf32, #tpu.memory_space<hbm>> -> memref<166x128xf32, #tpu.memory_space<hbm>>
      %dma_start3A_79 = arith.constant 0 : i32
      %dma_start3A_80 = tpu.memref_slice %arg6[%add3A_75, %dma_start3A_79, %mul3A_2] : memref<50x166x4096xf32, #tpu.memory_space<hbm>> -> memref<1x166x128xf32, #tpu.memory_space<hbm>>
      %dma_start3A_81 = tpu.memref_squeeze %dma_start3A_80 : memref<1x166x128xf32, #tpu.memory_space<hbm>> -> memref<166x128xf32, #tpu.memory_space<hbm>>
      tpu.enqueue_dma source(%arg10 : memref<166x128xf32, #tpu.memory_space<vmem>>) target(%dma_start3A_81 : memref<166x128xf32, #tpu.memory_space<hbm>>) target_semaphore(%arg17 : memref<!tpu.dma_semaphore, #tpu.memory_space<semaphore_mem>>)
    }
    %scan3A_13 = arith.constant 25 : i32
    %dma_wait3A = arith.constant 48 : i32
    %dma_wait3A_14 = arith.constant 0 : i32
    %dma_wait3A_15 = tpu.memref_slice %arg6[%dma_wait3A, %dma_wait3A_14, %mul3A_2] : memref<50x166x4096xf32, #tpu.memory_space<hbm>> -> memref<1x166x128xf32, #tpu.memory_space<hbm>>
    %dma_wait3A_16 = tpu.memref_squeeze %dma_wait3A_15 : memref<1x166x128xf32, #tpu.memory_space<hbm>> -> memref<166x128xf32, #tpu.memory_space<hbm>>
    %dma_wait3A_17 = arith.constant 0 : i32
    %dma_wait3A_18 = tpu.memref_slice %arg6[%dma_wait3A, %dma_wait3A_17, %mul3A_2] : memref<50x166x4096xf32, #tpu.memory_space<hbm>> -> memref<1x166x128xf32, #tpu.memory_space<hbm>>
    %dma_wait3A_19 = tpu.memref_squeeze %dma_wait3A_18 : memref<1x166x128xf32, #tpu.memory_space<hbm>> -> memref<166x128xf32, #tpu.memory_space<hbm>>
    tpu.wait_dma2 semaphore(%arg16 : memref<!tpu.dma_semaphore, #tpu.memory_space<semaphore_mem>>) src(%arg9 : memref<166x128xf32, #tpu.memory_space<vmem>>) dst(%dma_wait3A_19 : memref<166x128xf32, #tpu.memory_space<hbm>>)
    %dma_wait3A_20 = arith.constant 49 : i32
    %dma_wait3A_21 = arith.constant 0 : i32
    %dma_wait3A_22 = tpu.memref_slice %arg6[%dma_wait3A_20, %dma_wait3A_21, %mul3A_2] : memref<50x166x4096xf32, #tpu.memory_space<hbm>> -> memref<1x166x128xf32, #tpu.memory_space<hbm>>
    %dma_wait3A_23 = tpu.memref_squeeze %dma_wait3A_22 : memref<1x166x128xf32, #tpu.memory_space<hbm>> -> memref<166x128xf32, #tpu.memory_space<hbm>>
    %dma_wait3A_24 = arith.constant 0 : i32
    %dma_wait3A_25 = tpu.memref_slice %arg6[%dma_wait3A_20, %dma_wait3A_24, %mul3A_2] : memref<50x166x4096xf32, #tpu.memory_space<hbm>> -> memref<1x166x128xf32, #tpu.memory_space<hbm>>
    %dma_wait3A_26 = tpu.memref_squeeze %dma_wait3A_25 : memref<1x166x128xf32, #tpu.memory_space<hbm>> -> memref<166x128xf32, #tpu.memory_space<hbm>>
    tpu.wait_dma2 semaphore(%arg17 : memref<!tpu.dma_semaphore, #tpu.memory_space<semaphore_mem>>) src(%arg10 : memref<166x128xf32, #tpu.memory_space<vmem>>) dst(%dma_wait3A_26 : memref<166x128xf32, #tpu.memory_space<hbm>>)
    return
  }
}

</mosaic_0001>

<sc_bundles>
// kernel: kernel.3.cloned.1.call-start
scs
__scs_entry_jumppad:
0x0: {  	(pc) =	sbr.rel $0x88, $3  }
0x1: {  	(tag) =	ssettag $0x0;
	lr =	simm.s32 $0x1  }
0x2: {  	[smem:$0x3F9D] =	sst lr;
	_ =	strace $0xD0000000  }
0x3: {  	_ = 	snop  }
0x4: {  	_ = 	snop  }
0x5: {  	_ = 	snop  }
0x6: {  	_ = 	snop  }
0x7: {  	_ = 	snop  }
__scs_overlays_trampoline_lowered:
0x8: {  	[smem:$0x3FAC] =	sst s0  }
0x9: {  	[smem:$0x3FAD] =	sst s1  }
0xa: {  	[smem:$0x3FAE] =	sst s2  }
0xb: {  	[smem:$0x3FAF] =	sst s3  }
0xc: {  	[smem:$0x3FB0] =	sst s4  }
0xd: {  	[smem:$0x3FB1] =	sst s5  }
0xe: {  	[smem:$0x3FB2] =	sst s6  }
0xf: {  	[smem:$0x3FB3] =	sst s7  }
0x10: {  	[smem:$0x3FB4] =	sst s8  }
0x11: {  	[smem:$0x3FB5] =	sst s9;
	s0 =	simm.s32 @!p0 $0x0  }
0x12: {  	s1 =	sld [smem:$0x3F9B];
	s0 =	simm.s32 @p0 $0x1  }
0x13: {  	[smem:$0x3FB6] =	sst s0;
	s0 =	simm.s32 @!p1 $0x0  }
0x14: {  	s2 =	sld [smem:$0x3F9A];
	s0 =	simm.s32 @p1 $0x1  }
0x15: {  	[smem:$0x3FB7] =	sst s0;
	s0 =	simm.s32 @!p2 $0x0  }
0x16: {  	s3 =	sld [smem:$0x3FDB];
	s0 =	simm.s32 @p2 $0x1  }
0x17: {  	s4 =	simm.s32 $0x1BF5;
	[smem:$0x3FB9] =	sst s0  }
0x18: {  	s0 =	sld [smem:$0x3F9C];
	_ =	swait.ge [sflag:s4], $0x0  }
0x19: {  	s7 =	sld [smem:$0x3F9D]  }
0x1a: {  	s8 =	sadd.s32 $0xFFFFE003, lr  }
0x1b: {  	s9 =	sadd.s32 $0xFFFFFEF7, lr;
	s5 =	simm.s32 $0xFFFFFFFF;
	p2 =	slt.u32 s8, $0xFFFFF086  }
0x1c: {  	p1 =	slt.u32 s9, $0xF7A;
	s5 =	simm.s32 @!p2 $0x0  }
0x1d: {  	s5 =	simm.s32 @p1 $0x1;
	p0 =	seq.s32 s7, s2  }
0x1e: {  	s7 =	smul.u32 @!p0 $0xF7A, s2;
	p2 =	seq.s32 @!p0 s5, $0x0  }
0x1f: {  	s9 =	smul.u32 $0xF7A, s1;
	s8 =	simm.s32 @!p0 $0x1BF5;
	p2 =	por !p2, p0  }
0x20: {  	[sflag:s8] =	ssyncset.s32 @!p0 $0xFFFFF086;
	s6 =	sadd.s32 @!p0 s3, s7;
	s7 =	simm.s32 @!p0 $0x108  }
0x21: {  	s3 =	sadd.s32 s3, s9;
	s6 =	sadd.s32 @!p0 $0x88, s6;
	s7 =	simm.s32 @p2 $0x1082  }
0x22: {  	[simem:s7], [sflag:s8] =	dma.local @!p0 [hbm:s6], $0xF7A  }
0x23: {  	s9 =	sor.u32 $0xD0000000, s2;
	s6 =	simm.s32 $0x108;
	_ =	swait.ge @!p0 [sflag:s8], $0x0  }
0x24: {  	s3 =	sadd.s32 $0x88, s3;
	s6 =	simm.s32 @!p1 $0x1082;
	[sflag:s4] =	ssyncset.s32 $0xFFFFF086  }
0x25: {  	[simem:s6], [sflag:s4] =	dma.local [hbm:s3], $0xF7A  }
0x26: {  	[smem:$0x3F9D] =	sst s1;
	(tag) =	ssettag s2;
	_ =	strace s9  }
0x27: {  	s1 =	sld [smem:$0x3FAD]  }
0x28: {  	s2 =	sld [smem:$0x3FAE]  }
0x29: {  	s4 =	sld [smem:$0x3FB0]  }
0x2a: {  	p0 =	seq.s32 s5, $0x0;
	s5 =	sld [smem:$0x3FB1]  }
0x2b: {  	s6 =	sld [smem:$0x3FB2]  }
0x2c: {  	s7 =	sld [smem:$0x3FB3]  }
0x2d: {  	s3 =	simm.s32 $0x108;
	s8 =	sld [smem:$0x3FB4]  }
0x2e: {  	s3 =	simm.s32 @!p0 $0x1082;
	s9 =	sld [smem:$0x3FB5]  }
0x2f: {  	lr =	sadd.s32 s0, s3;
	s0 =	sld [smem:$0x3FAC]  }
0x30: {  	s3 =	sld [smem:$0x3FAF]  }
0x31: {  	[smem:$0x3FB8] =	sst s10  }
0x32: {  	s10 =	sld [smem:$0x3FB6];
	_ =	sdelay $0x3  }
0x33: {  	p0 =	seq.s32 s10, $0x1;
	s10 =	sld [smem:$0x3FB8];
	_ =	sdelay $0x3  }
0x34: {  	[smem:$0x3FB8] =	sst s10  }
0x35: {  	s10 =	sld [smem:$0x3FB7];
	_ =	sdelay $0x3  }
0x36: {  	p1 =	seq.s32 s10, $0x1;
	s10 =	sld [smem:$0x3FB8];
	_ =	sdelay $0x3  }
0x37: {  	[smem:$0x3FB8] =	sst s10  }
0x38: {  	s10 =	sld [smem:$0x3FB9]  }
0x39: {  	_ = 	snop;
	(pc) =	sbr.ind lr, $3  }
0x3a: {  	_ = 	snop  }
0x3b: {  	_ = 	snop  }
0x3c: {  	p2 =	seq.s32 s10, $0x1;
	s10 =	sld [smem:$0x3FB8]  }
0x3d: {  	_ =	shalt  }
0x3e: {  	_ =	shalt  }
0x3f: {  	_ =	shalt  }
0x40: {  	_ =	shalt  }
0x41: {  	_ =	shalt  }
0x42: {  	_ =	shalt  }
0x43: {  	_ =	shalt  }
0x44: {  	_ =	shalt  }
0x45: {  	_ =	shalt  }
0x46: {  	_ =	shalt  }
0x47: {  	_ =	shalt  }
0x48: {  	_ =	shalt  }
0x49: {  	_ =	shalt  }
0x4a: {  	_ =	shalt  }
0x4b: {  	_ =	shalt  }
0x4c: {  	_ =	shalt  }
0x4d: {  	_ =	shalt  }
0x4e: {  	_ =	shalt  }
0x4f: {  	_ =	shalt  }
0x50: {  	_ =	shalt  }
0x51: {  	_ =	shalt  }
0x52: {  	_ =	shalt  }
0x53: {  	_ =	shalt  }
0x54: {  	_ =	shalt  }
0x55: {  	_ =	shalt  }
0x56: {  	_ =	shalt  }
0x57: {  	_ =	shalt  }
0x58: {  	_ =	shalt  }
0x59: {  	_ =	shalt  }
0x5a: {  	_ =	shalt  }
0x5b: {  	_ =	shalt  }
0x5c: {  	_ =	shalt  }
0x5d: {  	_ =	shalt  }
0x5e: {  	_ =	shalt  }
0x5f: {  	_ =	shalt  }
0x60: {  	_ =	shalt  }
0x61: {  	_ =	shalt  }
0x62: {  	_ =	shalt  }
0x63: {  	_ =	shalt  }
0x64: {  	_ =	shalt  }
0x65: {  	_ =	shalt  }
0x66: {  	_ =	shalt  }
0x67: {  	_ =	shalt  }
0x68: {  	_ =	shalt  }
0x69: {  	_ =	shalt  }
0x6a: {  	_ =	shalt  }
0x6b: {  	_ =	shalt  }
0x6c: {  	_ =	shalt  }
0x6d: {  	_ =	shalt  }
0x6e: {  	_ =	shalt  }
0x6f: {  	_ =	shalt  }
0x70: {  	_ =	shalt  }
0x71: {  	_ =	shalt  }
0x72: {  	_ =	shalt  }
0x73: {  	_ =	shalt  }
0x74: {  	_ =	shalt  }
0x75: {  	_ =	shalt  }
0x76: {  	_ =	shalt  }
0x77: {  	_ =	shalt  }
0x78: {  	_ =	shalt  }
0x79: {  	_ =	shalt  }
0x7a: {  	_ =	shalt  }
0x7b: {  	_ =	shalt  }
0x7c: {  	_ =	shalt  }
0x7d: {  	_ =	shalt  }
0x7e: {  	_ =	shalt  }
0x7f: {  	_ =	shalt  }
0x80: {  	_ =	shalt  }
0x81: {  	_ =	shalt  }
0x82: {  	_ =	shalt  }
0x83: {  	_ =	shalt  }
0x84: {  	_ =	shalt  }
0x85: {  	_ =	shalt  }
0x86: {  	_ =	shalt  }
0x87: {  	_ =	shalt  }
.Lfunc_end0:
.L_simem_size_0:
called_computation_lowered:
.L_overlay_start_0:
0x88: {  	s2 =	sld [smem:$0x3FD9]  }
0x89: {  	s3 =	sld [smem:$0x3FFE];
	_ =	sdelay $0x1  }
0x8a: {  	s1 =	srdreg.scid  }
0x8b: {  	s0 =	sand.u32 $0x1, s1  }
0x8c: {  	s17 =	sshll.u32 s0, $0xA;
	s2 =	sadd.s32 s3, s2  }
0x8d: {  	s2 =	sadd.s32 s2, s17  }
0x8e: {  	[smem:$0x3FC4] =	sst s2  }
0x8f: {  	_ = 	snop  }
0x90: {  	s2 =	sld [smem:$0x3FC9]  }
0x91: {  	s18 =	sld [smem:$0x3FD0];
	(tm) =	ssettm $0x1  }
0x92: {  	s4 =	sld [smem:$0x3FFB];
	_ =	sdelay $0x3  }
0x93: {  	_ =	strace s4  }
0x94: {  	s4 =	sld [smem:$0x3FFC];
	_ =	sdelay $0x3  }
0x95: {  	_ =	strace s4  }
0x96: {  	s4 =	sld [smem:$0x3FFD];
	_ =	sdelay $0x3  }
0x97: {  	_ =	strace s4  }
0x98: {  	_ =	strace $0x8FFFFFFF  }
0x99: {  	s19 =	sld [smem:$0x3FDB];
	_ =	sdelay $0x1  }
0x9a: {  	s5 =	simm.s32 $_scs_section_size  }
0x9b: {  	s6 =	simm.s32 $_size__tile_overlayer_lowered;
	s7 =	simm.s32 $_tile_overlayer_lowered  }
0x9c: {  	s22 =	simm.s32 $0x1BFF;
	s21 =	sshll.u32 s7, $0x1;
	s4 =	sadd.s32 s5, s19  }
0x9d: {  	s8 =	simm.s32 $0x0;
	s20 =	sshll.u32 s6, $0x1;
	s6 =	sadd.s32 s21, s4  }
0x9e: {  	[timem:s8], [sflag:s22] =	dma.local [hbm:s6], s20  }
0x9f: {  	_ =	swait.ge [sflag:s22], s20  }
0xa0: {  	s5 =	ssub.s32 $0x0, s20;
	[sflag:s22] =	ssyncset.done $0x0  }
0xa1: {  	[sflag:s22] =	ssyncadd.s32 s5;
	_ =	sdelay $0x1  }
0xa2: {  	s23 =	simm.s32 $0x1B8B  }
0xa3: {  	_ =	swait.ge [sflag:s23], $0x1  }
0xa4: {  	[sflag:s23] =	ssyncset.done $0x0  }
0xa5: {  	s25 =	simm.s32 $0x1B8E;
	s24 =	sld [smem:$0x3FFE];
	[sflag:s23] =	ssyncadd.s32 $0xFFFFFFFF  }
0xa6: {  	s26 =	simm.s32 $execute0_lowered;
	[smem:$0x3FD2] =	sst s25  }
0xa7: {  	s6 =	sshll.u32 s26, $0x1;
	_ =	strace $0x80000046;
	[dreg:$0x1] =	wrdreg $0xFFFFFFFF  }
0xa8: {  	s28 =	simm.s32 $_size_execute0_lowered;
	s4 =	sadd.s32 s4, s6;
	[dreg:$0x0] =	wrdreg $0x0  }
0xa9: {  	s6 =	sshll.u32 s28, $0x1;
	[dreg:$0x2] =	wrdreg s4  }
0xaa: {  	[dreg:$0x3] =	wrdreg s6  }
0xab: {  	[dreg:$0x4] =	wrdreg $0xC0  }
0xac: {  	_ =	task [dreg:s8], $0x5FFFF  }
0xad: {  	[dreg:$0x1] =	wrdreg $0xFFFFFFFF  }
0xae: {  	[dreg:$0x0] =	wrdreg $0x60  }
0xaf: {  	[dreg:$0x2] =	wrdreg s2  }
0xb0: {  	[dreg:$0x3] =	wrdreg s24  }
0xb1: {  	[dreg:$0x4] =	wrdreg s18  }
0xb2: {  	[dreg:$0x5] =	wrdreg $0x9  }
0xb3: {  	_ =	task.clear_ibuf [dreg:s8], $0x6FFFF;
	_ =	strace $0x90000046  }
0xb4: {  	s29 =	simm.s32 $0x9;
	_ =	strace $0x80000048  }
0xb5: {  	_ =	swait.ge [sflag:s29], $0x1  }
0xb6: {  	[sflag:s29] =	ssyncadd.s32 $0xFFFFFFFF  }
0xb7: {  	_ =	strace $0x90000048  }
0xb8: {  	_ =	sfence  }
0xb9: {  	s30 =	sld [smem:$0x0];
	_ =	sdelay $0x2  }
0xba: {  	s31 =	sshll.u32 s1, $0xD;
	s1 =	sshrl.u32 s1, $0x2  }
0xbb: {  	s3 =	sand.u32 $0x4000, s31;
	s1 =	sadd.s32 s1, s30  }
0xbc: {  	s0 =	sor.u32 s3, s0;
	s1 =	sshll.u32 s1, $0x11  }
0xbd: {  	s0 =	sor.u32 s1, s0  }
0xbe: {  	s0 =	sadd.s32 $0x8F2B, s0  }
0xbf: {  	[sflag:s0] =	ssyncadd.remote.s32 $0x1  }
0xc0: {  	_ =	sfence.sel $0xFFFF  }
0xc1: {  	[dreg:$0x0] =	wrdreg $0xFFFFFFFF;
	(pc) =	sbr.abs _section_cstart, $3  }
0xc2: {  	[dreg:$0x1] =	wrdreg $0xFFFFFFFF  }
0xc3: {  	_ =	task.clear_ibuf [dreg:s8], $0x2FFFF;
	_ =	strace $0x9FFFFFFF  }
0xc4: {  	(tm) =	ssettm $0x7FFFFFFF  }
0xc5: {  	_ =	shalt  }
tec
execute0_lowered:
.L_overlay_start_1:
0x0: {  	(tag) =	ssettag $0x1  }
0x1: {  	s1 =	rddreg [dreg:$0x0]  }
0x2: {  	s0 =	rddreg [dreg:$0x1]  }
0x3: {  	s2 =	rddreg [dreg:$0x2]  }
0x4: {  	s3 =	simm.s32 $0x0;
	s4 =	srdreg.scid;
	s6 =	stileid.u32  }
0x5: {  	s12 =	simm.s32 $0xD800;
	s13 =	simm.s32 $0x5;
	s14 =	simm.s32 $0xDF80  }
0x6: {  	s15 =	simm.s32 $0xE200;
	s16 =	simm.s32 $0x400;
	s17 =	simm.s32 $0x8000  }
0x7: {  	s19 =	simm.s32 $0x1400;
	s20 =	simm.s32 $0x1800;
	s21 =	simm.s32 $0x2C00  }
0x8: {  	s22 =	simm.s32 $0x1;
	s23 =	simm.s32 $0x3000;
	s24 =	simm.s32 $0x2  }
0x9: {  	s28 =	simm.s32 $0xD400;
	s29 =	simm.s32 $0x3;
	s30 =	simm.s32 $0x0  }
0xa: {  	[smem:$0x7FF] =	sst s3;
	s5 =	sadd.s32 $0x600, s0;
	s4 =	sand.u32 $0x1, s4  }
0xb: {  	s7 =	sshll.u32 s6, $0xB;
	s26 =	sadd.s32 $0x800, s0;
	_ =	strace $0x80000047  }
0xc: {  	[dreg:$0x4] =	wrdreg s5;
	s25 =	ssub.s32 $0x2, s4;
	s4 =	sshll.u32 s4, $0xA  }
0xd: {  	s8 =	sadd.s32 $0x400, s0;
	[dreg:$0x5] =	wrdreg s26;
	s7 =	sor.u32 s4, s7  }
0xe: {  	s26 =	simm.s32 $0x8400;
	s9 =	sshrl.u32 s25, $0x1;
	s4 =	sshrl.u32 s7, $0x3  }
0xf: {  	s31 =	ssub.s32 s25, s9;
	s10 =	sor.u32 $0x60000, s7;
	s9 =	sadd.s32 s1, s4  }
0x10: {  	v0 =	vimm.f32 $0.0e+00;
	s25 =	simm.s32 $0x4;
	s11 =	smax.u32 s31, $0x1;
	s18 =	sadd.s32 $0x5000, s9  }
.LBB2_1:
0x11: {  	s0 =	rddreg [dreg:$0x4]  }
0x12: {  	[tilespmem:s12], [sflag:$0x5] =	stream.linear.gather [hbm4b:s0+s3], $0x780, $0x38;
	[tilespmem:$0xE300] =	vst v63  }
0x13: {  	_ =	swait.ge [sflag:s13], $0x780  }
0x14: {  	[sflag:s13] =	ssyncset.done $0x0  }
0x15: {  	s6 =	rddreg [dreg:$0x5];
	[sflag:s13] =	ssyncadd.s32 $0xFFFFF880  }
0x16: {  	[tilespmem:s14], [sflag:$0x5] =	stream.linear.gather [hbm4b:s6+s3], $0x280, $0x38;
	[tilespmem:$0xE300] =	vst v63  }
0x17: {  	_ =	swait.ge [sflag:s13], $0x280  }
0x18: {  	[sflag:s13] =	ssyncset.done $0x0  }
0x19: {  	[sflag:s13] =	ssyncadd.s32 $0xFFFFFD80  }
0x1a: {  	[tilespmem:s15], [sflag:$0x5] =	stream.linear.gather [hbm4b:s8+s3], $0x100, $0x38;
	[tilespmem:$0xE300] =	vst v63  }
0x1b: {  	_ =	swait.ge [sflag:s13], $0x100  }
0x1c: {  	[sflag:s13] =	ssyncset.done $0x0  }
0x1d: {  	[sflag:s13] =	ssyncadd.s32 $0xFFFFFF00  }
0x1e: {  	[tilespmem:s3], [sflag:$0x1] =	stream.strided.gather [hbm4b:s9+s16], $0x1400, s17, s16, $0x38;
	[tilespmem:$0xE300] =	vst v63  }
0x1f: {  	s31 =	simm.s32 $0x0  }
0x20: {  	[tilespmem:s19], [sflag:$0x1] =	stream.linear.gather [hbm4b:s18+s3], $0x200, $0x38;
	[tilespmem:$0xE300] =	vst v63  }
.LBB2_2:
0x21: {  	s0 =	sshllo.u32 s31, $0x1  }
0x22: {  	s4 =	smul.u32 $0x30000, s0;
	_ =	sdelay $0x1  }
0x23: {  	s4 =	sor.u32 s7, s4  }
0x24: {  	s4 =	sshrl.u32 s4, $0x3  }
0x25: {  	s4 =	sadd.s32 s1, s4  }
0x26: {  	[tilespmem:s20], [sflag:$0x2] =	stream.strided.gather [hbm4b:s4+s16], $0x1400, s17, s16, $0x38;
	[tilespmem:$0xE300] =	vst v63  }
0x27: {  	s4 =	sadd.s32 $0x5000, s4  }
0x28: {  	[tilespmem:s21], [sflag:$0x2] =	stream.linear.gather [hbm4b:s4+s3], $0x200, $0x38;
	[tilespmem:$0xE300] =	vst v63  }
0x29: {  	_ =	swait.ge [sflag:s22], $0x1600  }
0x2a: {  	p0 =	seq.s32 s31, $0x0;
	[sflag:s22] =	ssyncset.done $0x0  }
0x2b: {  	s4 =	simm.s32 @!p0 $0x3;
	[sflag:s22] =	ssyncadd.s32 $0xFFFFEA00  }
0x2c: {  	_ =	swait.ge @!p0 [sflag:s4], $0x5300  }
0x2d: {  	[sflag:s4] =	ssyncset.done @!p0 $0x0  }
0x2e: {  	[sflag:s4] =	ssyncadd.s32 @!p0 $0xFFFFAD00;
	s4 =	simm.s32 $0x0  }
.LBB2_3:
0x2f: {  	s5 =	sshll.u32 s4, $0x4  }
0x30: {  	v1 =	vld [tilespmem:s5+$0x0];
	_ =	sdelay $0x4  }
0x31: {  	v1 =	vtrunc.f32 v1  }
0x32: {  	v1 =	vcvt.f32.s32 v1;
	_ =	sdelay $0x1  }
0x33: {  	v1 =	vmul.u32 $0x1E, v1;
	_ =	sdelay $0x5  }
0x34: {  	v2 =	vld.idx.msk [tilespmem:v1+s12+$0x0], $0xffff  }
0x35: {  	v3 =	vor.u32 $0x1, v1;
	_ =	sdelay $0x3  }
0x36: {  	[tilespmem:s5+$0x3000] =	vst v2  }
0x37: {  	v2 =	vld.idx.msk [tilespmem:v3+s12+$0x0], $0xffff  }
0x38: {  	v3 =	vadd.s32 $0x2, v1;
	_ =	sdelay $0x3  }
0x39: {  	[tilespmem:s5+$0x3080] =	vst v2  }
0x3a: {  	v2 =	vld.idx.msk [tilespmem:v3+s12+$0x0], $0xffff  }
0x3b: {  	v3 =	vadd.s32 $0x3, v1;
	_ =	sdelay $0x3  }
0x3c: {  	[tilespmem:s5+$0x3100] =	vst v2  }
0x3d: {  	v2 =	vld.idx.msk [tilespmem:v3+s12+$0x0], $0xffff  }
0x3e: {  	v3 =	vadd.s32 $0x4, v1;
	_ =	sdelay $0x3  }
0x3f: {  	[tilespmem:s5+$0x3180] =	vst v2  }
0x40: {  	v2 =	vld.idx.msk [tilespmem:v3+s12+$0x0], $0xffff  }
0x41: {  	v3 =	vadd.s32 $0x5, v1;
	_ =	sdelay $0x3  }
0x42: {  	[tilespmem:s5+$0x3200] =	vst v2  }
0x43: {  	v2 =	vld.idx.msk [tilespmem:v3+s12+$0x0], $0xffff  }
0x44: {  	v3 =	vadd.s32 $0x6, v1;
	_ =	sdelay $0x3  }
0x45: {  	[tilespmem:s5+$0x3280] =	vst v2  }
0x46: {  	v2 =	vld.idx.msk [tilespmem:v3+s12+$0x0], $0xffff  }
0x47: {  	v3 =	vadd.s32 $0x7, v1;
	_ =	sdelay $0x3  }
0x48: {  	[tilespmem:s5+$0x3300] =	vst v2  }
0x49: {  	v2 =	vld.idx.msk [tilespmem:v3+s12+$0x0], $0xffff  }
0x4a: {  	v3 =	vadd.s32 $0x8, v1;
	_ =	sdelay $0x3  }
0x4b: {  	[tilespmem:s5+$0x3380] =	vst v2  }
0x4c: {  	v2 =	vld.idx.msk [tilespmem:v3+s12+$0x0], $0xffff  }
0x4d: {  	v3 =	vadd.s32 $0x9, v1;
	_ =	sdelay $0x3  }
0x4e: {  	[tilespmem:s5+$0x3400] =	vst v2  }
0x4f: {  	v2 =	vld.idx.msk [tilespmem:v3+s12+$0x0], $0xffff  }
0x50: {  	v3 =	vadd.s32 $0xA, v1;
	_ =	sdelay $0x3  }
0x51: {  	[tilespmem:s5+$0x3480] =	vst v2  }
0x52: {  	v2 =	vld.idx.msk [tilespmem:v3+s12+$0x0], $0xffff  }
0x53: {  	v3 =	vadd.s32 $0xB, v1;
	_ =	sdelay $0x3  }
0x54: {  	[tilespmem:s5+$0x3500] =	vst v2  }
0x55: {  	v2 =	vld.idx.msk [tilespmem:v3+s12+$0x0], $0xffff  }
0x56: {  	v3 =	vadd.s32 $0xC, v1;
	_ =	sdelay $0x3  }
0x57: {  	[tilespmem:s5+$0x3580] =	vst v2  }
0x58: {  	v2 =	vld.idx.msk [tilespmem:v3+s12+$0x0], $0xffff  }
0x59: {  	v3 =	vadd.s32 $0xD, v1;
	_ =	sdelay $0x3  }
0x5a: {  	[tilespmem:s5+$0x3600] =	vst v2  }
0x5b: {  	v2 =	vld.idx.msk [tilespmem:v3+s12+$0x0], $0xffff  }
0x5c: {  	v3 =	vadd.s32 $0xE, v1;
	_ =	sdelay $0x3  }
0x5d: {  	[tilespmem:s5+$0x3680] =	vst v2  }
0x5e: {  	v2 =	vld.idx.msk [tilespmem:v3+s12+$0x0], $0xffff  }
0x5f: {  	v3 =	vadd.s32 $0xF, v1;
	_ =	sdelay $0x3  }
0x60: {  	[tilespmem:s5+$0x3700] =	vst v2  }
0x61: {  	v2 =	vld.idx.msk [tilespmem:v3+s12+$0x0], $0xffff  }
0x62: {  	v3 =	vadd.s32 $0x10, v1;
	_ =	sdelay $0x3  }
0x63: {  	[tilespmem:s5+$0x3780] =	vst v2  }
0x64: {  	v2 =	vld.idx.msk [tilespmem:v3+s12+$0x0], $0xffff  }
0x65: {  	v3 =	vadd.s32 $0x11, v1;
	_ =	sdelay $0x3  }
0x66: {  	[tilespmem:s5+$0x3800] =	vst v2  }
0x67: {  	v2 =	vld.idx.msk [tilespmem:v3+s12+$0x0], $0xffff  }
0x68: {  	v3 =	vadd.s32 $0x12, v1;
	_ =	sdelay $0x3  }
0x69: {  	[tilespmem:s5+$0x3880] =	vst v2  }
0x6a: {  	v2 =	vld.idx.msk [tilespmem:v3+s12+$0x0], $0xffff  }
0x6b: {  	v3 =	vadd.s32 $0x13, v1;
	_ =	sdelay $0x3  }
0x6c: {  	[tilespmem:s5+$0x3900] =	vst v2  }
0x6d: {  	v2 =	vld.idx.msk [tilespmem:v3+s12+$0x0], $0xffff  }
0x6e: {  	v3 =	vadd.s32 $0x14, v1;
	_ =	sdelay $0x3  }
0x6f: {  	[tilespmem:s5+$0x3980] =	vst v2  }
0x70: {  	v2 =	vld.idx.msk [tilespmem:v3+s12+$0x0], $0xffff  }
0x71: {  	v3 =	vadd.s32 $0x15, v1;
	_ =	sdelay $0x3  }
0x72: {  	[tilespmem:s5+$0x3A00] =	vst v2  }
0x73: {  	v2 =	vld.idx.msk [tilespmem:v3+s12+$0x0], $0xffff  }
0x74: {  	v3 =	vadd.s32 $0x16, v1;
	_ =	sdelay $0x3  }
0x75: {  	[tilespmem:s5+$0x3A80] =	vst v2  }
0x76: {  	v2 =	vld.idx.msk [tilespmem:v3+s12+$0x0], $0xffff  }
0x77: {  	v3 =	vadd.s32 $0x17, v1;
	_ =	sdelay $0x3  }
0x78: {  	[tilespmem:s5+$0x3B00] =	vst v2  }
0x79: {  	v2 =	vld.idx.msk [tilespmem:v3+s12+$0x0], $0xffff  }
0x7a: {  	v3 =	vadd.s32 $0x18, v1;
	_ =	sdelay $0x3  }
0x7b: {  	[tilespmem:s5+$0x3B80] =	vst v2  }
0x7c: {  	v2 =	vld.idx.msk [tilespmem:v3+s12+$0x0], $0xffff  }
0x7d: {  	v3 =	vadd.s32 $0x19, v1;
	_ =	sdelay $0x3  }
0x7e: {  	[tilespmem:s5+$0x3C00] =	vst v2  }
0x7f: {  	v2 =	vld.idx.msk [tilespmem:v3+s12+$0x0], $0xffff  }
0x80: {  	v3 =	vadd.s32 $0x1A, v1;
	_ =	sdelay $0x3  }
0x81: {  	[tilespmem:s5+$0x3C80] =	vst v2  }
0x82: {  	v2 =	vld.idx.msk [tilespmem:v3+s12+$0x0], $0xffff  }
0x83: {  	v3 =	vadd.s32 $0x1B, v1;
	_ =	sdelay $0x3  }
0x84: {  	[tilespmem:s5+$0x3D00] =	vst v2  }
0x85: {  	v2 =	vld.idx.msk [tilespmem:v3+s12+$0x0], $0xffff  }
0x86: {  	v3 =	vadd.s32 $0x1C, v1;
	_ =	sdelay $0x3  }
0x87: {  	[tilespmem:s5+$0x3D80] =	vst v2  }
0x88: {  	v2 =	vld.idx.msk [tilespmem:v3+s12+$0x0], $0xffff  }
0x89: {  	v1 =	vadd.s32 $0x1D, v1;
	_ =	sdelay $0x3  }
0x8a: {  	[tilespmem:s5+$0x3E00] =	vst v2  }
0x8b: {  	v1 =	vld.idx.msk [tilespmem:v1+s12+$0x0], $0xffff;
	_ =	sdelay $0x4  }
0x8c: {  	s6 =	sor.u32 $0x180, s5;
	[tilespmem:s5+$0x3E80] =	vst v1  }
0x8d: {  	v1 =	vld [tilespmem:s6+$0x0];
	_ =	sdelay $0x4  }
0x8e: {  	v1 =	vtrunc.f32 v1  }
0x8f: {  	v1 =	vcvt.f32.s32 v1;
	_ =	sdelay $0x1  }
0x90: {  	v1 =	vmul.u32 $0xA, v1;
	_ =	sdelay $0x5  }
0x91: {  	v2 =	vld.idx.msk [tilespmem:v1+s14+$0x0], $0xffff  }
0x92: {  	v3 =	vor.u32 $0x1, v1;
	_ =	sdelay $0x3  }
0x93: {  	[tilespmem:s5+$0x3F00] =	vst v2  }
0x94: {  	v2 =	vld.idx.msk [tilespmem:v3+s14+$0x0], $0xffff  }
0x95: {  	v3 =	vadd.s32 $0x2, v1;
	_ =	sdelay $0x3  }
0x96: {  	[tilespmem:s5+$0x3F80] =	vst v2  }
0x97: {  	v2 =	vld.idx.msk [tilespmem:v3+s14+$0x0], $0xffff  }
0x98: {  	v3 =	vadd.s32 $0x3, v1;
	_ =	sdelay $0x3  }
0x99: {  	[tilespmem:s5+$0x4000] =	vst v2  }
0x9a: {  	v2 =	vld.idx.msk [tilespmem:v3+s14+$0x0], $0xffff  }
0x9b: {  	v3 =	vadd.s32 $0x4, v1;
	_ =	sdelay $0x3  }
0x9c: {  	[tilespmem:s5+$0x4080] =	vst v2  }
0x9d: {  	v2 =	vld.idx.msk [tilespmem:v3+s14+$0x0], $0xffff  }
0x9e: {  	v3 =	vadd.s32 $0x5, v1;
	_ =	sdelay $0x3  }
0x9f: {  	[tilespmem:s5+$0x4100] =	vst v2  }
0xa0: {  	v2 =	vld.idx.msk [tilespmem:v3+s14+$0x0], $0xffff  }
0xa1: {  	v3 =	vadd.s32 $0x6, v1;
	_ =	sdelay $0x3  }
0xa2: {  	[tilespmem:s5+$0x4180] =	vst v2  }
0xa3: {  	v2 =	vld.idx.msk [tilespmem:v3+s14+$0x0], $0xffff  }
0xa4: {  	v3 =	vadd.s32 $0x7, v1;
	_ =	sdelay $0x3  }
0xa5: {  	[tilespmem:s5+$0x4200] =	vst v2  }
0xa6: {  	v2 =	vld.idx.msk [tilespmem:v3+s14+$0x0], $0xffff  }
0xa7: {  	v3 =	vadd.s32 $0x8, v1;
	_ =	sdelay $0x3  }
0xa8: {  	[tilespmem:s5+$0x4280] =	vst v2  }
0xa9: {  	v2 =	vld.idx.msk [tilespmem:v3+s14+$0x0], $0xffff  }
0xaa: {  	v1 =	vadd.s32 $0x9, v1;
	_ =	sdelay $0x3  }
0xab: {  	[tilespmem:s5+$0x4300] =	vst v2  }
0xac: {  	v1 =	vld.idx.msk [tilespmem:v1+s14+$0x0], $0xffff;
	_ =	sdelay $0x4  }
0xad: {  	s6 =	sor.u32 $0x200, s5;
	[tilespmem:s5+$0x4380] =	vst v1  }
0xae: {  	v1 =	vld [tilespmem:s6+$0x0];
	_ =	sdelay $0x4  }
0xaf: {  	v1 =	vtrunc.f32 v1  }
0xb0: {  	v1 =	vcvt.f32.s32 v1;
	_ =	sdelay $0x1  }
0xb1: {  	v1 =	vmul.u32 $0xA, v1;
	_ =	sdelay $0x5  }
0xb2: {  	v2 =	vld.idx.msk [tilespmem:v1+s14+$0x0], $0xffff  }
0xb3: {  	v3 =	vor.u32 $0x1, v1;
	_ =	sdelay $0x3  }
0xb4: {  	[tilespmem:s5+$0x4400] =	vst v2  }
0xb5: {  	v2 =	vld.idx.msk [tilespmem:v3+s14+$0x0], $0xffff  }
0xb6: {  	v3 =	vadd.s32 $0x2, v1;
	_ =	sdelay $0x3  }
0xb7: {  	[tilespmem:s5+$0x4480] =	vst v2  }
0xb8: {  	v2 =	vld.idx.msk [tilespmem:v3+s14+$0x0], $0xffff  }
0xb9: {  	v3 =	vadd.s32 $0x3, v1;
	_ =	sdelay $0x3  }
0xba: {  	[tilespmem:s5+$0x4500] =	vst v2  }
0xbb: {  	v2 =	vld.idx.msk [tilespmem:v3+s14+$0x0], $0xffff  }
0xbc: {  	v3 =	vadd.s32 $0x4, v1;
	_ =	sdelay $0x3  }
0xbd: {  	[tilespmem:s5+$0x4580] =	vst v2  }
0xbe: {  	v2 =	vld.idx.msk [tilespmem:v3+s14+$0x0], $0xffff  }
0xbf: {  	v3 =	vadd.s32 $0x5, v1;
	_ =	sdelay $0x3  }
0xc0: {  	[tilespmem:s5+$0x4600] =	vst v2  }
0xc1: {  	v2 =	vld.idx.msk [tilespmem:v3+s14+$0x0], $0xffff  }
0xc2: {  	v3 =	vadd.s32 $0x6, v1;
	_ =	sdelay $0x3  }
0xc3: {  	[tilespmem:s5+$0x4680] =	vst v2  }
0xc4: {  	v2 =	vld.idx.msk [tilespmem:v3+s14+$0x0], $0xffff  }
0xc5: {  	v3 =	vadd.s32 $0x7, v1;
	_ =	sdelay $0x3  }
0xc6: {  	[tilespmem:s5+$0x4700] =	vst v2  }
0xc7: {  	v2 =	vld.idx.msk [tilespmem:v3+s14+$0x0], $0xffff  }
0xc8: {  	v3 =	vadd.s32 $0x8, v1;
	_ =	sdelay $0x3  }
0xc9: {  	[tilespmem:s5+$0x4780] =	vst v2  }
0xca: {  	v2 =	vld.idx.msk [tilespmem:v3+s14+$0x0], $0xffff  }
0xcb: {  	v1 =	vadd.s32 $0x9, v1;
	_ =	sdelay $0x3  }
0xcc: {  	[tilespmem:s5+$0x4800] =	vst v2  }
0xcd: {  	v1 =	vld.idx.msk [tilespmem:v1+s14+$0x0], $0xffff;
	_ =	sdelay $0x4  }
0xce: {  	s6 =	sor.u32 $0x280, s5;
	[tilespmem:s5+$0x4880] =	vst v1  }
0xcf: {  	v1 =	vld [tilespmem:s6+$0x0];
	_ =	sdelay $0x4  }
0xd0: {  	v1 =	vtrunc.f32 v1  }
0xd1: {  	v1 =	vcvt.f32.s32 v1;
	_ =	sdelay $0x1  }
0xd2: {  	v1 =	vmul.u32 $0xA, v1;
	_ =	sdelay $0x5  }
0xd3: {  	v2 =	vld.idx.msk [tilespmem:v1+s14+$0x0], $0xffff  }
0xd4: {  	v3 =	vor.u32 $0x1, v1;
	_ =	sdelay $0x3  }
0xd5: {  	[tilespmem:s5+$0x4900] =	vst v2  }
0xd6: {  	v2 =	vld.idx.msk [tilespmem:v3+s14+$0x0], $0xffff  }
0xd7: {  	v3 =	vadd.s32 $0x2, v1;
	_ =	sdelay $0x3  }
0xd8: {  	[tilespmem:s5+$0x4980] =	vst v2  }
0xd9: {  	v2 =	vld.idx.msk [tilespmem:v3+s14+$0x0], $0xffff  }
0xda: {  	v3 =	vadd.s32 $0x3, v1;
	_ =	sdelay $0x3  }
0xdb: {  	[tilespmem:s5+$0x4A00] =	vst v2  }
0xdc: {  	v2 =	vld.idx.msk [tilespmem:v3+s14+$0x0], $0xffff  }
0xdd: {  	v3 =	vadd.s32 $0x4, v1;
	_ =	sdelay $0x3  }
0xde: {  	[tilespmem:s5+$0x4A80] =	vst v2  }
0xdf: {  	v2 =	vld.idx.msk [tilespmem:v3+s14+$0x0], $0xffff  }
0xe0: {  	v3 =	vadd.s32 $0x5, v1;
	_ =	sdelay $0x3  }
0xe1: {  	[tilespmem:s5+$0x4B00] =	vst v2  }
0xe2: {  	v2 =	vld.idx.msk [tilespmem:v3+s14+$0x0], $0xffff  }
0xe3: {  	v3 =	vadd.s32 $0x6, v1;
	_ =	sdelay $0x3  }
0xe4: {  	[tilespmem:s5+$0x4B80] =	vst v2  }
0xe5: {  	v2 =	vld.idx.msk [tilespmem:v3+s14+$0x0], $0xffff  }
0xe6: {  	v3 =	vadd.s32 $0x7, v1;
	_ =	sdelay $0x3  }
0xe7: {  	[tilespmem:s5+$0x4C00] =	vst v2  }
0xe8: {  	v2 =	vld.idx.msk [tilespmem:v3+s14+$0x0], $0xffff  }
0xe9: {  	v3 =	vadd.s32 $0x8, v1;
	_ =	sdelay $0x3  }
0xea: {  	[tilespmem:s5+$0x4C80] =	vst v2  }
0xeb: {  	v2 =	vld.idx.msk [tilespmem:v3+s14+$0x0], $0xffff  }
0xec: {  	v1 =	vadd.s32 $0x9, v1;
	_ =	sdelay $0x3  }
0xed: {  	[tilespmem:s5+$0x4D00] =	vst v2  }
0xee: {  	v1 =	vld.idx.msk [tilespmem:v1+s14+$0x0], $0xffff;
	_ =	sdelay $0x4  }
0xef: {  	s6 =	sor.u32 $0x300, s5;
	[tilespmem:s5+$0x4D80] =	vst v1  }
0xf0: {  	v1 =	vld [tilespmem:s6+$0x0];
	_ =	sdelay $0x4  }
0xf1: {  	v1 =	vtrunc.f32 v1  }
0xf2: {  	v1 =	vcvt.f32.s32 v1;
	_ =	sdelay $0x1  }
0xf3: {  	v1 =	vshll.u32 v1, $0x3;
	_ =	sdelay $0x4  }
0xf4: {  	v2 =	vld.idx.msk [tilespmem:v1+s15+$0x0], $0xffff  }
0xf5: {  	v3 =	vor.u32 $0x1, v1;
	_ =	sdelay $0x3  }
0xf6: {  	[tilespmem:s5+$0x4E00] =	vst v2  }
0xf7: {  	v2 =	vld.idx.msk [tilespmem:v3+s15+$0x0], $0xffff  }
0xf8: {  	v3 =	vor.u32 $0x2, v1;
	_ =	sdelay $0x3  }
0xf9: {  	[tilespmem:s5+$0x4E80] =	vst v2  }
0xfa: {  	v2 =	vld.idx.msk [tilespmem:v3+s15+$0x0], $0xffff  }
0xfb: {  	v3 =	vor.u32 $0x3, v1;
	_ =	sdelay $0x3  }
0xfc: {  	[tilespmem:s5+$0x4F00] =	vst v2  }
0xfd: {  	v2 =	vld.idx.msk [tilespmem:v3+s15+$0x0], $0xffff  }
0xfe: {  	v3 =	vor.u32 $0x4, v1;
	_ =	sdelay $0x3  }
0xff: {  	[tilespmem:s5+$0x4F80] =	vst v2  }
0x100: {  	v2 =	vld.idx.msk [tilespmem:v3+s15+$0x0], $0xffff  }
0x101: {  	v3 =	vor.u32 $0x5, v1;
	_ =	sdelay $0x3  }
0x102: {  	[tilespmem:s5+$0x5000] =	vst v2  }
0x103: {  	v2 =	vld.idx.msk [tilespmem:v3+s15+$0x0], $0xffff  }
0x104: {  	v3 =	vor.u32 $0x6, v1;
	_ =	sdelay $0x3  }
0x105: {  	[tilespmem:s5+$0x5080] =	vst v2  }
0x106: {  	v2 =	vld.idx.msk [tilespmem:v3+s15+$0x0], $0xffff  }
0x107: {  	v1 =	vor.u32 $0x7, v1;
	_ =	sdelay $0x3  }
0x108: {  	[tilespmem:s5+$0x5100] =	vst v2  }
0x109: {  	v1 =	vld.idx.msk [tilespmem:v1+s15+$0x0], $0xffff;
	_ =	sdelay $0x4  }
0x10a: {  	s6 =	sor.u32 $0x380, s5;
	[tilespmem:s5+$0x5180] =	vst v1  }
0x10b: {  	v1 =	vld [tilespmem:s6+$0x0];
	_ =	sdelay $0x4  }
0x10c: {  	v1 =	vtrunc.f32 v1  }
0x10d: {  	v1 =	vcvt.f32.s32 v1;
	_ =	sdelay $0x1  }
0x10e: {  	v1 =	vshll.u32 v1, $0x3;
	_ =	sdelay $0x4  }
0x10f: {  	v2 =	vld.idx.msk [tilespmem:v1+s15+$0x0], $0xffff  }
0x110: {  	v3 =	vor.u32 $0x1, v1;
	_ =	sdelay $0x3  }
0x111: {  	[tilespmem:s5+$0x5200] =	vst v2  }
0x112: {  	v2 =	vld.idx.msk [tilespmem:v3+s15+$0x0], $0xffff  }
0x113: {  	v3 =	vor.u32 $0x2, v1;
	_ =	sdelay $0x3  }
0x114: {  	[tilespmem:s5+$0x5280] =	vst v2  }
0x115: {  	v2 =	vld.idx.msk [tilespmem:v3+s15+$0x0], $0xffff  }
0x116: {  	v3 =	vor.u32 $0x3, v1;
	_ =	sdelay $0x3  }
0x117: {  	[tilespmem:s5+$0x5300] =	vst v2  }
0x118: {  	v2 =	vld.idx.msk [tilespmem:v3+s15+$0x0], $0xffff  }
0x119: {  	v3 =	vor.u32 $0x4, v1;
	_ =	sdelay $0x3  }
0x11a: {  	[tilespmem:s5+$0x5380] =	vst v2  }
0x11b: {  	v2 =	vld.idx.msk [tilespmem:v3+s15+$0x0], $0xffff  }
0x11c: {  	v3 =	vor.u32 $0x5, v1;
	_ =	sdelay $0x3  }
0x11d: {  	[tilespmem:s5+$0x5400] =	vst v2  }
0x11e: {  	s6 =	sor.u32 $0x10, s5;
	v2 =	vld.idx.msk [tilespmem:v3+s15+$0x0], $0xffff  }
0x11f: {  	v3 =	vld [tilespmem:s6+$0x0];
	_ =	sdelay $0x4  }
0x120: {  	v3 =	vtrunc.f32 v3  }
0x121: {  	v3 =	vcvt.f32.s32 v3;
	_ =	sdelay $0x1  }
0x122: {  	v3 =	vmul.u32 $0x1E, v3;
	_ =	sdelay $0x5  }
0x123: {  	v4 =	vld.idx.msk [tilespmem:v3+s12+$0x0], $0xffff  }
0x124: {  	v5 =	vor.u32 $0x1, v3;
	_ =	sdelay $0x3  }
0x125: {  	[tilespmem:s5+$0x3010] =	vst v4  }
0x126: {  	v4 =	vld.idx.msk [tilespmem:v5+s12+$0x0], $0xffff  }
0x127: {  	v36 =	vadd.s32 $0x2, v3;
	_ =	sdelay $0x3  }
0x128: {  	[tilespmem:s5+$0x3090] =	vst v4  }
0x129: {  	v4 =	vld.idx.msk [tilespmem:v36+s12+$0x0], $0xffff  }
0x12a: {  	v37 =	vadd.s32 $0x3, v3;
	_ =	sdelay $0x3  }
0x12b: {  	[tilespmem:s5+$0x3110] =	vst v4  }
0x12c: {  	v4 =	vld.idx.msk [tilespmem:v37+s12+$0x0], $0xffff  }
0x12d: {  	v38 =	vadd.s32 $0x4, v3;
	_ =	sdelay $0x3  }
0x12e: {  	[tilespmem:s5+$0x3190] =	vst v4  }
0x12f: {  	v4 =	vld.idx.msk [tilespmem:v38+s12+$0x0], $0xffff  }
0x130: {  	v39 =	vadd.s32 $0x5, v3;
	_ =	sdelay $0x3  }
0x131: {  	[tilespmem:s5+$0x3210] =	vst v4  }
0x132: {  	v4 =	vld.idx.msk [tilespmem:v39+s12+$0x0], $0xffff  }
0x133: {  	v40 =	vadd.s32 $0x6, v3;
	_ =	sdelay $0x3  }
0x134: {  	[tilespmem:s5+$0x3290] =	vst v4  }
0x135: {  	v4 =	vld.idx.msk [tilespmem:v40+s12+$0x0], $0xffff  }
0x136: {  	v41 =	vadd.s32 $0x7, v3;
	_ =	sdelay $0x3  }
0x137: {  	[tilespmem:s5+$0x3310] =	vst v4  }
0x138: {  	v4 =	vld.idx.msk [tilespmem:v41+s12+$0x0], $0xffff  }
0x139: {  	v42 =	vadd.s32 $0x8, v3;
	_ =	sdelay $0x3  }
0x13a: {  	[tilespmem:s5+$0x3390] =	vst v4  }
0x13b: {  	v4 =	vld.idx.msk [tilespmem:v42+s12+$0x0], $0xffff  }
0x13c: {  	v43 =	vadd.s32 $0x9, v3;
	_ =	sdelay $0x3  }
0x13d: {  	[tilespmem:s5+$0x3410] =	vst v4  }
0x13e: {  	v4 =	vld.idx.msk [tilespmem:v43+s12+$0x0], $0xffff  }
0x13f: {  	v44 =	vadd.s32 $0xA, v3;
	_ =	sdelay $0x3  }
0x140: {  	[tilespmem:s5+$0x3490] =	vst v4  }
0x141: {  	v4 =	vld.idx.msk [tilespmem:v44+s12+$0x0], $0xffff  }
0x142: {  	v45 =	vadd.s32 $0xB, v3;
	_ =	sdelay $0x3  }
0x143: {  	[tilespmem:s5+$0x3510] =	vst v4  }
0x144: {  	v4 =	vld.idx.msk [tilespmem:v45+s12+$0x0], $0xffff  }
0x145: {  	v46 =	vadd.s32 $0xC, v3;
	_ =	sdelay $0x3  }
0x146: {  	[tilespmem:s5+$0x3590] =	vst v4  }
0x147: {  	v4 =	vld.idx.msk [tilespmem:v46+s12+$0x0], $0xffff  }
0x148: {  	v47 =	vadd.s32 $0xD, v3;
	_ =	sdelay $0x3  }
0x149: {  	[tilespmem:s5+$0x3610] =	vst v4  }
0x14a: {  	v4 =	vld.idx.msk [tilespmem:v47+s12+$0x0], $0xffff  }
0x14b: {  	v48 =	vadd.s32 $0xE, v3;
	_ =	sdelay $0x3  }
0x14c: {  	[tilespmem:s5+$0x3690] =	vst v4  }
0x14d: {  	v4 =	vld.idx.msk [tilespmem:v48+s12+$0x0], $0xffff  }
0x14e: {  	v49 =	vadd.s32 $0xF, v3;
	_ =	sdelay $0x3  }
0x14f: {  	[tilespmem:s5+$0x3710] =	vst v4  }
0x150: {  	v4 =	vld.idx.msk [tilespmem:v49+s12+$0x0], $0xffff  }
0x151: {  	v50 =	vadd.s32 $0x10, v3;
	_ =	sdelay $0x3  }
0x152: {  	[tilespmem:s5+$0x3790] =	vst v4  }
0x153: {  	v4 =	vld.idx.msk [tilespmem:v50+s12+$0x0], $0xffff  }
0x154: {  	v51 =	vadd.s32 $0x11, v3;
	_ =	sdelay $0x3  }
0x155: {  	[tilespmem:s5+$0x3810] =	vst v4  }
0x156: {  	v4 =	vld.idx.msk [tilespmem:v51+s12+$0x0], $0xffff  }
0x157: {  	v52 =	vadd.s32 $0x12, v3;
	_ =	sdelay $0x3  }
0x158: {  	[tilespmem:s5+$0x3890] =	vst v4  }
0x159: {  	v4 =	vld.idx.msk [tilespmem:v52+s12+$0x0], $0xffff  }
0x15a: {  	v53 =	vadd.s32 $0x13, v3;
	_ =	sdelay $0x3  }
0x15b: {  	[tilespmem:s5+$0x3910] =	vst v4  }
0x15c: {  	v4 =	vld.idx.msk [tilespmem:v53+s12+$0x0], $0xffff  }
0x15d: {  	v54 =	vadd.s32 $0x14, v3;
	_ =	sdelay $0x3  }
0x15e: {  	[tilespmem:s5+$0x3990] =	vst v4  }
0x15f: {  	v4 =	vld.idx.msk [tilespmem:v54+s12+$0x0], $0xffff  }
0x160: {  	v55 =	vadd.s32 $0x15, v3;
	_ =	sdelay $0x3  }
0x161: {  	[tilespmem:s5+$0x3A10] =	vst v4  }
0x162: {  	v4 =	vld.idx.msk [tilespmem:v55+s12+$0x0], $0xffff  }
0x163: {  	v56 =	vadd.s32 $0x16, v3;
	_ =	sdelay $0x3  }
0x164: {  	[tilespmem:s5+$0x3A90] =	vst v4  }
0x165: {  	v4 =	vld.idx.msk [tilespmem:v56+s12+$0x0], $0xffff  }
0x166: {  	v57 =	vadd.s32 $0x17, v3;
	_ =	sdelay $0x3  }
0x167: {  	[tilespmem:s5+$0x3B10] =	vst v4  }
0x168: {  	v4 =	vld.idx.msk [tilespmem:v57+s12+$0x0], $0xffff  }
0x169: {  	v58 =	vadd.s32 $0x18, v3;
	_ =	sdelay $0x3  }
0x16a: {  	[tilespmem:s5+$0x3B90] =	vst v4  }
0x16b: {  	v4 =	vld.idx.msk [tilespmem:v58+s12+$0x0], $0xffff  }
0x16c: {  	v59 =	vadd.s32 $0x19, v3;
	_ =	sdelay $0x3  }
0x16d: {  	[tilespmem:s5+$0x3C10] =	vst v4  }
0x16e: {  	v4 =	vld.idx.msk [tilespmem:v59+s12+$0x0], $0xffff  }
0x16f: {  	v60 =	vadd.s32 $0x1A, v3;
	_ =	sdelay $0x3  }
0x170: {  	[tilespmem:s5+$0x3C90] =	vst v4  }
0x171: {  	v4 =	vld.idx.msk [tilespmem:v60+s12+$0x0], $0xffff  }
0x172: {  	v61 =	vadd.s32 $0x1B, v3;
	_ =	sdelay $0x3  }
0x173: {  	[tilespmem:s5+$0x3D10] =	vst v4  }
0x174: {  	v4 =	vld.idx.msk [tilespmem:v61+s12+$0x0], $0xffff  }
0x175: {  	v62 =	vadd.s32 $0x1C, v3;
	_ =	sdelay $0x3  }
0x176: {  	[tilespmem:s5+$0x3D90] =	vst v4  }
0x177: {  	v4 =	vld.idx.msk [tilespmem:v62+s12+$0x0], $0xffff  }
0x178: {  	v3 =	vadd.s32 $0x1D, v3;
	_ =	sdelay $0x3  }
0x179: {  	[tilespmem:s5+$0x3E10] =	vst v4  }
0x17a: {  	v3 =	vld.idx.msk [tilespmem:v3+s12+$0x0], $0xffff;
	_ =	sdelay $0x4  }
0x17b: {  	s6 =	sor.u32 $0x190, s5;
	[tilespmem:s5+$0x3E90] =	vst v3  }
0x17c: {  	v3 =	vld [tilespmem:s6+$0x0];
	_ =	sdelay $0x4  }
0x17d: {  	v3 =	vtrunc.f32 v3  }
0x17e: {  	v3 =	vcvt.f32.s32 v3;
	_ =	sdelay $0x1  }
0x17f: {  	v3 =	vmul.u32 $0xA, v3;
	_ =	sdelay $0x5  }
0x180: {  	v4 =	vld.idx.msk [tilespmem:v3+s14+$0x0], $0xffff  }
0x181: {  	v63 =	vor.u32 $0x1, v3;
	_ =	sdelay $0x3  }
0x182: {  	[tilespmem:s5+$0x3F10] =	vst v4  }
0x183: {  	v4 =	vld.idx.msk [tilespmem:v63+s14+$0x0], $0xffff  }
0x184: {  	v8 =	vadd.s32 $0x2, v3;
	_ =	sdelay $0x3  }
0x185: {  	[tilespmem:s5+$0x3F90] =	vst v4  }
0x186: {  	v4 =	vld.idx.msk [tilespmem:v8+s14+$0x0], $0xffff  }
0x187: {  	v9 =	vadd.s32 $0x3, v3;
	_ =	sdelay $0x3  }
0x188: {  	[tilespmem:s5+$0x4010] =	vst v4  }
0x189: {  	v4 =	vld.idx.msk [tilespmem:v9+s14+$0x0], $0xffff  }
0x18a: {  	v10 =	vadd.s32 $0x4, v3;
	_ =	sdelay $0x3  }
0x18b: {  	[tilespmem:s5+$0x4090] =	vst v4  }
0x18c: {  	v4 =	vld.idx.msk [tilespmem:v10+s14+$0x0], $0xffff  }
0x18d: {  	v11 =	vadd.s32 $0x5, v3;
	_ =	sdelay $0x3  }
0x18e: {  	[tilespmem:s5+$0x4110] =	vst v4  }
0x18f: {  	v4 =	vld.idx.msk [tilespmem:v11+s14+$0x0], $0xffff  }
0x190: {  	v12 =	vadd.s32 $0x6, v3;
	_ =	sdelay $0x3  }
0x191: {  	[tilespmem:s5+$0x4190] =	vst v4  }
0x192: {  	v4 =	vld.idx.msk [tilespmem:v12+s14+$0x0], $0xffff  }
0x193: {  	v13 =	vadd.s32 $0x7, v3;
	_ =	sdelay $0x3  }
0x194: {  	[tilespmem:s5+$0x4210] =	vst v4  }
0x195: {  	v4 =	vld.idx.msk [tilespmem:v13+s14+$0x0], $0xffff  }
0x196: {  	v14 =	vadd.s32 $0x8, v3;
	_ =	sdelay $0x3  }
0x197: {  	[tilespmem:s5+$0x4290] =	vst v4  }
0x198: {  	v4 =	vld.idx.msk [tilespmem:v14+s14+$0x0], $0xffff  }
0x199: {  	v3 =	vadd.s32 $0x9, v3;
	_ =	sdelay $0x3  }
0x19a: {  	[tilespmem:s5+$0x4310] =	vst v4  }
0x19b: {  	v3 =	vld.idx.msk [tilespmem:v3+s14+$0x0], $0xffff;
	_ =	sdelay $0x4  }
0x19c: {  	s6 =	sor.u32 $0x210, s5;
	[tilespmem:s5+$0x4390] =	vst v3  }
0x19d: {  	v3 =	vld [tilespmem:s6+$0x0];
	_ =	sdelay $0x4  }
0x19e: {  	v3 =	vtrunc.f32 v3  }
0x19f: {  	v3 =	vcvt.f32.s32 v3;
	_ =	sdelay $0x1  }
0x1a0: {  	v3 =	vmul.u32 $0xA, v3;
	_ =	sdelay $0x5  }
0x1a1: {  	v4 =	vld.idx.msk [tilespmem:v3+s14+$0x0], $0xffff  }
0x1a2: {  	v15 =	vor.u32 $0x1, v3;
	_ =	sdelay $0x3  }
0x1a3: {  	[tilespmem:s5+$0x4410] =	vst v4  }
0x1a4: {  	v4 =	vld.idx.msk [tilespmem:v15+s14+$0x0], $0xffff  }
0x1a5: {  	v16 =	vadd.s32 $0x2, v3;
	_ =	sdelay $0x3  }
0x1a6: {  	[tilespmem:s5+$0x4490] =	vst v4  }
0x1a7: {  	v4 =	vld.idx.msk [tilespmem:v16+s14+$0x0], $0xffff  }
0x1a8: {  	v17 =	vadd.s32 $0x3, v3;
	_ =	sdelay $0x3  }
0x1a9: {  	[tilespmem:s5+$0x4510] =	vst v4  }
0x1aa: {  	v4 =	vld.idx.msk [tilespmem:v17+s14+$0x0], $0xffff  }
0x1ab: {  	v18 =	vadd.s32 $0x4, v3;
	_ =	sdelay $0x3  }
0x1ac: {  	[tilespmem:s5+$0x4590] =	vst v4  }
0x1ad: {  	v4 =	vld.idx.msk [tilespmem:v18+s14+$0x0], $0xffff  }
0x1ae: {  	v19 =	vadd.s32 $0x5, v3;
	_ =	sdelay $0x3  }
0x1af: {  	[tilespmem:s5+$0x4610] =	vst v4  }
0x1b0: {  	v4 =	vld.idx.msk [tilespmem:v19+s14+$0x0], $0xffff  }
0x1b1: {  	v20 =	vadd.s32 $0x6, v3;
	_ =	sdelay $0x3  }
0x1b2: {  	[tilespmem:s5+$0x4690] =	vst v4  }
0x1b3: {  	v4 =	vld.idx.msk [tilespmem:v20+s14+$0x0], $0xffff  }
0x1b4: {  	v21 =	vadd.s32 $0x7, v3;
	_ =	sdelay $0x3  }
0x1b5: {  	[tilespmem:s5+$0x4710] =	vst v4  }
0x1b6: {  	v4 =	vld.idx.msk [tilespmem:v21+s14+$0x0], $0xffff  }
0x1b7: {  	v22 =	vadd.s32 $0x8, v3;
	_ =	sdelay $0x3  }
0x1b8: {  	[tilespmem:s5+$0x4790] =	vst v4  }
0x1b9: {  	v4 =	vld.idx.msk [tilespmem:v22+s14+$0x0], $0xffff  }
0x1ba: {  	v3 =	vadd.s32 $0x9, v3;
	_ =	sdelay $0x3  }
0x1bb: {  	[tilespmem:s5+$0x4810] =	vst v4  }
0x1bc: {  	v3 =	vld.idx.msk [tilespmem:v3+s14+$0x0], $0xffff;
	_ =	sdelay $0x4  }
0x1bd: {  	s6 =	sor.u32 $0x290, s5;
	[tilespmem:s5+$0x4890] =	vst v3  }
0x1be: {  	v3 =	vld [tilespmem:s6+$0x0];
	_ =	sdelay $0x4  }
0x1bf: {  	v3 =	vtrunc.f32 v3  }
0x1c0: {  	v3 =	vcvt.f32.s32 v3;
	_ =	sdelay $0x1  }
0x1c1: {  	v3 =	vmul.u32 $0xA, v3;
	_ =	sdelay $0x5  }
0x1c2: {  	v4 =	vld.idx.msk [tilespmem:v3+s14+$0x0], $0xffff  }
0x1c3: {  	v23 =	vor.u32 $0x1, v3;
	_ =	sdelay $0x3  }
0x1c4: {  	[tilespmem:s5+$0x4910] =	vst v4  }
0x1c5: {  	v4 =	vld.idx.msk [tilespmem:v23+s14+$0x0], $0xffff  }
0x1c6: {  	v24 =	vadd.s32 $0x2, v3;
	_ =	sdelay $0x3  }
0x1c7: {  	[tilespmem:s5+$0x4990] =	vst v4  }
0x1c8: {  	v4 =	vld.idx.msk [tilespmem:v24+s14+$0x0], $0xffff  }
0x1c9: {  	v25 =	vadd.s32 $0x3, v3;
	_ =	sdelay $0x3  }
0x1ca: {  	[tilespmem:s5+$0x4A10] =	vst v4  }
0x1cb: {  	v4 =	vld.idx.msk [tilespmem:v25+s14+$0x0], $0xffff  }
0x1cc: {  	v26 =	vadd.s32 $0x4, v3;
	_ =	sdelay $0x3  }
0x1cd: {  	[tilespmem:s5+$0x4A90] =	vst v4  }
0x1ce: {  	v4 =	vld.idx.msk [tilespmem:v26+s14+$0x0], $0xffff  }
0x1cf: {  	v27 =	vadd.s32 $0x5, v3;
	_ =	sdelay $0x3  }
0x1d0: {  	[tilespmem:s5+$0x4B10] =	vst v4  }
0x1d1: {  	v4 =	vld.idx.msk [tilespmem:v27+s14+$0x0], $0xffff  }
0x1d2: {  	v28 =	vadd.s32 $0x6, v3;
	_ =	sdelay $0x3  }
0x1d3: {  	[tilespmem:s5+$0x4B90] =	vst v4  }
0x1d4: {  	v4 =	vld.idx.msk [tilespmem:v28+s14+$0x0], $0xffff  }
0x1d5: {  	v29 =	vadd.s32 $0x7, v3;
	_ =	sdelay $0x3  }
0x1d6: {  	[tilespmem:s5+$0x4C10] =	vst v4  }
0x1d7: {  	v4 =	vld.idx.msk [tilespmem:v29+s14+$0x0], $0xffff  }
0x1d8: {  	v30 =	vadd.s32 $0x8, v3;
	_ =	sdelay $0x3  }
0x1d9: {  	[tilespmem:s5+$0x4C90] =	vst v4  }
0x1da: {  	v4 =	vld.idx.msk [tilespmem:v30+s14+$0x0], $0xffff  }
0x1db: {  	v3 =	vadd.s32 $0x9, v3;
	_ =	sdelay $0x3  }
0x1dc: {  	[tilespmem:s5+$0x4D10] =	vst v4  }
0x1dd: {  	v3 =	vld.idx.msk [tilespmem:v3+s14+$0x0], $0xffff;
	_ =	sdelay $0x4  }
0x1de: {  	s6 =	sor.u32 $0x310, s5;
	[tilespmem:s5+$0x4D90] =	vst v3  }
0x1df: {  	v3 =	vld [tilespmem:s6+$0x0];
	_ =	sdelay $0x4  }
0x1e0: {  	v3 =	vtrunc.f32 v3  }
0x1e1: {  	v3 =	vcvt.f32.s32 v3;
	_ =	sdelay $0x1  }
0x1e2: {  	v3 =	vshll.u32 v3, $0x3;
	_ =	sdelay $0x4  }
0x1e3: {  	v4 =	vld.idx.msk [tilespmem:v3+s15+$0x0], $0xffff  }
0x1e4: {  	v31 =	vor.u32 $0x1, v3;
	_ =	sdelay $0x3  }
0x1e5: {  	[tilespmem:s5+$0x4E10] =	vst v4  }
0x1e6: {  	v4 =	vld.idx.msk [tilespmem:v31+s15+$0x0], $0xffff  }
0x1e7: {  	v32 =	vor.u32 $0x2, v3;
	_ =	sdelay $0x3  }
0x1e8: {  	[tilespmem:s5+$0x4E90] =	vst v4  }
0x1e9: {  	v4 =	vld.idx.msk [tilespmem:v32+s15+$0x0], $0xffff  }
0x1ea: {  	v33 =	vor.u32 $0x3, v3;
	_ =	sdelay $0x3  }
0x1eb: {  	[tilespmem:s5+$0x4F10] =	vst v4  }
0x1ec: {  	v4 =	vld.idx.msk [tilespmem:v33+s15+$0x0], $0xffff  }
0x1ed: {  	v34 =	vor.u32 $0x4, v3;
	_ =	sdelay $0x3  }
0x1ee: {  	[tilespmem:s5+$0x4F90] =	vst v4  }
0x1ef: {  	v4 =	vld.idx.msk [tilespmem:v34+s15+$0x0], $0xffff  }
0x1f0: {  	v35 =	vor.u32 $0x5, v3;
	_ =	sdelay $0x3  }
0x1f1: {  	[tilespmem:s5+$0x5010] =	vst v4  }
0x1f2: {  	v4 =	vld.idx.msk [tilespmem:v35+s15+$0x0], $0xffff  }
0x1f3: {  	v36 =	vor.u32 $0x6, v3;
	_ =	sdelay $0x3  }
0x1f4: {  	[tilespmem:s5+$0x5090] =	vst v4  }
0x1f5: {  	v4 =	vld.idx.msk [tilespmem:v36+s15+$0x0], $0xffff  }
0x1f6: {  	v3 =	vor.u32 $0x7, v3;
	_ =	sdelay $0x3  }
0x1f7: {  	[tilespmem:s5+$0x5110] =	vst v4  }
0x1f8: {  	v3 =	vld.idx.msk [tilespmem:v3+s15+$0x0], $0xffff;
	_ =	sdelay $0x4  }
0x1f9: {  	s6 =	sor.u32 $0x390, s5;
	[tilespmem:s5+$0x5190] =	vst v3  }
0x1fa: {  	v3 =	vld [tilespmem:s6+$0x0];
	_ =	sdelay $0x4  }
0x1fb: {  	v3 =	vtrunc.f32 v3  }
0x1fc: {  	v3 =	vcvt.f32.s32 v3;
	_ =	sdelay $0x1  }
0x1fd: {  	v3 =	vshll.u32 v3, $0x3;
	_ =	sdelay $0x4  }
0x1fe: {  	v4 =	vld.idx.msk [tilespmem:v3+s15+$0x0], $0xffff  }
0x1ff: {  	v37 =	vor.u32 $0x1, v3;
	_ =	sdelay $0x3  }
0x200: {  	[tilespmem:s5+$0x5210] =	vst v4  }
0x201: {  	v4 =	vld.idx.msk [tilespmem:v37+s15+$0x0], $0xffff  }
0x202: {  	v38 =	vor.u32 $0x2, v3;
	_ =	sdelay $0x2  }
0x203: {  	v6 =	vor.u32 $0x6, v1  }
0x204: {  	[tilespmem:s5+$0x5290] =	vst v4  }
0x205: {  	v4 =	vld.idx.msk [tilespmem:v38+s15+$0x0], $0xffff  }
0x206: {  	v39 =	vor.u32 $0x3, v3  }
0x207: {  	[tilespmem:s5+$0x5480] =	vst v2  }
0x208: {  	v2 =	vld.idx.msk [tilespmem:v6+s15+$0x0], $0xffff  }
0x209: {  	v1 =	vor.u32 $0x7, v1  }
0x20a: {  	[tilespmem:s5+$0x5310] =	vst v4  }
0x20b: {  	v4 =	vld.idx.msk [tilespmem:v39+s15+$0x0], $0xffff  }
0x20c: {  	v40 =	vor.u32 $0x4, v3  }
0x20d: {  	[tilespmem:s5+$0x5500] =	vst v2  }
0x20e: {  	v1 =	vld.idx.msk [tilespmem:v1+s15+$0x0], $0xffff;
	_ =	sdelay $0x1  }
0x20f: {  	[tilespmem:s5+$0x5390] =	vst v4  }
0x210: {  	v2 =	vld.idx.msk [tilespmem:v40+s15+$0x0], $0xffff  }
0x211: {  	v41 =	vor.u32 $0x5, v3  }
0x212: {  	[tilespmem:s5+$0x5580] =	vst v1;
	s6 =	sor.u32 $0x400, s5  }
0x213: {  	v1 =	vld [tilespmem:s6+$0x0];
	_ =	sdelay $0x1  }
0x214: {  	[tilespmem:s5+$0x5410] =	vst v2  }
0x215: {  	v2 =	vld.idx.msk [tilespmem:v41+s15+$0x0], $0xffff  }
0x216: {  	v42 =	vor.u32 $0x6, v3  }
0x217: {  	v1 =	vtrunc.f32 v1  }
0x218: {  	v1 =	vcvt.f32.s32 v1;
	_ =	sdelay $0x1  }
0x219: {  	v1 =	vshll.u32 v1, $0x3;
	[tilespmem:s5+$0x5490] =	vst v2  }
0x21a: {  	v2 =	vld.idx.msk [tilespmem:v42+s15+$0x0], $0xffff  }
0x21b: {  	v3 =	vor.u32 $0x7, v3;
	_ =	sdelay $0x2  }
0x21c: {  	v43 =	vld.idx.msk [tilespmem:v1+s15+$0x0], $0xffff  }
0x21d: {  	v44 =	vor.u32 $0x1, v1;
	[tilespmem:s5+$0x5510] =	vst v2  }
0x21e: {  	v2 =	vld.idx.msk [tilespmem:v3+s15+$0x0], $0xffff;
	_ =	sdelay $0x2  }
0x21f: {  	[tilespmem:s5+$0x5600] =	vst v43  }
0x220: {  	v3 =	vld.idx.msk [tilespmem:v44+s15+$0x0], $0xffff  }
0x221: {  	s6 =	sor.u32 $0x410, s5;
	v45 =	vor.u32 $0x2, v1;
	[tilespmem:s5+$0x5590] =	vst v2  }
0x222: {  	v2 =	vld [tilespmem:s6+$0x0];
	_ =	sdelay $0x2  }
0x223: {  	[tilespmem:s5+$0x5680] =	vst v3  }
0x224: {  	v3 =	vld.idx.msk [tilespmem:v45+s15+$0x0], $0xffff  }
0x225: {  	v46 =	vor.u32 $0x3, v1;
	v2 =	vtrunc.f32 v2  }
0x226: {  	v2 =	vcvt.f32.s32 v2;
	_ =	sdelay $0x1  }
0x227: {  	v2 =	vshll.u32 v2, $0x3  }
0x228: {  	[tilespmem:s5+$0x5700] =	vst v3  }
0x229: {  	v3 =	vld.idx.msk [tilespmem:v46+s15+$0x0], $0xffff  }
0x22a: {  	v47 =	vor.u32 $0x4, v1;
	_ =	sdelay $0x1  }
0x22b: {  	v48 =	vld.idx.msk [tilespmem:v2+s15+$0x0], $0xffff  }
0x22c: {  	v49 =	vor.u32 $0x1, v2  }
0x22d: {  	[tilespmem:s5+$0x5780] =	vst v3  }
0x22e: {  	v3 =	vld.idx.msk [tilespmem:v47+s15+$0x0], $0xffff  }
0x22f: {  	v50 =	vor.u32 $0x5, v1  }
0x230: {  	[tilespmem:s5+$0x5610] =	vst v48  }
0x231: {  	v5 =	vld.idx.msk [tilespmem:v49+s15+$0x0], $0xffff  }
0x232: {  	v51 =	vor.u32 $0x2, v2  }
0x233: {  	[tilespmem:s5+$0x5800] =	vst v3  }
0x234: {  	v3 =	vld.idx.msk [tilespmem:v50+s15+$0x0], $0xffff  }
0x235: {  	v52 =	vor.u32 $0x6, v1  }
0x236: {  	[tilespmem:s5+$0x5690] =	vst v5  }
0x237: {  	v5 =	vld.idx.msk [tilespmem:v51+s15+$0x0], $0xffff  }
0x238: {  	v53 =	vor.u32 $0x3, v2  }
0x239: {  	[tilespmem:s5+$0x5880] =	vst v3  }
0x23a: {  	v3 =	vld.idx.msk [tilespmem:v52+s15+$0x0], $0xffff  }
0x23b: {  	v1 =	vor.u32 $0x7, v1  }
0x23c: {  	[tilespmem:s5+$0x5710] =	vst v5  }
0x23d: {  	v54 =	vld.idx.msk [tilespmem:v53+s15+$0x0], $0xffff  }
0x23e: {  	v55 =	vor.u32 $0x4, v2  }
0x23f: {  	[tilespmem:s5+$0x5900] =	vst v3  }
0x240: {  	v1 =	vld.idx.msk [tilespmem:v1+s15+$0x0], $0xffff;
	_ =	sdelay $0x1  }
0x241: {  	[tilespmem:s5+$0x5790] =	vst v54  }
0x242: {  	v3 =	vld.idx.msk [tilespmem:v55+s15+$0x0], $0xffff  }
0x243: {  	v56 =	vor.u32 $0x5, v2  }
0x244: {  	s6 =	sor.u32 $0x480, s5;
	[tilespmem:s5+$0x5980] =	vst v1  }
0x245: {  	v1 =	vld [tilespmem:s6+$0x0];
	_ =	sdelay $0x1  }
0x246: {  	[tilespmem:s5+$0x5810] =	vst v3  }
0x247: {  	v3 =	vld.idx.msk [tilespmem:v56+s15+$0x0], $0xffff  }
0x248: {  	v57 =	vor.u32 $0x6, v2  }
0x249: {  	v1 =	vtrunc.f32 v1  }
0x24a: {  	v1 =	vcvt.f32.s32 v1;
	_ =	sdelay $0x1  }
0x24b: {  	v1 =	vshll.u32 v1, $0x3;
	[tilespmem:s5+$0x5890] =	vst v3  }
0x24c: {  	v3 =	vld.idx.msk [tilespmem:v57+s15+$0x0], $0xffff  }
0x24d: {  	v2 =	vor.u32 $0x7, v2;
	_ =	sdelay $0x2  }
0x24e: {  	v58 =	vld.idx.msk [tilespmem:v1+s15+$0x0], $0xffff  }
0x24f: {  	v59 =	vor.u32 $0x1, v1;
	[tilespmem:s5+$0x5910] =	vst v3  }
0x250: {  	v2 =	vld.idx.msk [tilespmem:v2+s15+$0x0], $0xffff;
	_ =	sdelay $0x2  }
0x251: {  	[tilespmem:s5+$0x5A00] =	vst v58  }
0x252: {  	v3 =	vld.idx.msk [tilespmem:v59+s15+$0x0], $0xffff  }
0x253: {  	s6 =	sor.u32 $0x490, s5;
	v60 =	vor.u32 $0x2, v1;
	[tilespmem:s5+$0x5990] =	vst v2  }
0x254: {  	v2 =	vld [tilespmem:s6+$0x0];
	_ =	sdelay $0x2  }
0x255: {  	[tilespmem:s5+$0x5A80] =	vst v3  }
0x256: {  	v3 =	vld.idx.msk [tilespmem:v60+s15+$0x0], $0xffff  }
0x257: {  	v61 =	vor.u32 $0x3, v1;
	v2 =	vtrunc.f32 v2  }
0x258: {  	v2 =	vcvt.f32.s32 v2;
	_ =	sdelay $0x1  }
0x259: {  	v2 =	vshll.u32 v2, $0x3  }
0x25a: {  	[tilespmem:s5+$0x5B00] =	vst v3  }
0x25b: {  	v3 =	vld.idx.msk [tilespmem:v61+s15+$0x0], $0xffff  }
0x25c: {  	v62 =	vor.u32 $0x4, v1;
	_ =	sdelay $0x1  }
0x25d: {  	v63 =	vld.idx.msk [tilespmem:v2+s15+$0x0], $0xffff  }
0x25e: {  	v9 =	vor.u32 $0x1, v2  }
0x25f: {  	[tilespmem:s5+$0x5B80] =	vst v3  }
0x260: {  	v3 =	vld.idx.msk [tilespmem:v62+s15+$0x0], $0xffff  }
0x261: {  	v10 =	vor.u32 $0x5, v1  }
0x262: {  	[tilespmem:s5+$0x5A10] =	vst v63  }
0x263: {  	v5 =	vld.idx.msk [tilespmem:v9+s15+$0x0], $0xffff  }
0x264: {  	v11 =	vor.u32 $0x2, v2  }
0x265: {  	[tilespmem:s5+$0x5C00] =	vst v3  }
0x266: {  	v3 =	vld.idx.msk [tilespmem:v10+s15+$0x0], $0xffff  }
0x267: {  	v12 =	vor.u32 $0x6, v1  }
0x268: {  	[tilespmem:s5+$0x5A90] =	vst v5  }
0x269: {  	v5 =	vld.idx.msk [tilespmem:v11+s15+$0x0], $0xffff  }
0x26a: {  	v13 =	vor.u32 $0x3, v2  }
0x26b: {  	[tilespmem:s5+$0x5C80] =	vst v3  }
0x26c: {  	v3 =	vld.idx.msk [tilespmem:v12+s15+$0x0], $0xffff  }
0x26d: {  	v1 =	vor.u32 $0x7, v1  }
0x26e: {  	[tilespmem:s5+$0x5B10] =	vst v5  }
0x26f: {  	v14 =	vld.idx.msk [tilespmem:v13+s15+$0x0], $0xffff  }
0x270: {  	v15 =	vor.u32 $0x4, v2  }
0x271: {  	[tilespmem:s5+$0x5D00] =	vst v3  }
0x272: {  	v1 =	vld.idx.msk [tilespmem:v1+s15+$0x0], $0xffff;
	_ =	sdelay $0x1  }
0x273: {  	[tilespmem:s5+$0x5B90] =	vst v14  }
0x274: {  	v3 =	vld.idx.msk [tilespmem:v15+s15+$0x0], $0xffff  }
0x275: {  	v16 =	vor.u32 $0x5, v2  }
0x276: {  	s6 =	sor.u32 $0x500, s5;
	[tilespmem:s5+$0x5D80] =	vst v1  }
0x277: {  	v1 =	vld [tilespmem:s6+$0x0];
	_ =	sdelay $0x1  }
0x278: {  	[tilespmem:s5+$0x5C10] =	vst v3  }
0x279: {  	v3 =	vld.idx.msk [tilespmem:v16+s15+$0x0], $0xffff  }
0x27a: {  	v17 =	vor.u32 $0x6, v2  }
0x27b: {  	v1 =	vtrunc.f32 v1  }
0x27c: {  	v1 =	vcvt.f32.s32 v1;
	_ =	sdelay $0x1  }
0x27d: {  	v1 =	vshll.u32 v1, $0x3;
	[tilespmem:s5+$0x5C90] =	vst v3  }
0x27e: {  	v3 =	vld.idx.msk [tilespmem:v17+s15+$0x0], $0xffff  }
0x27f: {  	v2 =	vor.u32 $0x7, v2;
	_ =	sdelay $0x2  }
0x280: {  	v18 =	vld.idx.msk [tilespmem:v1+s15+$0x0], $0xffff  }
0x281: {  	v19 =	vor.u32 $0x1, v1;
	[tilespmem:s5+$0x5D10] =	vst v3  }
0x282: {  	v2 =	vld.idx.msk [tilespmem:v2+s15+$0x0], $0xffff;
	_ =	sdelay $0x2  }
0x283: {  	[tilespmem:s5+$0x5E00] =	vst v18  }
0x284: {  	v3 =	vld.idx.msk [tilespmem:v19+s15+$0x0], $0xffff  }
0x285: {  	s6 =	sor.u32 $0x510, s5;
	v20 =	vor.u32 $0x2, v1;
	[tilespmem:s5+$0x5D90] =	vst v2  }
0x286: {  	v2 =	vld [tilespmem:s6+$0x0];
	_ =	sdelay $0x2  }
0x287: {  	[tilespmem:s5+$0x5E80] =	vst v3  }
0x288: {  	v3 =	vld.idx.msk [tilespmem:v20+s15+$0x0], $0xffff  }
0x289: {  	v21 =	vor.u32 $0x3, v1;
	v2 =	vtrunc.f32 v2  }
0x28a: {  	v2 =	vcvt.f32.s32 v2;
	_ =	sdelay $0x1  }
0x28b: {  	v2 =	vshll.u32 v2, $0x3  }
0x28c: {  	[tilespmem:s5+$0x5F00] =	vst v3  }
0x28d: {  	v3 =	vld.idx.msk [tilespmem:v21+s15+$0x0], $0xffff  }
0x28e: {  	v22 =	vor.u32 $0x4, v1;
	_ =	sdelay $0x1  }
0x28f: {  	v23 =	vld.idx.msk [tilespmem:v2+s15+$0x0], $0xffff  }
0x290: {  	v24 =	vor.u32 $0x1, v2  }
0x291: {  	[tilespmem:s5+$0x5F80] =	vst v3  }
0x292: {  	v3 =	vld.idx.msk [tilespmem:v22+s15+$0x0], $0xffff  }
0x293: {  	v25 =	vor.u32 $0x5, v1  }
0x294: {  	[tilespmem:s5+$0x5E10] =	vst v23  }
0x295: {  	v5 =	vld.idx.msk [tilespmem:v24+s15+$0x0], $0xffff  }
0x296: {  	v26 =	vor.u32 $0x2, v2  }
0x297: {  	[tilespmem:s5+$0x6000] =	vst v3  }
0x298: {  	v3 =	vld.idx.msk [tilespmem:v25+s15+$0x0], $0xffff  }
0x299: {  	v27 =	vor.u32 $0x6, v1  }
0x29a: {  	[tilespmem:s5+$0x5E90] =	vst v5  }
0x29b: {  	v5 =	vld.idx.msk [tilespmem:v26+s15+$0x0], $0xffff  }
0x29c: {  	v28 =	vor.u32 $0x3, v2  }
0x29d: {  	[tilespmem:s5+$0x6080] =	vst v3  }
0x29e: {  	v3 =	vld.idx.msk [tilespmem:v27+s15+$0x0], $0xffff  }
0x29f: {  	v1 =	vor.u32 $0x7, v1  }
0x2a0: {  	[tilespmem:s5+$0x5F10] =	vst v5  }
0x2a1: {  	v29 =	vld.idx.msk [tilespmem:v28+s15+$0x0], $0xffff  }
0x2a2: {  	v30 =	vor.u32 $0x4, v2  }
0x2a3: {  	[tilespmem:s5+$0x6100] =	vst v3  }
0x2a4: {  	v1 =	vld.idx.msk [tilespmem:v1+s15+$0x0], $0xffff;
	_ =	sdelay $0x1  }
0x2a5: {  	[tilespmem:s5+$0x5F90] =	vst v29  }
0x2a6: {  	v3 =	vld.idx.msk [tilespmem:v30+s15+$0x0], $0xffff  }
0x2a7: {  	v31 =	vor.u32 $0x5, v2  }
0x2a8: {  	s6 =	sor.u32 $0x580, s5;
	[tilespmem:s5+$0x6180] =	vst v1  }
0x2a9: {  	v1 =	vld [tilespmem:s6+$0x0];
	_ =	sdelay $0x1  }
0x2aa: {  	[tilespmem:s5+$0x6010] =	vst v3  }
0x2ab: {  	v3 =	vld.idx.msk [tilespmem:v31+s15+$0x0], $0xffff  }
0x2ac: {  	v32 =	vor.u32 $0x6, v2  }
0x2ad: {  	v1 =	vtrunc.f32 v1  }
0x2ae: {  	v1 =	vcvt.f32.s32 v1;
	_ =	sdelay $0x1  }
0x2af: {  	v1 =	vshll.u32 v1, $0x3;
	[tilespmem:s5+$0x6090] =	vst v3  }
0x2b0: {  	v3 =	vld.idx.msk [tilespmem:v32+s15+$0x0], $0xffff  }
0x2b1: {  	v2 =	vor.u32 $0x7, v2;
	_ =	sdelay $0x2  }
0x2b2: {  	v33 =	vld.idx.msk [tilespmem:v1+s15+$0x0], $0xffff  }
0x2b3: {  	v34 =	vor.u32 $0x1, v1;
	[tilespmem:s5+$0x6110] =	vst v3  }
0x2b4: {  	v2 =	vld.idx.msk [tilespmem:v2+s15+$0x0], $0xffff;
	_ =	sdelay $0x2  }
0x2b5: {  	[tilespmem:s5+$0x6200] =	vst v33  }
0x2b6: {  	v3 =	vld.idx.msk [tilespmem:v34+s15+$0x0], $0xffff  }
0x2b7: {  	s6 =	sor.u32 $0x590, s5;
	v35 =	vor.u32 $0x2, v1;
	[tilespmem:s5+$0x6190] =	vst v2  }
0x2b8: {  	v2 =	vld [tilespmem:s6+$0x0];
	_ =	sdelay $0x2  }
0x2b9: {  	[tilespmem:s5+$0x6280] =	vst v3  }
0x2ba: {  	v3 =	vld.idx.msk [tilespmem:v35+s15+$0x0], $0xffff  }
0x2bb: {  	v36 =	vor.u32 $0x3, v1;
	v2 =	vtrunc.f32 v2  }
0x2bc: {  	v2 =	vcvt.f32.s32 v2;
	_ =	sdelay $0x1  }
0x2bd: {  	v2 =	vshll.u32 v2, $0x3  }
0x2be: {  	[tilespmem:s5+$0x6300] =	vst v3  }
0x2bf: {  	v3 =	vld.idx.msk [tilespmem:v36+s15+$0x0], $0xffff  }
0x2c0: {  	v37 =	vor.u32 $0x4, v1;
	_ =	sdelay $0x1  }
0x2c1: {  	v38 =	vld.idx.msk [tilespmem:v2+s15+$0x0], $0xffff  }
0x2c2: {  	v39 =	vor.u32 $0x1, v2  }
0x2c3: {  	[tilespmem:s5+$0x6380] =	vst v3  }
0x2c4: {  	v3 =	vld.idx.msk [tilespmem:v37+s15+$0x0], $0xffff  }
0x2c5: {  	v40 =	vor.u32 $0x5, v1  }
0x2c6: {  	[tilespmem:s5+$0x6210] =	vst v38  }
0x2c7: {  	v5 =	vld.idx.msk [tilespmem:v39+s15+$0x0], $0xffff  }
0x2c8: {  	v41 =	vor.u32 $0x2, v2  }
0x2c9: {  	[tilespmem:s5+$0x6400] =	vst v3  }
0x2ca: {  	v3 =	vld.idx.msk [tilespmem:v40+s15+$0x0], $0xffff  }
0x2cb: {  	v42 =	vor.u32 $0x6, v1  }
0x2cc: {  	[tilespmem:s5+$0x6290] =	vst v5  }
0x2cd: {  	v5 =	vld.idx.msk [tilespmem:v41+s15+$0x0], $0xffff  }
0x2ce: {  	v43 =	vor.u32 $0x3, v2  }
0x2cf: {  	[tilespmem:s5+$0x6480] =	vst v3  }
0x2d0: {  	v3 =	vld.idx.msk [tilespmem:v42+s15+$0x0], $0xffff  }
0x2d1: {  	v1 =	vor.u32 $0x7, v1  }
0x2d2: {  	[tilespmem:s5+$0x6310] =	vst v5  }
0x2d3: {  	v44 =	vld.idx.msk [tilespmem:v43+s15+$0x0], $0xffff  }
0x2d4: {  	v45 =	vor.u32 $0x4, v2  }
0x2d5: {  	[tilespmem:s5+$0x6500] =	vst v3  }
0x2d6: {  	v1 =	vld.idx.msk [tilespmem:v1+s15+$0x0], $0xffff;
	_ =	sdelay $0x1  }
0x2d7: {  	[tilespmem:s5+$0x6390] =	vst v44  }
0x2d8: {  	v3 =	vld.idx.msk [tilespmem:v45+s15+$0x0], $0xffff  }
0x2d9: {  	v46 =	vor.u32 $0x5, v2  }
0x2da: {  	s6 =	sor.u32 $0x600, s5;
	[tilespmem:s5+$0x6580] =	vst v1  }
0x2db: {  	v1 =	vld [tilespmem:s6+$0x0];
	_ =	sdelay $0x1  }
0x2dc: {  	[tilespmem:s5+$0x6410] =	vst v3  }
0x2dd: {  	v3 =	vld.idx.msk [tilespmem:v46+s15+$0x0], $0xffff  }
0x2de: {  	v47 =	vor.u32 $0x6, v2  }
0x2df: {  	v1 =	vtrunc.f32 v1  }
0x2e0: {  	v1 =	vcvt.f32.s32 v1;
	_ =	sdelay $0x1  }
0x2e1: {  	v1 =	vshll.u32 v1, $0x3;
	[tilespmem:s5+$0x6490] =	vst v3  }
0x2e2: {  	v3 =	vld.idx.msk [tilespmem:v47+s15+$0x0], $0xffff  }
0x2e3: {  	v2 =	vor.u32 $0x7, v2;
	_ =	sdelay $0x2  }
0x2e4: {  	v48 =	vld.idx.msk [tilespmem:v1+s15+$0x0], $0xffff  }
0x2e5: {  	v49 =	vor.u32 $0x1, v1;
	[tilespmem:s5+$0x6510] =	vst v3  }
0x2e6: {  	v2 =	vld.idx.msk [tilespmem:v2+s15+$0x0], $0xffff;
	_ =	sdelay $0x2  }
0x2e7: {  	[tilespmem:s5+$0x6600] =	vst v48  }
0x2e8: {  	v3 =	vld.idx.msk [tilespmem:v49+s15+$0x0], $0xffff  }
0x2e9: {  	s6 =	sor.u32 $0x610, s5;
	v50 =	vor.u32 $0x2, v1;
	[tilespmem:s5+$0x6590] =	vst v2  }
0x2ea: {  	v2 =	vld [tilespmem:s6+$0x0];
	_ =	sdelay $0x2  }
0x2eb: {  	[tilespmem:s5+$0x6680] =	vst v3  }
0x2ec: {  	v3 =	vld.idx.msk [tilespmem:v50+s15+$0x0], $0xffff  }
0x2ed: {  	v51 =	vor.u32 $0x3, v1;
	v2 =	vtrunc.f32 v2  }
0x2ee: {  	v2 =	vcvt.f32.s32 v2;
	_ =	sdelay $0x1  }
0x2ef: {  	v2 =	vshll.u32 v2, $0x3  }
0x2f0: {  	[tilespmem:s5+$0x6700] =	vst v3  }
0x2f1: {  	v3 =	vld.idx.msk [tilespmem:v51+s15+$0x0], $0xffff  }
0x2f2: {  	v52 =	vor.u32 $0x4, v1;
	_ =	sdelay $0x1  }
0x2f3: {  	v53 =	vld.idx.msk [tilespmem:v2+s15+$0x0], $0xffff  }
0x2f4: {  	v54 =	vor.u32 $0x1, v2  }
0x2f5: {  	[tilespmem:s5+$0x6780] =	vst v3  }
0x2f6: {  	v3 =	vld.idx.msk [tilespmem:v52+s15+$0x0], $0xffff  }
0x2f7: {  	v55 =	vor.u32 $0x5, v1  }
0x2f8: {  	[tilespmem:s5+$0x6610] =	vst v53  }
0x2f9: {  	v5 =	vld.idx.msk [tilespmem:v54+s15+$0x0], $0xffff  }
0x2fa: {  	v56 =	vor.u32 $0x2, v2  }
0x2fb: {  	[tilespmem:s5+$0x6800] =	vst v3  }
0x2fc: {  	v3 =	vld.idx.msk [tilespmem:v55+s15+$0x0], $0xffff  }
0x2fd: {  	v57 =	vor.u32 $0x6, v1  }
0x2fe: {  	[tilespmem:s5+$0x6690] =	vst v5  }
0x2ff: {  	v5 =	vld.idx.msk [tilespmem:v56+s15+$0x0], $0xffff  }
0x300: {  	v58 =	vor.u32 $0x3, v2  }
0x301: {  	[tilespmem:s5+$0x6880] =	vst v3  }
0x302: {  	v3 =	vld.idx.msk [tilespmem:v57+s15+$0x0], $0xffff  }
0x303: {  	v1 =	vor.u32 $0x7, v1  }
0x304: {  	[tilespmem:s5+$0x6710] =	vst v5  }
0x305: {  	v59 =	vld.idx.msk [tilespmem:v58+s15+$0x0], $0xffff  }
0x306: {  	v60 =	vor.u32 $0x4, v2  }
0x307: {  	[tilespmem:s5+$0x6900] =	vst v3  }
0x308: {  	v1 =	vld.idx.msk [tilespmem:v1+s15+$0x0], $0xffff;
	_ =	sdelay $0x1  }
0x309: {  	[tilespmem:s5+$0x6790] =	vst v59  }
0x30a: {  	v3 =	vld.idx.msk [tilespmem:v60+s15+$0x0], $0xffff  }
0x30b: {  	v61 =	vor.u32 $0x5, v2  }
0x30c: {  	s6 =	sor.u32 $0x80, s5;
	[tilespmem:s5+$0x6980] =	vst v1  }
0x30d: {  	v1 =	vld [tilespmem:s6+$0x0];
	_ =	sdelay $0x1  }
0x30e: {  	[tilespmem:s5+$0x6810] =	vst v3  }
0x30f: {  	v3 =	vld.idx.msk [tilespmem:v61+s15+$0x0], $0xffff  }
0x310: {  	v62 =	vor.u32 $0x6, v2  }
0x311: {  	vm0 =	veq.f32 v1, $0.0e+00  }
0x312: {  	v63 =	vsel vm0, $0x3F800000, v0  }
0x313: {  	vm15 =	veq.f32 v1, $1.000000000e+00;
	[tilespmem:s5+$0x6A00] =	vst v63  }
0x314: {  	vm4 =	veq.f32 v1, $2.000000000e+00;
	[tilespmem:s5+$0x6890] =	vst v3;
	v3 =	vsel vm15, $0x3F800000, v0  }
0x315: {  	vm5 =	veq.f32 v1, $3.000000000e+00;
	[tilespmem:s5+$0x6A80] =	vst v3;
	v3 =	vsel vm4, $0x3F800000, v0;
	v1 =	vld.idx.msk [tilespmem:v62+s15+$0x0], $0xffff  }
0x316: {  	v2 =	vor.u32 $0x7, v2;
	[tilespmem:s5+$0x6B00] =	vst v3;
	v3 =	vsel vm5, $0x3F800000, v0  }
0x317: {  	s6 =	sor.u32 $0x100, s5;
	[tilespmem:s5+$0x6B80] =	vst v3  }
0x318: {  	v3 =	vld [tilespmem:s6+$0x0];
	_ =	sdelay $0x1  }
0x319: {  	[tilespmem:s5+$0x6910] =	vst v1  }
0x31a: {  	v1 =	vld.idx.msk [tilespmem:v2+s15+$0x0], $0xffff;
	_ =	sdelay $0x1  }
0x31b: {  	vm6 =	veq.f32 v3, $0.0e+00  }
0x31c: {  	v2 =	vsel vm6, $0x3F800000, v0  }
0x31d: {  	vm7 =	veq.f32 v3, $1.000000000e+00;
	[tilespmem:s5+$0x6C00] =	vst v2  }
0x31e: {  	s6 =	sor.u32 $0x90, s5;
	vm8 =	veq.f32 v3, $2.000000000e+00;
	v2 =	vsel vm7, $0x3F800000, v0;
	[tilespmem:s5+$0x6990] =	vst v1  }
0x31f: {  	vm9 =	veq.f32 v3, $3.000000000e+00;
	[tilespmem:s5+$0x6C80] =	vst v2;
	v1 =	vsel vm8, $0x3F800000, v0;
	v2 =	vld [tilespmem:s6+$0x0]  }
0x320: {  	vm10 =	veq.f32 v3, $4.000000000e+00;
	[tilespmem:s5+$0x6D00] =	vst v1;
	v1 =	vsel vm9, $0x3F800000, v0  }
0x321: {  	vm11 =	veq.f32 v3, $5.000000000e+00;
	[tilespmem:s5+$0x6D80] =	vst v1;
	v1 =	vsel vm10, $0x3F800000, v0  }
0x322: {  	vm12 =	veq.f32 v3, $6.000000000e+00;
	[tilespmem:s5+$0x6E00] =	vst v1;
	v1 =	vsel vm11, $0x3F800000, v0  }
0x323: {  	vm13 =	veq.f32 v3, $7.000000000e+00;
	[tilespmem:s5+$0x6E80] =	vst v1;
	v1 =	vsel vm12, $0x3F800000, v0  }
0x324: {  	[tilespmem:s5+$0x6F00] =	vst v1;
	v1 =	vsel vm13, $0x3F800000, v0;
	vm14 =	veq.f32 v2, $0.0e+00  }
0x325: {  	[tilespmem:s5+$0x6F80] =	vst v1;
	vm5 =	veq.f32 v2, $3.000000000e+00;
	v1 =	vsel vm14, $0x3F800000, v0  }
0x326: {  	vm15 =	veq.f32 v2, $1.000000000e+00;
	vm4 =	veq.f32 v2, $2.000000000e+00;
	v2 =	vsel vm5, $0x3F800000, v0;
	[tilespmem:s5+$0x6A10] =	vst v1  }
0x327: {  	v1 =	vsel vm15, $0x3F800000, v0;
	[tilespmem:s5+$0x6B90] =	vst v2  }
0x328: {  	vm6 =	veq.f32 v3, $8.000000000e+00;
	[tilespmem:s5+$0x6A90] =	vst v1;
	v1 =	vsel vm4, $0x3F800000, v0  }
0x329: {  	vm7 =	veq.f32 v3, $9.000000000e+00;
	s6 =	sor.u32 $0x110, s5;
	[tilespmem:s5+$0x6B10] =	vst v1;
	v1 =	vsel vm6, $0x3F800000, v0  }
0x32a: {  	vm8 =	veq.f32 v3, $1.000000000e+01;
	[tilespmem:s5+$0x7000] =	vst v1;
	v1 =	vsel vm7, $0x3F800000, v0;
	v2 =	vld [tilespmem:s6+$0x0]  }
0x32b: {  	vm9 =	veq.f32 v3, $1.100000000e+01;
	[tilespmem:s5+$0x7080] =	vst v1;
	v1 =	vsel vm8, $0x3F800000, v0  }
0x32c: {  	vm10 =	veq.f32 v3, $1.200000000e+01;
	[tilespmem:s5+$0x7100] =	vst v1;
	v1 =	vsel vm9, $0x3F800000, v0  }
0x32d: {  	vm11 =	veq.f32 v3, $1.300000000e+01;
	[tilespmem:s5+$0x7180] =	vst v1;
	v1 =	vsel vm10, $0x3F800000, v0  }
0x32e: {  	vm12 =	veq.f32 v3, $1.400000000e+01;
	[tilespmem:s5+$0x7200] =	vst v1;
	v1 =	vsel vm11, $0x3F800000, v0  }
0x32f: {  	[tilespmem:s5+$0x7280] =	vst v1;
	v1 =	vsel vm12, $0x3F800000, v0;
	vm13 =	veq.f32 v2, $0.0e+00  }
0x330: {  	vm14 =	veq.f32 v2, $1.000000000e+00;
	[tilespmem:s5+$0x7300] =	vst v1;
	v1 =	vsel vm13, $0x3F800000, v0  }
0x331: {  	vm15 =	veq.f32 v2, $2.000000000e+00;
	[tilespmem:s5+$0x6C10] =	vst v1;
	v1 =	vsel vm14, $0x3F800000, v0  }
0x332: {  	vm4 =	veq.f32 v2, $3.000000000e+00;
	[tilespmem:s5+$0x6C90] =	vst v1;
	v1 =	vsel vm15, $0x3F800000, v0  }
0x333: {  	vm5 =	veq.f32 v2, $4.000000000e+00;
	[tilespmem:s5+$0x6D10] =	vst v1;
	v1 =	vsel vm4, $0x3F800000, v0  }
0x334: {  	vm6 =	veq.f32 v2, $5.000000000e+00;
	[tilespmem:s5+$0x6D90] =	vst v1;
	v1 =	vsel vm5, $0x3F800000, v0  }
0x335: {  	vm7 =	veq.f32 v2, $6.000000000e+00;
	[tilespmem:s5+$0x6E10] =	vst v1;
	v1 =	vsel vm6, $0x3F800000, v0  }
0x336: {  	vm8 =	veq.f32 v2, $7.000000000e+00;
	[tilespmem:s5+$0x6E90] =	vst v1;
	v1 =	vsel vm7, $0x3F800000, v0  }
0x337: {  	vm9 =	veq.f32 v2, $8.000000000e+00;
	[tilespmem:s5+$0x6F10] =	vst v1;
	v1 =	vsel vm8, $0x3F800000, v0  }
0x338: {  	vm10 =	veq.f32 v2, $9.000000000e+00;
	[tilespmem:s5+$0x6F90] =	vst v1;
	v1 =	vsel vm9, $0x3F800000, v0  }
0x339: {  	vm11 =	veq.f32 v2, $1.000000000e+01;
	[tilespmem:s5+$0x7010] =	vst v1;
	v1 =	vsel vm10, $0x3F800000, v0  }
0x33a: {  	vm12 =	veq.f32 v2, $1.100000000e+01;
	[tilespmem:s5+$0x7090] =	vst v1;
	v1 =	vsel vm11, $0x3F800000, v0  }
0x33b: {  	vm13 =	veq.f32 v2, $1.200000000e+01;
	[tilespmem:s5+$0x7110] =	vst v1;
	v1 =	vsel vm12, $0x3F800000, v0  }
0x33c: {  	vm14 =	veq.f32 v2, $1.300000000e+01;
	[tilespmem:s5+$0x7190] =	vst v1;
	v1 =	vsel vm13, $0x3F800000, v0  }
0x33d: {  	vm15 =	veq.f32 v2, $1.400000000e+01;
	[tilespmem:s5+$0x7210] =	vst v1;
	v1 =	vsel vm14, $0x3F800000, v0  }
0x33e: {  	s6 =	sor.u32 $0x680, s5;
	[tilespmem:s5+$0x7290] =	vst v1;
	v1 =	vsel vm15, $0x3F800000, v0  }
0x33f: {  	v2 =	vld [tilespmem:s6+$0x0];
	s6 =	sor.u32 $0x690, s5;
	[tilespmem:s5+$0x7310] =	vst v1  }
0x340: {  	v1 =	vld [tilespmem:s6+$0x0];
	_ =	sdelay $0x3  }
0x341: {  	[tilespmem:s5+$0x7380] =	vst v2;
	s6 =	sor.u32 $0x700, s5  }
0x342: {  	v2 =	vld [tilespmem:s6+$0x0];
	s6 =	sor.u32 $0x710, s5;
	[tilespmem:s5+$0x7390] =	vst v1  }
0x343: {  	v1 =	vld [tilespmem:s6+$0x0];
	_ =	sdelay $0x3  }
0x344: {  	s6 =	sor.u32 $0x780, s5;
	[tilespmem:s5+$0x7400] =	vst v2  }
0x345: {  	v2 =	vld [tilespmem:s6+$0x0];
	s6 =	sor.u32 $0x790, s5;
	[tilespmem:s5+$0x7410] =	vst v1  }
0x346: {  	v1 =	vld [tilespmem:s6+$0x0];
	_ =	sdelay $0x3  }
0x347: {  	s6 =	sor.u32 $0x800, s5;
	[tilespmem:s5+$0x7480] =	vst v2  }
0x348: {  	v2 =	vld [tilespmem:s6+$0x0];
	s6 =	sor.u32 $0x810, s5;
	[tilespmem:s5+$0x7490] =	vst v1  }
0x349: {  	v1 =	vld [tilespmem:s6+$0x0];
	_ =	sdelay $0x3  }
0x34a: {  	s6 =	sor.u32 $0x880, s5;
	[tilespmem:s5+$0x7500] =	vst v2  }
0x34b: {  	v2 =	vld [tilespmem:s6+$0x0];
	s6 =	sor.u32 $0x890, s5;
	[tilespmem:s5+$0x7510] =	vst v1  }
0x34c: {  	v1 =	vld [tilespmem:s6+$0x0];
	_ =	sdelay $0x3  }
0x34d: {  	s6 =	sor.u32 $0x900, s5;
	[tilespmem:s5+$0x7580] =	vst v2  }
0x34e: {  	v2 =	vld [tilespmem:s6+$0x0];
	s6 =	sor.u32 $0x910, s5;
	[tilespmem:s5+$0x7590] =	vst v1  }
0x34f: {  	v1 =	vld [tilespmem:s6+$0x0];
	_ =	sdelay $0x3  }
0x350: {  	s6 =	sor.u32 $0x980, s5;
	[tilespmem:s5+$0x7600] =	vst v2  }
0x351: {  	v2 =	vld [tilespmem:s6+$0x0];
	s6 =	sor.u32 $0x990, s5;
	[tilespmem:s5+$0x7610] =	vst v1  }
0x352: {  	v1 =	vld [tilespmem:s6+$0x0];
	_ =	sdelay $0x3  }
0x353: {  	s6 =	sor.u32 $0xA00, s5;
	[tilespmem:s5+$0x7680] =	vst v2  }
0x354: {  	v2 =	vld [tilespmem:s6+$0x0];
	s6 =	sor.u32 $0xA10, s5;
	[tilespmem:s5+$0x7690] =	vst v1  }
0x355: {  	v1 =	vld [tilespmem:s6+$0x0];
	_ =	sdelay $0x3  }
0x356: {  	s6 =	sor.u32 $0xA80, s5;
	[tilespmem:s5+$0x7700] =	vst v2  }
0x357: {  	v2 =	vld [tilespmem:s6+$0x0];
	s6 =	sor.u32 $0xA90, s5;
	[tilespmem:s5+$0x7710] =	vst v1  }
0x358: {  	v1 =	vld [tilespmem:s6+$0x0];
	_ =	sdelay $0x3  }
0x359: {  	s6 =	sor.u32 $0xB00, s5;
	[tilespmem:s5+$0x7780] =	vst v2  }
0x35a: {  	v2 =	vld [tilespmem:s6+$0x0];
	s6 =	sor.u32 $0xB10, s5;
	[tilespmem:s5+$0x7790] =	vst v1  }
0x35b: {  	v1 =	vld [tilespmem:s6+$0x0];
	_ =	sdelay $0x3  }
0x35c: {  	s6 =	sor.u32 $0xB80, s5;
	[tilespmem:s5+$0x7800] =	vst v2  }
0x35d: {  	v2 =	vld [tilespmem:s6+$0x0];
	s6 =	sor.u32 $0xB90, s5;
	[tilespmem:s5+$0x7810] =	vst v1  }
0x35e: {  	v1 =	vld [tilespmem:s6+$0x0];
	_ =	sdelay $0x3  }
0x35f: {  	s6 =	sor.u32 $0xC00, s5;
	[tilespmem:s5+$0x7880] =	vst v2  }
0x360: {  	v2 =	vld [tilespmem:s6+$0x0];
	s6 =	sor.u32 $0xC10, s5;
	[tilespmem:s5+$0x7890] =	vst v1  }
0x361: {  	v1 =	vld [tilespmem:s6+$0x0];
	_ =	sdelay $0x3  }
0x362: {  	s6 =	sor.u32 $0xC80, s5;
	[tilespmem:s5+$0x7900] =	vst v2  }
0x363: {  	v2 =	vld [tilespmem:s6+$0x0];
	s6 =	sor.u32 $0xC90, s5;
	[tilespmem:s5+$0x7910] =	vst v1  }
0x364: {  	v1 =	vld [tilespmem:s6+$0x0];
	_ =	sdelay $0x3  }
0x365: {  	s6 =	sor.u32 $0xD00, s5;
	[tilespmem:s5+$0x7980] =	vst v2  }
0x366: {  	v2 =	vld [tilespmem:s6+$0x0];
	s6 =	sor.u32 $0xD10, s5;
	[tilespmem:s5+$0x7990] =	vst v1  }
0x367: {  	v1 =	vld [tilespmem:s6+$0x0];
	_ =	sdelay $0x3  }
0x368: {  	s6 =	sor.u32 $0xD80, s5;
	[tilespmem:s5+$0x7A00] =	vst v2  }
0x369: {  	v2 =	vld [tilespmem:s6+$0x0];
	s6 =	sor.u32 $0xD90, s5;
	[tilespmem:s5+$0x7A10] =	vst v1  }
0x36a: {  	v1 =	vld [tilespmem:s6+$0x0];
	_ =	sdelay $0x3  }
0x36b: {  	s6 =	sor.u32 $0xE00, s5;
	[tilespmem:s5+$0x7A80] =	vst v2  }
0x36c: {  	v2 =	vld [tilespmem:s6+$0x0];
	s6 =	sor.u32 $0xE10, s5;
	[tilespmem:s5+$0x7A90] =	vst v1  }
0x36d: {  	v1 =	vld [tilespmem:s6+$0x0];
	_ =	sdelay $0x3  }
0x36e: {  	s6 =	sor.u32 $0xE80, s5;
	[tilespmem:s5+$0x7B00] =	vst v2  }
0x36f: {  	v2 =	vld [tilespmem:s6+$0x0];
	s6 =	sor.u32 $0xE90, s5;
	[tilespmem:s5+$0x7B10] =	vst v1  }
0x370: {  	v1 =	vld [tilespmem:s6+$0x0];
	_ =	sdelay $0x3  }
0x371: {  	s6 =	sor.u32 $0xF00, s5;
	[tilespmem:s5+$0x7B80] =	vst v2  }
0x372: {  	v2 =	vld [tilespmem:s6+$0x0];
	s6 =	sor.u32 $0xF10, s5;
	[tilespmem:s5+$0x7B90] =	vst v1  }
0x373: {  	v1 =	vld [tilespmem:s6+$0x0];
	_ =	sdelay $0x3  }
0x374: {  	s6 =	sor.u32 $0xF80, s5;
	[tilespmem:s5+$0x7C00] =	vst v2  }
0x375: {  	v2 =	vld [tilespmem:s6+$0x0];
	s6 =	sor.u32 $0xF90, s5;
	[tilespmem:s5+$0x7C10] =	vst v1  }
0x376: {  	v1 =	vld [tilespmem:s6+$0x0];
	_ =	sdelay $0x3  }
0x377: {  	s6 =	sor.u32 $0x1000, s5;
	[tilespmem:s5+$0x7C80] =	vst v2  }
0x378: {  	v2 =	vld [tilespmem:s6+$0x0];
	s6 =	sor.u32 $0x1010, s5;
	[tilespmem:s5+$0x7C90] =	vst v1  }
0x379: {  	v1 =	vld [tilespmem:s6+$0x0];
	_ =	sdelay $0x3  }
0x37a: {  	s6 =	sor.u32 $0x1080, s5;
	[tilespmem:s5+$0x7D00] =	vst v2  }
0x37b: {  	v2 =	vld [tilespmem:s6+$0x0];
	s6 =	sor.u32 $0x1090, s5;
	[tilespmem:s5+$0x7D10] =	vst v1  }
0x37c: {  	v1 =	vld [tilespmem:s6+$0x0];
	_ =	sdelay $0x3  }
0x37d: {  	s6 =	sor.u32 $0x1100, s5;
	[tilespmem:s5+$0x7D80] =	vst v2  }
0x37e: {  	v2 =	vld [tilespmem:s6+$0x0];
	s6 =	sor.u32 $0x1110, s5;
	[tilespmem:s5+$0x7D90] =	vst v1  }
0x37f: {  	v1 =	vld [tilespmem:s6+$0x0];
	_ =	sdelay $0x3  }
0x380: {  	s6 =	sor.u32 $0x1180, s5;
	[tilespmem:s5+$0x7E00] =	vst v2  }
0x381: {  	v2 =	vld [tilespmem:s6+$0x0];
	s6 =	sor.u32 $0x1190, s5;
	[tilespmem:s5+$0x7E10] =	vst v1  }
0x382: {  	v1 =	vld [tilespmem:s6+$0x0];
	_ =	sdelay $0x3  }
0x383: {  	s6 =	sor.u32 $0x1200, s5;
	[tilespmem:s5+$0x7E80] =	vst v2  }
0x384: {  	v2 =	vld [tilespmem:s6+$0x0];
	s6 =	sor.u32 $0x1210, s5;
	[tilespmem:s5+$0x7E90] =	vst v1  }
0x385: {  	v1 =	vld [tilespmem:s6+$0x0];
	_ =	sdelay $0x3  }
0x386: {  	s6 =	sor.u32 $0x1280, s5;
	[tilespmem:s5+$0x7F00] =	vst v2  }
0x387: {  	v2 =	vld [tilespmem:s6+$0x0];
	s6 =	sor.u32 $0x1290, s5;
	[tilespmem:s5+$0x7F10] =	vst v1  }
0x388: {  	v1 =	vld [tilespmem:s6+$0x0];
	_ =	sdelay $0x3  }
0x389: {  	s6 =	sor.u32 $0x1300, s5;
	[tilespmem:s5+$0x7F80] =	vst v2  }
0x38a: {  	v2 =	vld [tilespmem:s6+$0x0];
	s6 =	sor.u32 $0x1310, s5;
	[tilespmem:s5+$0x7F90] =	vst v1  }
0x38b: {  	v1 =	vld [tilespmem:s6+$0x0];
	_ =	sdelay $0x3  }
0x38c: {  	s6 =	sor.u32 $0x1380, s5;
	[tilespmem:s5+$0x8000] =	vst v2  }
0x38d: {  	v2 =	vld [tilespmem:s6+$0x0];
	s6 =	sor.u32 $0x1390, s5;
	[tilespmem:s5+$0x8010] =	vst v1  }
0x38e: {  	v1 =	vld [tilespmem:s6+$0x0];
	_ =	sdelay $0x3  }
0x38f: {  	s6 =	sor.u32 $0x1400, s5;
	[tilespmem:s5+$0x8080] =	vst v2  }
0x390: {  	v2 =	vld [tilespmem:s6+$0x0];
	s6 =	sor.u32 $0x1410, s5;
	[tilespmem:s5+$0x8090] =	vst v1  }
0x391: {  	v1 =	vld [tilespmem:s6+$0x0];
	_ =	sdelay $0x3  }
0x392: {  	s6 =	sor.u32 $0x1480, s5;
	[tilespmem:s5+$0x8100] =	vst v2  }
0x393: {  	v2 =	vld [tilespmem:s6+$0x0];
	s6 =	sor.u32 $0x1490, s5;
	[tilespmem:s5+$0x8110] =	vst v1  }
0x394: {  	v1 =	vld [tilespmem:s6+$0x0];
	_ =	sdelay $0x3  }
0x395: {  	s6 =	sor.u32 $0x1500, s5;
	[tilespmem:s5+$0x8180] =	vst v2  }
0x396: {  	v2 =	vld [tilespmem:s6+$0x0];
	s6 =	sor.u32 $0x1510, s5;
	[tilespmem:s5+$0x8190] =	vst v1  }
0x397: {  	v1 =	vld [tilespmem:s6+$0x0];
	_ =	sdelay $0x3  }
0x398: {  	s6 =	sor.u32 $0x1580, s5;
	[tilespmem:s5+$0x8200] =	vst v2  }
0x399: {  	v2 =	vld [tilespmem:s6+$0x0];
	s6 =	sor.u32 $0x1590, s5;
	[tilespmem:s5+$0x8210] =	vst v1  }
0x39a: {  	p1 =	slt.u32 s4, $0x6;
	v1 =	vld [tilespmem:s6+$0x0]  }
.Ltmp0:
0x39b: {  	_ = 	snop;
	(pc) =	sbr.rel @p1 .LBB2_3-.Ltmp0, $3  }
0x39c: {  	_ =	sdelay $0x1  }
0x39d: {  	[tilespmem:s5+$0x8280] =	vst v2  }
0x39e: {  	s4 =	sadd.s32 $0x2, s4;
	[tilespmem:s5+$0x8290] =	vst v1  }
0x39f: {  	s4 =	smul.u32 $0x150000, s31;
	_ =	sdelay $0x1  }
0x3a0: {  	p1 =	sne.s32 s31, $0x18;
	s4 =	sor.u32 s7, s4  }
.Ltmp1:
0x3a1: {  	s4 =	sshrl.u32 s4, $0x3;
	(pc) =	sbr.rel @p1 .LBB2_6-.Ltmp1, $4  }
0x3a2: {  	s4 =	sadd.s32 s2, s4  }
0x3a3: {  	[hbm4b:s4+s16] =	stream.strided.scatter [tilespmem:s23], [sflag:$0x3], $0x5000, s17, s16, $0x38;
	[tilespmem:$0xE300] =	vst v63  }
0x3a4: {  	s4 =	sadd.s32 $0x14000, s4  }
0x3a5: {  	[hbm4b:s4+s3] =	stream.linear.scatter [tilespmem:s17], [sflag:$0x3], $0x300, $0x38;
	[tilespmem:$0xE300] =	vst v63  }
.Ltmp2:
0x3a6: {  	(pc) =	sbr.rel .LBB2_7-.Ltmp2, $4  }
0x3a7: {  	_ = 	snop  }
0x3a8: {  	_ =	swait.ge [sflag:s24], $0x1600  }
0x3a9: {  	[sflag:s24] =	ssyncset.done $0x0  }
0x3aa: {  	[sflag:s24] =	ssyncadd.s32 $0xFFFFEA00  }
.LBB2_6:
0x3ab: {  	s4 =	smul.u32 $0x60000, s31;
	_ =	sdelay $0x1  }
0x3ac: {  	s4 =	sadd.s32 s10, s4  }
0x3ad: {  	s4 =	sshrl.u32 s4, $0x3  }
0x3ae: {  	s4 =	sadd.s32 s1, s4  }
0x3af: {  	[tilespmem:s3], [sflag:$0x1] =	stream.strided.gather [hbm4b:s4+s16], $0x1400, s17, s16, $0x38;
	[tilespmem:$0xE300] =	vst v63  }
.Ltmp3:
0x3b0: {  	s4 =	sadd.s32 $0x5000, s4;
	(pc) =	sbr.rel @p0 .LBB2_8-.Ltmp3, $4  }
0x3b1: {  	[tilespmem:s19], [sflag:$0x1] =	stream.linear.gather [hbm4b:s4+s3], $0x200, $0x38;
	[tilespmem:$0xE300] =	vst v63  }
0x3b2: {  	_ =	swait.ge [sflag:s24], $0x1600  }
0x3b3: {  	[sflag:s24] =	ssyncset.done $0x0  }
0x3b4: {  	[sflag:s24] =	ssyncadd.s32 $0xFFFFEA00  }
.LBB2_7:
0x3b5: {  	_ =	swait.ge [sflag:s25], $0x5300  }
0x3b6: {  	[sflag:s25] =	ssyncset.done $0x0  }
0x3b7: {  	[sflag:s25] =	ssyncadd.s32 $0xFFFFAD00  }
.LBB2_8:
0x3b8: {  	s4 =	simm.s32 $0x0  }
.LBB2_9:
0x3b9: {  	s5 =	sshll.u32 s4, $0x4  }
0x3ba: {  	v1 =	vld [tilespmem:s5+$0x1800];
	_ =	sdelay $0x4  }
0x3bb: {  	v1 =	vtrunc.f32 v1  }
0x3bc: {  	v1 =	vcvt.f32.s32 v1;
	_ =	sdelay $0x1  }
0x3bd: {  	v1 =	vmul.u32 $0x1E, v1;
	_ =	sdelay $0x5  }
0x3be: {  	v2 =	vld.idx.msk [tilespmem:v1+s12+$0x0], $0xffff  }
0x3bf: {  	v3 =	vor.u32 $0x1, v1;
	_ =	sdelay $0x3  }
0x3c0: {  	[tilespmem:s5+$0x8400] =	vst v2  }
0x3c1: {  	v2 =	vld.idx.msk [tilespmem:v3+s12+$0x0], $0xffff  }
0x3c2: {  	v3 =	vadd.s32 $0x2, v1;
	_ =	sdelay $0x3  }
0x3c3: {  	[tilespmem:s5+$0x8480] =	vst v2  }
0x3c4: {  	v2 =	vld.idx.msk [tilespmem:v3+s12+$0x0], $0xffff  }
0x3c5: {  	v3 =	vadd.s32 $0x3, v1;
	_ =	sdelay $0x3  }
0x3c6: {  	[tilespmem:s5+$0x8500] =	vst v2  }
0x3c7: {  	v2 =	vld.idx.msk [tilespmem:v3+s12+$0x0], $0xffff  }
0x3c8: {  	v3 =	vadd.s32 $0x4, v1;
	_ =	sdelay $0x3  }
0x3c9: {  	[tilespmem:s5+$0x8580] =	vst v2  }
0x3ca: {  	v2 =	vld.idx.msk [tilespmem:v3+s12+$0x0], $0xffff  }
0x3cb: {  	v3 =	vadd.s32 $0x5, v1;
	_ =	sdelay $0x3  }
0x3cc: {  	[tilespmem:s5+$0x8600] =	vst v2  }
0x3cd: {  	v2 =	vld.idx.msk [tilespmem:v3+s12+$0x0], $0xffff  }
0x3ce: {  	v3 =	vadd.s32 $0x6, v1;
	_ =	sdelay $0x3  }
0x3cf: {  	[tilespmem:s5+$0x8680] =	vst v2  }
0x3d0: {  	v2 =	vld.idx.msk [tilespmem:v3+s12+$0x0], $0xffff  }
0x3d1: {  	v3 =	vadd.s32 $0x7, v1;
	_ =	sdelay $0x3  }
0x3d2: {  	[tilespmem:s5+$0x8700] =	vst v2  }
0x3d3: {  	v2 =	vld.idx.msk [tilespmem:v3+s12+$0x0], $0xffff  }
0x3d4: {  	v3 =	vadd.s32 $0x8, v1;
	_ =	sdelay $0x3  }
0x3d5: {  	[tilespmem:s5+$0x8780] =	vst v2  }
0x3d6: {  	v2 =	vld.idx.msk [tilespmem:v3+s12+$0x0], $0xffff  }
0x3d7: {  	v3 =	vadd.s32 $0x9, v1;
	_ =	sdelay $0x3  }
0x3d8: {  	[tilespmem:s5+$0x8800] =	vst v2  }
0x3d9: {  	v2 =	vld.idx.msk [tilespmem:v3+s12+$0x0], $0xffff  }
0x3da: {  	v3 =	vadd.s32 $0xA, v1;
	_ =	sdelay $0x3  }
0x3db: {  	[tilespmem:s5+$0x8880] =	vst v2  }
0x3dc: {  	v2 =	vld.idx.msk [tilespmem:v3+s12+$0x0], $0xffff  }
0x3dd: {  	v3 =	vadd.s32 $0xB, v1;
	_ =	sdelay $0x3  }
0x3de: {  	[tilespmem:s5+$0x8900] =	vst v2  }
0x3df: {  	v2 =	vld.idx.msk [tilespmem:v3+s12+$0x0], $0xffff  }
0x3e0: {  	v3 =	vadd.s32 $0xC, v1;
	_ =	sdelay $0x3  }
0x3e1: {  	[tilespmem:s5+$0x8980] =	vst v2  }
0x3e2: {  	v2 =	vld.idx.msk [tilespmem:v3+s12+$0x0], $0xffff  }
0x3e3: {  	v3 =	vadd.s32 $0xD, v1;
	_ =	sdelay $0x3  }
0x3e4: {  	[tilespmem:s5+$0x8A00] =	vst v2  }
0x3e5: {  	v2 =	vld.idx.msk [tilespmem:v3+s12+$0x0], $0xffff  }
0x3e6: {  	v3 =	vadd.s32 $0xE, v1;
	_ =	sdelay $0x3  }
0x3e7: {  	[tilespmem:s5+$0x8A80] =	vst v2  }
0x3e8: {  	v2 =	vld.idx.msk [tilespmem:v3+s12+$0x0], $0xffff  }
0x3e9: {  	v3 =	vadd.s32 $0xF, v1;
	_ =	sdelay $0x3  }
0x3ea: {  	[tilespmem:s5+$0x8B00] =	vst v2  }
0x3eb: {  	v2 =	vld.idx.msk [tilespmem:v3+s12+$0x0], $0xffff  }
0x3ec: {  	v3 =	vadd.s32 $0x10, v1;
	_ =	sdelay $0x3  }
0x3ed: {  	[tilespmem:s5+$0x8B80] =	vst v2  }
0x3ee: {  	v2 =	vld.idx.msk [tilespmem:v3+s12+$0x0], $0xffff  }
0x3ef: {  	v3 =	vadd.s32 $0x11, v1;
	_ =	sdelay $0x3  }
0x3f0: {  	[tilespmem:s5+$0x8C00] =	vst v2  }
0x3f1: {  	v2 =	vld.idx.msk [tilespmem:v3+s12+$0x0], $0xffff  }
0x3f2: {  	v3 =	vadd.s32 $0x12, v1;
	_ =	sdelay $0x3  }
0x3f3: {  	[tilespmem:s5+$0x8C80] =	vst v2  }
0x3f4: {  	v2 =	vld.idx.msk [tilespmem:v3+s12+$0x0], $0xffff  }
0x3f5: {  	v3 =	vadd.s32 $0x13, v1;
	_ =	sdelay $0x3  }
0x3f6: {  	[tilespmem:s5+$0x8D00] =	vst v2  }
0x3f7: {  	v2 =	vld.idx.msk [tilespmem:v3+s12+$0x0], $0xffff  }
0x3f8: {  	v3 =	vadd.s32 $0x14, v1;
	_ =	sdelay $0x3  }
0x3f9: {  	[tilespmem:s5+$0x8D80] =	vst v2  }
0x3fa: {  	v2 =	vld.idx.msk [tilespmem:v3+s12+$0x0], $0xffff  }
0x3fb: {  	v3 =	vadd.s32 $0x15, v1;
	_ =	sdelay $0x3  }
0x3fc: {  	[tilespmem:s5+$0x8E00] =	vst v2  }
0x3fd: {  	v2 =	vld.idx.msk [tilespmem:v3+s12+$0x0], $0xffff  }
0x3fe: {  	v3 =	vadd.s32 $0x16, v1;
	_ =	sdelay $0x3  }
0x3ff: {  	[tilespmem:s5+$0x8E80] =	vst v2  }
0x400: {  	v2 =	vld.idx.msk [tilespmem:v3+s12+$0x0], $0xffff  }
0x401: {  	v3 =	vadd.s32 $0x17, v1;
	_ =	sdelay $0x3  }
0x402: {  	[tilespmem:s5+$0x8F00] =	vst v2  }
0x403: {  	v2 =	vld.idx.msk [tilespmem:v3+s12+$0x0], $0xffff  }
0x404: {  	v3 =	vadd.s32 $0x18, v1;
	_ =	sdelay $0x3  }
0x405: {  	[tilespmem:s5+$0x8F80] =	vst v2  }
0x406: {  	v2 =	vld.idx.msk [tilespmem:v3+s12+$0x0], $0xffff  }
0x407: {  	v3 =	vadd.s32 $0x19, v1;
	_ =	sdelay $0x3  }
0x408: {  	[tilespmem:s5+$0x9000] =	vst v2  }
0x409: {  	v2 =	vld.idx.msk [tilespmem:v3+s12+$0x0], $0xffff  }
0x40a: {  	v3 =	vadd.s32 $0x1A, v1;
	_ =	sdelay $0x3  }
0x40b: {  	[tilespmem:s5+$0x9080] =	vst v2  }
0x40c: {  	v2 =	vld.idx.msk [tilespmem:v3+s12+$0x0], $0xffff  }
0x40d: {  	v3 =	vadd.s32 $0x1B, v1;
	_ =	sdelay $0x3  }
0x40e: {  	[tilespmem:s5+$0x9100] =	vst v2  }
0x40f: {  	v2 =	vld.idx.msk [tilespmem:v3+s12+$0x0], $0xffff  }
0x410: {  	v3 =	vadd.s32 $0x1C, v1;
	_ =	sdelay $0x2  }
0x411: {  	v4 =	vld [tilespmem:s5+$0x1980]  }
0x412: {  	[tilespmem:s5+$0x9180] =	vst v2  }
0x413: {  	v2 =	vld.idx.msk [tilespmem:v3+s12+$0x0], $0xffff  }
0x414: {  	v1 =	vadd.s32 $0x1D, v1;
	_ =	sdelay $0x1  }
0x415: {  	v3 =	vtrunc.f32 v4  }
0x416: {  	v3 =	vcvt.f32.s32 v3  }
0x417: {  	[tilespmem:s5+$0x9200] =	vst v2  }
0x418: {  	v2 =	vmul.u32 $0xA, v3;
	v1 =	vld.idx.msk [tilespmem:v1+s12+$0x0], $0xffff;
	_ =	sdelay $0x4  }
0x419: {  	[tilespmem:s5+$0x9280] =	vst v1  }
0x41a: {  	v1 =	vld.idx.msk [tilespmem:v2+s14+$0x0], $0xffff  }
0x41b: {  	v3 =	vor.u32 $0x1, v2;
	_ =	sdelay $0x3  }
0x41c: {  	[tilespmem:s5+$0x9300] =	vst v1  }
0x41d: {  	v1 =	vld.idx.msk [tilespmem:v3+s14+$0x0], $0xffff  }
0x41e: {  	v3 =	vadd.s32 $0x2, v2;
	_ =	sdelay $0x3  }
0x41f: {  	[tilespmem:s5+$0x9380] =	vst v1  }
0x420: {  	v1 =	vld.idx.msk [tilespmem:v3+s14+$0x0], $0xffff  }
0x421: {  	v3 =	vadd.s32 $0x3, v2;
	_ =	sdelay $0x3  }
0x422: {  	[tilespmem:s5+$0x9400] =	vst v1  }
0x423: {  	v1 =	vld.idx.msk [tilespmem:v3+s14+$0x0], $0xffff  }
0x424: {  	v3 =	vadd.s32 $0x4, v2;
	_ =	sdelay $0x3  }
0x425: {  	[tilespmem:s5+$0x9480] =	vst v1  }
0x426: {  	v1 =	vld.idx.msk [tilespmem:v3+s14+$0x0], $0xffff  }
0x427: {  	v3 =	vadd.s32 $0x5, v2;
	_ =	sdelay $0x3  }
0x428: {  	[tilespmem:s5+$0x9500] =	vst v1  }
0x429: {  	v1 =	vld.idx.msk [tilespmem:v3+s14+$0x0], $0xffff  }
0x42a: {  	v3 =	vadd.s32 $0x6, v2;
	_ =	sdelay $0x3  }
0x42b: {  	[tilespmem:s5+$0x9580] =	vst v1  }
0x42c: {  	v1 =	vld.idx.msk [tilespmem:v3+s14+$0x0], $0xffff  }
0x42d: {  	v3 =	vadd.s32 $0x7, v2;
	_ =	sdelay $0x3  }
0x42e: {  	[tilespmem:s5+$0x9600] =	vst v1  }
0x42f: {  	v1 =	vld.idx.msk [tilespmem:v3+s14+$0x0], $0xffff  }
0x430: {  	v3 =	vadd.s32 $0x8, v2;
	_ =	sdelay $0x2  }
0x431: {  	v61 =	vld [tilespmem:s5+$0x1A00]  }
0x432: {  	[tilespmem:s5+$0x9680] =	vst v1  }
0x433: {  	v1 =	vld.idx.msk [tilespmem:v3+s14+$0x0], $0xffff  }
0x434: {  	v2 =	vadd.s32 $0x9, v2;
	_ =	sdelay $0x1  }
0x435: {  	v3 =	vtrunc.f32 v61  }
0x436: {  	v3 =	vcvt.f32.s32 v3  }
0x437: {  	[tilespmem:s5+$0x9700] =	vst v1  }
0x438: {  	v1 =	vld.idx.msk [tilespmem:v2+s14+$0x0], $0xffff;
	v2 =	vmul.u32 $0xA, v3;
	_ =	sdelay $0x4  }
0x439: {  	[tilespmem:s5+$0x9780] =	vst v1  }
0x43a: {  	v1 =	vld.idx.msk [tilespmem:v2+s14+$0x0], $0xffff  }
0x43b: {  	v3 =	vor.u32 $0x1, v2;
	_ =	sdelay $0x3  }
0x43c: {  	[tilespmem:s5+$0x9800] =	vst v1  }
0x43d: {  	v1 =	vld.idx.msk [tilespmem:v3+s14+$0x0], $0xffff  }
0x43e: {  	v3 =	vadd.s32 $0x2, v2;
	_ =	sdelay $0x3  }
0x43f: {  	[tilespmem:s5+$0x9880] =	vst v1  }
0x440: {  	v1 =	vld.idx.msk [tilespmem:v3+s14+$0x0], $0xffff  }
0x441: {  	v3 =	vadd.s32 $0x3, v2;
	_ =	sdelay $0x3  }
0x442: {  	[tilespmem:s5+$0x9900] =	vst v1  }
0x443: {  	v1 =	vld.idx.msk [tilespmem:v3+s14+$0x0], $0xffff  }
0x444: {  	v3 =	vadd.s32 $0x4, v2;
	_ =	sdelay $0x3  }
0x445: {  	[tilespmem:s5+$0x9980] =	vst v1  }
0x446: {  	v1 =	vld.idx.msk [tilespmem:v3+s14+$0x0], $0xffff  }
0x447: {  	v3 =	vadd.s32 $0x5, v2;
	_ =	sdelay $0x3  }
0x448: {  	[tilespmem:s5+$0x9A00] =	vst v1  }
0x449: {  	v1 =	vld.idx.msk [tilespmem:v3+s14+$0x0], $0xffff  }
0x44a: {  	v3 =	vadd.s32 $0x6, v2;
	_ =	sdelay $0x3  }
0x44b: {  	[tilespmem:s5+$0x9A80] =	vst v1  }
0x44c: {  	v1 =	vld.idx.msk [tilespmem:v3+s14+$0x0], $0xffff  }
0x44d: {  	v3 =	vadd.s32 $0x7, v2;
	_ =	sdelay $0x3  }
0x44e: {  	[tilespmem:s5+$0x9B00] =	vst v1  }
0x44f: {  	v1 =	vld.idx.msk [tilespmem:v3+s14+$0x0], $0xffff  }
0x450: {  	v3 =	vadd.s32 $0x8, v2;
	_ =	sdelay $0x2  }
0x451: {  	v62 =	vld [tilespmem:s5+$0x1A80]  }
0x452: {  	[tilespmem:s5+$0x9B80] =	vst v1  }
0x453: {  	v1 =	vld.idx.msk [tilespmem:v3+s14+$0x0], $0xffff  }
0x454: {  	v2 =	vadd.s32 $0x9, v2;
	_ =	sdelay $0x1  }
0x455: {  	v3 =	vtrunc.f32 v62  }
0x456: {  	v3 =	vcvt.f32.s32 v3  }
0x457: {  	[tilespmem:s5+$0x9C00] =	vst v1  }
0x458: {  	v1 =	vld.idx.msk [tilespmem:v2+s14+$0x0], $0xffff;
	v2 =	vmul.u32 $0xA, v3;
	_ =	sdelay $0x4  }
0x459: {  	[tilespmem:s5+$0x9C80] =	vst v1  }
0x45a: {  	v1 =	vld.idx.msk [tilespmem:v2+s14+$0x0], $0xffff  }
0x45b: {  	v3 =	vor.u32 $0x1, v2;
	_ =	sdelay $0x3  }
0x45c: {  	[tilespmem:s5+$0x9D00] =	vst v1  }
0x45d: {  	v1 =	vld.idx.msk [tilespmem:v3+s14+$0x0], $0xffff  }
0x45e: {  	v3 =	vadd.s32 $0x2, v2;
	_ =	sdelay $0x3  }
0x45f: {  	[tilespmem:s5+$0x9D80] =	vst v1  }
0x460: {  	v1 =	vld.idx.msk [tilespmem:v3+s14+$0x0], $0xffff  }
0x461: {  	v3 =	vadd.s32 $0x3, v2;
	_ =	sdelay $0x3  }
0x462: {  	[tilespmem:s5+$0x9E00] =	vst v1  }
0x463: {  	v1 =	vld.idx.msk [tilespmem:v3+s14+$0x0], $0xffff  }
0x464: {  	v3 =	vadd.s32 $0x4, v2;
	_ =	sdelay $0x3  }
0x465: {  	[tilespmem:s5+$0x9E80] =	vst v1  }
0x466: {  	v1 =	vld.idx.msk [tilespmem:v3+s14+$0x0], $0xffff  }
0x467: {  	v3 =	vadd.s32 $0x5, v2;
	_ =	sdelay $0x3  }
0x468: {  	[tilespmem:s5+$0x9F00] =	vst v1  }
0x469: {  	v1 =	vld.idx.msk [tilespmem:v3+s14+$0x0], $0xffff  }
0x46a: {  	v3 =	vadd.s32 $0x6, v2;
	_ =	sdelay $0x3  }
0x46b: {  	[tilespmem:s5+$0x9F80] =	vst v1  }
0x46c: {  	v1 =	vld.idx.msk [tilespmem:v3+s14+$0x0], $0xffff  }
0x46d: {  	v3 =	vadd.s32 $0x7, v2;
	_ =	sdelay $0x3  }
0x46e: {  	[tilespmem:s5+$0xA000] =	vst v1  }
0x46f: {  	v1 =	vld.idx.msk [tilespmem:v3+s14+$0x0], $0xffff  }
0x470: {  	v3 =	vadd.s32 $0x8, v2;
	_ =	sdelay $0x3  }
0x471: {  	[tilespmem:s5+$0xA080] =	vst v1;
	v1 =	vld [tilespmem:s5+$0x1B00]  }
0x472: {  	v3 =	vld.idx.msk [tilespmem:v3+s14+$0x0], $0xffff  }
0x473: {  	v2 =	vadd.s32 $0x9, v2;
	_ =	sdelay $0x2  }
0x474: {  	v1 =	vtrunc.f32 v1  }
0x475: {  	[tilespmem:s5+$0xA100] =	vst v3;
	v1 =	vcvt.f32.s32 v1  }
0x476: {  	v2 =	vld.idx.msk [tilespmem:v2+s14+$0x0], $0xffff  }
0x477: {  	v1 =	vshll.u32 v1, $0x3;
	_ =	sdelay $0x3  }
0x478: {  	[tilespmem:s5+$0xA180] =	vst v2  }
0x479: {  	v2 =	vld.idx.msk [tilespmem:v1+s15+$0x0], $0xffff  }
0x47a: {  	v3 =	vor.u32 $0x1, v1;
	_ =	sdelay $0x3  }
0x47b: {  	[tilespmem:s5+$0xA200] =	vst v2  }
0x47c: {  	v2 =	vld.idx.msk [tilespmem:v3+s15+$0x0], $0xffff  }
0x47d: {  	v3 =	vor.u32 $0x2, v1;
	_ =	sdelay $0x3  }
0x47e: {  	[tilespmem:s5+$0xA280] =	vst v2  }
0x47f: {  	v2 =	vld.idx.msk [tilespmem:v3+s15+$0x0], $0xffff  }
0x480: {  	v3 =	vor.u32 $0x3, v1;
	_ =	sdelay $0x3  }
0x481: {  	[tilespmem:s5+$0xA300] =	vst v2  }
0x482: {  	v2 =	vld.idx.msk [tilespmem:v3+s15+$0x0], $0xffff  }
0x483: {  	v3 =	vor.u32 $0x4, v1;
	_ =	sdelay $0x3  }
0x484: {  	[tilespmem:s5+$0xA380] =	vst v2  }
0x485: {  	v2 =	vld.idx.msk [tilespmem:v3+s15+$0x0], $0xffff  }
0x486: {  	v3 =	vor.u32 $0x5, v1;
	_ =	sdelay $0x3  }
0x487: {  	[tilespmem:s5+$0xA400] =	vst v2  }
0x488: {  	v2 =	vld.idx.msk [tilespmem:v3+s15+$0x0], $0xffff  }
0x489: {  	v3 =	vor.u32 $0x6, v1;
	_ =	sdelay $0x3  }
0x48a: {  	[tilespmem:s5+$0xA480] =	vst v2;
	v2 =	vld [tilespmem:s5+$0x1B80]  }
0x48b: {  	v3 =	vld.idx.msk [tilespmem:v3+s15+$0x0], $0xffff  }
0x48c: {  	v1 =	vor.u32 $0x7, v1;
	_ =	sdelay $0x2  }
0x48d: {  	v2 =	vtrunc.f32 v2  }
0x48e: {  	[tilespmem:s5+$0xA500] =	vst v3;
	v2 =	vcvt.f32.s32 v2  }
0x48f: {  	v3 =	vld.idx.msk [tilespmem:v1+s15+$0x0], $0xffff  }
0x490: {  	v1 =	vshll.u32 v2, $0x3;
	_ =	sdelay $0x3  }
0x491: {  	[tilespmem:s5+$0xA580] =	vst v3  }
0x492: {  	v2 =	vld.idx.msk [tilespmem:v1+s15+$0x0], $0xffff  }
0x493: {  	v3 =	vor.u32 $0x1, v1;
	_ =	sdelay $0x3  }
0x494: {  	[tilespmem:s5+$0xA600] =	vst v2  }
0x495: {  	v2 =	vld.idx.msk [tilespmem:v3+s15+$0x0], $0xffff  }
0x496: {  	v3 =	vor.u32 $0x2, v1;
	_ =	sdelay $0x3  }
0x497: {  	[tilespmem:s5+$0xA680] =	vst v2  }
0x498: {  	v2 =	vld.idx.msk [tilespmem:v3+s15+$0x0], $0xffff  }
0x499: {  	v3 =	vor.u32 $0x3, v1;
	_ =	sdelay $0x3  }
0x49a: {  	[tilespmem:s5+$0xA700] =	vst v2  }
0x49b: {  	v2 =	vld.idx.msk [tilespmem:v3+s15+$0x0], $0xffff  }
0x49c: {  	v3 =	vor.u32 $0x4, v1;
	_ =	sdelay $0x3  }
0x49d: {  	[tilespmem:s5+$0xA780] =	vst v2  }
0x49e: {  	v2 =	vld.idx.msk [tilespmem:v3+s15+$0x0], $0xffff  }
0x49f: {  	v3 =	vor.u32 $0x5, v1;
	_ =	sdelay $0x3  }
0x4a0: {  	[tilespmem:s5+$0xA800] =	vst v2  }
0x4a1: {  	v2 =	vld.idx.msk [tilespmem:v3+s15+$0x0], $0xffff  }
0x4a2: {  	v3 =	vld [tilespmem:s5+$0x1810];
	_ =	sdelay $0x4  }
0x4a3: {  	v3 =	vtrunc.f32 v3  }
0x4a4: {  	v3 =	vcvt.f32.s32 v3;
	_ =	sdelay $0x1  }
0x4a5: {  	v3 =	vmul.u32 $0x1E, v3;
	_ =	sdelay $0x5  }
0x4a6: {  	v63 =	vld.idx.msk [tilespmem:v3+s12+$0x0], $0xffff  }
0x4a7: {  	v5 =	vor.u32 $0x1, v3;
	_ =	sdelay $0x3  }
0x4a8: {  	[tilespmem:s5+$0x8410] =	vst v63  }
0x4a9: {  	v4 =	vld.idx.msk [tilespmem:v5+s12+$0x0], $0xffff  }
0x4aa: {  	v8 =	vadd.s32 $0x2, v3;
	_ =	sdelay $0x3  }
0x4ab: {  	[tilespmem:s5+$0x8490] =	vst v4  }
0x4ac: {  	v4 =	vld.idx.msk [tilespmem:v8+s12+$0x0], $0xffff  }
0x4ad: {  	v9 =	vadd.s32 $0x3, v3;
	_ =	sdelay $0x3  }
0x4ae: {  	[tilespmem:s5+$0x8510] =	vst v4  }
0x4af: {  	v4 =	vld.idx.msk [tilespmem:v9+s12+$0x0], $0xffff  }
0x4b0: {  	v10 =	vadd.s32 $0x4, v3;
	_ =	sdelay $0x3  }
0x4b1: {  	[tilespmem:s5+$0x8590] =	vst v4  }
0x4b2: {  	v4 =	vld.idx.msk [tilespmem:v10+s12+$0x0], $0xffff  }
0x4b3: {  	v11 =	vadd.s32 $0x5, v3;
	_ =	sdelay $0x3  }
0x4b4: {  	[tilespmem:s5+$0x8610] =	vst v4  }
0x4b5: {  	v4 =	vld.idx.msk [tilespmem:v11+s12+$0x0], $0xffff  }
0x4b6: {  	v12 =	vadd.s32 $0x6, v3;
	_ =	sdelay $0x3  }
0x4b7: {  	[tilespmem:s5+$0x8690] =	vst v4  }
0x4b8: {  	v4 =	vld.idx.msk [tilespmem:v12+s12+$0x0], $0xffff  }
0x4b9: {  	v13 =	vadd.s32 $0x7, v3;
	_ =	sdelay $0x3  }
0x4ba: {  	[tilespmem:s5+$0x8710] =	vst v4  }
0x4bb: {  	v4 =	vld.idx.msk [tilespmem:v13+s12+$0x0], $0xffff  }
0x4bc: {  	v14 =	vadd.s32 $0x8, v3;
	_ =	sdelay $0x3  }
0x4bd: {  	[tilespmem:s5+$0x8790] =	vst v4  }
0x4be: {  	v4 =	vld.idx.msk [tilespmem:v14+s12+$0x0], $0xffff  }
0x4bf: {  	v15 =	vadd.s32 $0x9, v3;
	_ =	sdelay $0x3  }
0x4c0: {  	[tilespmem:s5+$0x8810] =	vst v4  }
0x4c1: {  	v4 =	vld.idx.msk [tilespmem:v15+s12+$0x0], $0xffff  }
0x4c2: {  	v16 =	vadd.s32 $0xA, v3;
	_ =	sdelay $0x3  }
0x4c3: {  	[tilespmem:s5+$0x8890] =	vst v4  }
0x4c4: {  	v4 =	vld.idx.msk [tilespmem:v16+s12+$0x0], $0xffff  }
0x4c5: {  	v17 =	vadd.s32 $0xB, v3;
	_ =	sdelay $0x3  }
0x4c6: {  	[tilespmem:s5+$0x8910] =	vst v4  }
0x4c7: {  	v4 =	vld.idx.msk [tilespmem:v17+s12+$0x0], $0xffff  }
0x4c8: {  	v18 =	vadd.s32 $0xC, v3;
	_ =	sdelay $0x3  }
0x4c9: {  	[tilespmem:s5+$0x8990] =	vst v4  }
0x4ca: {  	v4 =	vld.idx.msk [tilespmem:v18+s12+$0x0], $0xffff  }
0x4cb: {  	v19 =	vadd.s32 $0xD, v3;
	_ =	sdelay $0x3  }
0x4cc: {  	[tilespmem:s5+$0x8A10] =	vst v4  }
0x4cd: {  	v4 =	vld.idx.msk [tilespmem:v19+s12+$0x0], $0xffff  }
0x4ce: {  	v20 =	vadd.s32 $0xE, v3;
	_ =	sdelay $0x3  }
0x4cf: {  	[tilespmem:s5+$0x8A90] =	vst v4  }
0x4d0: {  	v4 =	vld.idx.msk [tilespmem:v20+s12+$0x0], $0xffff  }
0x4d1: {  	v21 =	vadd.s32 $0xF, v3;
	_ =	sdelay $0x3  }
0x4d2: {  	[tilespmem:s5+$0x8B10] =	vst v4  }
0x4d3: {  	v4 =	vld.idx.msk [tilespmem:v21+s12+$0x0], $0xffff  }
0x4d4: {  	v22 =	vadd.s32 $0x10, v3;
	_ =	sdelay $0x3  }
0x4d5: {  	[tilespmem:s5+$0x8B90] =	vst v4  }
0x4d6: {  	v4 =	vld.idx.msk [tilespmem:v22+s12+$0x0], $0xffff  }
0x4d7: {  	v23 =	vadd.s32 $0x11, v3;
	_ =	sdelay $0x3  }
0x4d8: {  	[tilespmem:s5+$0x8C10] =	vst v4  }
0x4d9: {  	v4 =	vld.idx.msk [tilespmem:v23+s12+$0x0], $0xffff  }
0x4da: {  	v24 =	vadd.s32 $0x12, v3;
	_ =	sdelay $0x3  }
0x4db: {  	[tilespmem:s5+$0x8C90] =	vst v4  }
0x4dc: {  	v4 =	vld.idx.msk [tilespmem:v24+s12+$0x0], $0xffff  }
0x4dd: {  	v25 =	vadd.s32 $0x13, v3;
	_ =	sdelay $0x3  }
0x4de: {  	[tilespmem:s5+$0x8D10] =	vst v4  }
0x4df: {  	v4 =	vld.idx.msk [tilespmem:v25+s12+$0x0], $0xffff  }
0x4e0: {  	v26 =	vadd.s32 $0x14, v3;
	_ =	sdelay $0x3  }
0x4e1: {  	[tilespmem:s5+$0x8D90] =	vst v4  }
0x4e2: {  	v4 =	vld.idx.msk [tilespmem:v26+s12+$0x0], $0xffff  }
0x4e3: {  	v27 =	vadd.s32 $0x15, v3;
	_ =	sdelay $0x3  }
0x4e4: {  	[tilespmem:s5+$0x8E10] =	vst v4  }
0x4e5: {  	v4 =	vld.idx.msk [tilespmem:v27+s12+$0x0], $0xffff  }
0x4e6: {  	v28 =	vadd.s32 $0x16, v3;
	_ =	sdelay $0x3  }
0x4e7: {  	[tilespmem:s5+$0x8E90] =	vst v4  }
0x4e8: {  	v4 =	vld.idx.msk [tilespmem:v28+s12+$0x0], $0xffff  }
0x4e9: {  	v29 =	vadd.s32 $0x17, v3;
	_ =	sdelay $0x3  }
0x4ea: {  	[tilespmem:s5+$0x8F10] =	vst v4  }
0x4eb: {  	v4 =	vld.idx.msk [tilespmem:v29+s12+$0x0], $0xffff  }
0x4ec: {  	v30 =	vadd.s32 $0x18, v3;
	_ =	sdelay $0x3  }
0x4ed: {  	[tilespmem:s5+$0x8F90] =	vst v4  }
0x4ee: {  	v4 =	vld.idx.msk [tilespmem:v30+s12+$0x0], $0xffff  }
0x4ef: {  	v31 =	vadd.s32 $0x19, v3;
	_ =	sdelay $0x3  }
0x4f0: {  	[tilespmem:s5+$0x9010] =	vst v4  }
0x4f1: {  	v4 =	vld.idx.msk [tilespmem:v31+s12+$0x0], $0xffff  }
0x4f2: {  	v32 =	vadd.s32 $0x1A, v3;
	_ =	sdelay $0x3  }
0x4f3: {  	[tilespmem:s5+$0x9090] =	vst v4  }
0x4f4: {  	v4 =	vld.idx.msk [tilespmem:v32+s12+$0x0], $0xffff  }
0x4f5: {  	v33 =	vadd.s32 $0x1B, v3;
	_ =	sdelay $0x3  }
0x4f6: {  	[tilespmem:s5+$0x9110] =	vst v4  }
0x4f7: {  	v4 =	vld.idx.msk [tilespmem:v33+s12+$0x0], $0xffff  }
0x4f8: {  	v34 =	vadd.s32 $0x1C, v3;
	_ =	sdelay $0x2  }
0x4f9: {  	v6 =	vld [tilespmem:s5+$0x1990]  }
0x4fa: {  	[tilespmem:s5+$0x9190] =	vst v4  }
0x4fb: {  	v4 =	vld.idx.msk [tilespmem:v34+s12+$0x0], $0xffff  }
0x4fc: {  	v3 =	vadd.s32 $0x1D, v3;
	_ =	sdelay $0x1  }
0x4fd: {  	v35 =	vtrunc.f32 v6  }
0x4fe: {  	v5 =	vcvt.f32.s32 v35  }
0x4ff: {  	[tilespmem:s5+$0x9210] =	vst v4  }
0x500: {  	v36 =	vmul.u32 $0xA, v5;
	v3 =	vld.idx.msk [tilespmem:v3+s12+$0x0], $0xffff;
	_ =	sdelay $0x4  }
0x501: {  	[tilespmem:s5+$0x9290] =	vst v3  }
0x502: {  	v3 =	vld.idx.msk [tilespmem:v36+s14+$0x0], $0xffff  }
0x503: {  	v5 =	vor.u32 $0x1, v36;
	_ =	sdelay $0x3  }
0x504: {  	[tilespmem:s5+$0x9310] =	vst v3  }
0x505: {  	v3 =	vld.idx.msk [tilespmem:v5+s14+$0x0], $0xffff  }
0x506: {  	v37 =	vadd.s32 $0x2, v36;
	_ =	sdelay $0x3  }
0x507: {  	[tilespmem:s5+$0x9390] =	vst v3  }
0x508: {  	v3 =	vld.idx.msk [tilespmem:v37+s14+$0x0], $0xffff  }
0x509: {  	v38 =	vadd.s32 $0x3, v36;
	_ =	sdelay $0x3  }
0x50a: {  	[tilespmem:s5+$0x9410] =	vst v3  }
0x50b: {  	v3 =	vld.idx.msk [tilespmem:v38+s14+$0x0], $0xffff  }
0x50c: {  	v39 =	vadd.s32 $0x4, v36;
	_ =	sdelay $0x3  }
0x50d: {  	[tilespmem:s5+$0x9490] =	vst v3  }
0x50e: {  	v3 =	vld.idx.msk [tilespmem:v39+s14+$0x0], $0xffff  }
0x50f: {  	v40 =	vadd.s32 $0x5, v36;
	_ =	sdelay $0x3  }
0x510: {  	[tilespmem:s5+$0x9510] =	vst v3  }
0x511: {  	v3 =	vld.idx.msk [tilespmem:v40+s14+$0x0], $0xffff  }
0x512: {  	v41 =	vadd.s32 $0x6, v36;
	_ =	sdelay $0x3  }
0x513: {  	[tilespmem:s5+$0x9590] =	vst v3  }
0x514: {  	v3 =	vld.idx.msk [tilespmem:v41+s14+$0x0], $0xffff  }
0x515: {  	v42 =	vadd.s32 $0x7, v36;
	_ =	sdelay $0x3  }
0x516: {  	[tilespmem:s5+$0x9610] =	vst v3  }
0x517: {  	v3 =	vld.idx.msk [tilespmem:v42+s14+$0x0], $0xffff  }
0x518: {  	v43 =	vadd.s32 $0x8, v36;
	_ =	sdelay $0x2  }
0x519: {  	v44 =	vld [tilespmem:s5+$0x1A10]  }
0x51a: {  	[tilespmem:s5+$0x9690] =	vst v3  }
0x51b: {  	v3 =	vld.idx.msk [tilespmem:v43+s14+$0x0], $0xffff  }
0x51c: {  	v4 =	vadd.s32 $0x9, v36;
	_ =	sdelay $0x1  }
0x51d: {  	v45 =	vtrunc.f32 v44  }
0x51e: {  	v5 =	vcvt.f32.s32 v45  }
0x51f: {  	[tilespmem:s5+$0x9710] =	vst v3  }
0x520: {  	v46 =	vmul.u32 $0xA, v5;
	v3 =	vld.idx.msk [tilespmem:v4+s14+$0x0], $0xffff;
	_ =	sdelay $0x4  }
0x521: {  	[tilespmem:s5+$0x9790] =	vst v3  }
0x522: {  	v3 =	vld.idx.msk [tilespmem:v46+s14+$0x0], $0xffff  }
0x523: {  	v5 =	vor.u32 $0x1, v46;
	_ =	sdelay $0x3  }
0x524: {  	[tilespmem:s5+$0x9810] =	vst v3  }
0x525: {  	v3 =	vld.idx.msk [tilespmem:v5+s14+$0x0], $0xffff  }
0x526: {  	v47 =	vadd.s32 $0x2, v46;
	_ =	sdelay $0x3  }
0x527: {  	[tilespmem:s5+$0x9890] =	vst v3  }
0x528: {  	v3 =	vld.idx.msk [tilespmem:v47+s14+$0x0], $0xffff  }
0x529: {  	v48 =	vadd.s32 $0x3, v46;
	_ =	sdelay $0x3  }
0x52a: {  	[tilespmem:s5+$0x9910] =	vst v3  }
0x52b: {  	v3 =	vld.idx.msk [tilespmem:v48+s14+$0x0], $0xffff  }
0x52c: {  	v49 =	vadd.s32 $0x4, v46;
	_ =	sdelay $0x3  }
0x52d: {  	[tilespmem:s5+$0x9990] =	vst v3  }
0x52e: {  	v3 =	vld.idx.msk [tilespmem:v49+s14+$0x0], $0xffff  }
0x52f: {  	v50 =	vadd.s32 $0x5, v46;
	_ =	sdelay $0x3  }
0x530: {  	[tilespmem:s5+$0x9A10] =	vst v3  }
0x531: {  	v3 =	vld.idx.msk [tilespmem:v50+s14+$0x0], $0xffff  }
0x532: {  	v51 =	vadd.s32 $0x6, v46;
	_ =	sdelay $0x3  }
0x533: {  	[tilespmem:s5+$0x9A90] =	vst v3  }
0x534: {  	v3 =	vld.idx.msk [tilespmem:v51+s14+$0x0], $0xffff  }
0x535: {  	v52 =	vadd.s32 $0x7, v46;
	_ =	sdelay $0x3  }
0x536: {  	[tilespmem:s5+$0x9B10] =	vst v3  }
0x537: {  	v3 =	vld.idx.msk [tilespmem:v52+s14+$0x0], $0xffff  }
0x538: {  	v53 =	vadd.s32 $0x8, v46;
	_ =	sdelay $0x2  }
0x539: {  	v54 =	vld [tilespmem:s5+$0x1A90]  }
0x53a: {  	[tilespmem:s5+$0x9B90] =	vst v3  }
0x53b: {  	v3 =	vld.idx.msk [tilespmem:v53+s14+$0x0], $0xffff  }
0x53c: {  	v4 =	vadd.s32 $0x9, v46;
	_ =	sdelay $0x1  }
0x53d: {  	v55 =	vtrunc.f32 v54  }
0x53e: {  	v5 =	vcvt.f32.s32 v55  }
0x53f: {  	[tilespmem:s5+$0x9C10] =	vst v3  }
0x540: {  	v56 =	vmul.u32 $0xA, v5;
	v3 =	vld.idx.msk [tilespmem:v4+s14+$0x0], $0xffff;
	_ =	sdelay $0x4  }
0x541: {  	[tilespmem:s5+$0x9C90] =	vst v3  }
0x542: {  	v3 =	vld.idx.msk [tilespmem:v56+s14+$0x0], $0xffff  }
0x543: {  	v5 =	vor.u32 $0x1, v56;
	_ =	sdelay $0x3  }
0x544: {  	[tilespmem:s5+$0x9D10] =	vst v3  }
0x545: {  	v3 =	vld.idx.msk [tilespmem:v5+s14+$0x0], $0xffff  }
0x546: {  	v57 =	vadd.s32 $0x2, v56;
	_ =	sdelay $0x3  }
0x547: {  	[tilespmem:s5+$0x9D90] =	vst v3  }
0x548: {  	v3 =	vld.idx.msk [tilespmem:v57+s14+$0x0], $0xffff  }
0x549: {  	v58 =	vadd.s32 $0x3, v56;
	_ =	sdelay $0x3  }
0x54a: {  	[tilespmem:s5+$0x9E10] =	vst v3  }
0x54b: {  	v3 =	vld.idx.msk [tilespmem:v58+s14+$0x0], $0xffff  }
0x54c: {  	v59 =	vadd.s32 $0x4, v56;
	_ =	sdelay $0x3  }
0x54d: {  	[tilespmem:s5+$0x9E90] =	vst v3  }
0x54e: {  	v3 =	vld.idx.msk [tilespmem:v59+s14+$0x0], $0xffff  }
0x54f: {  	v60 =	vadd.s32 $0x5, v56;
	_ =	sdelay $0x3  }
0x550: {  	[tilespmem:s5+$0x9F10] =	vst v3  }
0x551: {  	v3 =	vld.idx.msk [tilespmem:v60+s14+$0x0], $0xffff  }
0x552: {  	v61 =	vadd.s32 $0x6, v56;
	_ =	sdelay $0x3  }
0x553: {  	[tilespmem:s5+$0x9F90] =	vst v3  }
0x554: {  	v3 =	vld.idx.msk [tilespmem:v61+s14+$0x0], $0xffff  }
0x555: {  	v62 =	vadd.s32 $0x7, v56;
	_ =	sdelay $0x3  }
0x556: {  	[tilespmem:s5+$0xA010] =	vst v3  }
0x557: {  	v3 =	vld.idx.msk [tilespmem:v62+s14+$0x0], $0xffff  }
0x558: {  	v63 =	vadd.s32 $0x8, v56;
	_ =	sdelay $0x3  }
0x559: {  	[tilespmem:s5+$0xA090] =	vst v3;
	v3 =	vld [tilespmem:s5+$0x1B10]  }
0x55a: {  	v5 =	vld.idx.msk [tilespmem:v63+s14+$0x0], $0xffff  }
0x55b: {  	v4 =	vadd.s32 $0x9, v56;
	_ =	sdelay $0x2  }
0x55c: {  	v3 =	vtrunc.f32 v3  }
0x55d: {  	[tilespmem:s5+$0xA110] =	vst v5;
	v3 =	vcvt.f32.s32 v3  }
0x55e: {  	v4 =	vld.idx.msk [tilespmem:v4+s14+$0x0], $0xffff  }
0x55f: {  	v3 =	vshll.u32 v3, $0x3;
	_ =	sdelay $0x3  }
0x560: {  	[tilespmem:s5+$0xA190] =	vst v4  }
0x561: {  	v4 =	vld.idx.msk [tilespmem:v3+s15+$0x0], $0xffff  }
0x562: {  	v8 =	vor.u32 $0x1, v3;
	_ =	sdelay $0x3  }
0x563: {  	[tilespmem:s5+$0xA210] =	vst v4  }
0x564: {  	v4 =	vld.idx.msk [tilespmem:v8+s15+$0x0], $0xffff  }
0x565: {  	v9 =	vor.u32 $0x2, v3;
	_ =	sdelay $0x3  }
0x566: {  	[tilespmem:s5+$0xA290] =	vst v4  }
0x567: {  	v4 =	vld.idx.msk [tilespmem:v9+s15+$0x0], $0xffff  }
0x568: {  	v10 =	vor.u32 $0x3, v3;
	_ =	sdelay $0x3  }
0x569: {  	v11 =	vor.u32 $0x6, v1;
	[tilespmem:s5+$0xA310] =	vst v4  }
0x56a: {  	v4 =	vld.idx.msk [tilespmem:v10+s15+$0x0], $0xffff  }
0x56b: {  	v12 =	vor.u32 $0x4, v3;
	_ =	sdelay $0x1  }
0x56c: {  	[tilespmem:s5+$0xA880] =	vst v2;
	v2 =	vld [tilespmem:s5+$0x1C00]  }
0x56d: {  	v6 =	vld.idx.msk [tilespmem:v11+s15+$0x0], $0xffff  }
0x56e: {  	v1 =	vor.u32 $0x7, v1;
	[tilespmem:s5+$0xA390] =	vst v4  }
0x56f: {  	v4 =	vld.idx.msk [tilespmem:v12+s15+$0x0], $0xffff  }
0x570: {  	v13 =	vor.u32 $0x5, v3  }
0x571: {  	v2 =	vtrunc.f32 v2  }
0x572: {  	v2 =	vcvt.f32.s32 v2;
	[tilespmem:s5+$0xA900] =	vst v6  }
0x573: {  	v1 =	vld.idx.msk [tilespmem:v1+s15+$0x0], $0xffff  }
0x574: {  	v2 =	vshll.u32 v2, $0x3;
	[tilespmem:s5+$0xA410] =	vst v4  }
0x575: {  	v4 =	vld.idx.msk [tilespmem:v13+s15+$0x0], $0xffff  }
0x576: {  	v14 =	vor.u32 $0x6, v3;
	_ =	sdelay $0x1  }
0x577: {  	[tilespmem:s5+$0xA980] =	vst v1  }
0x578: {  	v1 =	vld.idx.msk [tilespmem:v2+s15+$0x0], $0xffff  }
0x579: {  	v15 =	vor.u32 $0x1, v2;
	v16 =	vld [tilespmem:s5+$0x1B90];
	[tilespmem:s5+$0xA490] =	vst v4  }
0x57a: {  	v5 =	vld.idx.msk [tilespmem:v14+s15+$0x0], $0xffff  }
0x57b: {  	v3 =	vor.u32 $0x7, v3;
	_ =	sdelay $0x1  }
0x57c: {  	[tilespmem:s5+$0xAA00] =	vst v1  }
0x57d: {  	v1 =	vld.idx.msk [tilespmem:v15+s15+$0x0], $0xffff;
	v4 =	vtrunc.f32 v16  }
0x57e: {  	v17 =	vor.u32 $0x2, v2;
	v4 =	vcvt.f32.s32 v4;
	[tilespmem:s5+$0xA510] =	vst v5  }
0x57f: {  	v3 =	vld.idx.msk [tilespmem:v3+s15+$0x0], $0xffff  }
0x580: {  	v4 =	vshll.u32 v4, $0x3;
	_ =	sdelay $0x1  }
0x581: {  	[tilespmem:s5+$0xAA80] =	vst v1  }
0x582: {  	v1 =	vld.idx.msk [tilespmem:v17+s15+$0x0], $0xffff  }
0x583: {  	v18 =	vor.u32 $0x3, v2;
	[tilespmem:s5+$0xA590] =	vst v3  }
0x584: {  	v3 =	vld.idx.msk [tilespmem:v4+s15+$0x0], $0xffff  }
0x585: {  	v19 =	vor.u32 $0x1, v4;
	_ =	sdelay $0x1  }
0x586: {  	[tilespmem:s5+$0xAB00] =	vst v1  }
0x587: {  	v1 =	vld.idx.msk [tilespmem:v18+s15+$0x0], $0xffff  }
0x588: {  	v20 =	vor.u32 $0x4, v2;
	[tilespmem:s5+$0xA610] =	vst v3  }
0x589: {  	v3 =	vld.idx.msk [tilespmem:v19+s15+$0x0], $0xffff  }
0x58a: {  	v21 =	vor.u32 $0x2, v4;
	_ =	sdelay $0x1  }
0x58b: {  	[tilespmem:s5+$0xAB80] =	vst v1  }
0x58c: {  	v1 =	vld.idx.msk [tilespmem:v20+s15+$0x0], $0xffff  }
0x58d: {  	v22 =	vor.u32 $0x5, v2;
	[tilespmem:s5+$0xA690] =	vst v3  }
0x58e: {  	v3 =	vld.idx.msk [tilespmem:v21+s15+$0x0], $0xffff  }
0x58f: {  	v23 =	vor.u32 $0x3, v4;
	_ =	sdelay $0x1  }
0x590: {  	[tilespmem:s5+$0xAC00] =	vst v1  }
0x591: {  	v1 =	vld.idx.msk [tilespmem:v22+s15+$0x0], $0xffff  }
0x592: {  	v24 =	vor.u32 $0x6, v2;
	[tilespmem:s5+$0xA710] =	vst v3  }
0x593: {  	v3 =	vld.idx.msk [tilespmem:v23+s15+$0x0], $0xffff  }
0x594: {  	v25 =	vor.u32 $0x4, v4;
	_ =	sdelay $0x1  }
0x595: {  	[tilespmem:s5+$0xAC80] =	vst v1;
	v1 =	vld [tilespmem:s5+$0x1C80]  }
0x596: {  	v5 =	vld.idx.msk [tilespmem:v24+s15+$0x0], $0xffff  }
0x597: {  	v2 =	vor.u32 $0x7, v2;
	[tilespmem:s5+$0xA790] =	vst v3  }
0x598: {  	v3 =	vld.idx.msk [tilespmem:v25+s15+$0x0], $0xffff  }
0x599: {  	v26 =	vor.u32 $0x5, v4  }
0x59a: {  	v1 =	vtrunc.f32 v1  }
0x59b: {  	v1 =	vcvt.f32.s32 v1;
	[tilespmem:s5+$0xAD00] =	vst v5  }
0x59c: {  	v2 =	vld.idx.msk [tilespmem:v2+s15+$0x0], $0xffff  }
0x59d: {  	v1 =	vshll.u32 v1, $0x3;
	[tilespmem:s5+$0xA810] =	vst v3  }
0x59e: {  	v3 =	vld.idx.msk [tilespmem:v26+s15+$0x0], $0xffff  }
0x59f: {  	v27 =	vor.u32 $0x6, v4;
	_ =	sdelay $0x1  }
0x5a0: {  	[tilespmem:s5+$0xAD80] =	vst v2  }
0x5a1: {  	v2 =	vld.idx.msk [tilespmem:v1+s15+$0x0], $0xffff  }
0x5a2: {  	v28 =	vor.u32 $0x1, v1;
	[tilespmem:s5+$0xA890] =	vst v3;
	v3 =	vld [tilespmem:s5+$0x1C10]  }
0x5a3: {  	v5 =	vld.idx.msk [tilespmem:v27+s15+$0x0], $0xffff  }
0x5a4: {  	v4 =	vor.u32 $0x7, v4;
	_ =	sdelay $0x1  }
0x5a5: {  	[tilespmem:s5+$0xAE00] =	vst v2  }
0x5a6: {  	v2 =	vld.idx.msk [tilespmem:v28+s15+$0x0], $0xffff;
	v3 =	vtrunc.f32 v3  }
0x5a7: {  	v29 =	vor.u32 $0x2, v1;
	[tilespmem:s5+$0xA910] =	vst v5;
	v3 =	vcvt.f32.s32 v3  }
0x5a8: {  	v4 =	vld.idx.msk [tilespmem:v4+s15+$0x0], $0xffff  }
0x5a9: {  	v3 =	vshll.u32 v3, $0x3;
	_ =	sdelay $0x1  }
0x5aa: {  	[tilespmem:s5+$0xAE80] =	vst v2  }
0x5ab: {  	v2 =	vld.idx.msk [tilespmem:v29+s15+$0x0], $0xffff  }
0x5ac: {  	v30 =	vor.u32 $0x3, v1;
	[tilespmem:s5+$0xA990] =	vst v4  }
0x5ad: {  	v4 =	vld.idx.msk [tilespmem:v3+s15+$0x0], $0xffff  }
0x5ae: {  	v31 =	vor.u32 $0x1, v3;
	_ =	sdelay $0x1  }
0x5af: {  	[tilespmem:s5+$0xAF00] =	vst v2  }
0x5b0: {  	v2 =	vld.idx.msk [tilespmem:v30+s15+$0x0], $0xffff  }
0x5b1: {  	v32 =	vor.u32 $0x4, v1;
	[tilespmem:s5+$0xAA10] =	vst v4  }
0x5b2: {  	v4 =	vld.idx.msk [tilespmem:v31+s15+$0x0], $0xffff  }
0x5b3: {  	v33 =	vor.u32 $0x2, v3;
	_ =	sdelay $0x1  }
0x5b4: {  	[tilespmem:s5+$0xAF80] =	vst v2  }
0x5b5: {  	v2 =	vld.idx.msk [tilespmem:v32+s15+$0x0], $0xffff  }
0x5b6: {  	v34 =	vor.u32 $0x5, v1;
	[tilespmem:s5+$0xAA90] =	vst v4  }
0x5b7: {  	v4 =	vld.idx.msk [tilespmem:v33+s15+$0x0], $0xffff  }
0x5b8: {  	v35 =	vor.u32 $0x3, v3;
	_ =	sdelay $0x1  }
0x5b9: {  	[tilespmem:s5+$0xB000] =	vst v2  }
0x5ba: {  	v2 =	vld.idx.msk [tilespmem:v34+s15+$0x0], $0xffff  }
0x5bb: {  	v36 =	vor.u32 $0x6, v1;
	[tilespmem:s5+$0xAB10] =	vst v4  }
0x5bc: {  	v4 =	vld.idx.msk [tilespmem:v35+s15+$0x0], $0xffff  }
0x5bd: {  	v37 =	vor.u32 $0x4, v3;
	_ =	sdelay $0x1  }
0x5be: {  	[tilespmem:s5+$0xB080] =	vst v2;
	v2 =	vld [tilespmem:s5+$0x1D00]  }
0x5bf: {  	v5 =	vld.idx.msk [tilespmem:v36+s15+$0x0], $0xffff  }
0x5c0: {  	v1 =	vor.u32 $0x7, v1;
	[tilespmem:s5+$0xAB90] =	vst v4  }
0x5c1: {  	v4 =	vld.idx.msk [tilespmem:v37+s15+$0x0], $0xffff  }
0x5c2: {  	v38 =	vor.u32 $0x5, v3  }
0x5c3: {  	v2 =	vtrunc.f32 v2  }
0x5c4: {  	[tilespmem:s5+$0xB100] =	vst v5;
	v2 =	vcvt.f32.s32 v2  }
0x5c5: {  	v1 =	vld.idx.msk [tilespmem:v1+s15+$0x0], $0xffff  }
0x5c6: {  	v2 =	vshll.u32 v2, $0x3;
	[tilespmem:s5+$0xAC10] =	vst v4  }
0x5c7: {  	v4 =	vld.idx.msk [tilespmem:v38+s15+$0x0], $0xffff  }
0x5c8: {  	v39 =	vor.u32 $0x6, v3;
	_ =	sdelay $0x1  }
0x5c9: {  	[tilespmem:s5+$0xB180] =	vst v1  }
0x5ca: {  	v1 =	vld.idx.msk [tilespmem:v2+s15+$0x0], $0xffff  }
0x5cb: {  	v41 =	vld [tilespmem:s5+$0x1C90];
	v40 =	vor.u32 $0x1, v2;
	[tilespmem:s5+$0xAC90] =	vst v4  }
0x5cc: {  	v5 =	vld.idx.msk [tilespmem:v39+s15+$0x0], $0xffff  }
0x5cd: {  	v3 =	vor.u32 $0x7, v3;
	_ =	sdelay $0x1  }
0x5ce: {  	[tilespmem:s5+$0xB200] =	vst v1  }
0x5cf: {  	v1 =	vld.idx.msk [tilespmem:v40+s15+$0x0], $0xffff;
	v4 =	vtrunc.f32 v41  }
0x5d0: {  	v42 =	vor.u32 $0x2, v2;
	v4 =	vcvt.f32.s32 v4;
	[tilespmem:s5+$0xAD10] =	vst v5  }
0x5d1: {  	v3 =	vld.idx.msk [tilespmem:v3+s15+$0x0], $0xffff  }
0x5d2: {  	v4 =	vshll.u32 v4, $0x3;
	_ =	sdelay $0x1  }
0x5d3: {  	[tilespmem:s5+$0xB280] =	vst v1  }
0x5d4: {  	v1 =	vld.idx.msk [tilespmem:v42+s15+$0x0], $0xffff  }
0x5d5: {  	v43 =	vor.u32 $0x3, v2;
	[tilespmem:s5+$0xAD90] =	vst v3  }
0x5d6: {  	v3 =	vld.idx.msk [tilespmem:v4+s15+$0x0], $0xffff  }
0x5d7: {  	v44 =	vor.u32 $0x1, v4;
	_ =	sdelay $0x1  }
0x5d8: {  	[tilespmem:s5+$0xB300] =	vst v1  }
0x5d9: {  	v1 =	vld.idx.msk [tilespmem:v43+s15+$0x0], $0xffff  }
0x5da: {  	v45 =	vor.u32 $0x4, v2;
	[tilespmem:s5+$0xAE10] =	vst v3  }
0x5db: {  	v3 =	vld.idx.msk [tilespmem:v44+s15+$0x0], $0xffff  }
0x5dc: {  	v46 =	vor.u32 $0x2, v4;
	_ =	sdelay $0x1  }
0x5dd: {  	[tilespmem:s5+$0xB380] =	vst v1  }
0x5de: {  	v1 =	vld.idx.msk [tilespmem:v45+s15+$0x0], $0xffff  }
0x5df: {  	v47 =	vor.u32 $0x5, v2;
	[tilespmem:s5+$0xAE90] =	vst v3  }
0x5e0: {  	v3 =	vld.idx.msk [tilespmem:v46+s15+$0x0], $0xffff  }
0x5e1: {  	v48 =	vor.u32 $0x3, v4;
	_ =	sdelay $0x1  }
0x5e2: {  	[tilespmem:s5+$0xB400] =	vst v1  }
0x5e3: {  	v1 =	vld.idx.msk [tilespmem:v47+s15+$0x0], $0xffff  }
0x5e4: {  	v49 =	vor.u32 $0x6, v2;
	[tilespmem:s5+$0xAF10] =	vst v3  }
0x5e5: {  	v3 =	vld.idx.msk [tilespmem:v48+s15+$0x0], $0xffff  }
0x5e6: {  	v50 =	vor.u32 $0x4, v4;
	_ =	sdelay $0x1  }
0x5e7: {  	[tilespmem:s5+$0xB480] =	vst v1;
	v1 =	vld [tilespmem:s5+$0x1D80]  }
0x5e8: {  	v5 =	vld.idx.msk [tilespmem:v49+s15+$0x0], $0xffff  }
0x5e9: {  	v2 =	vor.u32 $0x7, v2;
	[tilespmem:s5+$0xAF90] =	vst v3  }
0x5ea: {  	v3 =	vld.idx.msk [tilespmem:v50+s15+$0x0], $0xffff  }
0x5eb: {  	v51 =	vor.u32 $0x5, v4  }
0x5ec: {  	v1 =	vtrunc.f32 v1  }
0x5ed: {  	[tilespmem:s5+$0xB500] =	vst v5;
	v1 =	vcvt.f32.s32 v1  }
0x5ee: {  	v2 =	vld.idx.msk [tilespmem:v2+s15+$0x0], $0xffff  }
0x5ef: {  	v1 =	vshll.u32 v1, $0x3;
	[tilespmem:s5+$0xB010] =	vst v3  }
0x5f0: {  	v3 =	vld.idx.msk [tilespmem:v51+s15+$0x0], $0xffff  }
0x5f1: {  	v52 =	vor.u32 $0x6, v4;
	_ =	sdelay $0x1  }
0x5f2: {  	[tilespmem:s5+$0xB580] =	vst v2  }
0x5f3: {  	v2 =	vld.idx.msk [tilespmem:v1+s15+$0x0], $0xffff  }
0x5f4: {  	v53 =	vor.u32 $0x1, v1;
	[tilespmem:s5+$0xB090] =	vst v3;
	v3 =	vld [tilespmem:s5+$0x1D10]  }
0x5f5: {  	v5 =	vld.idx.msk [tilespmem:v52+s15+$0x0], $0xffff  }
0x5f6: {  	v4 =	vor.u32 $0x7, v4;
	_ =	sdelay $0x1  }
0x5f7: {  	[tilespmem:s5+$0xB600] =	vst v2  }
0x5f8: {  	v2 =	vld.idx.msk [tilespmem:v53+s15+$0x0], $0xffff;
	v3 =	vtrunc.f32 v3  }
0x5f9: {  	v54 =	vor.u32 $0x2, v1;
	[tilespmem:s5+$0xB110] =	vst v5;
	v3 =	vcvt.f32.s32 v3  }
0x5fa: {  	v4 =	vld.idx.msk [tilespmem:v4+s15+$0x0], $0xffff  }
0x5fb: {  	v3 =	vshll.u32 v3, $0x3;
	_ =	sdelay $0x1  }
0x5fc: {  	[tilespmem:s5+$0xB680] =	vst v2  }
0x5fd: {  	v2 =	vld.idx.msk [tilespmem:v54+s15+$0x0], $0xffff  }
0x5fe: {  	v55 =	vor.u32 $0x3, v1;
	[tilespmem:s5+$0xB190] =	vst v4  }
0x5ff: {  	v4 =	vld.idx.msk [tilespmem:v3+s15+$0x0], $0xffff  }
0x600: {  	v56 =	vor.u32 $0x1, v3;
	_ =	sdelay $0x1  }
0x601: {  	[tilespmem:s5+$0xB700] =	vst v2  }
0x602: {  	v2 =	vld.idx.msk [tilespmem:v55+s15+$0x0], $0xffff  }
0x603: {  	v57 =	vor.u32 $0x4, v1;
	[tilespmem:s5+$0xB210] =	vst v4  }
0x604: {  	v4 =	vld.idx.msk [tilespmem:v56+s15+$0x0], $0xffff  }
0x605: {  	v58 =	vor.u32 $0x2, v3;
	_ =	sdelay $0x1  }
0x606: {  	[tilespmem:s5+$0xB780] =	vst v2  }
0x607: {  	v2 =	vld.idx.msk [tilespmem:v57+s15+$0x0], $0xffff  }
0x608: {  	v59 =	vor.u32 $0x5, v1;
	[tilespmem:s5+$0xB290] =	vst v4  }
0x609: {  	v4 =	vld.idx.msk [tilespmem:v58+s15+$0x0], $0xffff  }
0x60a: {  	v60 =	vor.u32 $0x3, v3;
	_ =	sdelay $0x1  }
0x60b: {  	[tilespmem:s5+$0xB800] =	vst v2  }
0x60c: {  	v2 =	vld.idx.msk [tilespmem:v59+s15+$0x0], $0xffff  }
0x60d: {  	v61 =	vor.u32 $0x6, v1;
	[tilespmem:s5+$0xB310] =	vst v4  }
0x60e: {  	v4 =	vld.idx.msk [tilespmem:v60+s15+$0x0], $0xffff  }
0x60f: {  	v62 =	vor.u32 $0x4, v3;
	_ =	sdelay $0x1  }
0x610: {  	[tilespmem:s5+$0xB880] =	vst v2;
	v2 =	vld [tilespmem:s5+$0x1E00]  }
0x611: {  	v5 =	vld.idx.msk [tilespmem:v61+s15+$0x0], $0xffff  }
0x612: {  	v1 =	vor.u32 $0x7, v1;
	[tilespmem:s5+$0xB390] =	vst v4  }
0x613: {  	v4 =	vld.idx.msk [tilespmem:v62+s15+$0x0], $0xffff  }
0x614: {  	v63 =	vor.u32 $0x5, v3  }
0x615: {  	v2 =	vtrunc.f32 v2  }
0x616: {  	[tilespmem:s5+$0xB900] =	vst v5;
	v2 =	vcvt.f32.s32 v2  }
0x617: {  	v1 =	vld.idx.msk [tilespmem:v1+s15+$0x0], $0xffff  }
0x618: {  	v2 =	vshll.u32 v2, $0x3;
	[tilespmem:s5+$0xB410] =	vst v4  }
0x619: {  	v4 =	vld.idx.msk [tilespmem:v63+s15+$0x0], $0xffff  }
0x61a: {  	v9 =	vor.u32 $0x6, v3;
	_ =	sdelay $0x1  }
0x61b: {  	[tilespmem:s5+$0xB980] =	vst v1  }
0x61c: {  	v1 =	vld.idx.msk [tilespmem:v2+s15+$0x0], $0xffff  }
0x61d: {  	v11 =	vld [tilespmem:s5+$0x1D90];
	v10 =	vor.u32 $0x1, v2;
	[tilespmem:s5+$0xB490] =	vst v4  }
0x61e: {  	v5 =	vld.idx.msk [tilespmem:v9+s15+$0x0], $0xffff  }
0x61f: {  	v3 =	vor.u32 $0x7, v3;
	_ =	sdelay $0x1  }
0x620: {  	[tilespmem:s5+$0xBA00] =	vst v1  }
0x621: {  	v1 =	vld.idx.msk [tilespmem:v10+s15+$0x0], $0xffff;
	v4 =	vtrunc.f32 v11  }
0x622: {  	v12 =	vor.u32 $0x2, v2;
	v4 =	vcvt.f32.s32 v4;
	[tilespmem:s5+$0xB510] =	vst v5  }
0x623: {  	v3 =	vld.idx.msk [tilespmem:v3+s15+$0x0], $0xffff  }
0x624: {  	v4 =	vshll.u32 v4, $0x3;
	_ =	sdelay $0x1  }
0x625: {  	[tilespmem:s5+$0xBA80] =	vst v1  }
0x626: {  	v1 =	vld.idx.msk [tilespmem:v12+s15+$0x0], $0xffff  }
0x627: {  	v13 =	vor.u32 $0x3, v2;
	[tilespmem:s5+$0xB590] =	vst v3  }
0x628: {  	v3 =	vld.idx.msk [tilespmem:v4+s15+$0x0], $0xffff  }
0x629: {  	v14 =	vor.u32 $0x1, v4;
	_ =	sdelay $0x1  }
0x62a: {  	[tilespmem:s5+$0xBB00] =	vst v1  }
0x62b: {  	v1 =	vld.idx.msk [tilespmem:v13+s15+$0x0], $0xffff  }
0x62c: {  	v15 =	vor.u32 $0x4, v2;
	[tilespmem:s5+$0xB610] =	vst v3  }
0x62d: {  	v3 =	vld.idx.msk [tilespmem:v14+s15+$0x0], $0xffff  }
0x62e: {  	v16 =	vor.u32 $0x2, v4;
	_ =	sdelay $0x1  }
0x62f: {  	[tilespmem:s5+$0xBB80] =	vst v1  }
0x630: {  	v1 =	vld.idx.msk [tilespmem:v15+s15+$0x0], $0xffff  }
0x631: {  	v17 =	vor.u32 $0x5, v2;
	[tilespmem:s5+$0xB690] =	vst v3  }
0x632: {  	v3 =	vld.idx.msk [tilespmem:v16+s15+$0x0], $0xffff  }
0x633: {  	v18 =	vor.u32 $0x3, v4;
	_ =	sdelay $0x1  }
0x634: {  	[tilespmem:s5+$0xBC00] =	vst v1  }
0x635: {  	v1 =	vld.idx.msk [tilespmem:v17+s15+$0x0], $0xffff  }
0x636: {  	v19 =	vor.u32 $0x6, v2;
	[tilespmem:s5+$0xB710] =	vst v3  }
0x637: {  	v3 =	vld.idx.msk [tilespmem:v18+s15+$0x0], $0xffff  }
0x638: {  	v20 =	vor.u32 $0x4, v4;
	_ =	sdelay $0x1  }
0x639: {  	[tilespmem:s5+$0xBC80] =	vst v1  }
0x63a: {  	v1 =	vld.idx.msk [tilespmem:v19+s15+$0x0], $0xffff  }
0x63b: {  	v2 =	vor.u32 $0x7, v2;
	[tilespmem:s5+$0xB790] =	vst v3  }
0x63c: {  	v3 =	vld.idx.msk [tilespmem:v20+s15+$0x0], $0xffff  }
0x63d: {  	v21 =	vor.u32 $0x5, v4;
	_ =	sdelay $0x1  }
0x63e: {  	[tilespmem:s5+$0xBD00] =	vst v1  }
0x63f: {  	v1 =	vld.idx.msk [tilespmem:v2+s15+$0x0], $0xffff  }
0x640: {  	v2 =	vld [tilespmem:s5+$0x1880];
	[tilespmem:s5+$0xB810] =	vst v3  }
0x641: {  	v3 =	vld.idx.msk [tilespmem:v21+s15+$0x0], $0xffff  }
0x642: {  	v22 =	vor.u32 $0x6, v4;
	_ =	sdelay $0x1  }
0x643: {  	v23 =	vld [tilespmem:s5+$0x1900]  }
0x644: {  	[tilespmem:s5+$0xBD80] =	vst v1;
	vm0 =	veq.f32 v2, $0.0e+00  }
0x645: {  	vm15 =	veq.f32 v2, $1.000000000e+00;
	v1 =	vsel vm0, $0x3F800000, v0;
	[tilespmem:s5+$0xB890] =	vst v3;
	v3 =	vld [tilespmem:s5+$0x1E10]  }
0x646: {  	vm4 =	veq.f32 v2, $2.000000000e+00;
	[tilespmem:s5+$0xBE00] =	vst v1;
	v1 =	vsel vm15, $0x3F800000, v0;
	v5 =	vld.idx.msk [tilespmem:v22+s15+$0x0], $0xffff  }
0x647: {  	vm5 =	veq.f32 v2, $3.000000000e+00;
	v2 =	vor.u32 $0x7, v4;
	[tilespmem:s5+$0xBE80] =	vst v1;
	v1 =	vsel vm4, $0x3F800000, v0  }
0x648: {  	vm6 =	veq.f32 v23, $0.0e+00;
	[tilespmem:s5+$0xBF00] =	vst v1;
	v1 =	vsel vm5, $0x3F800000, v0  }
0x649: {  	[tilespmem:s5+$0xBF80] =	vst v1;
	v1 =	vsel vm6, $0x3F800000, v0  }
0x64a: {  	vm7 =	veq.f32 v23, $1.000000000e+00;
	[tilespmem:s5+$0xC000] =	vst v1;
	v1 =	vtrunc.f32 v3  }
0x64b: {  	vm8 =	veq.f32 v23, $2.000000000e+00;
	v3 =	vsel vm7, $0x3F800000, v0;
	[tilespmem:s5+$0xB910] =	vst v5;
	v1 =	vcvt.f32.s32 v1  }
0x64c: {  	vm9 =	veq.f32 v23, $3.000000000e+00;
	[tilespmem:s5+$0xC080] =	vst v3;
	v3 =	vsel vm8, $0x3F800000, v0;
	v2 =	vld.idx.msk [tilespmem:v2+s15+$0x0], $0xffff  }
0x64d: {  	vm10 =	veq.f32 v23, $4.000000000e+00;
	[tilespmem:s5+$0xC100] =	vst v3;
	v3 =	vsel vm9, $0x3F800000, v0;
	v1 =	vshll.u32 v1, $0x3  }
0x64e: {  	vm11 =	veq.f32 v23, $5.000000000e+00;
	[tilespmem:s5+$0xC180] =	vst v3;
	v3 =	vsel vm10, $0x3F800000, v0  }
0x64f: {  	[tilespmem:s5+$0xC200] =	vst v3;
	v3 =	vsel vm11, $0x3F800000, v0  }
0x650: {  	vm12 =	veq.f32 v23, $6.000000000e+00;
	[tilespmem:s5+$0xC280] =	vst v3  }
0x651: {  	vm13 =	veq.f32 v23, $7.000000000e+00;
	v3 =	vsel vm12, $0x3F800000, v0;
	[tilespmem:s5+$0xB990] =	vst v2  }
0x652: {  	vm14 =	veq.f32 v23, $8.000000000e+00;
	[tilespmem:s5+$0xC300] =	vst v3;
	v2 =	vsel vm13, $0x3F800000, v0;
	v3 =	vld.idx.msk [tilespmem:v1+s15+$0x0], $0xffff  }
0x653: {  	v7 =	vld [tilespmem:s5+$0x1F00];
	vm15 =	veq.f32 v23, $9.000000000e+00;
	v24 =	vor.u32 $0x1, v1;
	[tilespmem:s5+$0xC380] =	vst v2;
	v2 =	vsel vm14, $0x3F800000, v0  }
0x654: {  	vm4 =	veq.f32 v23, $1.000000000e+01;
	[tilespmem:s5+$0xC400] =	vst v2;
	v2 =	vsel vm15, $0x3F800000, v0  }
0x655: {  	[tilespmem:s5+$0xC480] =	vst v2;
	v2 =	vsel vm4, $0x3F800000, v0  }
0x656: {  	[tilespmem:s5+$0xC500] =	vst v2;
	v2 =	vld [tilespmem:s5+$0x1E80]  }
0x657: {  	vm6 =	veq.f32 v23, $1.200000000e+01;
	[tilespmem:s5+$0xBA10] =	vst v3  }
0x658: {  	[tilespmem:s5+$0xC800] =	vst v7;
	vm7 =	veq.f32 v23, $1.300000000e+01;
	v3 =	vsel vm6, $0x3F800000, v0;
	v4 =	vld.idx.msk [tilespmem:v24+s15+$0x0], $0xffff  }
0x659: {  	v26 =	vld [tilespmem:s5+$0x1F80];
	v27 =	vor.u32 $0x2, v1;
	[tilespmem:s5+$0xC600] =	vst v3;
	v3 =	vsel vm7, $0x3F800000, v0  }
0x65a: {  	v8 =	vld [tilespmem:s5+$0x2000];
	vm8 =	veq.f32 v23, $1.400000000e+01;
	[tilespmem:s5+$0xC680] =	vst v3  }
0x65b: {  	v3 =	vsel vm8, $0x3F800000, v0;
	[tilespmem:s5+$0xC780] =	vst v2;
	v2 =	vld [tilespmem:s5+$0x2100]  }
0x65c: {  	v28 =	vld [tilespmem:s5+$0x2180];
	[tilespmem:s5+$0xC700] =	vst v3  }
0x65d: {  	v3 =	vld [tilespmem:s5+$0x2080];
	[tilespmem:s5+$0xBA90] =	vst v4  }
0x65e: {  	[tilespmem:s5+$0xC880] =	vst v26;
	v6 =	vld.idx.msk [tilespmem:v27+s15+$0x0], $0xffff  }
0x65f: {  	v29 =	vld [tilespmem:s5+$0x2200];
	[tilespmem:s5+$0xC900] =	vst v8;
	v30 =	vor.u32 $0x3, v1  }
0x660: {  	[tilespmem:s5+$0xCA00] =	vst v2;
	v2 =	vld [tilespmem:s5+$0x2380]  }
0x661: {  	v31 =	vld [tilespmem:s5+$0x2280];
	[tilespmem:s5+$0xCA80] =	vst v28  }
0x662: {  	v32 =	vld [tilespmem:s5+$0x2400];
	[tilespmem:s5+$0xC980] =	vst v3  }
0x663: {  	v3 =	vld [tilespmem:s5+$0x2300];
	[tilespmem:s5+$0xBB10] =	vst v6  }
0x664: {  	[tilespmem:s5+$0xCB00] =	vst v29;
	v33 =	vld.idx.msk [tilespmem:v30+s15+$0x0], $0xffff  }
0x665: {  	[tilespmem:s5+$0xCC80] =	vst v2;
	v2 =	vld [tilespmem:s5+$0x2600]  }
0x666: {  	v34 =	vld [tilespmem:s5+$0x2480];
	[tilespmem:s5+$0xCB80] =	vst v31;
	v35 =	vor.u32 $0x4, v1  }
0x667: {  	v36 =	vld [tilespmem:s5+$0x2500];
	[tilespmem:s5+$0xCD00] =	vst v32  }
0x668: {  	v37 =	vld [tilespmem:s5+$0x2680];
	[tilespmem:s5+$0xCC00] =	vst v3  }
0x669: {  	v3 =	vld [tilespmem:s5+$0x2580];
	[tilespmem:s5+$0xBB90] =	vst v33  }
0x66a: {  	[tilespmem:s5+$0xCF00] =	vst v2;
	v2 =	vld [tilespmem:s5+$0x2880]  }
0x66b: {  	[tilespmem:s5+$0xCD80] =	vst v34;
	v38 =	vld.idx.msk [tilespmem:v35+s15+$0x0], $0xffff  }
0x66c: {  	v39 =	vld [tilespmem:s5+$0x2700];
	[tilespmem:s5+$0xCE00] =	vst v36;
	v40 =	vor.u32 $0x5, v1  }
0x66d: {  	v41 =	vld [tilespmem:s5+$0x2780];
	[tilespmem:s5+$0xCF80] =	vst v37  }
0x66e: {  	v42 =	vld [tilespmem:s5+$0x2900];
	[tilespmem:s5+$0xCE80] =	vst v3  }
0x66f: {  	v3 =	vld [tilespmem:s5+$0x2800];
	[tilespmem:s5+$0xD180] =	vst v2  }
0x670: {  	v2 =	vld [tilespmem:s5+$0x2B00];
	[tilespmem:s5+$0xBC10] =	vst v38  }
0x671: {  	[tilespmem:s5+$0xD000] =	vst v39;
	v43 =	vld.idx.msk [tilespmem:v40+s15+$0x0], $0xffff  }
0x672: {  	v44 =	vld [tilespmem:s5+$0x2980];
	[tilespmem:s5+$0xD080] =	vst v41;
	v45 =	vor.u32 $0x6, v1  }
0x673: {  	v46 =	vld [tilespmem:s5+$0x2A00];
	[tilespmem:s5+$0xD200] =	vst v42  }
0x674: {  	v47 =	vld [tilespmem:s5+$0x2B80];
	[tilespmem:s5+$0xD100] =	vst v3  }
0x675: {  	v3 =	vld [tilespmem:s5+$0x2A80];
	[tilespmem:s5+$0xD400] =	vst v2  }
0x676: {  	v2 =	vld [tilespmem:s5+$0x2D80];
	[tilespmem:s5+$0xBC90] =	vst v43  }
0x677: {  	[tilespmem:s5+$0xD280] =	vst v44;
	v48 =	vld.idx.msk [tilespmem:v45+s15+$0x0], $0xffff  }
0x678: {  	v49 =	vld [tilespmem:s5+$0x2C00];
	[tilespmem:s5+$0xD300] =	vst v46;
	v1 =	vor.u32 $0x7, v1  }
0x679: {  	v50 =	vld [tilespmem:s5+$0x2C80];
	[tilespmem:s5+$0xD480] =	vst v47  }
0x67a: {  	v51 =	vld [tilespmem:s5+$0x1890];
	[tilespmem:s5+$0xD380] =	vst v3  }
0x67b: {  	v3 =	vld [tilespmem:s5+$0x2D00];
	[tilespmem:s5+$0xD680] =	vst v2  }
0x67c: {  	v2 =	vld [tilespmem:s5+$0x1E90];
	[tilespmem:s5+$0xBD10] =	vst v48  }
0x67d: {  	[tilespmem:s5+$0xD500] =	vst v49;
	vm5 =	veq.f32 v23, $1.100000000e+01;
	v1 =	vld.idx.msk [tilespmem:v1+s15+$0x0], $0xffff  }
0x67e: {  	[tilespmem:s5+$0xD580] =	vst v50;
	v25 =	vsel vm5, $0x3F800000, v0  }
0x67f: {  	[tilespmem:s5+$0xC580] =	vst v25  }
0x680: {  	[tilespmem:s5+$0xD600] =	vst v3;
	v3 =	vld [tilespmem:s5+$0x1910]  }
0x681: {  	vm9 =	veq.f32 v51, $0.0e+00;
	[tilespmem:s5+$0xC790] =	vst v2  }
0x682: {  	vm10 =	veq.f32 v51, $1.000000000e+00;
	[tilespmem:s5+$0xBD90] =	vst v1;
	v1 =	vsel vm9, $0x3F800000, v0  }
0x683: {  	vm11 =	veq.f32 v51, $2.000000000e+00;
	[tilespmem:s5+$0xBE10] =	vst v1;
	v1 =	vsel vm10, $0x3F800000, v0  }
0x684: {  	vm12 =	veq.f32 v51, $3.000000000e+00;
	[tilespmem:s5+$0xBE90] =	vst v1;
	v1 =	vsel vm11, $0x3F800000, v0  }
0x685: {  	vm13 =	veq.f32 v3, $0.0e+00;
	[tilespmem:s5+$0xBF10] =	vst v1;
	v1 =	vsel vm12, $0x3F800000, v0  }
0x686: {  	vm14 =	veq.f32 v3, $1.000000000e+00;
	[tilespmem:s5+$0xBF90] =	vst v1;
	v1 =	vsel vm13, $0x3F800000, v0  }
0x687: {  	vm15 =	veq.f32 v3, $2.000000000e+00;
	[tilespmem:s5+$0xC010] =	vst v1;
	v1 =	vsel vm14, $0x3F800000, v0  }
0x688: {  	vm4 =	veq.f32 v3, $3.000000000e+00;
	[tilespmem:s5+$0xC090] =	vst v1;
	v1 =	vsel vm15, $0x3F800000, v0  }
0x689: {  	vm5 =	veq.f32 v3, $4.000000000e+00;
	[tilespmem:s5+$0xC110] =	vst v1;
	v1 =	vsel vm4, $0x3F800000, v0  }
0x68a: {  	vm6 =	veq.f32 v3, $5.000000000e+00;
	[tilespmem:s5+$0xC190] =	vst v1;
	v1 =	vsel vm5, $0x3F800000, v0  }
0x68b: {  	vm7 =	veq.f32 v3, $6.000000000e+00;
	[tilespmem:s5+$0xC210] =	vst v1;
	v1 =	vsel vm6, $0x3F800000, v0  }
0x68c: {  	vm8 =	veq.f32 v3, $7.000000000e+00;
	[tilespmem:s5+$0xC290] =	vst v1;
	v1 =	vsel vm7, $0x3F800000, v0  }
0x68d: {  	vm9 =	veq.f32 v3, $8.000000000e+00;
	[tilespmem:s5+$0xC310] =	vst v1;
	v1 =	vsel vm8, $0x3F800000, v0  }
0x68e: {  	vm10 =	veq.f32 v3, $9.000000000e+00;
	[tilespmem:s5+$0xC390] =	vst v1;
	v1 =	vsel vm9, $0x3F800000, v0  }
0x68f: {  	vm11 =	veq.f32 v3, $1.000000000e+01;
	[tilespmem:s5+$0xC410] =	vst v1;
	v1 =	vsel vm10, $0x3F800000, v0  }
0x690: {  	vm12 =	veq.f32 v3, $1.100000000e+01;
	[tilespmem:s5+$0xC490] =	vst v1;
	v1 =	vsel vm11, $0x3F800000, v0  }
0x691: {  	v52 =	vld [tilespmem:s5+$0x1F10];
	vm13 =	veq.f32 v3, $1.200000000e+01;
	[tilespmem:s5+$0xC510] =	vst v1;
	v1 =	vsel vm12, $0x3F800000, v0  }
0x692: {  	v53 =	vld [tilespmem:s5+$0x2010];
	vm14 =	veq.f32 v3, $1.300000000e+01;
	[tilespmem:s5+$0xC590] =	vst v1;
	v1 =	vsel vm13, $0x3F800000, v0  }
0x693: {  	v2 =	vld [tilespmem:s5+$0x2110];
	vm15 =	veq.f32 v3, $1.400000000e+01;
	[tilespmem:s5+$0xC610] =	vst v1;
	v1 =	vsel vm14, $0x3F800000, v0  }
0x694: {  	v3 =	vld [tilespmem:s5+$0x1F90];
	[tilespmem:s5+$0xC690] =	vst v1;
	v1 =	vsel vm15, $0x3F800000, v0  }
0x695: {  	[tilespmem:s5+$0xC710] =	vst v1;
	v1 =	vld [tilespmem:s5+$0x2090]  }
0x696: {  	v54 =	vld [tilespmem:s5+$0x2190];
	[tilespmem:s5+$0xC810] =	vst v52  }
0x697: {  	v55 =	vld [tilespmem:s5+$0x2290];
	[tilespmem:s5+$0xC910] =	vst v53  }
0x698: {  	[tilespmem:s5+$0xCA10] =	vst v2;
	v2 =	vld [tilespmem:s5+$0x2390]  }
0x699: {  	[tilespmem:s5+$0xC890] =	vst v3;
	v3 =	vld [tilespmem:s5+$0x2210]  }
0x69a: {  	[tilespmem:s5+$0xC990] =	vst v1;
	v1 =	vld [tilespmem:s5+$0x2310]  }
0x69b: {  	v56 =	vld [tilespmem:s5+$0x2410];
	[tilespmem:s5+$0xCA90] =	vst v54  }
0x69c: {  	v57 =	vld [tilespmem:s5+$0x2510];
	[tilespmem:s5+$0xCB90] =	vst v55  }
0x69d: {  	[tilespmem:s5+$0xCC90] =	vst v2;
	v2 =	vld [tilespmem:s5+$0x2610]  }
0x69e: {  	[tilespmem:s5+$0xCB10] =	vst v3;
	v3 =	vld [tilespmem:s5+$0x2490]  }
0x69f: {  	[tilespmem:s5+$0xCC10] =	vst v1;
	v1 =	vld [tilespmem:s5+$0x2590]  }
0x6a0: {  	v58 =	vld [tilespmem:s5+$0x2690];
	[tilespmem:s5+$0xCD10] =	vst v56  }
0x6a1: {  	v59 =	vld [tilespmem:s5+$0x2790];
	[tilespmem:s5+$0xCE10] =	vst v57  }
0x6a2: {  	[tilespmem:s5+$0xCF10] =	vst v2;
	v2 =	vld [tilespmem:s5+$0x2890]  }
0x6a3: {  	[tilespmem:s5+$0xCD90] =	vst v3;
	v3 =	vld [tilespmem:s5+$0x2710]  }
0x6a4: {  	[tilespmem:s5+$0xCE90] =	vst v1;
	v1 =	vld [tilespmem:s5+$0x2810]  }
0x6a5: {  	v60 =	vld [tilespmem:s5+$0x2910];
	[tilespmem:s5+$0xCF90] =	vst v58  }
0x6a6: {  	v61 =	vld [tilespmem:s5+$0x2A10];
	[tilespmem:s5+$0xD090] =	vst v59  }
0x6a7: {  	[tilespmem:s5+$0xD190] =	vst v2;
	v2 =	vld [tilespmem:s5+$0x2B10]  }
0x6a8: {  	[tilespmem:s5+$0xD010] =	vst v3;
	v3 =	vld [tilespmem:s5+$0x2990]  }
0x6a9: {  	[tilespmem:s5+$0xD110] =	vst v1;
	v1 =	vld [tilespmem:s5+$0x2A90]  }
0x6aa: {  	v62 =	vld [tilespmem:s5+$0x2B90];
	[tilespmem:s5+$0xD210] =	vst v60  }
0x6ab: {  	v63 =	vld [tilespmem:s5+$0x2C90];
	[tilespmem:s5+$0xD310] =	vst v61  }
0x6ac: {  	[tilespmem:s5+$0xD410] =	vst v2;
	v2 =	vld [tilespmem:s5+$0x2D90]  }
0x6ad: {  	[tilespmem:s5+$0xD290] =	vst v3;
	v3 =	vld [tilespmem:s5+$0x2C10]  }
0x6ae: {  	p0 =	slt.u32 s4, $0x6;
	[tilespmem:s5+$0xD390] =	vst v1;
	v1 =	vld [tilespmem:s5+$0x2D10]  }
.Ltmp4:
0x6af: {  	[tilespmem:s5+$0xD490] =	vst v62;
	(pc) =	sbr.rel @p0 .LBB2_9-.Ltmp4, $4  }
0x6b0: {  	[tilespmem:s5+$0xD590] =	vst v63  }
0x6b1: {  	[tilespmem:s5+$0xD690] =	vst v2  }
0x6b2: {  	[tilespmem:s5+$0xD510] =	vst v3  }
0x6b3: {  	s4 =	sadd.s32 $0x2, s4;
	[tilespmem:s5+$0xD610] =	vst v1  }
0x6b4: {  	s0 =	smul.u32 $0xA8000, s0  }
0x6b5: {  	s31 =	sadd.s32 $0x1, s31  }
0x6b6: {  	p0 =	sne.s32 s31, $0x19;
	s0 =	sor.u32 s7, s0  }
.Ltmp5:
0x6b7: {  	s0 =	sshrl.u32 s0, $0x3;
	(pc) =	sbr.rel @p0 .LBB2_2-.Ltmp5, $4  }
0x6b8: {  	s0 =	sadd.s32 s2, s0  }
0x6b9: {  	[hbm4b:s0+s16] =	stream.strided.scatter [tilespmem:s26], [sflag:$0x4], $0x5000, s17, s16, $0x38;
	[tilespmem:$0xE300] =	vst v63  }
0x6ba: {  	s0 =	sadd.s32 $0x14000, s0  }
0x6bb: {  	[hbm4b:s0+s3] =	stream.linear.scatter [tilespmem:s28], [sflag:$0x4], $0x300, $0x38;
	[tilespmem:$0xE300] =	vst v63  }
0x6bc: {  	s30 =	sadd.s32 $0x1, s30  }
0x6bd: {  	_ =	swait.ge [sflag:s29], $0x5300;
	p0 =	sne.s32 s30, s11  }
.Ltmp6:
0x6be: {  	[sflag:s29] =	ssyncset.done $0x0;
	(pc) =	sbr.rel @p0 .LBB2_1-.Ltmp6, $4  }
0x6bf: {  	[sflag:s29] =	ssyncadd.s32 $0xFFFFAD00  }
0x6c0: {  	_ =	swait.ge [sflag:s25], $0x5300  }
0x6c1: {  	[sflag:s25] =	ssyncset.done $0x0  }
0x6c2: {  	[sflag:s25] =	ssyncadd.s32 $0xFFFFAD00  }
0x6c3: {  	_ =	sfence.sel $0x180000  }
0x6c4: {  	[bflag:$0x0] =	sbarrier.arrive $0xFFFF  }
0x6c5: {  	_ =	strace $0x90000047  }
0x6c6: {  	s0 =	stileid.u32;
	[bflag:$0x2] =	sbarrier.arrive $0xFFFF  }
0x6c7: {  	p0 =	sne.s32 s0, $0x0;
	s0 =	rddreg [dreg:$0x3]  }
0x6c8: {  	s0 =	sadd.s32 @!p0 $0x100000, s0  }
0x6c9: {  	[sflag:s0] =	ssyncadd.tile.s32 @!p0 $0x1;
	_ =	shalt  }
.Lfunc_end2:
_tile_overlayer_lowered:
.L_overlay_start_2:
0x6ca: {  	(tag) =	ssettag $0x2  }
0x6cb: {  	s0 =	rddreg [dreg:$0x0];
	s2 =	stileid.u32  }
0x6cc: {  	s1 =	rddreg [dreg:$0x1];
	p0 =	sne.s32 s2, $0x0  }
0x6cd: {  	s3 =	rddreg [dreg:$0x2];
	[bflag:$0x3] =	sbarrier.arrive $0xFFFF;
	s2 =	simm.s32 @!p0 $0x1C05  }
0x6ce: {  	[timem:s3], [sflag:s2] =	dma.local @!p0 [hbm:s0], s1  }
0x6cf: {  	s0 =	simm.s32 @!p0 $0x5  }
0x6d0: {  	_ =	swait.ge @!p0 [sflag:s0], s1  }
0x6d1: {  	s1 =	ssub.s32 @!p0 $0x0, s1;
	[sflag:s0] =	ssyncset.done @!p0 $0x0  }
0x6d2: {  	[sflag:s0] =	ssyncadd.s32 @!p0 s1  }
0x6d3: {  	[bflag:$0x3] =	sbarrier.arrive $0xFFFF  }
0x6d4: {  	_ =	shalt  }

</sc_bundles>
